<compile_context>
chip_gen: v7x
topology: tpu7x:2x2x1
jax: 0.10.2.dev20260603
libtpu: 0.0.44.dev20260713+nightly
codegen_flags: <defaults>
</compile_context>

<pallas_src>
import jax
import jax.numpy as jnp
from jax import lax
from jax.experimental import pallas as pl
from jax.experimental.pallas import tpu as pltpu
from jax.experimental.pallas import tpu_sc as plsc

NL = 10000
NV = 1000
NVP = 1008
H = 256
HH = 128
G = 16
NCLS = 10
E_LL, E_LV, E_VV = 160000, 10000, 16000
CH_LL, CH_LV, CH_VV = 79, 5, 8
ACC_LL, ACC_V = 10112, 1024
STR_LL, STR_V = ACC_LL // 16, ACC_V // 16

_mesh = plsc.VectorSubcoreMesh(core_axis_name="c", subcore_axis_name="s")
_f32 = jnp.float32
_i32 = jnp.int32



def _agg_body(xl2, xv2, sll, dll, slv, dlv, svv, dvv, zeros,
              out_ll, out_lv, out_vv,
              acc_ll, acc_lv, acc_vv,
              src_c, dst_c, idx_v, rows_v, sem):
    cid = lax.axis_index("c")
    sid = lax.axis_index("s")
    pltpu.sync_copy(zeros.at[pl.ds(sid * STR_LL, STR_LL)],
                    acc_ll.at[pl.ds(sid * STR_LL, STR_LL)])
    pltpu.sync_copy(zeros.at[pl.ds(sid * STR_V, STR_V)],
                    acc_lv.at[pl.ds(sid * STR_V, STR_V)])
    pltpu.sync_copy(zeros.at[pl.ds(sid * STR_V, STR_V)],
                    acc_vv.at[pl.ds(sid * STR_V, STR_V)])
    plsc.subcore_barrier()

    def rel(n_chunks, src_h, dst_h, table, acc):
        def body(j, carry):
            pltpu.sync_copy(src_h.at[sid, pl.ds(j * 128, 128)], src_c)
            pltpu.sync_copy(dst_h.at[sid, j], dst_c)
            for k in range(8):
                s = src_c[pl.ds(k * 16, 16)]
                idx_v[pl.ds(k * 16, 16)] = s * 2 + cid
            pltpu.async_copy(table.at[idx_v], rows_v, sem).wait()
            pltpu.sync_copy(rows_v, acc.at[dst_c], add=True)
            return carry
        lax.fori_loop(0, n_chunks, body, 0)

    rel(CH_LL, sll, dll, xl2, acc_ll)
    rel(CH_LV, slv, dlv, xl2, acc_lv)
    rel(CH_VV, svv, dvv, xv2, acc_vv)
    plsc.subcore_barrier()
    pltpu.sync_copy(acc_ll.at[pl.ds(sid * STR_LL, STR_LL)],
                    out_ll.at[cid, pl.ds(sid * STR_LL, STR_LL)])
    pltpu.sync_copy(acc_lv.at[pl.ds(sid * STR_V, STR_V)],
                    out_lv.at[cid, pl.ds(sid * STR_V, STR_V)])
    pltpu.sync_copy(acc_vv.at[pl.ds(sid * STR_V, STR_V)],
                    out_vv.at[cid, pl.ds(sid * STR_V, STR_V)])


_agg = pl.kernel(
    _agg_body,
    (jax.ShapeDtypeStruct((2, ACC_LL, HH), _f32),
     jax.ShapeDtypeStruct((2, ACC_V, HH), _f32),
     jax.ShapeDtypeStruct((2, ACC_V, HH), _f32)),
    mesh=_mesh,
    scratch_types=[
        pltpu.VMEM_SHARED((ACC_LL, HH), _f32),
        pltpu.VMEM_SHARED((ACC_V, HH), _f32),
        pltpu.VMEM_SHARED((ACC_V, HH), _f32),
        pltpu.VMEM((128,), _i32),
        pltpu.VMEM((128,), _i32),
        pltpu.VMEM((128,), _i32),
        pltpu.VMEM((128, HH), _f32),
        pltpu.SemaphoreType.DMA,
    ],
)



def _cnt_body(dll, dlv, dvv, ones_h, zeros,
              out_ll, out_lv, out_vv,
              c_ll, c_lv, c_vv, dst_c, ones_v):
    cid = lax.axis_index("c")
    sid = lax.axis_index("s")
    pltpu.sync_copy(ones_h, ones_v)

    def rel(n_chunks, dst_h, c_acc):
        def body(j, carry):
            pltpu.sync_copy(dst_h.at[sid, j], dst_c)
            pltpu.sync_copy(ones_v, c_acc.at[dst_c], add=True)
            return carry
        lax.fori_loop(0, n_chunks, body, 0)

    @pl.when(cid == 0)
    def _():
        pltpu.sync_copy(zeros.at[pl.ds(sid * STR_LL, STR_LL)],
                        c_ll.at[pl.ds(sid * STR_LL, STR_LL)])
        plsc.subcore_barrier()
        rel(CH_LL, dll, c_ll)
        plsc.subcore_barrier()
        pltpu.sync_copy(c_ll.at[pl.ds(sid * STR_LL, STR_LL)],
                        out_ll.at[pl.ds(sid * STR_LL, STR_LL)])

    @pl.when(cid == 1)
    def _():
        pltpu.sync_copy(zeros.at[pl.ds(sid * STR_V, STR_V)],
                        c_lv.at[pl.ds(sid * STR_V, STR_V)])
        pltpu.sync_copy(zeros.at[pl.ds(sid * STR_V, STR_V)],
                        c_vv.at[pl.ds(sid * STR_V, STR_V)])
        plsc.subcore_barrier()
        rel(CH_LV, dlv, c_lv)
        rel(CH_VV, dvv, c_vv)
        plsc.subcore_barrier()
        pltpu.sync_copy(c_lv.at[pl.ds(sid * STR_V, STR_V)],
                        out_lv.at[pl.ds(sid * STR_V, STR_V)])
        pltpu.sync_copy(c_vv.at[pl.ds(sid * STR_V, STR_V)],
                        out_vv.at[pl.ds(sid * STR_V, STR_V)])


_counts = pl.kernel(
    _cnt_body,
    (jax.ShapeDtypeStruct((ACC_LL, HH), _f32),
     jax.ShapeDtypeStruct((ACC_V, HH), _f32),
     jax.ShapeDtypeStruct((ACC_V, HH), _f32)),
    mesh=_mesh,
    scratch_types=[
        pltpu.VMEM_SHARED((ACC_LL, HH), _f32),
        pltpu.VMEM_SHARED((ACC_V, HH), _f32),
        pltpu.VMEM_SHARED((ACC_V, HH), _f32),
        pltpu.VMEM((128,), _i32),
        pltpu.VMEM((128, HH), _f32),
    ],
)



def _tcl_body(x, a0, a1, cnt, ws, wn, b, o):
    inv = 1.0 / jnp.maximum(cnt[:, 0:1], 1.0)
    wnv = wn[...]
    acc = jnp.dot(x[...], ws[...], preferred_element_type=_f32)
    acc += jnp.dot(a0[...] * inv, wnv[0:HH, :], preferred_element_type=_f32)
    acc += jnp.dot(a1[...] * inv, wnv[HH:H, :], preferred_element_type=_f32)
    o[...] = jnp.maximum(acc + b[...], 0.0)


_tc_local = pl.pallas_call(
    _tcl_body,
    out_shape=jax.ShapeDtypeStruct((NL, H), _f32),
    grid=(10,),
    in_specs=[
        pl.BlockSpec((1000, H), lambda i: (i, 0)),
        pl.BlockSpec((1000, HH), lambda i: (i, 0)),
        pl.BlockSpec((1000, HH), lambda i: (i, 0)),
        pl.BlockSpec((1000, HH), lambda i: (i, 0)),
        pl.BlockSpec((H, H), lambda i: (0, 0)),
        pl.BlockSpec((H, H), lambda i: (0, 0)),
        pl.BlockSpec((1, H), lambda i: (0, 0)),
    ],
    out_specs=pl.BlockSpec((1000, H), lambda i: (i, 0)),
)


def _tcv_body(xv, alv0, alv1, avv0, avv1, clv, cvv,
              ws_lv, wn_lv, ws_vv, wn_vv, blv, bvv, o):
    inv_lv = 1.0 / jnp.maximum(clv[:, 0:1], 1.0)
    inv_vv = 1.0 / jnp.maximum(cvv[:, 0:1], 1.0)
    xvv = xv[...]
    wnl = wn_lv[...]
    wnv = wn_vv[...]
    acc = jnp.dot(xvv, ws_lv[...], preferred_element_type=_f32)
    acc += jnp.dot(xvv, ws_vv[...], preferred_element_type=_f32)
    acc += jnp.dot(alv0[...] * inv_lv, wnl[0:HH, :], preferred_element_type=_f32)
    acc += jnp.dot(alv1[...] * inv_lv, wnl[HH:H, :], preferred_element_type=_f32)
    acc += jnp.dot(avv0[...] * inv_vv, wnv[0:HH, :], preferred_element_type=_f32)
    acc += jnp.dot(avv1[...] * inv_vv, wnv[HH:H, :], preferred_element_type=_f32)
    o[...] = jnp.maximum(acc + blv[...] + bvv[...], 0.0)


_tc_virtual = pl.pallas_call(
    _tcv_body,
    out_shape=jax.ShapeDtypeStruct((NVP, H), _f32),
)


def _pool_body(x, bb, w1, b1, w2, b2, o, acc, cacc):
    i = pl.program_id(0)

    @pl.when(i == 0)
    def _():
        acc[...] = jnp.zeros_like(acc)
        cacc[...] = jnp.zeros_like(cacc)

    oh = (bb[...] == lax.broadcasted_iota(_i32, (1000, G), 1)).astype(_f32)
    acc[...] += lax.dot_general(oh, x[...], (((0,), (0,)), ((), ())),
                                preferred_element_type=_f32)
    cacc[...] += lax.dot_general(oh, jnp.ones((1000, HH), _f32),
                                 (((0,), (0,)), ((), ())),
                                 preferred_element_type=_f32)

    @pl.when(i == 9)
    def _():
        pooled = acc[...] / jnp.maximum(cacc[...][:, 0:1], 1.0)
        h = jnp.maximum(
            jnp.dot(pooled, w1[...], preferred_element_type=_f32) + b1[...], 0.0)
        o[...] = jnp.dot(h, w2[...], preferred_element_type=_f32) + b2[...]


_pool = pl.pallas_call(
    _pool_body,
    out_shape=jax.ShapeDtypeStruct((G, HH), _f32),
    grid=(10,),
    in_specs=[
        pl.BlockSpec((1000, H), lambda i: (i, 0)),
        pl.BlockSpec((1000, G), lambda i: (i, 0)),
        pl.BlockSpec((H, H), lambda i: (0, 0)),
        pl.BlockSpec((1, H), lambda i: (0, 0)),
        pl.BlockSpec((H, HH), lambda i: (0, 0)),
        pl.BlockSpec((1, HH), lambda i: (0, 0)),
    ],
    out_specs=pl.BlockSpec((G, HH), lambda i: (0, 0)),
    scratch_shapes=[
        pltpu.VMEM((G, H), _f32),
        pltpu.VMEM((G, HH), _f32),
    ],
)



def _prep_edges(ei, n_edges, n_chunks, dummy):
    pad = 16 * n_chunks * 128 - n_edges
    src = jnp.concatenate([ei[0].astype(_i32), jnp.zeros((pad,), _i32)])
    dst = jnp.concatenate([ei[1].astype(_i32), jnp.full((pad,), dummy, _i32)])
    return src.reshape(16, n_chunks * 128), dst.reshape(16, n_chunks, 128)


def kernel(x_local, x_virtual, edge_index_ll, edge_index_lv, edge_index_vv,
           batch_local, W_ll_self, W_ll_nbr, b_ll, W_lv_self, W_lv_nbr, b_lv,
           W_vv_self, W_vv_nbr, b_vv, lin1_W, lin1_b, lin2_W, lin2_b):
    x = x_local.astype(_f32)
    xv = jnp.zeros((NVP, H), _f32).at[:NV].set(x_virtual.astype(_f32))
    sll, dll = _prep_edges(edge_index_ll, E_LL, CH_LL, NL)
    slv, dlv = _prep_edges(edge_index_lv, E_LV, CH_LV, NV)
    svv, dvv = _prep_edges(edge_index_vv, E_VV, CH_VV, NV)
    zeros = jnp.zeros((ACC_LL, HH), _f32)
    ones128 = jnp.ones((128, HH), _f32)

    cll, clv, cvv = _counts(dll, dlv, dvv, ones128, zeros)
    cll, clv, cvv = cll[:NL], clv[:NVP], cvv[:NVP]

    for l in range(3):
        a_ll, a_lv, a_vv = _agg(x.reshape(2 * NL, HH), xv.reshape(2 * NVP, HH),
                                sll, dll, slv, dlv, svv, dvv, zeros)
        x = _tc_local(x, a_ll[0, :NL], a_ll[1, :NL], cll,
                      W_ll_self[l], W_ll_nbr[l], b_ll[l][None, :])
        xv = _tc_virtual(xv, a_lv[0, :NVP], a_lv[1, :NVP],
                         a_vv[0, :NVP], a_vv[1, :NVP], clv, cvv,
                         W_lv_self[l], W_lv_nbr[l], W_vv_self[l], W_vv_nbr[l],
                         b_lv[l][None, :], b_vv[l][None, :])

    bb = jnp.broadcast_to(batch_local.astype(_i32)[:, None], (NL, G))
    w2 = jnp.zeros((H, HH), _f32).at[:, :NCLS].set(lin2_W)
    b2 = jnp.zeros((1, HH), _f32).at[0, :NCLS].set(lin2_b)
    out = _pool(x, bb, lin1_W, lin1_b[None, :], w2, b2)
    return out[:, :NCLS]

# --- scband reference (transcript-rebuilt; emitter-appended) ---
"""Pipeline reference for scband-hscn-25589415149639 (READ-ONLY COPY).

The authoritative reference and input builder live on the scoring server;
editing this copy changes nothing except your own understanding.
"""

import jax, jax.numpy as jnp
import numpy as np

NUM_LAYERS = 3
H = 256
NUM_CLASSES = 10
N_LOCAL = 10000
N_VIRTUAL = 1000
NUM_GRAPHS = 16
E_LL = 160000
E_LV = 10000
E_VV = 16000


def _w(key, shape, fan_in):
    return jax.random.normal(key, shape, dtype=jnp.float32) * (1.0 / np.sqrt(fan_in))


def setup_inputs(seed: int = 0) -> dict:
    key = jax.random.key(seed)
    ks = jax.random.split(key, 32)
    inp = {}
    inp["x_local"] = jax.random.normal(ks[0], (N_LOCAL, H), dtype=jnp.float32)
    inp["x_virtual"] = jax.random.normal(ks[1], (N_VIRTUAL, H), dtype=jnp.float32)
    inp["edge_index_ll"] = jax.random.randint(ks[2], (2, E_LL), 0, N_LOCAL)
    inp["edge_index_lv"] = jax.random.randint(ks[3], (2, E_LV), 0, N_VIRTUAL)
    inp["edge_index_vv"] = jax.random.randint(ks[4], (2, E_VV), 0, N_VIRTUAL)
    inp["batch_local"] = jnp.sort(jax.random.randint(ks[5], (N_LOCAL,), 0, NUM_GRAPHS))
    # learned parameters: per-layer stacked SAGE weights for each relation
    inp["W_ll_self"] = _w(ks[6], (NUM_LAYERS, H, H), H)
    inp["W_ll_nbr"] = _w(ks[7], (NUM_LAYERS, H, H), H)
    inp["b_ll"] = jnp.zeros((NUM_LAYERS, H), dtype=jnp.float32)
    inp["W_lv_self"] = _w(ks[8], (NUM_LAYERS, H, H), H)
    inp["W_lv_nbr"] = _w(ks[9], (NUM_LAYERS, H, H), H)
    inp["b_lv"] = jnp.zeros((NUM_LAYERS, H), dtype=jnp.float32)
    inp["W_vv_self"] = _w(ks[10], (NUM_LAYERS, H, H), H)
    inp["W_vv_nbr"] = _w(ks[11], (NUM_LAYERS, H, H), H)
    inp["b_vv"] = jnp.zeros((NUM_LAYERS, H), dtype=jnp.float32)
    inp["lin1_W"] = _w(ks[12], (H, H), H)
    inp["lin1_b"] = jnp.zeros((H,), dtype=jnp.float32)
    inp["lin2_W"] = _w(ks[13], (H, NUM_CLASSES), H)
    inp["lin2_b"] = jnp.zeros((NUM_CLASSES,), dtype=jnp.float32)
    return inp


def _sage_conv(x_src, x_dst, edge_index, W_self, W_nbr, b):
    # GraphSAGE-style relation conv (mean aggregation), add_self_loops=False
    src = edge_index[0]
    dst = edge_index[1]
    msgs = jnp.take(x_src, src, axis=0)
    agg = jax.ops.segment_sum(msgs, dst, num_segments=x_dst.shape[0])
    cnt = jax.ops.segment_sum(jnp.ones((dst.shape[0],), x_src.dtype), dst, num_segments=x_dst.shape[0])
    mean = agg / jnp.clip(cnt, 1.0)[:, None]
    return x_dst @ W_self + mean @ W_nbr + b


def reference(x_local, x_virtual, edge_index_ll, edge_index_lv, edge_index_vv, batch_local,
              W_ll_self, W_ll_nbr, b_ll, W_lv_self, W_lv_nbr, b_lv, W_vv_self, W_vv_nbr, b_vv,
              lin1_W, lin1_b, lin2_W, lin2_b):
    for l in range(NUM_LAYERS):
        # HeteroConv with aggr='sum' over relations sharing a dst node type
        out_local = _sage_conv(x_local, x_local, edge_index_ll, W_ll_self[l], W_ll_nbr[l], b_ll[l])
        out_virtual = _sage_conv(x_local, x_virtual, edge_index_lv, W_lv_self[l], W_lv_nbr[l], b_lv[l]) \
                    + _sage_conv(x_virtual, x_virtual, edge_index_vv, W_vv_self[l], W_vv_nbr[l], b_vv[l])
        x_local = jax.nn.relu(out_local)
        x_virtual = jax.nn.relu(out_virtual)
    # global_mean_pool over local nodes grouped by graph id
    pooled_sum = jax.ops.segment_sum(x_local, batch_local, num_segments=NUM_GRAPHS)
    counts = jax.ops.segment_sum(jnp.ones((x_local.shape[0],), x_local.dtype), batch_local, num_segments=NUM_GRAPHS)
    pooled = pooled_sum / jnp.clip(counts, 1.0)[:, None]
    h = jax.nn.relu(pooled @ lin1_W + lin1_b)
    return h @ lin2_W + lin2_b

if __name__ == "__main__":
    import jax
    _d = setup_inputs()
    print(jax.jit(kernel)(*tuple(_d.values())))

</pallas_src>

<mosaic_0001>
#map = affine_map<(d0, d1) -> (0, 0, 0)>
#map1 = affine_map<(d0, d1) -> (0, 0)>
module attributes {stable_mosaic.version = 14 : i64} {
  func.func @_cnt_body(%arg0: i32, %arg1: i32, %arg2: memref<16x79x128xi32, #tpu.memory_space<hbm>>, %arg3: memref<16x5x128xi32, #tpu.memory_space<hbm>>, %arg4: memref<16x8x128xi32, #tpu.memory_space<hbm>>, %arg5: memref<128x128xf32, #tpu.memory_space<hbm>>, %arg6: memref<10112x128xf32, #tpu.memory_space<hbm>>, %arg7: memref<10112x128xf32, #tpu.memory_space<hbm>>, %arg8: memref<1024x128xf32, #tpu.memory_space<hbm>>, %arg9: memref<1024x128xf32, #tpu.memory_space<hbm>>, %arg10: memref<10112x128xf32, #tpu.memory_space<vmem_shared>>, %arg11: memref<1024x128xf32, #tpu.memory_space<vmem_shared>>, %arg12: memref<1024x128xf32, #tpu.memory_space<vmem_shared>>, %arg13: memref<128xi32, #tpu.memory_space<vmem>>, %arg14: memref<128x128xf32, #tpu.memory_space<vmem>>) attributes {dimension_semantics = [#tpu.dimension_semantics<core_parallel>, #tpu.dimension_semantics<subcore_parallel>], iteration_bounds = array<i64: 2, 16>, scalar_prefetch = 0 : i64, scratch_operands = 5 : i64, tpu.core_type = #tpu.core_type<sc_vector_subcore>, window_params = [{transform_indices = #map}, {transform_indices = #map}, {transform_indices = #map}, {transform_indices = #map1}, {transform_indices = #map1}, {transform_indices = #map1}, {transform_indices = #map1}, {transform_indices = #map1}]} {
    "tpu.region"() ({
      %run_scoped3A = tpu.sem_alloc : memref<!tpu.dma_semaphore, #tpu.memory_space<semaphore_mem>>
      tpu.enqueue_dma source(%arg5 : memref<128x128xf32, #tpu.memory_space<hbm>>) target(%arg14 : memref<128x128xf32, #tpu.memory_space<vmem>>) target_semaphore(%run_scoped3A : memref<!tpu.dma_semaphore, #tpu.memory_space<semaphore_mem>>)
      tpu.wait_dma2 semaphore(%run_scoped3A : memref<!tpu.dma_semaphore, #tpu.memory_space<semaphore_mem>>) src(%arg5 : memref<128x128xf32, #tpu.memory_space<hbm>>) dst(%arg14 : memref<128x128xf32, #tpu.memory_space<vmem>>)
      tpu.yield
    }) : () -> ()
    %eq3A = arith.constant 0 : i32
    %eq3A_0 = arith.cmpi eq, %arg0, %eq3A : i32
    %convert_element_type3A = arith.extui %eq3A_0 : i1 to i32
    %cond3A = arith.constant 0 : i32
    %cond3A_1 = arith.cmpi ne, %convert_element_type3A, %cond3A : i32
    scf.if %cond3A_1 {
      %mul3A = arith.constant 632 : i32
      %mul3A_7 = arith.muli %arg1, %mul3A : i32
      %mul3A_8 = arith.constant 632 : i32
      %mul3A_9 = arith.muli %arg1, %mul3A_8 : i32
      "tpu.region"() ({
        %run_scoped3A = tpu.sem_alloc : memref<!tpu.dma_semaphore, #tpu.memory_space<semaphore_mem>>
        %dma_start3A = arith.constant 0 : i32
        %dma_start3A_20 = tpu.memref_slice %arg10[%mul3A_9, %dma_start3A] : memref<10112x128xf32, #tpu.memory_space<vmem_shared>> -> memref<632x128xf32, #tpu.memory_space<vmem_shared>>
        %dma_start3A_21 = arith.constant 0 : i32
        %dma_start3A_22 = tpu.memref_slice %arg6[%mul3A_7, %dma_start3A_21] : memref<10112x128xf32, #tpu.memory_space<hbm>> -> memref<632x128xf32, #tpu.memory_space<hbm>>
        tpu.enqueue_dma source(%dma_start3A_22 : memref<632x128xf32, #tpu.memory_space<hbm>>) target(%dma_start3A_20 : memref<632x128xf32, #tpu.memory_space<vmem_shared>>) target_semaphore(%run_scoped3A : memref<!tpu.dma_semaphore, #tpu.memory_space<semaphore_mem>>)
        %dma_wait3A = arith.constant 0 : i32
        %dma_wait3A_23 = tpu.memref_slice %arg10[%mul3A_9, %dma_wait3A] : memref<10112x128xf32, #tpu.memory_space<vmem_shared>> -> memref<632x128xf32, #tpu.memory_space<vmem_shared>>
        %dma_wait3A_24 = arith.constant 0 : i32
        %dma_wait3A_25 = tpu.memref_slice %arg6[%mul3A_7, %dma_wait3A_24] : memref<10112x128xf32, #tpu.memory_space<hbm>> -> memref<632x128xf32, #tpu.memory_space<hbm>>
        tpu.wait_dma2 semaphore(%run_scoped3A : memref<!tpu.dma_semaphore, #tpu.memory_space<semaphore_mem>>) src(%dma_wait3A_25 : memref<632x128xf32, #tpu.memory_space<hbm>>) dst(%dma_wait3A_23 : memref<632x128xf32, #tpu.memory_space<vmem_shared>>)
        tpu.yield
      }) : () -> ()
      %barrier3A = arith.constant 0 : index
      tpu.barrier barrier_id(%barrier3A)
      %scan3A = arith.constant 0 : i32
      %scan3A_10 = arith.constant 0 : i32
      %scan3A_11 = arith.constant 79 : i32
      %scan3A_12 = arith.addi %scan3A_10, %scan3A_11 : i32
      %scan3A_13 = arith.constant 1 : i32
      scf.for %scan3A_20 = %scan3A_10 to %scan3A_12 step %scan3A_13  : i32 {
        "tpu.region"() ({
          %run_scoped3A = tpu.sem_alloc : memref<!tpu.dma_semaphore, #tpu.memory_space<semaphore_mem>>
          %dma_start3A = arith.constant 0 : i32
          %dma_start3A_21 = tpu.memref_slice %arg2[%arg1, %scan3A_20, %dma_start3A] : memref<16x79x128xi32, #tpu.memory_space<hbm>> -> memref<1x1x128xi32, #tpu.memory_space<hbm>>
          %dma_start3A_22 = tpu.memref_squeeze %dma_start3A_21 : memref<1x1x128xi32, #tpu.memory_space<hbm>> -> memref<128xi32, #tpu.memory_space<hbm>>
          %dma_start3A_23 = arith.constant 0 : i32
          %dma_start3A_24 = tpu.memref_slice %arg2[%arg1, %scan3A_20, %dma_start3A_23] : memref<16x79x128xi32, #tpu.memory_space<hbm>> -> memref<1x1x128xi32, #tpu.memory_space<hbm>>
          %dma_start3A_25 = tpu.memref_squeeze %dma_start3A_24 : memref<1x1x128xi32, #tpu.memory_space<hbm>> -> memref<128xi32, #tpu.memory_space<hbm>>
          tpu.enqueue_dma source(%dma_start3A_25 : memref<128xi32, #tpu.memory_space<hbm>>) target(%arg13 : memref<128xi32, #tpu.memory_space<vmem>>) target_semaphore(%run_scoped3A : memref<!tpu.dma_semaphore, #tpu.memory_space<semaphore_mem>>)
          %dma_wait3A = arith.constant 0 : i32
          %dma_wait3A_26 = tpu.memref_slice %arg2[%arg1, %scan3A_20, %dma_wait3A] : memref<16x79x128xi32, #tpu.memory_space<hbm>> -> memref<1x1x128xi32, #tpu.memory_space<hbm>>
          %dma_wait3A_27 = tpu.memref_squeeze %dma_wait3A_26 : memref<1x1x128xi32, #tpu.memory_space<hbm>> -> memref<128xi32, #tpu.memory_space<hbm>>
          %dma_wait3A_28 = arith.constant 0 : i32
          %dma_wait3A_29 = tpu.memref_slice %arg2[%arg1, %scan3A_20, %dma_wait3A_28] : memref<16x79x128xi32, #tpu.memory_space<hbm>> -> memref<1x1x128xi32, #tpu.memory_space<hbm>>
          %dma_wait3A_30 = tpu.memref_squeeze %dma_wait3A_29 : memref<1x1x128xi32, #tpu.memory_space<hbm>> -> memref<128xi32, #tpu.memory_space<hbm>>
          tpu.wait_dma2 semaphore(%run_scoped3A : memref<!tpu.dma_semaphore, #tpu.memory_space<semaphore_mem>>) src(%dma_wait3A_30 : memref<128xi32, #tpu.memory_space<hbm>>) dst(%arg13 : memref<128xi32, #tpu.memory_space<vmem>>)
          tpu.yield
        }) : () -> ()
        "tpu.region"() ({
          %run_scoped3A = tpu.sem_alloc : memref<!tpu.dma_semaphore, #tpu.memory_space<semaphore_mem>>
          %dma_start3A = arith.constant 0 : i32
          %dma_start3A_21 = arith.constant 0 : i32
          %dma_start3A_22 = tpu.memref_slice %arg10[%dma_start3A, %dma_start3A_21] : memref<10112x128xf32, #tpu.memory_space<vmem_shared>> -> memref<10112x128xf32, #tpu.memory_space<vmem_shared>>
          tpu.enqueue_indirect_dma source(%arg14 : memref<128x128xf32, #tpu.memory_space<vmem>>) target(%dma_start3A_22 : memref<10112x128xf32, #tpu.memory_space<vmem_shared>>) offsets(%arg13 : memref<128xi32, #tpu.memory_space<vmem>>) semaphore(%run_scoped3A : memref<!tpu.dma_semaphore, #tpu.memory_space<semaphore_mem>>) {add = true}
          %dma_wait3A = arith.constant 0 : i32
          %dma_wait3A_23 = arith.constant 0 : i32
          %dma_wait3A_24 = tpu.memref_slice %arg10[%dma_wait3A, %dma_wait3A_23] : memref<10112x128xf32, #tpu.memory_space<vmem_shared>> -> memref<10112x128xf32, #tpu.memory_space<vmem_shared>>
          tpu.wait_indirect_dma semaphore(%run_scoped3A : memref<!tpu.dma_semaphore, #tpu.memory_space<semaphore_mem>>) src(%arg14 : memref<128x128xf32, #tpu.memory_space<vmem>>) dst(%dma_wait3A_24 : memref<10112x128xf32, #tpu.memory_space<vmem_shared>>)
          tpu.yield
        }) : () -> ()
      }
      %scan3A_14 = arith.constant 79 : i32
      %barrier3A_15 = arith.constant 0 : index
      tpu.barrier barrier_id(%barrier3A_15)
      %mul3A_16 = arith.constant 632 : i32
      %mul3A_17 = arith.muli %arg1, %mul3A_16 : i32
      %mul3A_18 = arith.constant 632 : i32
      %mul3A_19 = arith.muli %arg1, %mul3A_18 : i32
      "tpu.region"() ({
        %run_scoped3A = tpu.sem_alloc : memref<!tpu.dma_semaphore, #tpu.memory_space<semaphore_mem>>
        %dma_start3A = arith.constant 0 : i32
        %dma_start3A_20 = tpu.memref_slice %arg7[%mul3A_19, %dma_start3A] : memref<10112x128xf32, #tpu.memory_space<hbm>> -> memref<632x128xf32, #tpu.memory_space<hbm>>
        %dma_start3A_21 = arith.constant 0 : i32
        %dma_start3A_22 = tpu.memref_slice %arg10[%mul3A_17, %dma_start3A_21] : memref<10112x128xf32, #tpu.memory_space<vmem_shared>> -> memref<632x128xf32, #tpu.memory_space<vmem_shared>>
        tpu.enqueue_dma source(%dma_start3A_22 : memref<632x128xf32, #tpu.memory_space<vmem_shared>>) target(%dma_start3A_20 : memref<632x128xf32, #tpu.memory_space<hbm>>) target_semaphore(%run_scoped3A : memref<!tpu.dma_semaphore, #tpu.memory_space<semaphore_mem>>)
        %dma_wait3A = arith.constant 0 : i32
        %dma_wait3A_23 = tpu.memref_slice %arg7[%mul3A_19, %dma_wait3A] : memref<10112x128xf32, #tpu.memory_space<hbm>> -> memref<632x128xf32, #tpu.memory_space<hbm>>
        %dma_wait3A_24 = arith.constant 0 : i32
        %dma_wait3A_25 = tpu.memref_slice %arg10[%mul3A_17, %dma_wait3A_24] : memref<10112x128xf32, #tpu.memory_space<vmem_shared>> -> memref<632x128xf32, #tpu.memory_space<vmem_shared>>
        tpu.wait_dma2 semaphore(%run_scoped3A : memref<!tpu.dma_semaphore, #tpu.memory_space<semaphore_mem>>) src(%dma_wait3A_25 : memref<632x128xf32, #tpu.memory_space<vmem_shared>>) dst(%dma_wait3A_23 : memref<632x128xf32, #tpu.memory_space<hbm>>)
        tpu.yield
      }) : () -> ()
    } else {
    }
    %eq3A_2 = arith.constant 1 : i32
    %eq3A_3 = arith.cmpi eq, %arg0, %eq3A_2 : i32
    %convert_element_type3A_4 = arith.extui %eq3A_3 : i1 to i32
    %cond3A_5 = arith.constant 0 : i32
    %cond3A_6 = arith.cmpi ne, %convert_element_type3A_4, %cond3A_5 : i32
    scf.if %cond3A_6 {
      %mul3A = arith.constant 64 : i32
      %mul3A_7 = arith.muli %arg1, %mul3A : i32
      %mul3A_8 = arith.constant 64 : i32
      %mul3A_9 = arith.muli %arg1, %mul3A_8 : i32
      "tpu.region"() ({
        %run_scoped3A = tpu.sem_alloc : memref<!tpu.dma_semaphore, #tpu.memory_space<semaphore_mem>>
        %dma_start3A = arith.constant 0 : i32
        %dma_start3A_34 = tpu.memref_slice %arg11[%mul3A_9, %dma_start3A] : memref<1024x128xf32, #tpu.memory_space<vmem_shared>> -> memref<64x128xf32, #tpu.memory_space<vmem_shared>>
        %dma_start3A_35 = arith.constant 0 : i32
        %dma_start3A_36 = tpu.memref_slice %arg6[%mul3A_7, %dma_start3A_35] : memref<10112x128xf32, #tpu.memory_space<hbm>> -> memref<64x128xf32, #tpu.memory_space<hbm>>
        tpu.enqueue_dma source(%dma_start3A_36 : memref<64x128xf32, #tpu.memory_space<hbm>>) target(%dma_start3A_34 : memref<64x128xf32, #tpu.memory_space<vmem_shared>>) target_semaphore(%run_scoped3A : memref<!tpu.dma_semaphore, #tpu.memory_space<semaphore_mem>>)
        %dma_wait3A = arith.constant 0 : i32
        %dma_wait3A_37 = tpu.memref_slice %arg11[%mul3A_9, %dma_wait3A] : memref<1024x128xf32, #tpu.memory_space<vmem_shared>> -> memref<64x128xf32, #tpu.memory_space<vmem_shared>>
        %dma_wait3A_38 = arith.constant 0 : i32
        %dma_wait3A_39 = tpu.memref_slice %arg6[%mul3A_7, %dma_wait3A_38] : memref<10112x128xf32, #tpu.memory_space<hbm>> -> memref<64x128xf32, #tpu.memory_space<hbm>>
        tpu.wait_dma2 semaphore(%run_scoped3A : memref<!tpu.dma_semaphore, #tpu.memory_space<semaphore_mem>>) src(%dma_wait3A_39 : memref<64x128xf32, #tpu.memory_space<hbm>>) dst(%dma_wait3A_37 : memref<64x128xf32, #tpu.memory_space<vmem_shared>>)
        tpu.yield
      }) : () -> ()
      %mul3A_10 = arith.constant 64 : i32
      %mul3A_11 = arith.muli %arg1, %mul3A_10 : i32
      %mul3A_12 = arith.constant 64 : i32
      %mul3A_13 = arith.muli %arg1, %mul3A_12 : i32
      "tpu.region"() ({
        %run_scoped3A = tpu.sem_alloc : memref<!tpu.dma_semaphore, #tpu.memory_space<semaphore_mem>>
        %dma_start3A = arith.constant 0 : i32
        %dma_start3A_34 = tpu.memref_slice %arg12[%mul3A_13, %dma_start3A] : memref<1024x128xf32, #tpu.memory_space<vmem_shared>> -> memref<64x128xf32, #tpu.memory_space<vmem_shared>>
        %dma_start3A_35 = arith.constant 0 : i32
        %dma_start3A_36 = tpu.memref_slice %arg6[%mul3A_11, %dma_start3A_35] : memref<10112x128xf32, #tpu.memory_space<hbm>> -> memref<64x128xf32, #tpu.memory_space<hbm>>
        tpu.enqueue_dma source(%dma_start3A_36 : memref<64x128xf32, #tpu.memory_space<hbm>>) target(%dma_start3A_34 : memref<64x128xf32, #tpu.memory_space<vmem_shared>>) target_semaphore(%run_scoped3A : memref<!tpu.dma_semaphore, #tpu.memory_space<semaphore_mem>>)
        %dma_wait3A = arith.constant 0 : i32
        %dma_wait3A_37 = tpu.memref_slice %arg12[%mul3A_13, %dma_wait3A] : memref<1024x128xf32, #tpu.memory_space<vmem_shared>> -> memref<64x128xf32, #tpu.memory_space<vmem_shared>>
        %dma_wait3A_38 = arith.constant 0 : i32
        %dma_wait3A_39 = tpu.memref_slice %arg6[%mul3A_11, %dma_wait3A_38] : memref<10112x128xf32, #tpu.memory_space<hbm>> -> memref<64x128xf32, #tpu.memory_space<hbm>>
        tpu.wait_dma2 semaphore(%run_scoped3A : memref<!tpu.dma_semaphore, #tpu.memory_space<semaphore_mem>>) src(%dma_wait3A_39 : memref<64x128xf32, #tpu.memory_space<hbm>>) dst(%dma_wait3A_37 : memref<64x128xf32, #tpu.memory_space<vmem_shared>>)
        tpu.yield
      }) : () -> ()
      %barrier3A = arith.constant 0 : index
      tpu.barrier barrier_id(%barrier3A)
      %scan3A = arith.constant 0 : i32
      %scan3A_14 = arith.constant 0 : i32
      %scan3A_15 = arith.constant 5 : i32
      %scan3A_16 = arith.addi %scan3A_14, %scan3A_15 : i32
      %scan3A_17 = arith.constant 1 : i32
      scf.for %scan3A_34 = %scan3A_14 to %scan3A_16 step %scan3A_17  : i32 {
        "tpu.region"() ({
          %run_scoped3A = tpu.sem_alloc : memref<!tpu.dma_semaphore, #tpu.memory_space<semaphore_mem>>
          %dma_start3A = arith.constant 0 : i32
          %dma_start3A_35 = tpu.memref_slice %arg3[%arg1, %scan3A_34, %dma_start3A] : memref<16x5x128xi32, #tpu.memory_space<hbm>> -> memref<1x1x128xi32, #tpu.memory_space<hbm>>
          %dma_start3A_36 = tpu.memref_squeeze %dma_start3A_35 : memref<1x1x128xi32, #tpu.memory_space<hbm>> -> memref<128xi32, #tpu.memory_space<hbm>>
          %dma_start3A_37 = arith.constant 0 : i32
          %dma_start3A_38 = tpu.memref_slice %arg3[%arg1, %scan3A_34, %dma_start3A_37] : memref<16x5x128xi32, #tpu.memory_space<hbm>> -> memref<1x1x128xi32, #tpu.memory_space<hbm>>
          %dma_start3A_39 = tpu.memref_squeeze %dma_start3A_38 : memref<1x1x128xi32, #tpu.memory_space<hbm>> -> memref<128xi32, #tpu.memory_space<hbm>>
          tpu.enqueue_dma source(%dma_start3A_39 : memref<128xi32, #tpu.memory_space<hbm>>) target(%arg13 : memref<128xi32, #tpu.memory_space<vmem>>) target_semaphore(%run_scoped3A : memref<!tpu.dma_semaphore, #tpu.memory_space<semaphore_mem>>)
          %dma_wait3A = arith.constant 0 : i32
          %dma_wait3A_40 = tpu.memref_slice %arg3[%arg1, %scan3A_34, %dma_wait3A] : memref<16x5x128xi32, #tpu.memory_space<hbm>> -> memref<1x1x128xi32, #tpu.memory_space<hbm>>
          %dma_wait3A_41 = tpu.memref_squeeze %dma_wait3A_40 : memref<1x1x128xi32, #tpu.memory_space<hbm>> -> memref<128xi32, #tpu.memory_space<hbm>>
          %dma_wait3A_42 = arith.constant 0 : i32
          %dma_wait3A_43 = tpu.memref_slice %arg3[%arg1, %scan3A_34, %dma_wait3A_42] : memref<16x5x128xi32, #tpu.memory_space<hbm>> -> memref<1x1x128xi32, #tpu.memory_space<hbm>>
          %dma_wait3A_44 = tpu.memref_squeeze %dma_wait3A_43 : memref<1x1x128xi32, #tpu.memory_space<hbm>> -> memref<128xi32, #tpu.memory_space<hbm>>
          tpu.wait_dma2 semaphore(%run_scoped3A : memref<!tpu.dma_semaphore, #tpu.memory_space<semaphore_mem>>) src(%dma_wait3A_44 : memref<128xi32, #tpu.memory_space<hbm>>) dst(%arg13 : memref<128xi32, #tpu.memory_space<vmem>>)
          tpu.yield
        }) : () -> ()
        "tpu.region"() ({
          %run_scoped3A = tpu.sem_alloc : memref<!tpu.dma_semaphore, #tpu.memory_space<semaphore_mem>>
          %dma_start3A = arith.constant 0 : i32
          %dma_start3A_35 = arith.constant 0 : i32
          %dma_start3A_36 = tpu.memref_slice %arg11[%dma_start3A, %dma_start3A_35] : memref<1024x128xf32, #tpu.memory_space<vmem_shared>> -> memref<1024x128xf32, #tpu.memory_space<vmem_shared>>
          tpu.enqueue_indirect_dma source(%arg14 : memref<128x128xf32, #tpu.memory_space<vmem>>) target(%dma_start3A_36 : memref<1024x128xf32, #tpu.memory_space<vmem_shared>>) offsets(%arg13 : memref<128xi32, #tpu.memory_space<vmem>>) semaphore(%run_scoped3A : memref<!tpu.dma_semaphore, #tpu.memory_space<semaphore_mem>>) {add = true}
          %dma_wait3A = arith.constant 0 : i32
          %dma_wait3A_37 = arith.constant 0 : i32
          %dma_wait3A_38 = tpu.memref_slice %arg11[%dma_wait3A, %dma_wait3A_37] : memref<1024x128xf32, #tpu.memory_space<vmem_shared>> -> memref<1024x128xf32, #tpu.memory_space<vmem_shared>>
          tpu.wait_indirect_dma semaphore(%run_scoped3A : memref<!tpu.dma_semaphore, #tpu.memory_space<semaphore_mem>>) src(%arg14 : memref<128x128xf32, #tpu.memory_space<vmem>>) dst(%dma_wait3A_38 : memref<1024x128xf32, #tpu.memory_space<vmem_shared>>)
          tpu.yield
        }) : () -> ()
      }
      %scan3A_18 = arith.constant 5 : i32
      %scan3A_19 = arith.constant 0 : i32
      %scan3A_20 = arith.constant 0 : i32
      %scan3A_21 = arith.constant 8 : i32
      %scan3A_22 = arith.addi %scan3A_20, %scan3A_21 : i32
      %scan3A_23 = arith.constant 1 : i32
      scf.for %scan3A_34 = %scan3A_20 to %scan3A_22 step %scan3A_23  : i32 {
        "tpu.region"() ({
          %run_scoped3A = tpu.sem_alloc : memref<!tpu.dma_semaphore, #tpu.memory_space<semaphore_mem>>
          %dma_start3A = arith.constant 0 : i32
          %dma_start3A_35 = tpu.memref_slice %arg4[%arg1, %scan3A_34, %dma_start3A] : memref<16x8x128xi32, #tpu.memory_space<hbm>> -> memref<1x1x128xi32, #tpu.memory_space<hbm>>
          %dma_start3A_36 = tpu.memref_squeeze %dma_start3A_35 : memref<1x1x128xi32, #tpu.memory_space<hbm>> -> memref<128xi32, #tpu.memory_space<hbm>>
          %dma_start3A_37 = arith.constant 0 : i32
          %dma_start3A_38 = tpu.memref_slice %arg4[%arg1, %scan3A_34, %dma_start3A_37] : memref<16x8x128xi32, #tpu.memory_space<hbm>> -> memref<1x1x128xi32, #tpu.memory_space<hbm>>
          %dma_start3A_39 = tpu.memref_squeeze %dma_start3A_38 : memref<1x1x128xi32, #tpu.memory_space<hbm>> -> memref<128xi32, #tpu.memory_space<hbm>>
          tpu.enqueue_dma source(%dma_start3A_39 : memref<128xi32, #tpu.memory_space<hbm>>) target(%arg13 : memref<128xi32, #tpu.memory_space<vmem>>) target_semaphore(%run_scoped3A : memref<!tpu.dma_semaphore, #tpu.memory_space<semaphore_mem>>)
          %dma_wait3A = arith.constant 0 : i32
          %dma_wait3A_40 = tpu.memref_slice %arg4[%arg1, %scan3A_34, %dma_wait3A] : memref<16x8x128xi32, #tpu.memory_space<hbm>> -> memref<1x1x128xi32, #tpu.memory_space<hbm>>
          %dma_wait3A_41 = tpu.memref_squeeze %dma_wait3A_40 : memref<1x1x128xi32, #tpu.memory_space<hbm>> -> memref<128xi32, #tpu.memory_space<hbm>>
          %dma_wait3A_42 = arith.constant 0 : i32
          %dma_wait3A_43 = tpu.memref_slice %arg4[%arg1, %scan3A_34, %dma_wait3A_42] : memref<16x8x128xi32, #tpu.memory_space<hbm>> -> memref<1x1x128xi32, #tpu.memory_space<hbm>>
          %dma_wait3A_44 = tpu.memref_squeeze %dma_wait3A_43 : memref<1x1x128xi32, #tpu.memory_space<hbm>> -> memref<128xi32, #tpu.memory_space<hbm>>
          tpu.wait_dma2 semaphore(%run_scoped3A : memref<!tpu.dma_semaphore, #tpu.memory_space<semaphore_mem>>) src(%dma_wait3A_44 : memref<128xi32, #tpu.memory_space<hbm>>) dst(%arg13 : memref<128xi32, #tpu.memory_space<vmem>>)
          tpu.yield
        }) : () -> ()
        "tpu.region"() ({
          %run_scoped3A = tpu.sem_alloc : memref<!tpu.dma_semaphore, #tpu.memory_space<semaphore_mem>>
          %dma_start3A = arith.constant 0 : i32
          %dma_start3A_35 = arith.constant 0 : i32
          %dma_start3A_36 = tpu.memref_slice %arg12[%dma_start3A, %dma_start3A_35] : memref<1024x128xf32, #tpu.memory_space<vmem_shared>> -> memref<1024x128xf32, #tpu.memory_space<vmem_shared>>
          tpu.enqueue_indirect_dma source(%arg14 : memref<128x128xf32, #tpu.memory_space<vmem>>) target(%dma_start3A_36 : memref<1024x128xf32, #tpu.memory_space<vmem_shared>>) offsets(%arg13 : memref<128xi32, #tpu.memory_space<vmem>>) semaphore(%run_scoped3A : memref<!tpu.dma_semaphore, #tpu.memory_space<semaphore_mem>>) {add = true}
          %dma_wait3A = arith.constant 0 : i32
          %dma_wait3A_37 = arith.constant 0 : i32
          %dma_wait3A_38 = tpu.memref_slice %arg12[%dma_wait3A, %dma_wait3A_37] : memref<1024x128xf32, #tpu.memory_space<vmem_shared>> -> memref<1024x128xf32, #tpu.memory_space<vmem_shared>>
          tpu.wait_indirect_dma semaphore(%run_scoped3A : memref<!tpu.dma_semaphore, #tpu.memory_space<semaphore_mem>>) src(%arg14 : memref<128x128xf32, #tpu.memory_space<vmem>>) dst(%dma_wait3A_38 : memref<1024x128xf32, #tpu.memory_space<vmem_shared>>)
          tpu.yield
        }) : () -> ()
      }
      %scan3A_24 = arith.constant 8 : i32
      %barrier3A_25 = arith.constant 0 : index
      tpu.barrier barrier_id(%barrier3A_25)
      %mul3A_26 = arith.constant 64 : i32
      %mul3A_27 = arith.muli %arg1, %mul3A_26 : i32
      %mul3A_28 = arith.constant 64 : i32
      %mul3A_29 = arith.muli %arg1, %mul3A_28 : i32
      "tpu.region"() ({
        %run_scoped3A = tpu.sem_alloc : memref<!tpu.dma_semaphore, #tpu.memory_space<semaphore_mem>>
        %dma_start3A = arith.constant 0 : i32
        %dma_start3A_34 = tpu.memref_slice %arg8[%mul3A_29, %dma_start3A] : memref<1024x128xf32, #tpu.memory_space<hbm>> -> memref<64x128xf32, #tpu.memory_space<hbm>>
        %dma_start3A_35 = arith.constant 0 : i32
        %dma_start3A_36 = tpu.memref_slice %arg11[%mul3A_27, %dma_start3A_35] : memref<1024x128xf32, #tpu.memory_space<vmem_shared>> -> memref<64x128xf32, #tpu.memory_space<vmem_shared>>
        tpu.enqueue_dma source(%dma_start3A_36 : memref<64x128xf32, #tpu.memory_space<vmem_shared>>) target(%dma_start3A_34 : memref<64x128xf32, #tpu.memory_space<hbm>>) target_semaphore(%run_scoped3A : memref<!tpu.dma_semaphore, #tpu.memory_space<semaphore_mem>>)
        %dma_wait3A = arith.constant 0 : i32
        %dma_wait3A_37 = tpu.memref_slice %arg8[%mul3A_29, %dma_wait3A] : memref<1024x128xf32, #tpu.memory_space<hbm>> -> memref<64x128xf32, #tpu.memory_space<hbm>>
        %dma_wait3A_38 = arith.constant 0 : i32
        %dma_wait3A_39 = tpu.memref_slice %arg11[%mul3A_27, %dma_wait3A_38] : memref<1024x128xf32, #tpu.memory_space<vmem_shared>> -> memref<64x128xf32, #tpu.memory_space<vmem_shared>>
        tpu.wait_dma2 semaphore(%run_scoped3A : memref<!tpu.dma_semaphore, #tpu.memory_space<semaphore_mem>>) src(%dma_wait3A_39 : memref<64x128xf32, #tpu.memory_space<vmem_shared>>) dst(%dma_wait3A_37 : memref<64x128xf32, #tpu.memory_space<hbm>>)
        tpu.yield
      }) : () -> ()
      %mul3A_30 = arith.constant 64 : i32
      %mul3A_31 = arith.muli %arg1, %mul3A_30 : i32
      %mul3A_32 = arith.constant 64 : i32
      %mul3A_33 = arith.muli %arg1, %mul3A_32 : i32
      "tpu.region"() ({
        %run_scoped3A = tpu.sem_alloc : memref<!tpu.dma_semaphore, #tpu.memory_space<semaphore_mem>>
        %dma_start3A = arith.constant 0 : i32
        %dma_start3A_34 = tpu.memref_slice %arg9[%mul3A_33, %dma_start3A] : memref<1024x128xf32, #tpu.memory_space<hbm>> -> memref<64x128xf32, #tpu.memory_space<hbm>>
        %dma_start3A_35 = arith.constant 0 : i32
        %dma_start3A_36 = tpu.memref_slice %arg12[%mul3A_31, %dma_start3A_35] : memref<1024x128xf32, #tpu.memory_space<vmem_shared>> -> memref<64x128xf32, #tpu.memory_space<vmem_shared>>
        tpu.enqueue_dma source(%dma_start3A_36 : memref<64x128xf32, #tpu.memory_space<vmem_shared>>) target(%dma_start3A_34 : memref<64x128xf32, #tpu.memory_space<hbm>>) target_semaphore(%run_scoped3A : memref<!tpu.dma_semaphore, #tpu.memory_space<semaphore_mem>>)
        %dma_wait3A = arith.constant 0 : i32
        %dma_wait3A_37 = tpu.memref_slice %arg9[%mul3A_33, %dma_wait3A] : memref<1024x128xf32, #tpu.memory_space<hbm>> -> memref<64x128xf32, #tpu.memory_space<hbm>>
        %dma_wait3A_38 = arith.constant 0 : i32
        %dma_wait3A_39 = tpu.memref_slice %arg12[%mul3A_31, %dma_wait3A_38] : memref<1024x128xf32, #tpu.memory_space<vmem_shared>> -> memref<64x128xf32, #tpu.memory_space<vmem_shared>>
        tpu.wait_dma2 semaphore(%run_scoped3A : memref<!tpu.dma_semaphore, #tpu.memory_space<semaphore_mem>>) src(%dma_wait3A_39 : memref<64x128xf32, #tpu.memory_space<vmem_shared>>) dst(%dma_wait3A_37 : memref<64x128xf32, #tpu.memory_space<hbm>>)
        tpu.yield
      }) : () -> ()
    } else {
    }
    return
  }
}

#map = affine_map<(d0, d1) -> (0, 0)>
#map1 = affine_map<(d0, d1) -> (0, 0, 0)>
module attributes {stable_mosaic.version = 14 : i64} {
  func.func @_agg_body(%arg0: i32, %arg1: i32, %arg2: memref<20000x128xf32, #tpu.memory_space<hbm>>, %arg3: memref<2016x128xf32, #tpu.memory_space<hbm>>, %arg4: memref<16x10112xi32, #tpu.memory_space<hbm>>, %arg5: memref<16x79x128xi32, #tpu.memory_space<hbm>>, %arg6: memref<16x640xi32, #tpu.memory_space<hbm>>, %arg7: memref<16x5x128xi32, #tpu.memory_space<hbm>>, %arg8: memref<16x1024xi32, #tpu.memory_space<hbm>>, %arg9: memref<16x8x128xi32, #tpu.memory_space<hbm>>, %arg10: memref<10112x128xf32, #tpu.memory_space<hbm>>, %arg11: memref<2x10112x128xf32, #tpu.memory_space<hbm>>, %arg12: memref<2x1024x128xf32, #tpu.memory_space<hbm>>, %arg13: memref<2x1024x128xf32, #tpu.memory_space<hbm>>, %arg14: memref<10112x128xf32, #tpu.memory_space<vmem_shared>>, %arg15: memref<1024x128xf32, #tpu.memory_space<vmem_shared>>, %arg16: memref<1024x128xf32, #tpu.memory_space<vmem_shared>>, %arg17: memref<128xi32, #tpu.memory_space<vmem>>, %arg18: memref<128xi32, #tpu.memory_space<vmem>>, %arg19: memref<128xi32, #tpu.memory_space<vmem>>, %arg20: memref<128x128xf32, #tpu.memory_space<vmem>>, %arg21: memref<!tpu.dma_semaphore, #tpu.memory_space<semaphore_mem>>) attributes {dimension_semantics = [#tpu.dimension_semantics<core_parallel>, #tpu.dimension_semantics<subcore_parallel>], iteration_bounds = array<i64: 2, 16>, scalar_prefetch = 0 : i64, scratch_operands = 8 : i64, tpu.core_type = #tpu.core_type<sc_vector_subcore>, window_params = [{transform_indices = #map}, {transform_indices = #map}, {transform_indices = #map}, {transform_indices = #map1}, {transform_indices = #map}, {transform_indices = #map1}, {transform_indices = #map}, {transform_indices = #map1}, {transform_indices = #map}, {transform_indices = #map1}, {transform_indices = #map1}, {transform_indices = #map1}]} {
    %mul3A = arith.constant 632 : i32
    %mul3A_0 = arith.muli %arg1, %mul3A : i32
    %mul3A_1 = arith.constant 632 : i32
    %mul3A_2 = arith.muli %arg1, %mul3A_1 : i32
    "tpu.region"() ({
      %run_scoped3A = tpu.sem_alloc : memref<!tpu.dma_semaphore, #tpu.memory_space<semaphore_mem>>
      %dma_start3A = arith.constant 0 : i32
      %dma_start3A_41 = tpu.memref_slice %arg14[%mul3A_2, %dma_start3A] : memref<10112x128xf32, #tpu.memory_space<vmem_shared>> -> memref<632x128xf32, #tpu.memory_space<vmem_shared>>
      %dma_start3A_42 = arith.constant 0 : i32
      %dma_start3A_43 = tpu.memref_slice %arg10[%mul3A_0, %dma_start3A_42] : memref<10112x128xf32, #tpu.memory_space<hbm>> -> memref<632x128xf32, #tpu.memory_space<hbm>>
      tpu.enqueue_dma source(%dma_start3A_43 : memref<632x128xf32, #tpu.memory_space<hbm>>) target(%dma_start3A_41 : memref<632x128xf32, #tpu.memory_space<vmem_shared>>) target_semaphore(%run_scoped3A : memref<!tpu.dma_semaphore, #tpu.memory_space<semaphore_mem>>)
      %dma_wait3A = arith.constant 0 : i32
      %dma_wait3A_44 = tpu.memref_slice %arg14[%mul3A_2, %dma_wait3A] : memref<10112x128xf32, #tpu.memory_space<vmem_shared>> -> memref<632x128xf32, #tpu.memory_space<vmem_shared>>
      %dma_wait3A_45 = arith.constant 0 : i32
      %dma_wait3A_46 = tpu.memref_slice %arg10[%mul3A_0, %dma_wait3A_45] : memref<10112x128xf32, #tpu.memory_space<hbm>> -> memref<632x128xf32, #tpu.memory_space<hbm>>
      tpu.wait_dma2 semaphore(%run_scoped3A : memref<!tpu.dma_semaphore, #tpu.memory_space<semaphore_mem>>) src(%dma_wait3A_46 : memref<632x128xf32, #tpu.memory_space<hbm>>) dst(%dma_wait3A_44 : memref<632x128xf32, #tpu.memory_space<vmem_shared>>)
      tpu.yield
    }) : () -> ()
    %mul3A_3 = arith.constant 64 : i32
    %mul3A_4 = arith.muli %arg1, %mul3A_3 : i32
    %mul3A_5 = arith.constant 64 : i32
    %mul3A_6 = arith.muli %arg1, %mul3A_5 : i32
    "tpu.region"() ({
      %run_scoped3A = tpu.sem_alloc : memref<!tpu.dma_semaphore, #tpu.memory_space<semaphore_mem>>
      %dma_start3A = arith.constant 0 : i32
      %dma_start3A_41 = tpu.memref_slice %arg15[%mul3A_6, %dma_start3A] : memref<1024x128xf32, #tpu.memory_space<vmem_shared>> -> memref<64x128xf32, #tpu.memory_space<vmem_shared>>
      %dma_start3A_42 = arith.constant 0 : i32
      %dma_start3A_43 = tpu.memref_slice %arg10[%mul3A_4, %dma_start3A_42] : memref<10112x128xf32, #tpu.memory_space<hbm>> -> memref<64x128xf32, #tpu.memory_space<hbm>>
      tpu.enqueue_dma source(%dma_start3A_43 : memref<64x128xf32, #tpu.memory_space<hbm>>) target(%dma_start3A_41 : memref<64x128xf32, #tpu.memory_space<vmem_shared>>) target_semaphore(%run_scoped3A : memref<!tpu.dma_semaphore, #tpu.memory_space<semaphore_mem>>)
      %dma_wait3A = arith.constant 0 : i32
      %dma_wait3A_44 = tpu.memref_slice %arg15[%mul3A_6, %dma_wait3A] : memref<1024x128xf32, #tpu.memory_space<vmem_shared>> -> memref<64x128xf32, #tpu.memory_space<vmem_shared>>
      %dma_wait3A_45 = arith.constant 0 : i32
      %dma_wait3A_46 = tpu.memref_slice %arg10[%mul3A_4, %dma_wait3A_45] : memref<10112x128xf32, #tpu.memory_space<hbm>> -> memref<64x128xf32, #tpu.memory_space<hbm>>
      tpu.wait_dma2 semaphore(%run_scoped3A : memref<!tpu.dma_semaphore, #tpu.memory_space<semaphore_mem>>) src(%dma_wait3A_46 : memref<64x128xf32, #tpu.memory_space<hbm>>) dst(%dma_wait3A_44 : memref<64x128xf32, #tpu.memory_space<vmem_shared>>)
      tpu.yield
    }) : () -> ()
    %mul3A_7 = arith.constant 64 : i32
    %mul3A_8 = arith.muli %arg1, %mul3A_7 : i32
    %mul3A_9 = arith.constant 64 : i32
    %mul3A_10 = arith.muli %arg1, %mul3A_9 : i32
    "tpu.region"() ({
      %run_scoped3A = tpu.sem_alloc : memref<!tpu.dma_semaphore, #tpu.memory_space<semaphore_mem>>
      %dma_start3A = arith.constant 0 : i32
      %dma_start3A_41 = tpu.memref_slice %arg16[%mul3A_10, %dma_start3A] : memref<1024x128xf32, #tpu.memory_space<vmem_shared>> -> memref<64x128xf32, #tpu.memory_space<vmem_shared>>
      %dma_start3A_42 = arith.constant 0 : i32
      %dma_start3A_43 = tpu.memref_slice %arg10[%mul3A_8, %dma_start3A_42] : memref<10112x128xf32, #tpu.memory_space<hbm>> -> memref<64x128xf32, #tpu.memory_space<hbm>>
      tpu.enqueue_dma source(%dma_start3A_43 : memref<64x128xf32, #tpu.memory_space<hbm>>) target(%dma_start3A_41 : memref<64x128xf32, #tpu.memory_space<vmem_shared>>) target_semaphore(%run_scoped3A : memref<!tpu.dma_semaphore, #tpu.memory_space<semaphore_mem>>)
      %dma_wait3A = arith.constant 0 : i32
      %dma_wait3A_44 = tpu.memref_slice %arg16[%mul3A_10, %dma_wait3A] : memref<1024x128xf32, #tpu.memory_space<vmem_shared>> -> memref<64x128xf32, #tpu.memory_space<vmem_shared>>
      %dma_wait3A_45 = arith.constant 0 : i32
      %dma_wait3A_46 = tpu.memref_slice %arg10[%mul3A_8, %dma_wait3A_45] : memref<10112x128xf32, #tpu.memory_space<hbm>> -> memref<64x128xf32, #tpu.memory_space<hbm>>
      tpu.wait_dma2 semaphore(%run_scoped3A : memref<!tpu.dma_semaphore, #tpu.memory_space<semaphore_mem>>) src(%dma_wait3A_46 : memref<64x128xf32, #tpu.memory_space<hbm>>) dst(%dma_wait3A_44 : memref<64x128xf32, #tpu.memory_space<vmem_shared>>)
      tpu.yield
    }) : () -> ()
    %barrier3A = arith.constant 0 : index
    tpu.barrier barrier_id(%barrier3A)
    %scan3A = arith.constant 0 : i32
    %scan3A_11 = arith.constant 0 : i32
    %scan3A_12 = arith.constant 79 : i32
    %scan3A_13 = arith.addi %scan3A_11, %scan3A_12 : i32
    %scan3A_14 = arith.constant 1 : i32
    scf.for %scan3A_41 = %scan3A_11 to %scan3A_13 step %scan3A_14  : i32 {
      %mul3A_42 = arith.constant 128 : i32
      %mul3A_43 = arith.muli %scan3A_41, %mul3A_42 : i32
      "tpu.region"() ({
        %run_scoped3A = tpu.sem_alloc : memref<!tpu.dma_semaphore, #tpu.memory_space<semaphore_mem>>
        %dma_start3A_141 = tpu.memref_slice %arg4[%arg1, %mul3A_43] : memref<16x10112xi32, #tpu.memory_space<hbm>> -> memref<1x128xi32, #tpu.memory_space<hbm>>
        %dma_start3A_142 = tpu.memref_squeeze %dma_start3A_141 : memref<1x128xi32, #tpu.memory_space<hbm>> -> memref<128xi32, #tpu.memory_space<hbm>>
        %dma_start3A_143 = tpu.memref_slice %arg4[%arg1, %mul3A_43] : memref<16x10112xi32, #tpu.memory_space<hbm>> -> memref<1x128xi32, #tpu.memory_space<hbm>>
        %dma_start3A_144 = tpu.memref_squeeze %dma_start3A_143 : memref<1x128xi32, #tpu.memory_space<hbm>> -> memref<128xi32, #tpu.memory_space<hbm>>
        tpu.enqueue_dma source(%dma_start3A_144 : memref<128xi32, #tpu.memory_space<hbm>>) target(%arg17 : memref<128xi32, #tpu.memory_space<vmem>>) target_semaphore(%run_scoped3A : memref<!tpu.dma_semaphore, #tpu.memory_space<semaphore_mem>>)
        %dma_wait3A_145 = tpu.memref_slice %arg4[%arg1, %mul3A_43] : memref<16x10112xi32, #tpu.memory_space<hbm>> -> memref<1x128xi32, #tpu.memory_space<hbm>>
        %dma_wait3A_146 = tpu.memref_squeeze %dma_wait3A_145 : memref<1x128xi32, #tpu.memory_space<hbm>> -> memref<128xi32, #tpu.memory_space<hbm>>
        %dma_wait3A_147 = tpu.memref_slice %arg4[%arg1, %mul3A_43] : memref<16x10112xi32, #tpu.memory_space<hbm>> -> memref<1x128xi32, #tpu.memory_space<hbm>>
        %dma_wait3A_148 = tpu.memref_squeeze %dma_wait3A_147 : memref<1x128xi32, #tpu.memory_space<hbm>> -> memref<128xi32, #tpu.memory_space<hbm>>
        tpu.wait_dma2 semaphore(%run_scoped3A : memref<!tpu.dma_semaphore, #tpu.memory_space<semaphore_mem>>) src(%dma_wait3A_148 : memref<128xi32, #tpu.memory_space<hbm>>) dst(%arg17 : memref<128xi32, #tpu.memory_space<vmem>>)
        tpu.yield
      }) : () -> ()
      "tpu.region"() ({
        %run_scoped3A = tpu.sem_alloc : memref<!tpu.dma_semaphore, #tpu.memory_space<semaphore_mem>>
        %dma_start3A_141 = arith.constant 0 : i32
        %dma_start3A_142 = tpu.memref_slice %arg5[%arg1, %scan3A_41, %dma_start3A_141] : memref<16x79x128xi32, #tpu.memory_space<hbm>> -> memref<1x1x128xi32, #tpu.memory_space<hbm>>
        %dma_start3A_143 = tpu.memref_squeeze %dma_start3A_142 : memref<1x1x128xi32, #tpu.memory_space<hbm>> -> memref<128xi32, #tpu.memory_space<hbm>>
        %dma_start3A_144 = arith.constant 0 : i32
        %dma_start3A_145 = tpu.memref_slice %arg5[%arg1, %scan3A_41, %dma_start3A_144] : memref<16x79x128xi32, #tpu.memory_space<hbm>> -> memref<1x1x128xi32, #tpu.memory_space<hbm>>
        %dma_start3A_146 = tpu.memref_squeeze %dma_start3A_145 : memref<1x1x128xi32, #tpu.memory_space<hbm>> -> memref<128xi32, #tpu.memory_space<hbm>>
        tpu.enqueue_dma source(%dma_start3A_146 : memref<128xi32, #tpu.memory_space<hbm>>) target(%arg18 : memref<128xi32, #tpu.memory_space<vmem>>) target_semaphore(%run_scoped3A : memref<!tpu.dma_semaphore, #tpu.memory_space<semaphore_mem>>)
        %dma_wait3A_147 = arith.constant 0 : i32
        %dma_wait3A_148 = tpu.memref_slice %arg5[%arg1, %scan3A_41, %dma_wait3A_147] : memref<16x79x128xi32, #tpu.memory_space<hbm>> -> memref<1x1x128xi32, #tpu.memory_space<hbm>>
        %dma_wait3A_149 = tpu.memref_squeeze %dma_wait3A_148 : memref<1x1x128xi32, #tpu.memory_space<hbm>> -> memref<128xi32, #tpu.memory_space<hbm>>
        %dma_wait3A_150 = arith.constant 0 : i32
        %dma_wait3A_151 = tpu.memref_slice %arg5[%arg1, %scan3A_41, %dma_wait3A_150] : memref<16x79x128xi32, #tpu.memory_space<hbm>> -> memref<1x1x128xi32, #tpu.memory_space<hbm>>
        %dma_wait3A_152 = tpu.memref_squeeze %dma_wait3A_151 : memref<1x1x128xi32, #tpu.memory_space<hbm>> -> memref<128xi32, #tpu.memory_space<hbm>>
        tpu.wait_dma2 semaphore(%run_scoped3A : memref<!tpu.dma_semaphore, #tpu.memory_space<semaphore_mem>>) src(%dma_wait3A_152 : memref<128xi32, #tpu.memory_space<hbm>>) dst(%arg18 : memref<128xi32, #tpu.memory_space<vmem>>)
        tpu.yield
      }) : () -> ()
      %get3A = arith.constant 0 : index
      %get3A_44 = tpu.vector_load %arg17[%get3A] {strides = array<i32>} : memref<128xi32, #tpu.memory_space<vmem>>, vector<16xi32>,
      %get3A_45 = vector.shape_cast %get3A_44 : vector<16xi32> to vector<16xi32>
      %mul3A_46 = arith.constant 2 : i32
      %mul3A_47 = vector.broadcast %mul3A_46 : i32 to vector<16xi32>
      %mul3A_48 = arith.muli %get3A_45, %mul3A_47 : vector<16xi32>
      %add3A = vector.broadcast %arg0 : i32 to vector<16xi32>
      %add3A_49 = arith.addi %mul3A_48, %add3A : vector<16xi32>
      %swap3A = arith.constant 0 : index
      %swap3A_50 = tpu.vector_load %arg19[%swap3A] {strides = array<i32>} : memref<128xi32, #tpu.memory_space<vmem>>, vector<16xi32>,
      %swap3A_51 = vector.shape_cast %swap3A_50 : vector<16xi32> to vector<16xi32>
      %swap3A_52 = vector.shape_cast %add3A_49 : vector<16xi32> to vector<16xi32>
      tpu.vector_store %arg19[%swap3A], %swap3A_52 {strides = array<i32>} : memref<128xi32, #tpu.memory_space<vmem>>, vector<16xi32>,
      %get3A_53 = arith.constant 16 : index
      %get3A_54 = tpu.vector_load %arg17[%get3A_53] {strides = array<i32>} : memref<128xi32, #tpu.memory_space<vmem>>, vector<16xi32>,
      %get3A_55 = vector.shape_cast %get3A_54 : vector<16xi32> to vector<16xi32>
      %mul3A_56 = arith.constant 2 : i32
      %mul3A_57 = vector.broadcast %mul3A_56 : i32 to vector<16xi32>
      %mul3A_58 = arith.muli %get3A_55, %mul3A_57 : vector<16xi32>
      %add3A_59 = vector.broadcast %arg0 : i32 to vector<16xi32>
      %add3A_60 = arith.addi %mul3A_58, %add3A_59 : vector<16xi32>
      %swap3A_61 = arith.constant 16 : index
      %swap3A_62 = tpu.vector_load %arg19[%swap3A_61] {strides = array<i32>} : memref<128xi32, #tpu.memory_space<vmem>>, vector<16xi32>,
      %swap3A_63 = vector.shape_cast %swap3A_62 : vector<16xi32> to vector<16xi32>
      %swap3A_64 = vector.shape_cast %add3A_60 : vector<16xi32> to vector<16xi32>
      tpu.vector_store %arg19[%swap3A_61], %swap3A_64 {strides = array<i32>} : memref<128xi32, #tpu.memory_space<vmem>>, vector<16xi32>,
      %get3A_65 = arith.constant 32 : index
      %get3A_66 = tpu.vector_load %arg17[%get3A_65] {strides = array<i32>} : memref<128xi32, #tpu.memory_space<vmem>>, vector<16xi32>,
      %get3A_67 = vector.shape_cast %get3A_66 : vector<16xi32> to vector<16xi32>
      %mul3A_68 = arith.constant 2 : i32
      %mul3A_69 = vector.broadcast %mul3A_68 : i32 to vector<16xi32>
      %mul3A_70 = arith.muli %get3A_67, %mul3A_69 : vector<16xi32>
      %add3A_71 = vector.broadcast %arg0 : i32 to vector<16xi32>
      %add3A_72 = arith.addi %mul3A_70, %add3A_71 : vector<16xi32>
      %swap3A_73 = arith.constant 32 : index
      %swap3A_74 = tpu.vector_load %arg19[%swap3A_73] {strides = array<i32>} : memref<128xi32, #tpu.memory_space<vmem>>, vector<16xi32>,
      %swap3A_75 = vector.shape_cast %swap3A_74 : vector<16xi32> to vector<16xi32>
      %swap3A_76 = vector.shape_cast %add3A_72 : vector<16xi32> to vector<16xi32>
      tpu.vector_store %arg19[%swap3A_73], %swap3A_76 {strides = array<i32>} : memref<128xi32, #tpu.memory_space<vmem>>, vector<16xi32>,
      %get3A_77 = arith.constant 48 : index
      %get3A_78 = tpu.vector_load %arg17[%get3A_77] {strides = array<i32>} : memref<128xi32, #tpu.memory_space<vmem>>, vector<16xi32>,
      %get3A_79 = vector.shape_cast %get3A_78 : vector<16xi32> to vector<16xi32>
      %mul3A_80 = arith.constant 2 : i32
      %mul3A_81 = vector.broadcast %mul3A_80 : i32 to vector<16xi32>
      %mul3A_82 = arith.muli %get3A_79, %mul3A_81 : vector<16xi32>
      %add3A_83 = vector.broadcast %arg0 : i32 to vector<16xi32>
      %add3A_84 = arith.addi %mul3A_82, %add3A_83 : vector<16xi32>
      %swap3A_85 = arith.constant 48 : index
      %swap3A_86 = tpu.vector_load %arg19[%swap3A_85] {strides = array<i32>} : memref<128xi32, #tpu.memory_space<vmem>>, vector<16xi32>,
      %swap3A_87 = vector.shape_cast %swap3A_86 : vector<16xi32> to vector<16xi32>
      %swap3A_88 = vector.shape_cast %add3A_84 : vector<16xi32> to vector<16xi32>
      tpu.vector_store %arg19[%swap3A_85], %swap3A_88 {strides = array<i32>} : memref<128xi32, #tpu.memory_space<vmem>>, vector<16xi32>,
      %get3A_89 = arith.constant 64 : index
      %get3A_90 = tpu.vector_load %arg17[%get3A_89] {strides = array<i32>} : memref<128xi32, #tpu.memory_space<vmem>>, vector<16xi32>,
      %get3A_91 = vector.shape_cast %get3A_90 : vector<16xi32> to vector<16xi32>
      %mul3A_92 = arith.constant 2 : i32
      %mul3A_93 = vector.broadcast %mul3A_92 : i32 to vector<16xi32>
      %mul3A_94 = arith.muli %get3A_91, %mul3A_93 : vector<16xi32>
      %add3A_95 = vector.broadcast %arg0 : i32 to vector<16xi32>
      %add3A_96 = arith.addi %mul3A_94, %add3A_95 : vector<16xi32>
      %swap3A_97 = arith.constant 64 : index
      %swap3A_98 = tpu.vector_load %arg19[%swap3A_97] {strides = array<i32>} : memref<128xi32, #tpu.memory_space<vmem>>, vector<16xi32>,
      %swap3A_99 = vector.shape_cast %swap3A_98 : vector<16xi32> to vector<16xi32>
      %swap3A_100 = vector.shape_cast %add3A_96 : vector<16xi32> to vector<16xi32>
      tpu.vector_store %arg19[%swap3A_97], %swap3A_100 {strides = array<i32>} : memref<128xi32, #tpu.memory_space<vmem>>, vector<16xi32>,
      %get3A_101 = arith.constant 80 : index
      %get3A_102 = tpu.vector_load %arg17[%get3A_101] {strides = array<i32>} : memref<128xi32, #tpu.memory_space<vmem>>, vector<16xi32>,
      %get3A_103 = vector.shape_cast %get3A_102 : vector<16xi32> to vector<16xi32>
      %mul3A_104 = arith.constant 2 : i32
      %mul3A_105 = vector.broadcast %mul3A_104 : i32 to vector<16xi32>
      %mul3A_106 = arith.muli %get3A_103, %mul3A_105 : vector<16xi32>
      %add3A_107 = vector.broadcast %arg0 : i32 to vector<16xi32>
      %add3A_108 = arith.addi %mul3A_106, %add3A_107 : vector<16xi32>
      %swap3A_109 = arith.constant 80 : index
      %swap3A_110 = tpu.vector_load %arg19[%swap3A_109] {strides = array<i32>} : memref<128xi32, #tpu.memory_space<vmem>>, vector<16xi32>,
      %swap3A_111 = vector.shape_cast %swap3A_110 : vector<16xi32> to vector<16xi32>
      %swap3A_112 = vector.shape_cast %add3A_108 : vector<16xi32> to vector<16xi32>
      tpu.vector_store %arg19[%swap3A_109], %swap3A_112 {strides = array<i32>} : memref<128xi32, #tpu.memory_space<vmem>>, vector<16xi32>,
      %get3A_113 = arith.constant 96 : index
      %get3A_114 = tpu.vector_load %arg17[%get3A_113] {strides = array<i32>} : memref<128xi32, #tpu.memory_space<vmem>>, vector<16xi32>,
      %get3A_115 = vector.shape_cast %get3A_114 : vector<16xi32> to vector<16xi32>
      %mul3A_116 = arith.constant 2 : i32
      %mul3A_117 = vector.broadcast %mul3A_116 : i32 to vector<16xi32>
      %mul3A_118 = arith.muli %get3A_115, %mul3A_117 : vector<16xi32>
      %add3A_119 = vector.broadcast %arg0 : i32 to vector<16xi32>
      %add3A_120 = arith.addi %mul3A_118, %add3A_119 : vector<16xi32>
      %swap3A_121 = arith.constant 96 : index
      %swap3A_122 = tpu.vector_load %arg19[%swap3A_121] {strides = array<i32>} : memref<128xi32, #tpu.memory_space<vmem>>, vector<16xi32>,
      %swap3A_123 = vector.shape_cast %swap3A_122 : vector<16xi32> to vector<16xi32>
      %swap3A_124 = vector.shape_cast %add3A_120 : vector<16xi32> to vector<16xi32>
      tpu.vector_store %arg19[%swap3A_121], %swap3A_124 {strides = array<i32>} : memref<128xi32, #tpu.memory_space<vmem>>, vector<16xi32>,
      %get3A_125 = arith.constant 112 : index
      %get3A_126 = tpu.vector_load %arg17[%get3A_125] {strides = array<i32>} : memref<128xi32, #tpu.memory_space<vmem>>, vector<16xi32>,
      %get3A_127 = vector.shape_cast %get3A_126 : vector<16xi32> to vector<16xi32>
      %mul3A_128 = arith.constant 2 : i32
      %mul3A_129 = vector.broadcast %mul3A_128 : i32 to vector<16xi32>
      %mul3A_130 = arith.muli %get3A_127, %mul3A_129 : vector<16xi32>
      %add3A_131 = vector.broadcast %arg0 : i32 to vector<16xi32>
      %add3A_132 = arith.addi %mul3A_130, %add3A_131 : vector<16xi32>
      %swap3A_133 = arith.constant 112 : index
      %swap3A_134 = tpu.vector_load %arg19[%swap3A_133] {strides = array<i32>} : memref<128xi32, #tpu.memory_space<vmem>>, vector<16xi32>,
      %swap3A_135 = vector.shape_cast %swap3A_134 : vector<16xi32> to vector<16xi32>
      %swap3A_136 = vector.shape_cast %add3A_132 : vector<16xi32> to vector<16xi32>
      tpu.vector_store %arg19[%swap3A_133], %swap3A_136 {strides = array<i32>} : memref<128xi32, #tpu.memory_space<vmem>>, vector<16xi32>,
      %dma_start3A = arith.constant 0 : i32
      %dma_start3A_137 = arith.constant 0 : i32
      %dma_start3A_138 = tpu.memref_slice %arg2[%dma_start3A, %dma_start3A_137] : memref<20000x128xf32, #tpu.memory_space<hbm>> -> memref<20000x128xf32, #tpu.memory_space<hbm>>
      tpu.enqueue_indirect_dma source(%dma_start3A_138 : memref<20000x128xf32, #tpu.memory_space<hbm>>) target(%arg20 : memref<128x128xf32, #tpu.memory_space<vmem>>) offsets(%arg19 : memref<128xi32, #tpu.memory_space<vmem>>) semaphore(%arg21 : memref<!tpu.dma_semaphore, #tpu.memory_space<semaphore_mem>>)
      %dma_wait3A = arith.constant 0 : i32
      %dma_wait3A_139 = arith.constant 0 : i32
      %dma_wait3A_140 = tpu.memref_slice %arg2[%dma_wait3A, %dma_wait3A_139] : memref<20000x128xf32, #tpu.memory_space<hbm>> -> memref<20000x128xf32, #tpu.memory_space<hbm>>
      tpu.wait_indirect_dma semaphore(%arg21 : memref<!tpu.dma_semaphore, #tpu.memory_space<semaphore_mem>>) src(%dma_wait3A_140 : memref<20000x128xf32, #tpu.memory_space<hbm>>) dst(%arg20 : memref<128x128xf32, #tpu.memory_space<vmem>>)
      "tpu.region"() ({
        %run_scoped3A = tpu.sem_alloc : memref<!tpu.dma_semaphore, #tpu.memory_space<semaphore_mem>>
        %dma_start3A_141 = arith.constant 0 : i32
        %dma_start3A_142 = arith.constant 0 : i32
        %dma_start3A_143 = tpu.memref_slice %arg14[%dma_start3A_141, %dma_start3A_142] : memref<10112x128xf32, #tpu.memory_space<vmem_shared>> -> memref<10112x128xf32, #tpu.memory_space<vmem_shared>>
        tpu.enqueue_indirect_dma source(%arg20 : memref<128x128xf32, #tpu.memory_space<vmem>>) target(%dma_start3A_143 : memref<10112x128xf32, #tpu.memory_space<vmem_shared>>) offsets(%arg18 : memref<128xi32, #tpu.memory_space<vmem>>) semaphore(%run_scoped3A : memref<!tpu.dma_semaphore, #tpu.memory_space<semaphore_mem>>) {add = true}
        %dma_wait3A_144 = arith.constant 0 : i32
        %dma_wait3A_145 = arith.constant 0 : i32
        %dma_wait3A_146 = tpu.memref_slice %arg14[%dma_wait3A_144, %dma_wait3A_145] : memref<10112x128xf32, #tpu.memory_space<vmem_shared>> -> memref<10112x128xf32, #tpu.memory_space<vmem_shared>>
        tpu.wait_indirect_dma semaphore(%run_scoped3A : memref<!tpu.dma_semaphore, #tpu.memory_space<semaphore_mem>>) src(%arg20 : memref<128x128xf32, #tpu.memory_space<vmem>>) dst(%dma_wait3A_146 : memref<10112x128xf32, #tpu.memory_space<vmem_shared>>)
        tpu.yield
      }) : () -> ()
    }
    %scan3A_15 = arith.constant 79 : i32
    %scan3A_16 = arith.constant 0 : i32
    %scan3A_17 = arith.constant 0 : i32
    %scan3A_18 = arith.constant 5 : i32
    %scan3A_19 = arith.addi %scan3A_17, %scan3A_18 : i32
    %scan3A_20 = arith.constant 1 : i32
    scf.for %scan3A_41 = %scan3A_17 to %scan3A_19 step %scan3A_20  : i32 {
      %mul3A_42 = arith.constant 128 : i32
      %mul3A_43 = arith.muli %scan3A_41, %mul3A_42 : i32
      "tpu.region"() ({
        %run_scoped3A = tpu.sem_alloc : memref<!tpu.dma_semaphore, #tpu.memory_space<semaphore_mem>>
        %dma_start3A_141 = tpu.memref_slice %arg6[%arg1, %mul3A_43] : memref<16x640xi32, #tpu.memory_space<hbm>> -> memref<1x128xi32, #tpu.memory_space<hbm>>
        %dma_start3A_142 = tpu.memref_squeeze %dma_start3A_141 : memref<1x128xi32, #tpu.memory_space<hbm>> -> memref<128xi32, #tpu.memory_space<hbm>>
        %dma_start3A_143 = tpu.memref_slice %arg6[%arg1, %mul3A_43] : memref<16x640xi32, #tpu.memory_space<hbm>> -> memref<1x128xi32, #tpu.memory_space<hbm>>
        %dma_start3A_144 = tpu.memref_squeeze %dma_start3A_143 : memref<1x128xi32, #tpu.memory_space<hbm>> -> memref<128xi32, #tpu.memory_space<hbm>>
        tpu.enqueue_dma source(%dma_start3A_144 : memref<128xi32, #tpu.memory_space<hbm>>) target(%arg17 : memref<128xi32, #tpu.memory_space<vmem>>) target_semaphore(%run_scoped3A : memref<!tpu.dma_semaphore, #tpu.memory_space<semaphore_mem>>)
        %dma_wait3A_145 = tpu.memref_slice %arg6[%arg1, %mul3A_43] : memref<16x640xi32, #tpu.memory_space<hbm>> -> memref<1x128xi32, #tpu.memory_space<hbm>>
        %dma_wait3A_146 = tpu.memref_squeeze %dma_wait3A_145 : memref<1x128xi32, #tpu.memory_space<hbm>> -> memref<128xi32, #tpu.memory_space<hbm>>
        %dma_wait3A_147 = tpu.memref_slice %arg6[%arg1, %mul3A_43] : memref<16x640xi32, #tpu.memory_space<hbm>> -> memref<1x128xi32, #tpu.memory_space<hbm>>
        %dma_wait3A_148 = tpu.memref_squeeze %dma_wait3A_147 : memref<1x128xi32, #tpu.memory_space<hbm>> -> memref<128xi32, #tpu.memory_space<hbm>>
        tpu.wait_dma2 semaphore(%run_scoped3A : memref<!tpu.dma_semaphore, #tpu.memory_space<semaphore_mem>>) src(%dma_wait3A_148 : memref<128xi32, #tpu.memory_space<hbm>>) dst(%arg17 : memref<128xi32, #tpu.memory_space<vmem>>)
        tpu.yield
      }) : () -> ()
      "tpu.region"() ({
        %run_scoped3A = tpu.sem_alloc : memref<!tpu.dma_semaphore, #tpu.memory_space<semaphore_mem>>
        %dma_start3A_141 = arith.constant 0 : i32
        %dma_start3A_142 = tpu.memref_slice %arg7[%arg1, %scan3A_41, %dma_start3A_141] : memref<16x5x128xi32, #tpu.memory_space<hbm>> -> memref<1x1x128xi32, #tpu.memory_space<hbm>>
        %dma_start3A_143 = tpu.memref_squeeze %dma_start3A_142 : memref<1x1x128xi32, #tpu.memory_space<hbm>> -> memref<128xi32, #tpu.memory_space<hbm>>
        %dma_start3A_144 = arith.constant 0 : i32
        %dma_start3A_145 = tpu.memref_slice %arg7[%arg1, %scan3A_41, %dma_start3A_144] : memref<16x5x128xi32, #tpu.memory_space<hbm>> -> memref<1x1x128xi32, #tpu.memory_space<hbm>>
        %dma_start3A_146 = tpu.memref_squeeze %dma_start3A_145 : memref<1x1x128xi32, #tpu.memory_space<hbm>> -> memref<128xi32, #tpu.memory_space<hbm>>
        tpu.enqueue_dma source(%dma_start3A_146 : memref<128xi32, #tpu.memory_space<hbm>>) target(%arg18 : memref<128xi32, #tpu.memory_space<vmem>>) target_semaphore(%run_scoped3A : memref<!tpu.dma_semaphore, #tpu.memory_space<semaphore_mem>>)
        %dma_wait3A_147 = arith.constant 0 : i32
        %dma_wait3A_148 = tpu.memref_slice %arg7[%arg1, %scan3A_41, %dma_wait3A_147] : memref<16x5x128xi32, #tpu.memory_space<hbm>> -> memref<1x1x128xi32, #tpu.memory_space<hbm>>
        %dma_wait3A_149 = tpu.memref_squeeze %dma_wait3A_148 : memref<1x1x128xi32, #tpu.memory_space<hbm>> -> memref<128xi32, #tpu.memory_space<hbm>>
        %dma_wait3A_150 = arith.constant 0 : i32
        %dma_wait3A_151 = tpu.memref_slice %arg7[%arg1, %scan3A_41, %dma_wait3A_150] : memref<16x5x128xi32, #tpu.memory_space<hbm>> -> memref<1x1x128xi32, #tpu.memory_space<hbm>>
        %dma_wait3A_152 = tpu.memref_squeeze %dma_wait3A_151 : memref<1x1x128xi32, #tpu.memory_space<hbm>> -> memref<128xi32, #tpu.memory_space<hbm>>
        tpu.wait_dma2 semaphore(%run_scoped3A : memref<!tpu.dma_semaphore, #tpu.memory_space<semaphore_mem>>) src(%dma_wait3A_152 : memref<128xi32, #tpu.memory_space<hbm>>) dst(%arg18 : memref<128xi32, #tpu.memory_space<vmem>>)
        tpu.yield
      }) : () -> ()
      %get3A = arith.constant 0 : index
      %get3A_44 = tpu.vector_load %arg17[%get3A] {strides = array<i32>} : memref<128xi32, #tpu.memory_space<vmem>>, vector<16xi32>,
      %get3A_45 = vector.shape_cast %get3A_44 : vector<16xi32> to vector<16xi32>
      %mul3A_46 = arith.constant 2 : i32
      %mul3A_47 = vector.broadcast %mul3A_46 : i32 to vector<16xi32>
      %mul3A_48 = arith.muli %get3A_45, %mul3A_47 : vector<16xi32>
      %add3A = vector.broadcast %arg0 : i32 to vector<16xi32>
      %add3A_49 = arith.addi %mul3A_48, %add3A : vector<16xi32>
      %swap3A = arith.constant 0 : index
      %swap3A_50 = tpu.vector_load %arg19[%swap3A] {strides = array<i32>} : memref<128xi32, #tpu.memory_space<vmem>>, vector<16xi32>,
      %swap3A_51 = vector.shape_cast %swap3A_50 : vector<16xi32> to vector<16xi32>
      %swap3A_52 = vector.shape_cast %add3A_49 : vector<16xi32> to vector<16xi32>
      tpu.vector_store %arg19[%swap3A], %swap3A_52 {strides = array<i32>} : memref<128xi32, #tpu.memory_space<vmem>>, vector<16xi32>,
      %get3A_53 = arith.constant 16 : index
      %get3A_54 = tpu.vector_load %arg17[%get3A_53] {strides = array<i32>} : memref<128xi32, #tpu.memory_space<vmem>>, vector<16xi32>,
      %get3A_55 = vector.shape_cast %get3A_54 : vector<16xi32> to vector<16xi32>
      %mul3A_56 = arith.constant 2 : i32
      %mul3A_57 = vector.broadcast %mul3A_56 : i32 to vector<16xi32>
      %mul3A_58 = arith.muli %get3A_55, %mul3A_57 : vector<16xi32>
      %add3A_59 = vector.broadcast %arg0 : i32 to vector<16xi32>
      %add3A_60 = arith.addi %mul3A_58, %add3A_59 : vector<16xi32>
      %swap3A_61 = arith.constant 16 : index
      %swap3A_62 = tpu.vector_load %arg19[%swap3A_61] {strides = array<i32>} : memref<128xi32, #tpu.memory_space<vmem>>, vector<16xi32>,
      %swap3A_63 = vector.shape_cast %swap3A_62 : vector<16xi32> to vector<16xi32>
      %swap3A_64 = vector.shape_cast %add3A_60 : vector<16xi32> to vector<16xi32>
      tpu.vector_store %arg19[%swap3A_61], %swap3A_64 {strides = array<i32>} : memref<128xi32, #tpu.memory_space<vmem>>, vector<16xi32>,
      %get3A_65 = arith.constant 32 : index
      %get3A_66 = tpu.vector_load %arg17[%get3A_65] {strides = array<i32>} : memref<128xi32, #tpu.memory_space<vmem>>, vector<16xi32>,
      %get3A_67 = vector.shape_cast %get3A_66 : vector<16xi32> to vector<16xi32>
      %mul3A_68 = arith.constant 2 : i32
      %mul3A_69 = vector.broadcast %mul3A_68 : i32 to vector<16xi32>
      %mul3A_70 = arith.muli %get3A_67, %mul3A_69 : vector<16xi32>
      %add3A_71 = vector.broadcast %arg0 : i32 to vector<16xi32>
      %add3A_72 = arith.addi %mul3A_70, %add3A_71 : vector<16xi32>
      %swap3A_73 = arith.constant 32 : index
      %swap3A_74 = tpu.vector_load %arg19[%swap3A_73] {strides = array<i32>} : memref<128xi32, #tpu.memory_space<vmem>>, vector<16xi32>,
      %swap3A_75 = vector.shape_cast %swap3A_74 : vector<16xi32> to vector<16xi32>
      %swap3A_76 = vector.shape_cast %add3A_72 : vector<16xi32> to vector<16xi32>
      tpu.vector_store %arg19[%swap3A_73], %swap3A_76 {strides = array<i32>} : memref<128xi32, #tpu.memory_space<vmem>>, vector<16xi32>,
      %get3A_77 = arith.constant 48 : index
      %get3A_78 = tpu.vector_load %arg17[%get3A_77] {strides = array<i32>} : memref<128xi32, #tpu.memory_space<vmem>>, vector<16xi32>,
      %get3A_79 = vector.shape_cast %get3A_78 : vector<16xi32> to vector<16xi32>
      %mul3A_80 = arith.constant 2 : i32
      %mul3A_81 = vector.broadcast %mul3A_80 : i32 to vector<16xi32>
      %mul3A_82 = arith.muli %get3A_79, %mul3A_81 : vector<16xi32>
      %add3A_83 = vector.broadcast %arg0 : i32 to vector<16xi32>
      %add3A_84 = arith.addi %mul3A_82, %add3A_83 : vector<16xi32>
      %swap3A_85 = arith.constant 48 : index
      %swap3A_86 = tpu.vector_load %arg19[%swap3A_85] {strides = array<i32>} : memref<128xi32, #tpu.memory_space<vmem>>, vector<16xi32>,
      %swap3A_87 = vector.shape_cast %swap3A_86 : vector<16xi32> to vector<16xi32>
      %swap3A_88 = vector.shape_cast %add3A_84 : vector<16xi32> to vector<16xi32>
      tpu.vector_store %arg19[%swap3A_85], %swap3A_88 {strides = array<i32>} : memref<128xi32, #tpu.memory_space<vmem>>, vector<16xi32>,
      %get3A_89 = arith.constant 64 : index
      %get3A_90 = tpu.vector_load %arg17[%get3A_89] {strides = array<i32>} : memref<128xi32, #tpu.memory_space<vmem>>, vector<16xi32>,
      %get3A_91 = vector.shape_cast %get3A_90 : vector<16xi32> to vector<16xi32>
      %mul3A_92 = arith.constant 2 : i32
      %mul3A_93 = vector.broadcast %mul3A_92 : i32 to vector<16xi32>
      %mul3A_94 = arith.muli %get3A_91, %mul3A_93 : vector<16xi32>
      %add3A_95 = vector.broadcast %arg0 : i32 to vector<16xi32>
      %add3A_96 = arith.addi %mul3A_94, %add3A_95 : vector<16xi32>
      %swap3A_97 = arith.constant 64 : index
      %swap3A_98 = tpu.vector_load %arg19[%swap3A_97] {strides = array<i32>} : memref<128xi32, #tpu.memory_space<vmem>>, vector<16xi32>,
      %swap3A_99 = vector.shape_cast %swap3A_98 : vector<16xi32> to vector<16xi32>
      %swap3A_100 = vector.shape_cast %add3A_96 : vector<16xi32> to vector<16xi32>
      tpu.vector_store %arg19[%swap3A_97], %swap3A_100 {strides = array<i32>} : memref<128xi32, #tpu.memory_space<vmem>>, vector<16xi32>,
      %get3A_101 = arith.constant 80 : index
      %get3A_102 = tpu.vector_load %arg17[%get3A_101] {strides = array<i32>} : memref<128xi32, #tpu.memory_space<vmem>>, vector<16xi32>,
      %get3A_103 = vector.shape_cast %get3A_102 : vector<16xi32> to vector<16xi32>
      %mul3A_104 = arith.constant 2 : i32
      %mul3A_105 = vector.broadcast %mul3A_104 : i32 to vector<16xi32>
      %mul3A_106 = arith.muli %get3A_103, %mul3A_105 : vector<16xi32>
      %add3A_107 = vector.broadcast %arg0 : i32 to vector<16xi32>
      %add3A_108 = arith.addi %mul3A_106, %add3A_107 : vector<16xi32>
      %swap3A_109 = arith.constant 80 : index
      %swap3A_110 = tpu.vector_load %arg19[%swap3A_109] {strides = array<i32>} : memref<128xi32, #tpu.memory_space<vmem>>, vector<16xi32>,
      %swap3A_111 = vector.shape_cast %swap3A_110 : vector<16xi32> to vector<16xi32>
      %swap3A_112 = vector.shape_cast %add3A_108 : vector<16xi32> to vector<16xi32>
      tpu.vector_store %arg19[%swap3A_109], %swap3A_112 {strides = array<i32>} : memref<128xi32, #tpu.memory_space<vmem>>, vector<16xi32>,
      %get3A_113 = arith.constant 96 : index
      %get3A_114 = tpu.vector_load %arg17[%get3A_113] {strides = array<i32>} : memref<128xi32, #tpu.memory_space<vmem>>, vector<16xi32>,
      %get3A_115 = vector.shape_cast %get3A_114 : vector<16xi32> to vector<16xi32>
      %mul3A_116 = arith.constant 2 : i32
      %mul3A_117 = vector.broadcast %mul3A_116 : i32 to vector<16xi32>
      %mul3A_118 = arith.muli %get3A_115, %mul3A_117 : vector<16xi32>
      %add3A_119 = vector.broadcast %arg0 : i32 to vector<16xi32>
      %add3A_120 = arith.addi %mul3A_118, %add3A_119 : vector<16xi32>
      %swap3A_121 = arith.constant 96 : index
      %swap3A_122 = tpu.vector_load %arg19[%swap3A_121] {strides = array<i32>} : memref<128xi32, #tpu.memory_space<vmem>>, vector<16xi32>,
      %swap3A_123 = vector.shape_cast %swap3A_122 : vector<16xi32> to vector<16xi32>
      %swap3A_124 = vector.shape_cast %add3A_120 : vector<16xi32> to vector<16xi32>
      tpu.vector_store %arg19[%swap3A_121], %swap3A_124 {strides = array<i32>} : memref<128xi32, #tpu.memory_space<vmem>>, vector<16xi32>,
      %get3A_125 = arith.constant 112 : index
      %get3A_126 = tpu.vector_load %arg17[%get3A_125] {strides = array<i32>} : memref<128xi32, #tpu.memory_space<vmem>>, vector<16xi32>,
      %get3A_127 = vector.shape_cast %get3A_126 : vector<16xi32> to vector<16xi32>
      %mul3A_128 = arith.constant 2 : i32
      %mul3A_129 = vector.broadcast %mul3A_128 : i32 to vector<16xi32>
      %mul3A_130 = arith.muli %get3A_127, %mul3A_129 : vector<16xi32>
      %add3A_131 = vector.broadcast %arg0 : i32 to vector<16xi32>
      %add3A_132 = arith.addi %mul3A_130, %add3A_131 : vector<16xi32>
      %swap3A_133 = arith.constant 112 : index
      %swap3A_134 = tpu.vector_load %arg19[%swap3A_133] {strides = array<i32>} : memref<128xi32, #tpu.memory_space<vmem>>, vector<16xi32>,
      %swap3A_135 = vector.shape_cast %swap3A_134 : vector<16xi32> to vector<16xi32>
      %swap3A_136 = vector.shape_cast %add3A_132 : vector<16xi32> to vector<16xi32>
      tpu.vector_store %arg19[%swap3A_133], %swap3A_136 {strides = array<i32>} : memref<128xi32, #tpu.memory_space<vmem>>, vector<16xi32>,
      %dma_start3A = arith.constant 0 : i32
      %dma_start3A_137 = arith.constant 0 : i32
      %dma_start3A_138 = tpu.memref_slice %arg2[%dma_start3A, %dma_start3A_137] : memref<20000x128xf32, #tpu.memory_space<hbm>> -> memref<20000x128xf32, #tpu.memory_space<hbm>>
      tpu.enqueue_indirect_dma source(%dma_start3A_138 : memref<20000x128xf32, #tpu.memory_space<hbm>>) target(%arg20 : memref<128x128xf32, #tpu.memory_space<vmem>>) offsets(%arg19 : memref<128xi32, #tpu.memory_space<vmem>>) semaphore(%arg21 : memref<!tpu.dma_semaphore, #tpu.memory_space<semaphore_mem>>)
      %dma_wait3A = arith.constant 0 : i32
      %dma_wait3A_139 = arith.constant 0 : i32
      %dma_wait3A_140 = tpu.memref_slice %arg2[%dma_wait3A, %dma_wait3A_139] : memref<20000x128xf32, #tpu.memory_space<hbm>> -> memref<20000x128xf32, #tpu.memory_space<hbm>>
      tpu.wait_indirect_dma semaphore(%arg21 : memref<!tpu.dma_semaphore, #tpu.memory_space<semaphore_mem>>) src(%dma_wait3A_140 : memref<20000x128xf32, #tpu.memory_space<hbm>>) dst(%arg20 : memref<128x128xf32, #tpu.memory_space<vmem>>)
      "tpu.region"() ({
        %run_scoped3A = tpu.sem_alloc : memref<!tpu.dma_semaphore, #tpu.memory_space<semaphore_mem>>
        %dma_start3A_141 = arith.constant 0 : i32
        %dma_start3A_142 = arith.constant 0 : i32
        %dma_start3A_143 = tpu.memref_slice %arg15[%dma_start3A_141, %dma_start3A_142] : memref<1024x128xf32, #tpu.memory_space<vmem_shared>> -> memref<1024x128xf32, #tpu.memory_space<vmem_shared>>
        tpu.enqueue_indirect_dma source(%arg20 : memref<128x128xf32, #tpu.memory_space<vmem>>) target(%dma_start3A_143 : memref<1024x128xf32, #tpu.memory_space<vmem_shared>>) offsets(%arg18 : memref<128xi32, #tpu.memory_space<vmem>>) semaphore(%run_scoped3A : memref<!tpu.dma_semaphore, #tpu.memory_space<semaphore_mem>>) {add = true}
        %dma_wait3A_144 = arith.constant 0 : i32
        %dma_wait3A_145 = arith.constant 0 : i32
        %dma_wait3A_146 = tpu.memref_slice %arg15[%dma_wait3A_144, %dma_wait3A_145] : memref<1024x128xf32, #tpu.memory_space<vmem_shared>> -> memref<1024x128xf32, #tpu.memory_space<vmem_shared>>
        tpu.wait_indirect_dma semaphore(%run_scoped3A : memref<!tpu.dma_semaphore, #tpu.memory_space<semaphore_mem>>) src(%arg20 : memref<128x128xf32, #tpu.memory_space<vmem>>) dst(%dma_wait3A_146 : memref<1024x128xf32, #tpu.memory_space<vmem_shared>>)
        tpu.yield
      }) : () -> ()
    }
    %scan3A_21 = arith.constant 5 : i32
    %scan3A_22 = arith.constant 0 : i32
    %scan3A_23 = arith.constant 0 : i32
    %scan3A_24 = arith.constant 8 : i32
    %scan3A_25 = arith.addi %scan3A_23, %scan3A_24 : i32
    %scan3A_26 = arith.constant 1 : i32
    scf.for %scan3A_41 = %scan3A_23 to %scan3A_25 step %scan3A_26  : i32 {
      %mul3A_42 = arith.constant 128 : i32
      %mul3A_43 = arith.muli %scan3A_41, %mul3A_42 : i32
      "tpu.region"() ({
        %run_scoped3A = tpu.sem_alloc : memref<!tpu.dma_semaphore, #tpu.memory_space<semaphore_mem>>
        %dma_start3A_141 = tpu.memref_slice %arg8[%arg1, %mul3A_43] : memref<16x1024xi32, #tpu.memory_space<hbm>> -> memref<1x128xi32, #tpu.memory_space<hbm>>
        %dma_start3A_142 = tpu.memref_squeeze %dma_start3A_141 : memref<1x128xi32, #tpu.memory_space<hbm>> -> memref<128xi32, #tpu.memory_space<hbm>>
        %dma_start3A_143 = tpu.memref_slice %arg8[%arg1, %mul3A_43] : memref<16x1024xi32, #tpu.memory_space<hbm>> -> memref<1x128xi32, #tpu.memory_space<hbm>>
        %dma_start3A_144 = tpu.memref_squeeze %dma_start3A_143 : memref<1x128xi32, #tpu.memory_space<hbm>> -> memref<128xi32, #tpu.memory_space<hbm>>
        tpu.enqueue_dma source(%dma_start3A_144 : memref<128xi32, #tpu.memory_space<hbm>>) target(%arg17 : memref<128xi32, #tpu.memory_space<vmem>>) target_semaphore(%run_scoped3A : memref<!tpu.dma_semaphore, #tpu.memory_space<semaphore_mem>>)
        %dma_wait3A_145 = tpu.memref_slice %arg8[%arg1, %mul3A_43] : memref<16x1024xi32, #tpu.memory_space<hbm>> -> memref<1x128xi32, #tpu.memory_space<hbm>>
        %dma_wait3A_146 = tpu.memref_squeeze %dma_wait3A_145 : memref<1x128xi32, #tpu.memory_space<hbm>> -> memref<128xi32, #tpu.memory_space<hbm>>
        %dma_wait3A_147 = tpu.memref_slice %arg8[%arg1, %mul3A_43] : memref<16x1024xi32, #tpu.memory_space<hbm>> -> memref<1x128xi32, #tpu.memory_space<hbm>>
        %dma_wait3A_148 = tpu.memref_squeeze %dma_wait3A_147 : memref<1x128xi32, #tpu.memory_space<hbm>> -> memref<128xi32, #tpu.memory_space<hbm>>
        tpu.wait_dma2 semaphore(%run_scoped3A : memref<!tpu.dma_semaphore, #tpu.memory_space<semaphore_mem>>) src(%dma_wait3A_148 : memref<128xi32, #tpu.memory_space<hbm>>) dst(%arg17 : memref<128xi32, #tpu.memory_space<vmem>>)
        tpu.yield
      }) : () -> ()
      "tpu.region"() ({
        %run_scoped3A = tpu.sem_alloc : memref<!tpu.dma_semaphore, #tpu.memory_space<semaphore_mem>>
        %dma_start3A_141 = arith.constant 0 : i32
        %dma_start3A_142 = tpu.memref_slice %arg9[%arg1, %scan3A_41, %dma_start3A_141] : memref<16x8x128xi32, #tpu.memory_space<hbm>> -> memref<1x1x128xi32, #tpu.memory_space<hbm>>
        %dma_start3A_143 = tpu.memref_squeeze %dma_start3A_142 : memref<1x1x128xi32, #tpu.memory_space<hbm>> -> memref<128xi32, #tpu.memory_space<hbm>>
        %dma_start3A_144 = arith.constant 0 : i32
        %dma_start3A_145 = tpu.memref_slice %arg9[%arg1, %scan3A_41, %dma_start3A_144] : memref<16x8x128xi32, #tpu.memory_space<hbm>> -> memref<1x1x128xi32, #tpu.memory_space<hbm>>
        %dma_start3A_146 = tpu.memref_squeeze %dma_start3A_145 : memref<1x1x128xi32, #tpu.memory_space<hbm>> -> memref<128xi32, #tpu.memory_space<hbm>>
        tpu.enqueue_dma source(%dma_start3A_146 : memref<128xi32, #tpu.memory_space<hbm>>) target(%arg18 : memref<128xi32, #tpu.memory_space<vmem>>) target_semaphore(%run_scoped3A : memref<!tpu.dma_semaphore, #tpu.memory_space<semaphore_mem>>)
        %dma_wait3A_147 = arith.constant 0 : i32
        %dma_wait3A_148 = tpu.memref_slice %arg9[%arg1, %scan3A_41, %dma_wait3A_147] : memref<16x8x128xi32, #tpu.memory_space<hbm>> -> memref<1x1x128xi32, #tpu.memory_space<hbm>>
        %dma_wait3A_149 = tpu.memref_squeeze %dma_wait3A_148 : memref<1x1x128xi32, #tpu.memory_space<hbm>> -> memref<128xi32, #tpu.memory_space<hbm>>
        %dma_wait3A_150 = arith.constant 0 : i32
        %dma_wait3A_151 = tpu.memref_slice %arg9[%arg1, %scan3A_41, %dma_wait3A_150] : memref<16x8x128xi32, #tpu.memory_space<hbm>> -> memref<1x1x128xi32, #tpu.memory_space<hbm>>
        %dma_wait3A_152 = tpu.memref_squeeze %dma_wait3A_151 : memref<1x1x128xi32, #tpu.memory_space<hbm>> -> memref<128xi32, #tpu.memory_space<hbm>>
        tpu.wait_dma2 semaphore(%run_scoped3A : memref<!tpu.dma_semaphore, #tpu.memory_space<semaphore_mem>>) src(%dma_wait3A_152 : memref<128xi32, #tpu.memory_space<hbm>>) dst(%arg18 : memref<128xi32, #tpu.memory_space<vmem>>)
        tpu.yield
      }) : () -> ()
      %get3A = arith.constant 0 : index
      %get3A_44 = tpu.vector_load %arg17[%get3A] {strides = array<i32>} : memref<128xi32, #tpu.memory_space<vmem>>, vector<16xi32>,
      %get3A_45 = vector.shape_cast %get3A_44 : vector<16xi32> to vector<16xi32>
      %mul3A_46 = arith.constant 2 : i32
      %mul3A_47 = vector.broadcast %mul3A_46 : i32 to vector<16xi32>
      %mul3A_48 = arith.muli %get3A_45, %mul3A_47 : vector<16xi32>
      %add3A = vector.broadcast %arg0 : i32 to vector<16xi32>
      %add3A_49 = arith.addi %mul3A_48, %add3A : vector<16xi32>
      %swap3A = arith.constant 0 : index
      %swap3A_50 = tpu.vector_load %arg19[%swap3A] {strides = array<i32>} : memref<128xi32, #tpu.memory_space<vmem>>, vector<16xi32>,
      %swap3A_51 = vector.shape_cast %swap3A_50 : vector<16xi32> to vector<16xi32>
      %swap3A_52 = vector.shape_cast %add3A_49 : vector<16xi32> to vector<16xi32>
      tpu.vector_store %arg19[%swap3A], %swap3A_52 {strides = array<i32>} : memref<128xi32, #tpu.memory_space<vmem>>, vector<16xi32>,
      %get3A_53 = arith.constant 16 : index
      %get3A_54 = tpu.vector_load %arg17[%get3A_53] {strides = array<i32>} : memref<128xi32, #tpu.memory_space<vmem>>, vector<16xi32>,
      %get3A_55 = vector.shape_cast %get3A_54 : vector<16xi32> to vector<16xi32>
      %mul3A_56 = arith.constant 2 : i32
      %mul3A_57 = vector.broadcast %mul3A_56 : i32 to vector<16xi32>
      %mul3A_58 = arith.muli %get3A_55, %mul3A_57 : vector<16xi32>
      %add3A_59 = vector.broadcast %arg0 : i32 to vector<16xi32>
      %add3A_60 = arith.addi %mul3A_58, %add3A_59 : vector<16xi32>
      %swap3A_61 = arith.constant 16 : index
      %swap3A_62 = tpu.vector_load %arg19[%swap3A_61] {strides = array<i32>} : memref<128xi32, #tpu.memory_space<vmem>>, vector<16xi32>,
      %swap3A_63 = vector.shape_cast %swap3A_62 : vector<16xi32> to vector<16xi32>
      %swap3A_64 = vector.shape_cast %add3A_60 : vector<16xi32> to vector<16xi32>
      tpu.vector_store %arg19[%swap3A_61], %swap3A_64 {strides = array<i32>} : memref<128xi32, #tpu.memory_space<vmem>>, vector<16xi32>,
      %get3A_65 = arith.constant 32 : index
      %get3A_66 = tpu.vector_load %arg17[%get3A_65] {strides = array<i32>} : memref<128xi32, #tpu.memory_space<vmem>>, vector<16xi32>,
      %get3A_67 = vector.shape_cast %get3A_66 : vector<16xi32> to vector<16xi32>
      %mul3A_68 = arith.constant 2 : i32
      %mul3A_69 = vector.broadcast %mul3A_68 : i32 to vector<16xi32>
      %mul3A_70 = arith.muli %get3A_67, %mul3A_69 : vector<16xi32>
      %add3A_71 = vector.broadcast %arg0 : i32 to vector<16xi32>
      %add3A_72 = arith.addi %mul3A_70, %add3A_71 : vector<16xi32>
      %swap3A_73 = arith.constant 32 : index
      %swap3A_74 = tpu.vector_load %arg19[%swap3A_73] {strides = array<i32>} : memref<128xi32, #tpu.memory_space<vmem>>, vector<16xi32>,
      %swap3A_75 = vector.shape_cast %swap3A_74 : vector<16xi32> to vector<16xi32>
      %swap3A_76 = vector.shape_cast %add3A_72 : vector<16xi32> to vector<16xi32>
      tpu.vector_store %arg19[%swap3A_73], %swap3A_76 {strides = array<i32>} : memref<128xi32, #tpu.memory_space<vmem>>, vector<16xi32>,
      %get3A_77 = arith.constant 48 : index
      %get3A_78 = tpu.vector_load %arg17[%get3A_77] {strides = array<i32>} : memref<128xi32, #tpu.memory_space<vmem>>, vector<16xi32>,
      %get3A_79 = vector.shape_cast %get3A_78 : vector<16xi32> to vector<16xi32>
      %mul3A_80 = arith.constant 2 : i32
      %mul3A_81 = vector.broadcast %mul3A_80 : i32 to vector<16xi32>
      %mul3A_82 = arith.muli %get3A_79, %mul3A_81 : vector<16xi32>
      %add3A_83 = vector.broadcast %arg0 : i32 to vector<16xi32>
      %add3A_84 = arith.addi %mul3A_82, %add3A_83 : vector<16xi32>
      %swap3A_85 = arith.constant 48 : index
      %swap3A_86 = tpu.vector_load %arg19[%swap3A_85] {strides = array<i32>} : memref<128xi32, #tpu.memory_space<vmem>>, vector<16xi32>,
      %swap3A_87 = vector.shape_cast %swap3A_86 : vector<16xi32> to vector<16xi32>
      %swap3A_88 = vector.shape_cast %add3A_84 : vector<16xi32> to vector<16xi32>
      tpu.vector_store %arg19[%swap3A_85], %swap3A_88 {strides = array<i32>} : memref<128xi32, #tpu.memory_space<vmem>>, vector<16xi32>,
      %get3A_89 = arith.constant 64 : index
      %get3A_90 = tpu.vector_load %arg17[%get3A_89] {strides = array<i32>} : memref<128xi32, #tpu.memory_space<vmem>>, vector<16xi32>,
      %get3A_91 = vector.shape_cast %get3A_90 : vector<16xi32> to vector<16xi32>
      %mul3A_92 = arith.constant 2 : i32
      %mul3A_93 = vector.broadcast %mul3A_92 : i32 to vector<16xi32>
      %mul3A_94 = arith.muli %get3A_91, %mul3A_93 : vector<16xi32>
      %add3A_95 = vector.broadcast %arg0 : i32 to vector<16xi32>
      %add3A_96 = arith.addi %mul3A_94, %add3A_95 : vector<16xi32>
      %swap3A_97 = arith.constant 64 : index
      %swap3A_98 = tpu.vector_load %arg19[%swap3A_97] {strides = array<i32>} : memref<128xi32, #tpu.memory_space<vmem>>, vector<16xi32>,
      %swap3A_99 = vector.shape_cast %swap3A_98 : vector<16xi32> to vector<16xi32>
      %swap3A_100 = vector.shape_cast %add3A_96 : vector<16xi32> to vector<16xi32>
      tpu.vector_store %arg19[%swap3A_97], %swap3A_100 {strides = array<i32>} : memref<128xi32, #tpu.memory_space<vmem>>, vector<16xi32>,
      %get3A_101 = arith.constant 80 : index
      %get3A_102 = tpu.vector_load %arg17[%get3A_101] {strides = array<i32>} : memref<128xi32, #tpu.memory_space<vmem>>, vector<16xi32>,
      %get3A_103 = vector.shape_cast %get3A_102 : vector<16xi32> to vector<16xi32>
      %mul3A_104 = arith.constant 2 : i32
      %mul3A_105 = vector.broadcast %mul3A_104 : i32 to vector<16xi32>
      %mul3A_106 = arith.muli %get3A_103, %mul3A_105 : vector<16xi32>
      %add3A_107 = vector.broadcast %arg0 : i32 to vector<16xi32>
      %add3A_108 = arith.addi %mul3A_106, %add3A_107 : vector<16xi32>
      %swap3A_109 = arith.constant 80 : index
      %swap3A_110 = tpu.vector_load %arg19[%swap3A_109] {strides = array<i32>} : memref<128xi32, #tpu.memory_space<vmem>>, vector<16xi32>,
      %swap3A_111 = vector.shape_cast %swap3A_110 : vector<16xi32> to vector<16xi32>
      %swap3A_112 = vector.shape_cast %add3A_108 : vector<16xi32> to vector<16xi32>
      tpu.vector_store %arg19[%swap3A_109], %swap3A_112 {strides = array<i32>} : memref<128xi32, #tpu.memory_space<vmem>>, vector<16xi32>,
      %get3A_113 = arith.constant 96 : index
      %get3A_114 = tpu.vector_load %arg17[%get3A_113] {strides = array<i32>} : memref<128xi32, #tpu.memory_space<vmem>>, vector<16xi32>,
      %get3A_115 = vector.shape_cast %get3A_114 : vector<16xi32> to vector<16xi32>
      %mul3A_116 = arith.constant 2 : i32
      %mul3A_117 = vector.broadcast %mul3A_116 : i32 to vector<16xi32>
      %mul3A_118 = arith.muli %get3A_115, %mul3A_117 : vector<16xi32>
      %add3A_119 = vector.broadcast %arg0 : i32 to vector<16xi32>
      %add3A_120 = arith.addi %mul3A_118, %add3A_119 : vector<16xi32>
      %swap3A_121 = arith.constant 96 : index
      %swap3A_122 = tpu.vector_load %arg19[%swap3A_121] {strides = array<i32>} : memref<128xi32, #tpu.memory_space<vmem>>, vector<16xi32>,
      %swap3A_123 = vector.shape_cast %swap3A_122 : vector<16xi32> to vector<16xi32>
      %swap3A_124 = vector.shape_cast %add3A_120 : vector<16xi32> to vector<16xi32>
      tpu.vector_store %arg19[%swap3A_121], %swap3A_124 {strides = array<i32>} : memref<128xi32, #tpu.memory_space<vmem>>, vector<16xi32>,
      %get3A_125 = arith.constant 112 : index
      %get3A_126 = tpu.vector_load %arg17[%get3A_125] {strides = array<i32>} : memref<128xi32, #tpu.memory_space<vmem>>, vector<16xi32>,
      %get3A_127 = vector.shape_cast %get3A_126 : vector<16xi32> to vector<16xi32>
      %mul3A_128 = arith.constant 2 : i32
      %mul3A_129 = vector.broadcast %mul3A_128 : i32 to vector<16xi32>
      %mul3A_130 = arith.muli %get3A_127, %mul3A_129 : vector<16xi32>
      %add3A_131 = vector.broadcast %arg0 : i32 to vector<16xi32>
      %add3A_132 = arith.addi %mul3A_130, %add3A_131 : vector<16xi32>
      %swap3A_133 = arith.constant 112 : index
      %swap3A_134 = tpu.vector_load %arg19[%swap3A_133] {strides = array<i32>} : memref<128xi32, #tpu.memory_space<vmem>>, vector<16xi32>,
      %swap3A_135 = vector.shape_cast %swap3A_134 : vector<16xi32> to vector<16xi32>
      %swap3A_136 = vector.shape_cast %add3A_132 : vector<16xi32> to vector<16xi32>
      tpu.vector_store %arg19[%swap3A_133], %swap3A_136 {strides = array<i32>} : memref<128xi32, #tpu.memory_space<vmem>>, vector<16xi32>,
      %dma_start3A = arith.constant 0 : i32
      %dma_start3A_137 = arith.constant 0 : i32
      %dma_start3A_138 = tpu.memref_slice %arg3[%dma_start3A, %dma_start3A_137] : memref<2016x128xf32, #tpu.memory_space<hbm>> -> memref<2016x128xf32, #tpu.memory_space<hbm>>
      tpu.enqueue_indirect_dma source(%dma_start3A_138 : memref<2016x128xf32, #tpu.memory_space<hbm>>) target(%arg20 : memref<128x128xf32, #tpu.memory_space<vmem>>) offsets(%arg19 : memref<128xi32, #tpu.memory_space<vmem>>) semaphore(%arg21 : memref<!tpu.dma_semaphore, #tpu.memory_space<semaphore_mem>>)
      %dma_wait3A = arith.constant 0 : i32
      %dma_wait3A_139 = arith.constant 0 : i32
      %dma_wait3A_140 = tpu.memref_slice %arg3[%dma_wait3A, %dma_wait3A_139] : memref<2016x128xf32, #tpu.memory_space<hbm>> -> memref<2016x128xf32, #tpu.memory_space<hbm>>
      tpu.wait_indirect_dma semaphore(%arg21 : memref<!tpu.dma_semaphore, #tpu.memory_space<semaphore_mem>>) src(%dma_wait3A_140 : memref<2016x128xf32, #tpu.memory_space<hbm>>) dst(%arg20 : memref<128x128xf32, #tpu.memory_space<vmem>>)
      "tpu.region"() ({
        %run_scoped3A = tpu.sem_alloc : memref<!tpu.dma_semaphore, #tpu.memory_space<semaphore_mem>>
        %dma_start3A_141 = arith.constant 0 : i32
        %dma_start3A_142 = arith.constant 0 : i32
        %dma_start3A_143 = tpu.memref_slice %arg16[%dma_start3A_141, %dma_start3A_142] : memref<1024x128xf32, #tpu.memory_space<vmem_shared>> -> memref<1024x128xf32, #tpu.memory_space<vmem_shared>>
        tpu.enqueue_indirect_dma source(%arg20 : memref<128x128xf32, #tpu.memory_space<vmem>>) target(%dma_start3A_143 : memref<1024x128xf32, #tpu.memory_space<vmem_shared>>) offsets(%arg18 : memref<128xi32, #tpu.memory_space<vmem>>) semaphore(%run_scoped3A : memref<!tpu.dma_semaphore, #tpu.memory_space<semaphore_mem>>) {add = true}
        %dma_wait3A_144 = arith.constant 0 : i32
        %dma_wait3A_145 = arith.constant 0 : i32
        %dma_wait3A_146 = tpu.memref_slice %arg16[%dma_wait3A_144, %dma_wait3A_145] : memref<1024x128xf32, #tpu.memory_space<vmem_shared>> -> memref<1024x128xf32, #tpu.memory_space<vmem_shared>>
        tpu.wait_indirect_dma semaphore(%run_scoped3A : memref<!tpu.dma_semaphore, #tpu.memory_space<semaphore_mem>>) src(%arg20 : memref<128x128xf32, #tpu.memory_space<vmem>>) dst(%dma_wait3A_146 : memref<1024x128xf32, #tpu.memory_space<vmem_shared>>)
        tpu.yield
      }) : () -> ()
    }
    %scan3A_27 = arith.constant 8 : i32
    %barrier3A_28 = arith.constant 0 : index
    tpu.barrier barrier_id(%barrier3A_28)
    %mul3A_29 = arith.constant 632 : i32
    %mul3A_30 = arith.muli %arg1, %mul3A_29 : i32
    %mul3A_31 = arith.constant 632 : i32
    %mul3A_32 = arith.muli %arg1, %mul3A_31 : i32
    "tpu.region"() ({
      %run_scoped3A = tpu.sem_alloc : memref<!tpu.dma_semaphore, #tpu.memory_space<semaphore_mem>>
      %dma_start3A = arith.constant 0 : i32
      %dma_start3A_41 = tpu.memref_slice %arg11[%arg0, %mul3A_32, %dma_start3A] : memref<2x10112x128xf32, #tpu.memory_space<hbm>> -> memref<1x632x128xf32, #tpu.memory_space<hbm>>
      %dma_start3A_42 = tpu.memref_squeeze %dma_start3A_41 : memref<1x632x128xf32, #tpu.memory_space<hbm>> -> memref<632x128xf32, #tpu.memory_space<hbm>>
      %dma_start3A_43 = arith.constant 0 : i32
      %dma_start3A_44 = tpu.memref_slice %arg14[%mul3A_30, %dma_start3A_43] : memref<10112x128xf32, #tpu.memory_space<vmem_shared>> -> memref<632x128xf32, #tpu.memory_space<vmem_shared>>
      tpu.enqueue_dma source(%dma_start3A_44 : memref<632x128xf32, #tpu.memory_space<vmem_shared>>) target(%dma_start3A_42 : memref<632x128xf32, #tpu.memory_space<hbm>>) target_semaphore(%run_scoped3A : memref<!tpu.dma_semaphore, #tpu.memory_space<semaphore_mem>>)
      %dma_wait3A = arith.constant 0 : i32
      %dma_wait3A_45 = tpu.memref_slice %arg11[%arg0, %mul3A_32, %dma_wait3A] : memref<2x10112x128xf32, #tpu.memory_space<hbm>> -> memref<1x632x128xf32, #tpu.memory_space<hbm>>
      %dma_wait3A_46 = tpu.memref_squeeze %dma_wait3A_45 : memref<1x632x128xf32, #tpu.memory_space<hbm>> -> memref<632x128xf32, #tpu.memory_space<hbm>>
      %dma_wait3A_47 = arith.constant 0 : i32
      %dma_wait3A_48 = tpu.memref_slice %arg14[%mul3A_30, %dma_wait3A_47] : memref<10112x128xf32, #tpu.memory_space<vmem_shared>> -> memref<632x128xf32, #tpu.memory_space<vmem_shared>>
      tpu.wait_dma2 semaphore(%run_scoped3A : memref<!tpu.dma_semaphore, #tpu.memory_space<semaphore_mem>>) src(%dma_wait3A_48 : memref<632x128xf32, #tpu.memory_space<vmem_shared>>) dst(%dma_wait3A_46 : memref<632x128xf32, #tpu.memory_space<hbm>>)
      tpu.yield
    }) : () -> ()
    %mul3A_33 = arith.constant 64 : i32
    %mul3A_34 = arith.muli %arg1, %mul3A_33 : i32
    %mul3A_35 = arith.constant 64 : i32
    %mul3A_36 = arith.muli %arg1, %mul3A_35 : i32
    "tpu.region"() ({
      %run_scoped3A = tpu.sem_alloc : memref<!tpu.dma_semaphore, #tpu.memory_space<semaphore_mem>>
      %dma_start3A = arith.constant 0 : i32
      %dma_start3A_41 = tpu.memref_slice %arg12[%arg0, %mul3A_36, %dma_start3A] : memref<2x1024x128xf32, #tpu.memory_space<hbm>> -> memref<1x64x128xf32, #tpu.memory_space<hbm>>
      %dma_start3A_42 = tpu.memref_squeeze %dma_start3A_41 : memref<1x64x128xf32, #tpu.memory_space<hbm>> -> memref<64x128xf32, #tpu.memory_space<hbm>>
      %dma_start3A_43 = arith.constant 0 : i32
      %dma_start3A_44 = tpu.memref_slice %arg15[%mul3A_34, %dma_start3A_43] : memref<1024x128xf32, #tpu.memory_space<vmem_shared>> -> memref<64x128xf32, #tpu.memory_space<vmem_shared>>
      tpu.enqueue_dma source(%dma_start3A_44 : memref<64x128xf32, #tpu.memory_space<vmem_shared>>) target(%dma_start3A_42 : memref<64x128xf32, #tpu.memory_space<hbm>>) target_semaphore(%run_scoped3A : memref<!tpu.dma_semaphore, #tpu.memory_space<semaphore_mem>>)
      %dma_wait3A = arith.constant 0 : i32
      %dma_wait3A_45 = tpu.memref_slice %arg12[%arg0, %mul3A_36, %dma_wait3A] : memref<2x1024x128xf32, #tpu.memory_space<hbm>> -> memref<1x64x128xf32, #tpu.memory_space<hbm>>
      %dma_wait3A_46 = tpu.memref_squeeze %dma_wait3A_45 : memref<1x64x128xf32, #tpu.memory_space<hbm>> -> memref<64x128xf32, #tpu.memory_space<hbm>>
      %dma_wait3A_47 = arith.constant 0 : i32
      %dma_wait3A_48 = tpu.memref_slice %arg15[%mul3A_34, %dma_wait3A_47] : memref<1024x128xf32, #tpu.memory_space<vmem_shared>> -> memref<64x128xf32, #tpu.memory_space<vmem_shared>>
      tpu.wait_dma2 semaphore(%run_scoped3A : memref<!tpu.dma_semaphore, #tpu.memory_space<semaphore_mem>>) src(%dma_wait3A_48 : memref<64x128xf32, #tpu.memory_space<vmem_shared>>) dst(%dma_wait3A_46 : memref<64x128xf32, #tpu.memory_space<hbm>>)
      tpu.yield
    }) : () -> ()
    %mul3A_37 = arith.constant 64 : i32
    %mul3A_38 = arith.muli %arg1, %mul3A_37 : i32
    %mul3A_39 = arith.constant 64 : i32
    %mul3A_40 = arith.muli %arg1, %mul3A_39 : i32
    "tpu.region"() ({
      %run_scoped3A = tpu.sem_alloc : memref<!tpu.dma_semaphore, #tpu.memory_space<semaphore_mem>>
      %dma_start3A = arith.constant 0 : i32
      %dma_start3A_41 = tpu.memref_slice %arg13[%arg0, %mul3A_40, %dma_start3A] : memref<2x1024x128xf32, #tpu.memory_space<hbm>> -> memref<1x64x128xf32, #tpu.memory_space<hbm>>
      %dma_start3A_42 = tpu.memref_squeeze %dma_start3A_41 : memref<1x64x128xf32, #tpu.memory_space<hbm>> -> memref<64x128xf32, #tpu.memory_space<hbm>>
      %dma_start3A_43 = arith.constant 0 : i32
      %dma_start3A_44 = tpu.memref_slice %arg16[%mul3A_38, %dma_start3A_43] : memref<1024x128xf32, #tpu.memory_space<vmem_shared>> -> memref<64x128xf32, #tpu.memory_space<vmem_shared>>
      tpu.enqueue_dma source(%dma_start3A_44 : memref<64x128xf32, #tpu.memory_space<vmem_shared>>) target(%dma_start3A_42 : memref<64x128xf32, #tpu.memory_space<hbm>>) target_semaphore(%run_scoped3A : memref<!tpu.dma_semaphore, #tpu.memory_space<semaphore_mem>>)
      %dma_wait3A = arith.constant 0 : i32
      %dma_wait3A_45 = tpu.memref_slice %arg13[%arg0, %mul3A_40, %dma_wait3A] : memref<2x1024x128xf32, #tpu.memory_space<hbm>> -> memref<1x64x128xf32, #tpu.memory_space<hbm>>
      %dma_wait3A_46 = tpu.memref_squeeze %dma_wait3A_45 : memref<1x64x128xf32, #tpu.memory_space<hbm>> -> memref<64x128xf32, #tpu.memory_space<hbm>>
      %dma_wait3A_47 = arith.constant 0 : i32
      %dma_wait3A_48 = tpu.memref_slice %arg16[%mul3A_38, %dma_wait3A_47] : memref<1024x128xf32, #tpu.memory_space<vmem_shared>> -> memref<64x128xf32, #tpu.memory_space<vmem_shared>>
      tpu.wait_dma2 semaphore(%run_scoped3A : memref<!tpu.dma_semaphore, #tpu.memory_space<semaphore_mem>>) src(%dma_wait3A_48 : memref<64x128xf32, #tpu.memory_space<vmem_shared>>) dst(%dma_wait3A_46 : memref<64x128xf32, #tpu.memory_space<hbm>>)
      tpu.yield
    }) : () -> ()
    return
  }
}

#map = affine_map<(d0, d1) -> (0, 0)>
#map1 = affine_map<(d0, d1) -> (0, 0, 0)>
module attributes {stable_mosaic.version = 14 : i64} {
  func.func @_agg_body(%arg0: i32, %arg1: i32, %arg2: memref<20000x128xf32, #tpu.memory_space<hbm>>, %arg3: memref<2016x128xf32, #tpu.memory_space<hbm>>, %arg4: memref<16x10112xi32, #tpu.memory_space<hbm>>, %arg5: memref<16x79x128xi32, #tpu.memory_space<hbm>>, %arg6: memref<16x640xi32, #tpu.memory_space<hbm>>, %arg7: memref<16x5x128xi32, #tpu.memory_space<hbm>>, %arg8: memref<16x1024xi32, #tpu.memory_space<hbm>>, %arg9: memref<16x8x128xi32, #tpu.memory_space<hbm>>, %arg10: memref<10112x128xf32, #tpu.memory_space<hbm>>, %arg11: memref<2x10112x128xf32, #tpu.memory_space<hbm>>, %arg12: memref<2x1024x128xf32, #tpu.memory_space<hbm>>, %arg13: memref<2x1024x128xf32, #tpu.memory_space<hbm>>, %arg14: memref<10112x128xf32, #tpu.memory_space<vmem_shared>>, %arg15: memref<1024x128xf32, #tpu.memory_space<vmem_shared>>, %arg16: memref<1024x128xf32, #tpu.memory_space<vmem_shared>>, %arg17: memref<128xi32, #tpu.memory_space<vmem>>, %arg18: memref<128xi32, #tpu.memory_space<vmem>>, %arg19: memref<128xi32, #tpu.memory_space<vmem>>, %arg20: memref<128x128xf32, #tpu.memory_space<vmem>>, %arg21: memref<!tpu.dma_semaphore, #tpu.memory_space<semaphore_mem>>) attributes {dimension_semantics = [#tpu.dimension_semantics<core_parallel>, #tpu.dimension_semantics<subcore_parallel>], iteration_bounds = array<i64: 2, 16>, scalar_prefetch = 0 : i64, scratch_operands = 8 : i64, tpu.core_type = #tpu.core_type<sc_vector_subcore>, window_params = [{transform_indices = #map}, {transform_indices = #map}, {transform_indices = #map}, {transform_indices = #map1}, {transform_indices = #map}, {transform_indices = #map1}, {transform_indices = #map}, {transform_indices = #map1}, {transform_indices = #map}, {transform_indices = #map1}, {transform_indices = #map1}, {transform_indices = #map1}]} {
    %mul3A = arith.constant 632 : i32
    %mul3A_0 = arith.muli %arg1, %mul3A : i32
    %mul3A_1 = arith.constant 632 : i32
    %mul3A_2 = arith.muli %arg1, %mul3A_1 : i32
    "tpu.region"() ({
      %run_scoped3A = tpu.sem_alloc : memref<!tpu.dma_semaphore, #tpu.memory_space<semaphore_mem>>
      %dma_start3A = arith.constant 0 : i32
      %dma_start3A_41 = tpu.memref_slice %arg14[%mul3A_2, %dma_start3A] : memref<10112x128xf32, #tpu.memory_space<vmem_shared>> -> memref<632x128xf32, #tpu.memory_space<vmem_shared>>
      %dma_start3A_42 = arith.constant 0 : i32
      %dma_start3A_43 = tpu.memref_slice %arg10[%mul3A_0, %dma_start3A_42] : memref<10112x128xf32, #tpu.memory_space<hbm>> -> memref<632x128xf32, #tpu.memory_space<hbm>>
      tpu.enqueue_dma source(%dma_start3A_43 : memref<632x128xf32, #tpu.memory_space<hbm>>) target(%dma_start3A_41 : memref<632x128xf32, #tpu.memory_space<vmem_shared>>) target_semaphore(%run_scoped3A : memref<!tpu.dma_semaphore, #tpu.memory_space<semaphore_mem>>)
      %dma_wait3A = arith.constant 0 : i32
      %dma_wait3A_44 = tpu.memref_slice %arg14[%mul3A_2, %dma_wait3A] : memref<10112x128xf32, #tpu.memory_space<vmem_shared>> -> memref<632x128xf32, #tpu.memory_space<vmem_shared>>
      %dma_wait3A_45 = arith.constant 0 : i32
      %dma_wait3A_46 = tpu.memref_slice %arg10[%mul3A_0, %dma_wait3A_45] : memref<10112x128xf32, #tpu.memory_space<hbm>> -> memref<632x128xf32, #tpu.memory_space<hbm>>
      tpu.wait_dma2 semaphore(%run_scoped3A : memref<!tpu.dma_semaphore, #tpu.memory_space<semaphore_mem>>) src(%dma_wait3A_46 : memref<632x128xf32, #tpu.memory_space<hbm>>) dst(%dma_wait3A_44 : memref<632x128xf32, #tpu.memory_space<vmem_shared>>)
      tpu.yield
    }) : () -> ()
    %mul3A_3 = arith.constant 64 : i32
    %mul3A_4 = arith.muli %arg1, %mul3A_3 : i32
    %mul3A_5 = arith.constant 64 : i32
    %mul3A_6 = arith.muli %arg1, %mul3A_5 : i32
    "tpu.region"() ({
      %run_scoped3A = tpu.sem_alloc : memref<!tpu.dma_semaphore, #tpu.memory_space<semaphore_mem>>
      %dma_start3A = arith.constant 0 : i32
      %dma_start3A_41 = tpu.memref_slice %arg15[%mul3A_6, %dma_start3A] : memref<1024x128xf32, #tpu.memory_space<vmem_shared>> -> memref<64x128xf32, #tpu.memory_space<vmem_shared>>
      %dma_start3A_42 = arith.constant 0 : i32
      %dma_start3A_43 = tpu.memref_slice %arg10[%mul3A_4, %dma_start3A_42] : memref<10112x128xf32, #tpu.memory_space<hbm>> -> memref<64x128xf32, #tpu.memory_space<hbm>>
      tpu.enqueue_dma source(%dma_start3A_43 : memref<64x128xf32, #tpu.memory_space<hbm>>) target(%dma_start3A_41 : memref<64x128xf32, #tpu.memory_space<vmem_shared>>) target_semaphore(%run_scoped3A : memref<!tpu.dma_semaphore, #tpu.memory_space<semaphore_mem>>)
      %dma_wait3A = arith.constant 0 : i32
      %dma_wait3A_44 = tpu.memref_slice %arg15[%mul3A_6, %dma_wait3A] : memref<1024x128xf32, #tpu.memory_space<vmem_shared>> -> memref<64x128xf32, #tpu.memory_space<vmem_shared>>
      %dma_wait3A_45 = arith.constant 0 : i32
      %dma_wait3A_46 = tpu.memref_slice %arg10[%mul3A_4, %dma_wait3A_45] : memref<10112x128xf32, #tpu.memory_space<hbm>> -> memref<64x128xf32, #tpu.memory_space<hbm>>
      tpu.wait_dma2 semaphore(%run_scoped3A : memref<!tpu.dma_semaphore, #tpu.memory_space<semaphore_mem>>) src(%dma_wait3A_46 : memref<64x128xf32, #tpu.memory_space<hbm>>) dst(%dma_wait3A_44 : memref<64x128xf32, #tpu.memory_space<vmem_shared>>)
      tpu.yield
    }) : () -> ()
    %mul3A_7 = arith.constant 64 : i32
    %mul3A_8 = arith.muli %arg1, %mul3A_7 : i32
    %mul3A_9 = arith.constant 64 : i32
    %mul3A_10 = arith.muli %arg1, %mul3A_9 : i32
    "tpu.region"() ({
      %run_scoped3A = tpu.sem_alloc : memref<!tpu.dma_semaphore, #tpu.memory_space<semaphore_mem>>
      %dma_start3A = arith.constant 0 : i32
      %dma_start3A_41 = tpu.memref_slice %arg16[%mul3A_10, %dma_start3A] : memref<1024x128xf32, #tpu.memory_space<vmem_shared>> -> memref<64x128xf32, #tpu.memory_space<vmem_shared>>
      %dma_start3A_42 = arith.constant 0 : i32
      %dma_start3A_43 = tpu.memref_slice %arg10[%mul3A_8, %dma_start3A_42] : memref<10112x128xf32, #tpu.memory_space<hbm>> -> memref<64x128xf32, #tpu.memory_space<hbm>>
      tpu.enqueue_dma source(%dma_start3A_43 : memref<64x128xf32, #tpu.memory_space<hbm>>) target(%dma_start3A_41 : memref<64x128xf32, #tpu.memory_space<vmem_shared>>) target_semaphore(%run_scoped3A : memref<!tpu.dma_semaphore, #tpu.memory_space<semaphore_mem>>)
      %dma_wait3A = arith.constant 0 : i32
      %dma_wait3A_44 = tpu.memref_slice %arg16[%mul3A_10, %dma_wait3A] : memref<1024x128xf32, #tpu.memory_space<vmem_shared>> -> memref<64x128xf32, #tpu.memory_space<vmem_shared>>
      %dma_wait3A_45 = arith.constant 0 : i32
      %dma_wait3A_46 = tpu.memref_slice %arg10[%mul3A_8, %dma_wait3A_45] : memref<10112x128xf32, #tpu.memory_space<hbm>> -> memref<64x128xf32, #tpu.memory_space<hbm>>
      tpu.wait_dma2 semaphore(%run_scoped3A : memref<!tpu.dma_semaphore, #tpu.memory_space<semaphore_mem>>) src(%dma_wait3A_46 : memref<64x128xf32, #tpu.memory_space<hbm>>) dst(%dma_wait3A_44 : memref<64x128xf32, #tpu.memory_space<vmem_shared>>)
      tpu.yield
    }) : () -> ()
    %barrier3A = arith.constant 0 : index
    tpu.barrier barrier_id(%barrier3A)
    %scan3A = arith.constant 0 : i32
    %scan3A_11 = arith.constant 0 : i32
    %scan3A_12 = arith.constant 79 : i32
    %scan3A_13 = arith.addi %scan3A_11, %scan3A_12 : i32
    %scan3A_14 = arith.constant 1 : i32
    scf.for %scan3A_41 = %scan3A_11 to %scan3A_13 step %scan3A_14  : i32 {
      %mul3A_42 = arith.constant 128 : i32
      %mul3A_43 = arith.muli %scan3A_41, %mul3A_42 : i32
      "tpu.region"() ({
        %run_scoped3A = tpu.sem_alloc : memref<!tpu.dma_semaphore, #tpu.memory_space<semaphore_mem>>
        %dma_start3A_141 = tpu.memref_slice %arg4[%arg1, %mul3A_43] : memref<16x10112xi32, #tpu.memory_space<hbm>> -> memref<1x128xi32, #tpu.memory_space<hbm>>
        %dma_start3A_142 = tpu.memref_squeeze %dma_start3A_141 : memref<1x128xi32, #tpu.memory_space<hbm>> -> memref<128xi32, #tpu.memory_space<hbm>>
        %dma_start3A_143 = tpu.memref_slice %arg4[%arg1, %mul3A_43] : memref<16x10112xi32, #tpu.memory_space<hbm>> -> memref<1x128xi32, #tpu.memory_space<hbm>>
        %dma_start3A_144 = tpu.memref_squeeze %dma_start3A_143 : memref<1x128xi32, #tpu.memory_space<hbm>> -> memref<128xi32, #tpu.memory_space<hbm>>
        tpu.enqueue_dma source(%dma_start3A_144 : memref<128xi32, #tpu.memory_space<hbm>>) target(%arg17 : memref<128xi32, #tpu.memory_space<vmem>>) target_semaphore(%run_scoped3A : memref<!tpu.dma_semaphore, #tpu.memory_space<semaphore_mem>>)
        %dma_wait3A_145 = tpu.memref_slice %arg4[%arg1, %mul3A_43] : memref<16x10112xi32, #tpu.memory_space<hbm>> -> memref<1x128xi32, #tpu.memory_space<hbm>>
        %dma_wait3A_146 = tpu.memref_squeeze %dma_wait3A_145 : memref<1x128xi32, #tpu.memory_space<hbm>> -> memref<128xi32, #tpu.memory_space<hbm>>
        %dma_wait3A_147 = tpu.memref_slice %arg4[%arg1, %mul3A_43] : memref<16x10112xi32, #tpu.memory_space<hbm>> -> memref<1x128xi32, #tpu.memory_space<hbm>>
        %dma_wait3A_148 = tpu.memref_squeeze %dma_wait3A_147 : memref<1x128xi32, #tpu.memory_space<hbm>> -> memref<128xi32, #tpu.memory_space<hbm>>
        tpu.wait_dma2 semaphore(%run_scoped3A : memref<!tpu.dma_semaphore, #tpu.memory_space<semaphore_mem>>) src(%dma_wait3A_148 : memref<128xi32, #tpu.memory_space<hbm>>) dst(%arg17 : memref<128xi32, #tpu.memory_space<vmem>>)
        tpu.yield
      }) : () -> ()
      "tpu.region"() ({
        %run_scoped3A = tpu.sem_alloc : memref<!tpu.dma_semaphore, #tpu.memory_space<semaphore_mem>>
        %dma_start3A_141 = arith.constant 0 : i32
        %dma_start3A_142 = tpu.memref_slice %arg5[%arg1, %scan3A_41, %dma_start3A_141] : memref<16x79x128xi32, #tpu.memory_space<hbm>> -> memref<1x1x128xi32, #tpu.memory_space<hbm>>
        %dma_start3A_143 = tpu.memref_squeeze %dma_start3A_142 : memref<1x1x128xi32, #tpu.memory_space<hbm>> -> memref<128xi32, #tpu.memory_space<hbm>>
        %dma_start3A_144 = arith.constant 0 : i32
        %dma_start3A_145 = tpu.memref_slice %arg5[%arg1, %scan3A_41, %dma_start3A_144] : memref<16x79x128xi32, #tpu.memory_space<hbm>> -> memref<1x1x128xi32, #tpu.memory_space<hbm>>
        %dma_start3A_146 = tpu.memref_squeeze %dma_start3A_145 : memref<1x1x128xi32, #tpu.memory_space<hbm>> -> memref<128xi32, #tpu.memory_space<hbm>>
        tpu.enqueue_dma source(%dma_start3A_146 : memref<128xi32, #tpu.memory_space<hbm>>) target(%arg18 : memref<128xi32, #tpu.memory_space<vmem>>) target_semaphore(%run_scoped3A : memref<!tpu.dma_semaphore, #tpu.memory_space<semaphore_mem>>)
        %dma_wait3A_147 = arith.constant 0 : i32
        %dma_wait3A_148 = tpu.memref_slice %arg5[%arg1, %scan3A_41, %dma_wait3A_147] : memref<16x79x128xi32, #tpu.memory_space<hbm>> -> memref<1x1x128xi32, #tpu.memory_space<hbm>>
        %dma_wait3A_149 = tpu.memref_squeeze %dma_wait3A_148 : memref<1x1x128xi32, #tpu.memory_space<hbm>> -> memref<128xi32, #tpu.memory_space<hbm>>
        %dma_wait3A_150 = arith.constant 0 : i32
        %dma_wait3A_151 = tpu.memref_slice %arg5[%arg1, %scan3A_41, %dma_wait3A_150] : memref<16x79x128xi32, #tpu.memory_space<hbm>> -> memref<1x1x128xi32, #tpu.memory_space<hbm>>
        %dma_wait3A_152 = tpu.memref_squeeze %dma_wait3A_151 : memref<1x1x128xi32, #tpu.memory_space<hbm>> -> memref<128xi32, #tpu.memory_space<hbm>>
        tpu.wait_dma2 semaphore(%run_scoped3A : memref<!tpu.dma_semaphore, #tpu.memory_space<semaphore_mem>>) src(%dma_wait3A_152 : memref<128xi32, #tpu.memory_space<hbm>>) dst(%arg18 : memref<128xi32, #tpu.memory_space<vmem>>)
        tpu.yield
      }) : () -> ()
      %get3A = arith.constant 0 : index
      %get3A_44 = tpu.vector_load %arg17[%get3A] {strides = array<i32>} : memref<128xi32, #tpu.memory_space<vmem>>, vector<16xi32>,
      %get3A_45 = vector.shape_cast %get3A_44 : vector<16xi32> to vector<16xi32>
      %mul3A_46 = arith.constant 2 : i32
      %mul3A_47 = vector.broadcast %mul3A_46 : i32 to vector<16xi32>
      %mul3A_48 = arith.muli %get3A_45, %mul3A_47 : vector<16xi32>
      %add3A = vector.broadcast %arg0 : i32 to vector<16xi32>
      %add3A_49 = arith.addi %mul3A_48, %add3A : vector<16xi32>
      %swap3A = arith.constant 0 : index
      %swap3A_50 = tpu.vector_load %arg19[%swap3A] {strides = array<i32>} : memref<128xi32, #tpu.memory_space<vmem>>, vector<16xi32>,
      %swap3A_51 = vector.shape_cast %swap3A_50 : vector<16xi32> to vector<16xi32>
      %swap3A_52 = vector.shape_cast %add3A_49 : vector<16xi32> to vector<16xi32>
      tpu.vector_store %arg19[%swap3A], %swap3A_52 {strides = array<i32>} : memref<128xi32, #tpu.memory_space<vmem>>, vector<16xi32>,
      %get3A_53 = arith.constant 16 : index
      %get3A_54 = tpu.vector_load %arg17[%get3A_53] {strides = array<i32>} : memref<128xi32, #tpu.memory_space<vmem>>, vector<16xi32>,
      %get3A_55 = vector.shape_cast %get3A_54 : vector<16xi32> to vector<16xi32>
      %mul3A_56 = arith.constant 2 : i32
      %mul3A_57 = vector.broadcast %mul3A_56 : i32 to vector<16xi32>
      %mul3A_58 = arith.muli %get3A_55, %mul3A_57 : vector<16xi32>
      %add3A_59 = vector.broadcast %arg0 : i32 to vector<16xi32>
      %add3A_60 = arith.addi %mul3A_58, %add3A_59 : vector<16xi32>
      %swap3A_61 = arith.constant 16 : index
      %swap3A_62 = tpu.vector_load %arg19[%swap3A_61] {strides = array<i32>} : memref<128xi32, #tpu.memory_space<vmem>>, vector<16xi32>,
      %swap3A_63 = vector.shape_cast %swap3A_62 : vector<16xi32> to vector<16xi32>
      %swap3A_64 = vector.shape_cast %add3A_60 : vector<16xi32> to vector<16xi32>
      tpu.vector_store %arg19[%swap3A_61], %swap3A_64 {strides = array<i32>} : memref<128xi32, #tpu.memory_space<vmem>>, vector<16xi32>,
      %get3A_65 = arith.constant 32 : index
      %get3A_66 = tpu.vector_load %arg17[%get3A_65] {strides = array<i32>} : memref<128xi32, #tpu.memory_space<vmem>>, vector<16xi32>,
      %get3A_67 = vector.shape_cast %get3A_66 : vector<16xi32> to vector<16xi32>
      %mul3A_68 = arith.constant 2 : i32
      %mul3A_69 = vector.broadcast %mul3A_68 : i32 to vector<16xi32>
      %mul3A_70 = arith.muli %get3A_67, %mul3A_69 : vector<16xi32>
      %add3A_71 = vector.broadcast %arg0 : i32 to vector<16xi32>
      %add3A_72 = arith.addi %mul3A_70, %add3A_71 : vector<16xi32>
      %swap3A_73 = arith.constant 32 : index
      %swap3A_74 = tpu.vector_load %arg19[%swap3A_73] {strides = array<i32>} : memref<128xi32, #tpu.memory_space<vmem>>, vector<16xi32>,
      %swap3A_75 = vector.shape_cast %swap3A_74 : vector<16xi32> to vector<16xi32>
      %swap3A_76 = vector.shape_cast %add3A_72 : vector<16xi32> to vector<16xi32>
      tpu.vector_store %arg19[%swap3A_73], %swap3A_76 {strides = array<i32>} : memref<128xi32, #tpu.memory_space<vmem>>, vector<16xi32>,
      %get3A_77 = arith.constant 48 : index
      %get3A_78 = tpu.vector_load %arg17[%get3A_77] {strides = array<i32>} : memref<128xi32, #tpu.memory_space<vmem>>, vector<16xi32>,
      %get3A_79 = vector.shape_cast %get3A_78 : vector<16xi32> to vector<16xi32>
      %mul3A_80 = arith.constant 2 : i32
      %mul3A_81 = vector.broadcast %mul3A_80 : i32 to vector<16xi32>
      %mul3A_82 = arith.muli %get3A_79, %mul3A_81 : vector<16xi32>
      %add3A_83 = vector.broadcast %arg0 : i32 to vector<16xi32>
      %add3A_84 = arith.addi %mul3A_82, %add3A_83 : vector<16xi32>
      %swap3A_85 = arith.constant 48 : index
      %swap3A_86 = tpu.vector_load %arg19[%swap3A_85] {strides = array<i32>} : memref<128xi32, #tpu.memory_space<vmem>>, vector<16xi32>,
      %swap3A_87 = vector.shape_cast %swap3A_86 : vector<16xi32> to vector<16xi32>
      %swap3A_88 = vector.shape_cast %add3A_84 : vector<16xi32> to vector<16xi32>
      tpu.vector_store %arg19[%swap3A_85], %swap3A_88 {strides = array<i32>} : memref<128xi32, #tpu.memory_space<vmem>>, vector<16xi32>,
      %get3A_89 = arith.constant 64 : index
      %get3A_90 = tpu.vector_load %arg17[%get3A_89] {strides = array<i32>} : memref<128xi32, #tpu.memory_space<vmem>>, vector<16xi32>,
      %get3A_91 = vector.shape_cast %get3A_90 : vector<16xi32> to vector<16xi32>
      %mul3A_92 = arith.constant 2 : i32
      %mul3A_93 = vector.broadcast %mul3A_92 : i32 to vector<16xi32>
      %mul3A_94 = arith.muli %get3A_91, %mul3A_93 : vector<16xi32>
      %add3A_95 = vector.broadcast %arg0 : i32 to vector<16xi32>
      %add3A_96 = arith.addi %mul3A_94, %add3A_95 : vector<16xi32>
      %swap3A_97 = arith.constant 64 : index
      %swap3A_98 = tpu.vector_load %arg19[%swap3A_97] {strides = array<i32>} : memref<128xi32, #tpu.memory_space<vmem>>, vector<16xi32>,
      %swap3A_99 = vector.shape_cast %swap3A_98 : vector<16xi32> to vector<16xi32>
      %swap3A_100 = vector.shape_cast %add3A_96 : vector<16xi32> to vector<16xi32>
      tpu.vector_store %arg19[%swap3A_97], %swap3A_100 {strides = array<i32>} : memref<128xi32, #tpu.memory_space<vmem>>, vector<16xi32>,
      %get3A_101 = arith.constant 80 : index
      %get3A_102 = tpu.vector_load %arg17[%get3A_101] {strides = array<i32>} : memref<128xi32, #tpu.memory_space<vmem>>, vector<16xi32>,
      %get3A_103 = vector.shape_cast %get3A_102 : vector<16xi32> to vector<16xi32>
      %mul3A_104 = arith.constant 2 : i32
      %mul3A_105 = vector.broadcast %mul3A_104 : i32 to vector<16xi32>
      %mul3A_106 = arith.muli %get3A_103, %mul3A_105 : vector<16xi32>
      %add3A_107 = vector.broadcast %arg0 : i32 to vector<16xi32>
      %add3A_108 = arith.addi %mul3A_106, %add3A_107 : vector<16xi32>
      %swap3A_109 = arith.constant 80 : index
      %swap3A_110 = tpu.vector_load %arg19[%swap3A_109] {strides = array<i32>} : memref<128xi32, #tpu.memory_space<vmem>>, vector<16xi32>,
      %swap3A_111 = vector.shape_cast %swap3A_110 : vector<16xi32> to vector<16xi32>
      %swap3A_112 = vector.shape_cast %add3A_108 : vector<16xi32> to vector<16xi32>
      tpu.vector_store %arg19[%swap3A_109], %swap3A_112 {strides = array<i32>} : memref<128xi32, #tpu.memory_space<vmem>>, vector<16xi32>,
      %get3A_113 = arith.constant 96 : index
      %get3A_114 = tpu.vector_load %arg17[%get3A_113] {strides = array<i32>} : memref<128xi32, #tpu.memory_space<vmem>>, vector<16xi32>,
      %get3A_115 = vector.shape_cast %get3A_114 : vector<16xi32> to vector<16xi32>
      %mul3A_116 = arith.constant 2 : i32
      %mul3A_117 = vector.broadcast %mul3A_116 : i32 to vector<16xi32>
      %mul3A_118 = arith.muli %get3A_115, %mul3A_117 : vector<16xi32>
      %add3A_119 = vector.broadcast %arg0 : i32 to vector<16xi32>
      %add3A_120 = arith.addi %mul3A_118, %add3A_119 : vector<16xi32>
      %swap3A_121 = arith.constant 96 : index
      %swap3A_122 = tpu.vector_load %arg19[%swap3A_121] {strides = array<i32>} : memref<128xi32, #tpu.memory_space<vmem>>, vector<16xi32>,
      %swap3A_123 = vector.shape_cast %swap3A_122 : vector<16xi32> to vector<16xi32>
      %swap3A_124 = vector.shape_cast %add3A_120 : vector<16xi32> to vector<16xi32>
      tpu.vector_store %arg19[%swap3A_121], %swap3A_124 {strides = array<i32>} : memref<128xi32, #tpu.memory_space<vmem>>, vector<16xi32>,
      %get3A_125 = arith.constant 112 : index
      %get3A_126 = tpu.vector_load %arg17[%get3A_125] {strides = array<i32>} : memref<128xi32, #tpu.memory_space<vmem>>, vector<16xi32>,
      %get3A_127 = vector.shape_cast %get3A_126 : vector<16xi32> to vector<16xi32>
      %mul3A_128 = arith.constant 2 : i32
      %mul3A_129 = vector.broadcast %mul3A_128 : i32 to vector<16xi32>
      %mul3A_130 = arith.muli %get3A_127, %mul3A_129 : vector<16xi32>
      %add3A_131 = vector.broadcast %arg0 : i32 to vector<16xi32>
      %add3A_132 = arith.addi %mul3A_130, %add3A_131 : vector<16xi32>
      %swap3A_133 = arith.constant 112 : index
      %swap3A_134 = tpu.vector_load %arg19[%swap3A_133] {strides = array<i32>} : memref<128xi32, #tpu.memory_space<vmem>>, vector<16xi32>,
      %swap3A_135 = vector.shape_cast %swap3A_134 : vector<16xi32> to vector<16xi32>
      %swap3A_136 = vector.shape_cast %add3A_132 : vector<16xi32> to vector<16xi32>
      tpu.vector_store %arg19[%swap3A_133], %swap3A_136 {strides = array<i32>} : memref<128xi32, #tpu.memory_space<vmem>>, vector<16xi32>,
      %dma_start3A = arith.constant 0 : i32
      %dma_start3A_137 = arith.constant 0 : i32
      %dma_start3A_138 = tpu.memref_slice %arg2[%dma_start3A, %dma_start3A_137] : memref<20000x128xf32, #tpu.memory_space<hbm>> -> memref<20000x128xf32, #tpu.memory_space<hbm>>
      tpu.enqueue_indirect_dma source(%dma_start3A_138 : memref<20000x128xf32, #tpu.memory_space<hbm>>) target(%arg20 : memref<128x128xf32, #tpu.memory_space<vmem>>) offsets(%arg19 : memref<128xi32, #tpu.memory_space<vmem>>) semaphore(%arg21 : memref<!tpu.dma_semaphore, #tpu.memory_space<semaphore_mem>>)
      %dma_wait3A = arith.constant 0 : i32
      %dma_wait3A_139 = arith.constant 0 : i32
      %dma_wait3A_140 = tpu.memref_slice %arg2[%dma_wait3A, %dma_wait3A_139] : memref<20000x128xf32, #tpu.memory_space<hbm>> -> memref<20000x128xf32, #tpu.memory_space<hbm>>
      tpu.wait_indirect_dma semaphore(%arg21 : memref<!tpu.dma_semaphore, #tpu.memory_space<semaphore_mem>>) src(%dma_wait3A_140 : memref<20000x128xf32, #tpu.memory_space<hbm>>) dst(%arg20 : memref<128x128xf32, #tpu.memory_space<vmem>>)
      "tpu.region"() ({
        %run_scoped3A = tpu.sem_alloc : memref<!tpu.dma_semaphore, #tpu.memory_space<semaphore_mem>>
        %dma_start3A_141 = arith.constant 0 : i32
        %dma_start3A_142 = arith.constant 0 : i32
        %dma_start3A_143 = tpu.memref_slice %arg14[%dma_start3A_141, %dma_start3A_142] : memref<10112x128xf32, #tpu.memory_space<vmem_shared>> -> memref<10112x128xf32, #tpu.memory_space<vmem_shared>>
        tpu.enqueue_indirect_dma source(%arg20 : memref<128x128xf32, #tpu.memory_space<vmem>>) target(%dma_start3A_143 : memref<10112x128xf32, #tpu.memory_space<vmem_shared>>) offsets(%arg18 : memref<128xi32, #tpu.memory_space<vmem>>) semaphore(%run_scoped3A : memref<!tpu.dma_semaphore, #tpu.memory_space<semaphore_mem>>) {add = true}
        %dma_wait3A_144 = arith.constant 0 : i32
        %dma_wait3A_145 = arith.constant 0 : i32
        %dma_wait3A_146 = tpu.memref_slice %arg14[%dma_wait3A_144, %dma_wait3A_145] : memref<10112x128xf32, #tpu.memory_space<vmem_shared>> -> memref<10112x128xf32, #tpu.memory_space<vmem_shared>>
        tpu.wait_indirect_dma semaphore(%run_scoped3A : memref<!tpu.dma_semaphore, #tpu.memory_space<semaphore_mem>>) src(%arg20 : memref<128x128xf32, #tpu.memory_space<vmem>>) dst(%dma_wait3A_146 : memref<10112x128xf32, #tpu.memory_space<vmem_shared>>)
        tpu.yield
      }) : () -> ()
    }
    %scan3A_15 = arith.constant 79 : i32
    %scan3A_16 = arith.constant 0 : i32
    %scan3A_17 = arith.constant 0 : i32
    %scan3A_18 = arith.constant 5 : i32
    %scan3A_19 = arith.addi %scan3A_17, %scan3A_18 : i32
    %scan3A_20 = arith.constant 1 : i32
    scf.for %scan3A_41 = %scan3A_17 to %scan3A_19 step %scan3A_20  : i32 {
      %mul3A_42 = arith.constant 128 : i32
      %mul3A_43 = arith.muli %scan3A_41, %mul3A_42 : i32
      "tpu.region"() ({
        %run_scoped3A = tpu.sem_alloc : memref<!tpu.dma_semaphore, #tpu.memory_space<semaphore_mem>>
        %dma_start3A_141 = tpu.memref_slice %arg6[%arg1, %mul3A_43] : memref<16x640xi32, #tpu.memory_space<hbm>> -> memref<1x128xi32, #tpu.memory_space<hbm>>
        %dma_start3A_142 = tpu.memref_squeeze %dma_start3A_141 : memref<1x128xi32, #tpu.memory_space<hbm>> -> memref<128xi32, #tpu.memory_space<hbm>>
        %dma_start3A_143 = tpu.memref_slice %arg6[%arg1, %mul3A_43] : memref<16x640xi32, #tpu.memory_space<hbm>> -> memref<1x128xi32, #tpu.memory_space<hbm>>
        %dma_start3A_144 = tpu.memref_squeeze %dma_start3A_143 : memref<1x128xi32, #tpu.memory_space<hbm>> -> memref<128xi32, #tpu.memory_space<hbm>>
        tpu.enqueue_dma source(%dma_start3A_144 : memref<128xi32, #tpu.memory_space<hbm>>) target(%arg17 : memref<128xi32, #tpu.memory_space<vmem>>) target_semaphore(%run_scoped3A : memref<!tpu.dma_semaphore, #tpu.memory_space<semaphore_mem>>)
        %dma_wait3A_145 = tpu.memref_slice %arg6[%arg1, %mul3A_43] : memref<16x640xi32, #tpu.memory_space<hbm>> -> memref<1x128xi32, #tpu.memory_space<hbm>>
        %dma_wait3A_146 = tpu.memref_squeeze %dma_wait3A_145 : memref<1x128xi32, #tpu.memory_space<hbm>> -> memref<128xi32, #tpu.memory_space<hbm>>
        %dma_wait3A_147 = tpu.memref_slice %arg6[%arg1, %mul3A_43] : memref<16x640xi32, #tpu.memory_space<hbm>> -> memref<1x128xi32, #tpu.memory_space<hbm>>
        %dma_wait3A_148 = tpu.memref_squeeze %dma_wait3A_147 : memref<1x128xi32, #tpu.memory_space<hbm>> -> memref<128xi32, #tpu.memory_space<hbm>>
        tpu.wait_dma2 semaphore(%run_scoped3A : memref<!tpu.dma_semaphore, #tpu.memory_space<semaphore_mem>>) src(%dma_wait3A_148 : memref<128xi32, #tpu.memory_space<hbm>>) dst(%arg17 : memref<128xi32, #tpu.memory_space<vmem>>)
        tpu.yield
      }) : () -> ()
      "tpu.region"() ({
        %run_scoped3A = tpu.sem_alloc : memref<!tpu.dma_semaphore, #tpu.memory_space<semaphore_mem>>
        %dma_start3A_141 = arith.constant 0 : i32
        %dma_start3A_142 = tpu.memref_slice %arg7[%arg1, %scan3A_41, %dma_start3A_141] : memref<16x5x128xi32, #tpu.memory_space<hbm>> -> memref<1x1x128xi32, #tpu.memory_space<hbm>>
        %dma_start3A_143 = tpu.memref_squeeze %dma_start3A_142 : memref<1x1x128xi32, #tpu.memory_space<hbm>> -> memref<128xi32, #tpu.memory_space<hbm>>
        %dma_start3A_144 = arith.constant 0 : i32
        %dma_start3A_145 = tpu.memref_slice %arg7[%arg1, %scan3A_41, %dma_start3A_144] : memref<16x5x128xi32, #tpu.memory_space<hbm>> -> memref<1x1x128xi32, #tpu.memory_space<hbm>>
        %dma_start3A_146 = tpu.memref_squeeze %dma_start3A_145 : memref<1x1x128xi32, #tpu.memory_space<hbm>> -> memref<128xi32, #tpu.memory_space<hbm>>
        tpu.enqueue_dma source(%dma_start3A_146 : memref<128xi32, #tpu.memory_space<hbm>>) target(%arg18 : memref<128xi32, #tpu.memory_space<vmem>>) target_semaphore(%run_scoped3A : memref<!tpu.dma_semaphore, #tpu.memory_space<semaphore_mem>>)
        %dma_wait3A_147 = arith.constant 0 : i32
        %dma_wait3A_148 = tpu.memref_slice %arg7[%arg1, %scan3A_41, %dma_wait3A_147] : memref<16x5x128xi32, #tpu.memory_space<hbm>> -> memref<1x1x128xi32, #tpu.memory_space<hbm>>
        %dma_wait3A_149 = tpu.memref_squeeze %dma_wait3A_148 : memref<1x1x128xi32, #tpu.memory_space<hbm>> -> memref<128xi32, #tpu.memory_space<hbm>>
        %dma_wait3A_150 = arith.constant 0 : i32
        %dma_wait3A_151 = tpu.memref_slice %arg7[%arg1, %scan3A_41, %dma_wait3A_150] : memref<16x5x128xi32, #tpu.memory_space<hbm>> -> memref<1x1x128xi32, #tpu.memory_space<hbm>>
        %dma_wait3A_152 = tpu.memref_squeeze %dma_wait3A_151 : memref<1x1x128xi32, #tpu.memory_space<hbm>> -> memref<128xi32, #tpu.memory_space<hbm>>
        tpu.wait_dma2 semaphore(%run_scoped3A : memref<!tpu.dma_semaphore, #tpu.memory_space<semaphore_mem>>) src(%dma_wait3A_152 : memref<128xi32, #tpu.memory_space<hbm>>) dst(%arg18 : memref<128xi32, #tpu.memory_space<vmem>>)
        tpu.yield
      }) : () -> ()
      %get3A = arith.constant 0 : index
      %get3A_44 = tpu.vector_load %arg17[%get3A] {strides = array<i32>} : memref<128xi32, #tpu.memory_space<vmem>>, vector<16xi32>,
      %get3A_45 = vector.shape_cast %get3A_44 : vector<16xi32> to vector<16xi32>
      %mul3A_46 = arith.constant 2 : i32
      %mul3A_47 = vector.broadcast %mul3A_46 : i32 to vector<16xi32>
      %mul3A_48 = arith.muli %get3A_45, %mul3A_47 : vector<16xi32>
      %add3A = vector.broadcast %arg0 : i32 to vector<16xi32>
      %add3A_49 = arith.addi %mul3A_48, %add3A : vector<16xi32>
      %swap3A = arith.constant 0 : index
      %swap3A_50 = tpu.vector_load %arg19[%swap3A] {strides = array<i32>} : memref<128xi32, #tpu.memory_space<vmem>>, vector<16xi32>,
      %swap3A_51 = vector.shape_cast %swap3A_50 : vector<16xi32> to vector<16xi32>
      %swap3A_52 = vector.shape_cast %add3A_49 : vector<16xi32> to vector<16xi32>
      tpu.vector_store %arg19[%swap3A], %swap3A_52 {strides = array<i32>} : memref<128xi32, #tpu.memory_space<vmem>>, vector<16xi32>,
      %get3A_53 = arith.constant 16 : index
      %get3A_54 = tpu.vector_load %arg17[%get3A_53] {strides = array<i32>} : memref<128xi32, #tpu.memory_space<vmem>>, vector<16xi32>,
      %get3A_55 = vector.shape_cast %get3A_54 : vector<16xi32> to vector<16xi32>
      %mul3A_56 = arith.constant 2 : i32
      %mul3A_57 = vector.broadcast %mul3A_56 : i32 to vector<16xi32>
      %mul3A_58 = arith.muli %get3A_55, %mul3A_57 : vector<16xi32>
      %add3A_59 = vector.broadcast %arg0 : i32 to vector<16xi32>
      %add3A_60 = arith.addi %mul3A_58, %add3A_59 : vector<16xi32>
      %swap3A_61 = arith.constant 16 : index
      %swap3A_62 = tpu.vector_load %arg19[%swap3A_61] {strides = array<i32>} : memref<128xi32, #tpu.memory_space<vmem>>, vector<16xi32>,
      %swap3A_63 = vector.shape_cast %swap3A_62 : vector<16xi32> to vector<16xi32>
      %swap3A_64 = vector.shape_cast %add3A_60 : vector<16xi32> to vector<16xi32>
      tpu.vector_store %arg19[%swap3A_61], %swap3A_64 {strides = array<i32>} : memref<128xi32, #tpu.memory_space<vmem>>, vector<16xi32>,
      %get3A_65 = arith.constant 32 : index
      %get3A_66 = tpu.vector_load %arg17[%get3A_65] {strides = array<i32>} : memref<128xi32, #tpu.memory_space<vmem>>, vector<16xi32>,
      %get3A_67 = vector.shape_cast %get3A_66 : vector<16xi32> to vector<16xi32>
      %mul3A_68 = arith.constant 2 : i32
      %mul3A_69 = vector.broadcast %mul3A_68 : i32 to vector<16xi32>
      %mul3A_70 = arith.muli %get3A_67, %mul3A_69 : vector<16xi32>
      %add3A_71 = vector.broadcast %arg0 : i32 to vector<16xi32>
      %add3A_72 = arith.addi %mul3A_70, %add3A_71 : vector<16xi32>
      %swap3A_73 = arith.constant 32 : index
      %swap3A_74 = tpu.vector_load %arg19[%swap3A_73] {strides = array<i32>} : memref<128xi32, #tpu.memory_space<vmem>>, vector<16xi32>,
      %swap3A_75 = vector.shape_cast %swap3A_74 : vector<16xi32> to vector<16xi32>
      %swap3A_76 = vector.shape_cast %add3A_72 : vector<16xi32> to vector<16xi32>
      tpu.vector_store %arg19[%swap3A_73], %swap3A_76 {strides = array<i32>} : memref<128xi32, #tpu.memory_space<vmem>>, vector<16xi32>,
      %get3A_77 = arith.constant 48 : index
      %get3A_78 = tpu.vector_load %arg17[%get3A_77] {strides = array<i32>} : memref<128xi32, #tpu.memory_space<vmem>>, vector<16xi32>,
      %get3A_79 = vector.shape_cast %get3A_78 : vector<16xi32> to vector<16xi32>
      %mul3A_80 = arith.constant 2 : i32
      %mul3A_81 = vector.broadcast %mul3A_80 : i32 to vector<16xi32>
      %mul3A_82 = arith.muli %get3A_79, %mul3A_81 : vector<16xi32>
      %add3A_83 = vector.broadcast %arg0 : i32 to vector<16xi32>
      %add3A_84 = arith.addi %mul3A_82, %add3A_83 : vector<16xi32>
      %swap3A_85 = arith.constant 48 : index
      %swap3A_86 = tpu.vector_load %arg19[%swap3A_85] {strides = array<i32>} : memref<128xi32, #tpu.memory_space<vmem>>, vector<16xi32>,
      %swap3A_87 = vector.shape_cast %swap3A_86 : vector<16xi32> to vector<16xi32>
      %swap3A_88 = vector.shape_cast %add3A_84 : vector<16xi32> to vector<16xi32>
      tpu.vector_store %arg19[%swap3A_85], %swap3A_88 {strides = array<i32>} : memref<128xi32, #tpu.memory_space<vmem>>, vector<16xi32>,
      %get3A_89 = arith.constant 64 : index
      %get3A_90 = tpu.vector_load %arg17[%get3A_89] {strides = array<i32>} : memref<128xi32, #tpu.memory_space<vmem>>, vector<16xi32>,
      %get3A_91 = vector.shape_cast %get3A_90 : vector<16xi32> to vector<16xi32>
      %mul3A_92 = arith.constant 2 : i32
      %mul3A_93 = vector.broadcast %mul3A_92 : i32 to vector<16xi32>
      %mul3A_94 = arith.muli %get3A_91, %mul3A_93 : vector<16xi32>
      %add3A_95 = vector.broadcast %arg0 : i32 to vector<16xi32>
      %add3A_96 = arith.addi %mul3A_94, %add3A_95 : vector<16xi32>
      %swap3A_97 = arith.constant 64 : index
      %swap3A_98 = tpu.vector_load %arg19[%swap3A_97] {strides = array<i32>} : memref<128xi32, #tpu.memory_space<vmem>>, vector<16xi32>,
      %swap3A_99 = vector.shape_cast %swap3A_98 : vector<16xi32> to vector<16xi32>
      %swap3A_100 = vector.shape_cast %add3A_96 : vector<16xi32> to vector<16xi32>
      tpu.vector_store %arg19[%swap3A_97], %swap3A_100 {strides = array<i32>} : memref<128xi32, #tpu.memory_space<vmem>>, vector<16xi32>,
      %get3A_101 = arith.constant 80 : index
      %get3A_102 = tpu.vector_load %arg17[%get3A_101] {strides = array<i32>} : memref<128xi32, #tpu.memory_space<vmem>>, vector<16xi32>,
      %get3A_103 = vector.shape_cast %get3A_102 : vector<16xi32> to vector<16xi32>
      %mul3A_104 = arith.constant 2 : i32
      %mul3A_105 = vector.broadcast %mul3A_104 : i32 to vector<16xi32>
      %mul3A_106 = arith.muli %get3A_103, %mul3A_105 : vector<16xi32>
      %add3A_107 = vector.broadcast %arg0 : i32 to vector<16xi32>
      %add3A_108 = arith.addi %mul3A_106, %add3A_107 : vector<16xi32>
      %swap3A_109 = arith.constant 80 : index
      %swap3A_110 = tpu.vector_load %arg19[%swap3A_109] {strides = array<i32>} : memref<128xi32, #tpu.memory_space<vmem>>, vector<16xi32>,
      %swap3A_111 = vector.shape_cast %swap3A_110 : vector<16xi32> to vector<16xi32>
      %swap3A_112 = vector.shape_cast %add3A_108 : vector<16xi32> to vector<16xi32>
      tpu.vector_store %arg19[%swap3A_109], %swap3A_112 {strides = array<i32>} : memref<128xi32, #tpu.memory_space<vmem>>, vector<16xi32>,
      %get3A_113 = arith.constant 96 : index
      %get3A_114 = tpu.vector_load %arg17[%get3A_113] {strides = array<i32>} : memref<128xi32, #tpu.memory_space<vmem>>, vector<16xi32>,
      %get3A_115 = vector.shape_cast %get3A_114 : vector<16xi32> to vector<16xi32>
      %mul3A_116 = arith.constant 2 : i32
      %mul3A_117 = vector.broadcast %mul3A_116 : i32 to vector<16xi32>
      %mul3A_118 = arith.muli %get3A_115, %mul3A_117 : vector<16xi32>
      %add3A_119 = vector.broadcast %arg0 : i32 to vector<16xi32>
      %add3A_120 = arith.addi %mul3A_118, %add3A_119 : vector<16xi32>
      %swap3A_121 = arith.constant 96 : index
      %swap3A_122 = tpu.vector_load %arg19[%swap3A_121] {strides = array<i32>} : memref<128xi32, #tpu.memory_space<vmem>>, vector<16xi32>,
      %swap3A_123 = vector.shape_cast %swap3A_122 : vector<16xi32> to vector<16xi32>
      %swap3A_124 = vector.shape_cast %add3A_120 : vector<16xi32> to vector<16xi32>
      tpu.vector_store %arg19[%swap3A_121], %swap3A_124 {strides = array<i32>} : memref<128xi32, #tpu.memory_space<vmem>>, vector<16xi32>,
      %get3A_125 = arith.constant 112 : index
      %get3A_126 = tpu.vector_load %arg17[%get3A_125] {strides = array<i32>} : memref<128xi32, #tpu.memory_space<vmem>>, vector<16xi32>,
      %get3A_127 = vector.shape_cast %get3A_126 : vector<16xi32> to vector<16xi32>
      %mul3A_128 = arith.constant 2 : i32
      %mul3A_129 = vector.broadcast %mul3A_128 : i32 to vector<16xi32>
      %mul3A_130 = arith.muli %get3A_127, %mul3A_129 : vector<16xi32>
      %add3A_131 = vector.broadcast %arg0 : i32 to vector<16xi32>
      %add3A_132 = arith.addi %mul3A_130, %add3A_131 : vector<16xi32>
      %swap3A_133 = arith.constant 112 : index
      %swap3A_134 = tpu.vector_load %arg19[%swap3A_133] {strides = array<i32>} : memref<128xi32, #tpu.memory_space<vmem>>, vector<16xi32>,
      %swap3A_135 = vector.shape_cast %swap3A_134 : vector<16xi32> to vector<16xi32>
      %swap3A_136 = vector.shape_cast %add3A_132 : vector<16xi32> to vector<16xi32>
      tpu.vector_store %arg19[%swap3A_133], %swap3A_136 {strides = array<i32>} : memref<128xi32, #tpu.memory_space<vmem>>, vector<16xi32>,
      %dma_start3A = arith.constant 0 : i32
      %dma_start3A_137 = arith.constant 0 : i32
      %dma_start3A_138 = tpu.memref_slice %arg2[%dma_start3A, %dma_start3A_137] : memref<20000x128xf32, #tpu.memory_space<hbm>> -> memref<20000x128xf32, #tpu.memory_space<hbm>>
      tpu.enqueue_indirect_dma source(%dma_start3A_138 : memref<20000x128xf32, #tpu.memory_space<hbm>>) target(%arg20 : memref<128x128xf32, #tpu.memory_space<vmem>>) offsets(%arg19 : memref<128xi32, #tpu.memory_space<vmem>>) semaphore(%arg21 : memref<!tpu.dma_semaphore, #tpu.memory_space<semaphore_mem>>)
      %dma_wait3A = arith.constant 0 : i32
      %dma_wait3A_139 = arith.constant 0 : i32
      %dma_wait3A_140 = tpu.memref_slice %arg2[%dma_wait3A, %dma_wait3A_139] : memref<20000x128xf32, #tpu.memory_space<hbm>> -> memref<20000x128xf32, #tpu.memory_space<hbm>>
      tpu.wait_indirect_dma semaphore(%arg21 : memref<!tpu.dma_semaphore, #tpu.memory_space<semaphore_mem>>) src(%dma_wait3A_140 : memref<20000x128xf32, #tpu.memory_space<hbm>>) dst(%arg20 : memref<128x128xf32, #tpu.memory_space<vmem>>)
      "tpu.region"() ({
        %run_scoped3A = tpu.sem_alloc : memref<!tpu.dma_semaphore, #tpu.memory_space<semaphore_mem>>
        %dma_start3A_141 = arith.constant 0 : i32
        %dma_start3A_142 = arith.constant 0 : i32
        %dma_start3A_143 = tpu.memref_slice %arg15[%dma_start3A_141, %dma_start3A_142] : memref<1024x128xf32, #tpu.memory_space<vmem_shared>> -> memref<1024x128xf32, #tpu.memory_space<vmem_shared>>
        tpu.enqueue_indirect_dma source(%arg20 : memref<128x128xf32, #tpu.memory_space<vmem>>) target(%dma_start3A_143 : memref<1024x128xf32, #tpu.memory_space<vmem_shared>>) offsets(%arg18 : memref<128xi32, #tpu.memory_space<vmem>>) semaphore(%run_scoped3A : memref<!tpu.dma_semaphore, #tpu.memory_space<semaphore_mem>>) {add = true}
        %dma_wait3A_144 = arith.constant 0 : i32
        %dma_wait3A_145 = arith.constant 0 : i32
        %dma_wait3A_146 = tpu.memref_slice %arg15[%dma_wait3A_144, %dma_wait3A_145] : memref<1024x128xf32, #tpu.memory_space<vmem_shared>> -> memref<1024x128xf32, #tpu.memory_space<vmem_shared>>
        tpu.wait_indirect_dma semaphore(%run_scoped3A : memref<!tpu.dma_semaphore, #tpu.memory_space<semaphore_mem>>) src(%arg20 : memref<128x128xf32, #tpu.memory_space<vmem>>) dst(%dma_wait3A_146 : memref<1024x128xf32, #tpu.memory_space<vmem_shared>>)
        tpu.yield
      }) : () -> ()
    }
    %scan3A_21 = arith.constant 5 : i32
    %scan3A_22 = arith.constant 0 : i32
    %scan3A_23 = arith.constant 0 : i32
    %scan3A_24 = arith.constant 8 : i32
    %scan3A_25 = arith.addi %scan3A_23, %scan3A_24 : i32
    %scan3A_26 = arith.constant 1 : i32
    scf.for %scan3A_41 = %scan3A_23 to %scan3A_25 step %scan3A_26  : i32 {
      %mul3A_42 = arith.constant 128 : i32
      %mul3A_43 = arith.muli %scan3A_41, %mul3A_42 : i32
      "tpu.region"() ({
        %run_scoped3A = tpu.sem_alloc : memref<!tpu.dma_semaphore, #tpu.memory_space<semaphore_mem>>
        %dma_start3A_141 = tpu.memref_slice %arg8[%arg1, %mul3A_43] : memref<16x1024xi32, #tpu.memory_space<hbm>> -> memref<1x128xi32, #tpu.memory_space<hbm>>
        %dma_start3A_142 = tpu.memref_squeeze %dma_start3A_141 : memref<1x128xi32, #tpu.memory_space<hbm>> -> memref<128xi32, #tpu.memory_space<hbm>>
        %dma_start3A_143 = tpu.memref_slice %arg8[%arg1, %mul3A_43] : memref<16x1024xi32, #tpu.memory_space<hbm>> -> memref<1x128xi32, #tpu.memory_space<hbm>>
        %dma_start3A_144 = tpu.memref_squeeze %dma_start3A_143 : memref<1x128xi32, #tpu.memory_space<hbm>> -> memref<128xi32, #tpu.memory_space<hbm>>
        tpu.enqueue_dma source(%dma_start3A_144 : memref<128xi32, #tpu.memory_space<hbm>>) target(%arg17 : memref<128xi32, #tpu.memory_space<vmem>>) target_semaphore(%run_scoped3A : memref<!tpu.dma_semaphore, #tpu.memory_space<semaphore_mem>>)
        %dma_wait3A_145 = tpu.memref_slice %arg8[%arg1, %mul3A_43] : memref<16x1024xi32, #tpu.memory_space<hbm>> -> memref<1x128xi32, #tpu.memory_space<hbm>>
        %dma_wait3A_146 = tpu.memref_squeeze %dma_wait3A_145 : memref<1x128xi32, #tpu.memory_space<hbm>> -> memref<128xi32, #tpu.memory_space<hbm>>
        %dma_wait3A_147 = tpu.memref_slice %arg8[%arg1, %mul3A_43] : memref<16x1024xi32, #tpu.memory_space<hbm>> -> memref<1x128xi32, #tpu.memory_space<hbm>>
        %dma_wait3A_148 = tpu.memref_squeeze %dma_wait3A_147 : memref<1x128xi32, #tpu.memory_space<hbm>> -> memref<128xi32, #tpu.memory_space<hbm>>
        tpu.wait_dma2 semaphore(%run_scoped3A : memref<!tpu.dma_semaphore, #tpu.memory_space<semaphore_mem>>) src(%dma_wait3A_148 : memref<128xi32, #tpu.memory_space<hbm>>) dst(%arg17 : memref<128xi32, #tpu.memory_space<vmem>>)
        tpu.yield
      }) : () -> ()
      "tpu.region"() ({
        %run_scoped3A = tpu.sem_alloc : memref<!tpu.dma_semaphore, #tpu.memory_space<semaphore_mem>>
        %dma_start3A_141 = arith.constant 0 : i32
        %dma_start3A_142 = tpu.memref_slice %arg9[%arg1, %scan3A_41, %dma_start3A_141] : memref<16x8x128xi32, #tpu.memory_space<hbm>> -> memref<1x1x128xi32, #tpu.memory_space<hbm>>
        %dma_start3A_143 = tpu.memref_squeeze %dma_start3A_142 : memref<1x1x128xi32, #tpu.memory_space<hbm>> -> memref<128xi32, #tpu.memory_space<hbm>>
        %dma_start3A_144 = arith.constant 0 : i32
        %dma_start3A_145 = tpu.memref_slice %arg9[%arg1, %scan3A_41, %dma_start3A_144] : memref<16x8x128xi32, #tpu.memory_space<hbm>> -> memref<1x1x128xi32, #tpu.memory_space<hbm>>
        %dma_start3A_146 = tpu.memref_squeeze %dma_start3A_145 : memref<1x1x128xi32, #tpu.memory_space<hbm>> -> memref<128xi32, #tpu.memory_space<hbm>>
        tpu.enqueue_dma source(%dma_start3A_146 : memref<128xi32, #tpu.memory_space<hbm>>) target(%arg18 : memref<128xi32, #tpu.memory_space<vmem>>) target_semaphore(%run_scoped3A : memref<!tpu.dma_semaphore, #tpu.memory_space<semaphore_mem>>)
        %dma_wait3A_147 = arith.constant 0 : i32
        %dma_wait3A_148 = tpu.memref_slice %arg9[%arg1, %scan3A_41, %dma_wait3A_147] : memref<16x8x128xi32, #tpu.memory_space<hbm>> -> memref<1x1x128xi32, #tpu.memory_space<hbm>>
        %dma_wait3A_149 = tpu.memref_squeeze %dma_wait3A_148 : memref<1x1x128xi32, #tpu.memory_space<hbm>> -> memref<128xi32, #tpu.memory_space<hbm>>
        %dma_wait3A_150 = arith.constant 0 : i32
        %dma_wait3A_151 = tpu.memref_slice %arg9[%arg1, %scan3A_41, %dma_wait3A_150] : memref<16x8x128xi32, #tpu.memory_space<hbm>> -> memref<1x1x128xi32, #tpu.memory_space<hbm>>
        %dma_wait3A_152 = tpu.memref_squeeze %dma_wait3A_151 : memref<1x1x128xi32, #tpu.memory_space<hbm>> -> memref<128xi32, #tpu.memory_space<hbm>>
        tpu.wait_dma2 semaphore(%run_scoped3A : memref<!tpu.dma_semaphore, #tpu.memory_space<semaphore_mem>>) src(%dma_wait3A_152 : memref<128xi32, #tpu.memory_space<hbm>>) dst(%arg18 : memref<128xi32, #tpu.memory_space<vmem>>)
        tpu.yield
      }) : () -> ()
      %get3A = arith.constant 0 : index
      %get3A_44 = tpu.vector_load %arg17[%get3A] {strides = array<i32>} : memref<128xi32, #tpu.memory_space<vmem>>, vector<16xi32>,
      %get3A_45 = vector.shape_cast %get3A_44 : vector<16xi32> to vector<16xi32>
      %mul3A_46 = arith.constant 2 : i32
      %mul3A_47 = vector.broadcast %mul3A_46 : i32 to vector<16xi32>
      %mul3A_48 = arith.muli %get3A_45, %mul3A_47 : vector<16xi32>
      %add3A = vector.broadcast %arg0 : i32 to vector<16xi32>
      %add3A_49 = arith.addi %mul3A_48, %add3A : vector<16xi32>
      %swap3A = arith.constant 0 : index
      %swap3A_50 = tpu.vector_load %arg19[%swap3A] {strides = array<i32>} : memref<128xi32, #tpu.memory_space<vmem>>, vector<16xi32>,
      %swap3A_51 = vector.shape_cast %swap3A_50 : vector<16xi32> to vector<16xi32>
      %swap3A_52 = vector.shape_cast %add3A_49 : vector<16xi32> to vector<16xi32>
      tpu.vector_store %arg19[%swap3A], %swap3A_52 {strides = array<i32>} : memref<128xi32, #tpu.memory_space<vmem>>, vector<16xi32>,
      %get3A_53 = arith.constant 16 : index
      %get3A_54 = tpu.vector_load %arg17[%get3A_53] {strides = array<i32>} : memref<128xi32, #tpu.memory_space<vmem>>, vector<16xi32>,
      %get3A_55 = vector.shape_cast %get3A_54 : vector<16xi32> to vector<16xi32>
      %mul3A_56 = arith.constant 2 : i32
      %mul3A_57 = vector.broadcast %mul3A_56 : i32 to vector<16xi32>
      %mul3A_58 = arith.muli %get3A_55, %mul3A_57 : vector<16xi32>
      %add3A_59 = vector.broadcast %arg0 : i32 to vector<16xi32>
      %add3A_60 = arith.addi %mul3A_58, %add3A_59 : vector<16xi32>
      %swap3A_61 = arith.constant 16 : index
      %swap3A_62 = tpu.vector_load %arg19[%swap3A_61] {strides = array<i32>} : memref<128xi32, #tpu.memory_space<vmem>>, vector<16xi32>,
      %swap3A_63 = vector.shape_cast %swap3A_62 : vector<16xi32> to vector<16xi32>
      %swap3A_64 = vector.shape_cast %add3A_60 : vector<16xi32> to vector<16xi32>
      tpu.vector_store %arg19[%swap3A_61], %swap3A_64 {strides = array<i32>} : memref<128xi32, #tpu.memory_space<vmem>>, vector<16xi32>,
      %get3A_65 = arith.constant 32 : index
      %get3A_66 = tpu.vector_load %arg17[%get3A_65] {strides = array<i32>} : memref<128xi32, #tpu.memory_space<vmem>>, vector<16xi32>,
      %get3A_67 = vector.shape_cast %get3A_66 : vector<16xi32> to vector<16xi32>
      %mul3A_68 = arith.constant 2 : i32
      %mul3A_69 = vector.broadcast %mul3A_68 : i32 to vector<16xi32>
      %mul3A_70 = arith.muli %get3A_67, %mul3A_69 : vector<16xi32>
      %add3A_71 = vector.broadcast %arg0 : i32 to vector<16xi32>
      %add3A_72 = arith.addi %mul3A_70, %add3A_71 : vector<16xi32>
      %swap3A_73 = arith.constant 32 : index
      %swap3A_74 = tpu.vector_load %arg19[%swap3A_73] {strides = array<i32>} : memref<128xi32, #tpu.memory_space<vmem>>, vector<16xi32>,
      %swap3A_75 = vector.shape_cast %swap3A_74 : vector<16xi32> to vector<16xi32>
      %swap3A_76 = vector.shape_cast %add3A_72 : vector<16xi32> to vector<16xi32>
      tpu.vector_store %arg19[%swap3A_73], %swap3A_76 {strides = array<i32>} : memref<128xi32, #tpu.memory_space<vmem>>, vector<16xi32>,
      %get3A_77 = arith.constant 48 : index
      %get3A_78 = tpu.vector_load %arg17[%get3A_77] {strides = array<i32>} : memref<128xi32, #tpu.memory_space<vmem>>, vector<16xi32>,
      %get3A_79 = vector.shape_cast %get3A_78 : vector<16xi32> to vector<16xi32>
      %mul3A_80 = arith.constant 2 : i32
      %mul3A_81 = vector.broadcast %mul3A_80 : i32 to vector<16xi32>
      %mul3A_82 = arith.muli %get3A_79, %mul3A_81 : vector<16xi32>
      %add3A_83 = vector.broadcast %arg0 : i32 to vector<16xi32>
      %add3A_84 = arith.addi %mul3A_82, %add3A_83 : vector<16xi32>
      %swap3A_85 = arith.constant 48 : index
      %swap3A_86 = tpu.vector_load %arg19[%swap3A_85] {strides = array<i32>} : memref<128xi32, #tpu.memory_space<vmem>>, vector<16xi32>,
      %swap3A_87 = vector.shape_cast %swap3A_86 : vector<16xi32> to vector<16xi32>
      %swap3A_88 = vector.shape_cast %add3A_84 : vector<16xi32> to vector<16xi32>
      tpu.vector_store %arg19[%swap3A_85], %swap3A_88 {strides = array<i32>} : memref<128xi32, #tpu.memory_space<vmem>>, vector<16xi32>,
      %get3A_89 = arith.constant 64 : index
      %get3A_90 = tpu.vector_load %arg17[%get3A_89] {strides = array<i32>} : memref<128xi32, #tpu.memory_space<vmem>>, vector<16xi32>,
      %get3A_91 = vector.shape_cast %get3A_90 : vector<16xi32> to vector<16xi32>
      %mul3A_92 = arith.constant 2 : i32
      %mul3A_93 = vector.broadcast %mul3A_92 : i32 to vector<16xi32>
      %mul3A_94 = arith.muli %get3A_91, %mul3A_93 : vector<16xi32>
      %add3A_95 = vector.broadcast %arg0 : i32 to vector<16xi32>
      %add3A_96 = arith.addi %mul3A_94, %add3A_95 : vector<16xi32>
      %swap3A_97 = arith.constant 64 : index
      %swap3A_98 = tpu.vector_load %arg19[%swap3A_97] {strides = array<i32>} : memref<128xi32, #tpu.memory_space<vmem>>, vector<16xi32>,
      %swap3A_99 = vector.shape_cast %swap3A_98 : vector<16xi32> to vector<16xi32>
      %swap3A_100 = vector.shape_cast %add3A_96 : vector<16xi32> to vector<16xi32>
      tpu.vector_store %arg19[%swap3A_97], %swap3A_100 {strides = array<i32>} : memref<128xi32, #tpu.memory_space<vmem>>, vector<16xi32>,
      %get3A_101 = arith.constant 80 : index
      %get3A_102 = tpu.vector_load %arg17[%get3A_101] {strides = array<i32>} : memref<128xi32, #tpu.memory_space<vmem>>, vector<16xi32>,
      %get3A_103 = vector.shape_cast %get3A_102 : vector<16xi32> to vector<16xi32>
      %mul3A_104 = arith.constant 2 : i32
      %mul3A_105 = vector.broadcast %mul3A_104 : i32 to vector<16xi32>
      %mul3A_106 = arith.muli %get3A_103, %mul3A_105 : vector<16xi32>
      %add3A_107 = vector.broadcast %arg0 : i32 to vector<16xi32>
      %add3A_108 = arith.addi %mul3A_106, %add3A_107 : vector<16xi32>
      %swap3A_109 = arith.constant 80 : index
      %swap3A_110 = tpu.vector_load %arg19[%swap3A_109] {strides = array<i32>} : memref<128xi32, #tpu.memory_space<vmem>>, vector<16xi32>,
      %swap3A_111 = vector.shape_cast %swap3A_110 : vector<16xi32> to vector<16xi32>
      %swap3A_112 = vector.shape_cast %add3A_108 : vector<16xi32> to vector<16xi32>
      tpu.vector_store %arg19[%swap3A_109], %swap3A_112 {strides = array<i32>} : memref<128xi32, #tpu.memory_space<vmem>>, vector<16xi32>,
      %get3A_113 = arith.constant 96 : index
      %get3A_114 = tpu.vector_load %arg17[%get3A_113] {strides = array<i32>} : memref<128xi32, #tpu.memory_space<vmem>>, vector<16xi32>,
      %get3A_115 = vector.shape_cast %get3A_114 : vector<16xi32> to vector<16xi32>
      %mul3A_116 = arith.constant 2 : i32
      %mul3A_117 = vector.broadcast %mul3A_116 : i32 to vector<16xi32>
      %mul3A_118 = arith.muli %get3A_115, %mul3A_117 : vector<16xi32>
      %add3A_119 = vector.broadcast %arg0 : i32 to vector<16xi32>
      %add3A_120 = arith.addi %mul3A_118, %add3A_119 : vector<16xi32>
      %swap3A_121 = arith.constant 96 : index
      %swap3A_122 = tpu.vector_load %arg19[%swap3A_121] {strides = array<i32>} : memref<128xi32, #tpu.memory_space<vmem>>, vector<16xi32>,
      %swap3A_123 = vector.shape_cast %swap3A_122 : vector<16xi32> to vector<16xi32>
      %swap3A_124 = vector.shape_cast %add3A_120 : vector<16xi32> to vector<16xi32>
      tpu.vector_store %arg19[%swap3A_121], %swap3A_124 {strides = array<i32>} : memref<128xi32, #tpu.memory_space<vmem>>, vector<16xi32>,
      %get3A_125 = arith.constant 112 : index
      %get3A_126 = tpu.vector_load %arg17[%get3A_125] {strides = array<i32>} : memref<128xi32, #tpu.memory_space<vmem>>, vector<16xi32>,
      %get3A_127 = vector.shape_cast %get3A_126 : vector<16xi32> to vector<16xi32>
      %mul3A_128 = arith.constant 2 : i32
      %mul3A_129 = vector.broadcast %mul3A_128 : i32 to vector<16xi32>
      %mul3A_130 = arith.muli %get3A_127, %mul3A_129 : vector<16xi32>
      %add3A_131 = vector.broadcast %arg0 : i32 to vector<16xi32>
      %add3A_132 = arith.addi %mul3A_130, %add3A_131 : vector<16xi32>
      %swap3A_133 = arith.constant 112 : index
      %swap3A_134 = tpu.vector_load %arg19[%swap3A_133] {strides = array<i32>} : memref<128xi32, #tpu.memory_space<vmem>>, vector<16xi32>,
      %swap3A_135 = vector.shape_cast %swap3A_134 : vector<16xi32> to vector<16xi32>
      %swap3A_136 = vector.shape_cast %add3A_132 : vector<16xi32> to vector<16xi32>
      tpu.vector_store %arg19[%swap3A_133], %swap3A_136 {strides = array<i32>} : memref<128xi32, #tpu.memory_space<vmem>>, vector<16xi32>,
      %dma_start3A = arith.constant 0 : i32
      %dma_start3A_137 = arith.constant 0 : i32
      %dma_start3A_138 = tpu.memref_slice %arg3[%dma_start3A, %dma_start3A_137] : memref<2016x128xf32, #tpu.memory_space<hbm>> -> memref<2016x128xf32, #tpu.memory_space<hbm>>
      tpu.enqueue_indirect_dma source(%dma_start3A_138 : memref<2016x128xf32, #tpu.memory_space<hbm>>) target(%arg20 : memref<128x128xf32, #tpu.memory_space<vmem>>) offsets(%arg19 : memref<128xi32, #tpu.memory_space<vmem>>) semaphore(%arg21 : memref<!tpu.dma_semaphore, #tpu.memory_space<semaphore_mem>>)
      %dma_wait3A = arith.constant 0 : i32
      %dma_wait3A_139 = arith.constant 0 : i32
      %dma_wait3A_140 = tpu.memref_slice %arg3[%dma_wait3A, %dma_wait3A_139] : memref<2016x128xf32, #tpu.memory_space<hbm>> -> memref<2016x128xf32, #tpu.memory_space<hbm>>
      tpu.wait_indirect_dma semaphore(%arg21 : memref<!tpu.dma_semaphore, #tpu.memory_space<semaphore_mem>>) src(%dma_wait3A_140 : memref<2016x128xf32, #tpu.memory_space<hbm>>) dst(%arg20 : memref<128x128xf32, #tpu.memory_space<vmem>>)
      "tpu.region"() ({
        %run_scoped3A = tpu.sem_alloc : memref<!tpu.dma_semaphore, #tpu.memory_space<semaphore_mem>>
        %dma_start3A_141 = arith.constant 0 : i32
        %dma_start3A_142 = arith.constant 0 : i32
        %dma_start3A_143 = tpu.memref_slice %arg16[%dma_start3A_141, %dma_start3A_142] : memref<1024x128xf32, #tpu.memory_space<vmem_shared>> -> memref<1024x128xf32, #tpu.memory_space<vmem_shared>>
        tpu.enqueue_indirect_dma source(%arg20 : memref<128x128xf32, #tpu.memory_space<vmem>>) target(%dma_start3A_143 : memref<1024x128xf32, #tpu.memory_space<vmem_shared>>) offsets(%arg18 : memref<128xi32, #tpu.memory_space<vmem>>) semaphore(%run_scoped3A : memref<!tpu.dma_semaphore, #tpu.memory_space<semaphore_mem>>) {add = true}
        %dma_wait3A_144 = arith.constant 0 : i32
        %dma_wait3A_145 = arith.constant 0 : i32
        %dma_wait3A_146 = tpu.memref_slice %arg16[%dma_wait3A_144, %dma_wait3A_145] : memref<1024x128xf32, #tpu.memory_space<vmem_shared>> -> memref<1024x128xf32, #tpu.memory_space<vmem_shared>>
        tpu.wait_indirect_dma semaphore(%run_scoped3A : memref<!tpu.dma_semaphore, #tpu.memory_space<semaphore_mem>>) src(%arg20 : memref<128x128xf32, #tpu.memory_space<vmem>>) dst(%dma_wait3A_146 : memref<1024x128xf32, #tpu.memory_space<vmem_shared>>)
        tpu.yield
      }) : () -> ()
    }
    %scan3A_27 = arith.constant 8 : i32
    %barrier3A_28 = arith.constant 0 : index
    tpu.barrier barrier_id(%barrier3A_28)
    %mul3A_29 = arith.constant 632 : i32
    %mul3A_30 = arith.muli %arg1, %mul3A_29 : i32
    %mul3A_31 = arith.constant 632 : i32
    %mul3A_32 = arith.muli %arg1, %mul3A_31 : i32
    "tpu.region"() ({
      %run_scoped3A = tpu.sem_alloc : memref<!tpu.dma_semaphore, #tpu.memory_space<semaphore_mem>>
      %dma_start3A = arith.constant 0 : i32
      %dma_start3A_41 = tpu.memref_slice %arg11[%arg0, %mul3A_32, %dma_start3A] : memref<2x10112x128xf32, #tpu.memory_space<hbm>> -> memref<1x632x128xf32, #tpu.memory_space<hbm>>
      %dma_start3A_42 = tpu.memref_squeeze %dma_start3A_41 : memref<1x632x128xf32, #tpu.memory_space<hbm>> -> memref<632x128xf32, #tpu.memory_space<hbm>>
      %dma_start3A_43 = arith.constant 0 : i32
      %dma_start3A_44 = tpu.memref_slice %arg14[%mul3A_30, %dma_start3A_43] : memref<10112x128xf32, #tpu.memory_space<vmem_shared>> -> memref<632x128xf32, #tpu.memory_space<vmem_shared>>
      tpu.enqueue_dma source(%dma_start3A_44 : memref<632x128xf32, #tpu.memory_space<vmem_shared>>) target(%dma_start3A_42 : memref<632x128xf32, #tpu.memory_space<hbm>>) target_semaphore(%run_scoped3A : memref<!tpu.dma_semaphore, #tpu.memory_space<semaphore_mem>>)
      %dma_wait3A = arith.constant 0 : i32
      %dma_wait3A_45 = tpu.memref_slice %arg11[%arg0, %mul3A_32, %dma_wait3A] : memref<2x10112x128xf32, #tpu.memory_space<hbm>> -> memref<1x632x128xf32, #tpu.memory_space<hbm>>
      %dma_wait3A_46 = tpu.memref_squeeze %dma_wait3A_45 : memref<1x632x128xf32, #tpu.memory_space<hbm>> -> memref<632x128xf32, #tpu.memory_space<hbm>>
      %dma_wait3A_47 = arith.constant 0 : i32
      %dma_wait3A_48 = tpu.memref_slice %arg14[%mul3A_30, %dma_wait3A_47] : memref<10112x128xf32, #tpu.memory_space<vmem_shared>> -> memref<632x128xf32, #tpu.memory_space<vmem_shared>>
      tpu.wait_dma2 semaphore(%run_scoped3A : memref<!tpu.dma_semaphore, #tpu.memory_space<semaphore_mem>>) src(%dma_wait3A_48 : memref<632x128xf32, #tpu.memory_space<vmem_shared>>) dst(%dma_wait3A_46 : memref<632x128xf32, #tpu.memory_space<hbm>>)
      tpu.yield
    }) : () -> ()
    %mul3A_33 = arith.constant 64 : i32
    %mul3A_34 = arith.muli %arg1, %mul3A_33 : i32
    %mul3A_35 = arith.constant 64 : i32
    %mul3A_36 = arith.muli %arg1, %mul3A_35 : i32
    "tpu.region"() ({
      %run_scoped3A = tpu.sem_alloc : memref<!tpu.dma_semaphore, #tpu.memory_space<semaphore_mem>>
      %dma_start3A = arith.constant 0 : i32
      %dma_start3A_41 = tpu.memref_slice %arg12[%arg0, %mul3A_36, %dma_start3A] : memref<2x1024x128xf32, #tpu.memory_space<hbm>> -> memref<1x64x128xf32, #tpu.memory_space<hbm>>
      %dma_start3A_42 = tpu.memref_squeeze %dma_start3A_41 : memref<1x64x128xf32, #tpu.memory_space<hbm>> -> memref<64x128xf32, #tpu.memory_space<hbm>>
      %dma_start3A_43 = arith.constant 0 : i32
      %dma_start3A_44 = tpu.memref_slice %arg15[%mul3A_34, %dma_start3A_43] : memref<1024x128xf32, #tpu.memory_space<vmem_shared>> -> memref<64x128xf32, #tpu.memory_space<vmem_shared>>
      tpu.enqueue_dma source(%dma_start3A_44 : memref<64x128xf32, #tpu.memory_space<vmem_shared>>) target(%dma_start3A_42 : memref<64x128xf32, #tpu.memory_space<hbm>>) target_semaphore(%run_scoped3A : memref<!tpu.dma_semaphore, #tpu.memory_space<semaphore_mem>>)
      %dma_wait3A = arith.constant 0 : i32
      %dma_wait3A_45 = tpu.memref_slice %arg12[%arg0, %mul3A_36, %dma_wait3A] : memref<2x1024x128xf32, #tpu.memory_space<hbm>> -> memref<1x64x128xf32, #tpu.memory_space<hbm>>
      %dma_wait3A_46 = tpu.memref_squeeze %dma_wait3A_45 : memref<1x64x128xf32, #tpu.memory_space<hbm>> -> memref<64x128xf32, #tpu.memory_space<hbm>>
      %dma_wait3A_47 = arith.constant 0 : i32
      %dma_wait3A_48 = tpu.memref_slice %arg15[%mul3A_34, %dma_wait3A_47] : memref<1024x128xf32, #tpu.memory_space<vmem_shared>> -> memref<64x128xf32, #tpu.memory_space<vmem_shared>>
      tpu.wait_dma2 semaphore(%run_scoped3A : memref<!tpu.dma_semaphore, #tpu.memory_space<semaphore_mem>>) src(%dma_wait3A_48 : memref<64x128xf32, #tpu.memory_space<vmem_shared>>) dst(%dma_wait3A_46 : memref<64x128xf32, #tpu.memory_space<hbm>>)
      tpu.yield
    }) : () -> ()
    %mul3A_37 = arith.constant 64 : i32
    %mul3A_38 = arith.muli %arg1, %mul3A_37 : i32
    %mul3A_39 = arith.constant 64 : i32
    %mul3A_40 = arith.muli %arg1, %mul3A_39 : i32
    "tpu.region"() ({
      %run_scoped3A = tpu.sem_alloc : memref<!tpu.dma_semaphore, #tpu.memory_space<semaphore_mem>>
      %dma_start3A = arith.constant 0 : i32
      %dma_start3A_41 = tpu.memref_slice %arg13[%arg0, %mul3A_40, %dma_start3A] : memref<2x1024x128xf32, #tpu.memory_space<hbm>> -> memref<1x64x128xf32, #tpu.memory_space<hbm>>
      %dma_start3A_42 = tpu.memref_squeeze %dma_start3A_41 : memref<1x64x128xf32, #tpu.memory_space<hbm>> -> memref<64x128xf32, #tpu.memory_space<hbm>>
      %dma_start3A_43 = arith.constant 0 : i32
      %dma_start3A_44 = tpu.memref_slice %arg16[%mul3A_38, %dma_start3A_43] : memref<1024x128xf32, #tpu.memory_space<vmem_shared>> -> memref<64x128xf32, #tpu.memory_space<vmem_shared>>
      tpu.enqueue_dma source(%dma_start3A_44 : memref<64x128xf32, #tpu.memory_space<vmem_shared>>) target(%dma_start3A_42 : memref<64x128xf32, #tpu.memory_space<hbm>>) target_semaphore(%run_scoped3A : memref<!tpu.dma_semaphore, #tpu.memory_space<semaphore_mem>>)
      %dma_wait3A = arith.constant 0 : i32
      %dma_wait3A_45 = tpu.memref_slice %arg13[%arg0, %mul3A_40, %dma_wait3A] : memref<2x1024x128xf32, #tpu.memory_space<hbm>> -> memref<1x64x128xf32, #tpu.memory_space<hbm>>
      %dma_wait3A_46 = tpu.memref_squeeze %dma_wait3A_45 : memref<1x64x128xf32, #tpu.memory_space<hbm>> -> memref<64x128xf32, #tpu.memory_space<hbm>>
      %dma_wait3A_47 = arith.constant 0 : i32
      %dma_wait3A_48 = tpu.memref_slice %arg16[%mul3A_38, %dma_wait3A_47] : memref<1024x128xf32, #tpu.memory_space<vmem_shared>> -> memref<64x128xf32, #tpu.memory_space<vmem_shared>>
      tpu.wait_dma2 semaphore(%run_scoped3A : memref<!tpu.dma_semaphore, #tpu.memory_space<semaphore_mem>>) src(%dma_wait3A_48 : memref<64x128xf32, #tpu.memory_space<vmem_shared>>) dst(%dma_wait3A_46 : memref<64x128xf32, #tpu.memory_space<hbm>>)
      tpu.yield
    }) : () -> ()
    return
  }
}

#map = affine_map<(d0, d1) -> (0, 0)>
#map1 = affine_map<(d0, d1) -> (0, 0, 0)>
module attributes {stable_mosaic.version = 14 : i64} {
  func.func @_agg_body(%arg0: i32, %arg1: i32, %arg2: memref<20000x128xf32, #tpu.memory_space<hbm>>, %arg3: memref<2016x128xf32, #tpu.memory_space<hbm>>, %arg4: memref<16x10112xi32, #tpu.memory_space<hbm>>, %arg5: memref<16x79x128xi32, #tpu.memory_space<hbm>>, %arg6: memref<16x640xi32, #tpu.memory_space<hbm>>, %arg7: memref<16x5x128xi32, #tpu.memory_space<hbm>>, %arg8: memref<16x1024xi32, #tpu.memory_space<hbm>>, %arg9: memref<16x8x128xi32, #tpu.memory_space<hbm>>, %arg10: memref<10112x128xf32, #tpu.memory_space<hbm>>, %arg11: memref<2x10112x128xf32, #tpu.memory_space<hbm>>, %arg12: memref<2x1024x128xf32, #tpu.memory_space<hbm>>, %arg13: memref<2x1024x128xf32, #tpu.memory_space<hbm>>, %arg14: memref<10112x128xf32, #tpu.memory_space<vmem_shared>>, %arg15: memref<1024x128xf32, #tpu.memory_space<vmem_shared>>, %arg16: memref<1024x128xf32, #tpu.memory_space<vmem_shared>>, %arg17: memref<128xi32, #tpu.memory_space<vmem>>, %arg18: memref<128xi32, #tpu.memory_space<vmem>>, %arg19: memref<128xi32, #tpu.memory_space<vmem>>, %arg20: memref<128x128xf32, #tpu.memory_space<vmem>>, %arg21: memref<!tpu.dma_semaphore, #tpu.memory_space<semaphore_mem>>) attributes {dimension_semantics = [#tpu.dimension_semantics<core_parallel>, #tpu.dimension_semantics<subcore_parallel>], iteration_bounds = array<i64: 2, 16>, scalar_prefetch = 0 : i64, scratch_operands = 8 : i64, tpu.core_type = #tpu.core_type<sc_vector_subcore>, window_params = [{transform_indices = #map}, {transform_indices = #map}, {transform_indices = #map}, {transform_indices = #map1}, {transform_indices = #map}, {transform_indices = #map1}, {transform_indices = #map}, {transform_indices = #map1}, {transform_indices = #map}, {transform_indices = #map1}, {transform_indices = #map1}, {transform_indices = #map1}]} {
    %mul3A = arith.constant 632 : i32
    %mul3A_0 = arith.muli %arg1, %mul3A : i32
    %mul3A_1 = arith.constant 632 : i32
    %mul3A_2 = arith.muli %arg1, %mul3A_1 : i32
    "tpu.region"() ({
      %run_scoped3A = tpu.sem_alloc : memref<!tpu.dma_semaphore, #tpu.memory_space<semaphore_mem>>
      %dma_start3A = arith.constant 0 : i32
      %dma_start3A_41 = tpu.memref_slice %arg14[%mul3A_2, %dma_start3A] : memref<10112x128xf32, #tpu.memory_space<vmem_shared>> -> memref<632x128xf32, #tpu.memory_space<vmem_shared>>
      %dma_start3A_42 = arith.constant 0 : i32
      %dma_start3A_43 = tpu.memref_slice %arg10[%mul3A_0, %dma_start3A_42] : memref<10112x128xf32, #tpu.memory_space<hbm>> -> memref<632x128xf32, #tpu.memory_space<hbm>>
      tpu.enqueue_dma source(%dma_start3A_43 : memref<632x128xf32, #tpu.memory_space<hbm>>) target(%dma_start3A_41 : memref<632x128xf32, #tpu.memory_space<vmem_shared>>) target_semaphore(%run_scoped3A : memref<!tpu.dma_semaphore, #tpu.memory_space<semaphore_mem>>)
      %dma_wait3A = arith.constant 0 : i32
      %dma_wait3A_44 = tpu.memref_slice %arg14[%mul3A_2, %dma_wait3A] : memref<10112x128xf32, #tpu.memory_space<vmem_shared>> -> memref<632x128xf32, #tpu.memory_space<vmem_shared>>
      %dma_wait3A_45 = arith.constant 0 : i32
      %dma_wait3A_46 = tpu.memref_slice %arg10[%mul3A_0, %dma_wait3A_45] : memref<10112x128xf32, #tpu.memory_space<hbm>> -> memref<632x128xf32, #tpu.memory_space<hbm>>
      tpu.wait_dma2 semaphore(%run_scoped3A : memref<!tpu.dma_semaphore, #tpu.memory_space<semaphore_mem>>) src(%dma_wait3A_46 : memref<632x128xf32, #tpu.memory_space<hbm>>) dst(%dma_wait3A_44 : memref<632x128xf32, #tpu.memory_space<vmem_shared>>)
      tpu.yield
    }) : () -> ()
    %mul3A_3 = arith.constant 64 : i32
    %mul3A_4 = arith.muli %arg1, %mul3A_3 : i32
    %mul3A_5 = arith.constant 64 : i32
    %mul3A_6 = arith.muli %arg1, %mul3A_5 : i32
    "tpu.region"() ({
      %run_scoped3A = tpu.sem_alloc : memref<!tpu.dma_semaphore, #tpu.memory_space<semaphore_mem>>
      %dma_start3A = arith.constant 0 : i32
      %dma_start3A_41 = tpu.memref_slice %arg15[%mul3A_6, %dma_start3A] : memref<1024x128xf32, #tpu.memory_space<vmem_shared>> -> memref<64x128xf32, #tpu.memory_space<vmem_shared>>
      %dma_start3A_42 = arith.constant 0 : i32
      %dma_start3A_43 = tpu.memref_slice %arg10[%mul3A_4, %dma_start3A_42] : memref<10112x128xf32, #tpu.memory_space<hbm>> -> memref<64x128xf32, #tpu.memory_space<hbm>>
      tpu.enqueue_dma source(%dma_start3A_43 : memref<64x128xf32, #tpu.memory_space<hbm>>) target(%dma_start3A_41 : memref<64x128xf32, #tpu.memory_space<vmem_shared>>) target_semaphore(%run_scoped3A : memref<!tpu.dma_semaphore, #tpu.memory_space<semaphore_mem>>)
      %dma_wait3A = arith.constant 0 : i32
      %dma_wait3A_44 = tpu.memref_slice %arg15[%mul3A_6, %dma_wait3A] : memref<1024x128xf32, #tpu.memory_space<vmem_shared>> -> memref<64x128xf32, #tpu.memory_space<vmem_shared>>
      %dma_wait3A_45 = arith.constant 0 : i32
      %dma_wait3A_46 = tpu.memref_slice %arg10[%mul3A_4, %dma_wait3A_45] : memref<10112x128xf32, #tpu.memory_space<hbm>> -> memref<64x128xf32, #tpu.memory_space<hbm>>
      tpu.wait_dma2 semaphore(%run_scoped3A : memref<!tpu.dma_semaphore, #tpu.memory_space<semaphore_mem>>) src(%dma_wait3A_46 : memref<64x128xf32, #tpu.memory_space<hbm>>) dst(%dma_wait3A_44 : memref<64x128xf32, #tpu.memory_space<vmem_shared>>)
      tpu.yield
    }) : () -> ()
    %mul3A_7 = arith.constant 64 : i32
    %mul3A_8 = arith.muli %arg1, %mul3A_7 : i32
    %mul3A_9 = arith.constant 64 : i32
    %mul3A_10 = arith.muli %arg1, %mul3A_9 : i32
    "tpu.region"() ({
      %run_scoped3A = tpu.sem_alloc : memref<!tpu.dma_semaphore, #tpu.memory_space<semaphore_mem>>
      %dma_start3A = arith.constant 0 : i32
      %dma_start3A_41 = tpu.memref_slice %arg16[%mul3A_10, %dma_start3A] : memref<1024x128xf32, #tpu.memory_space<vmem_shared>> -> memref<64x128xf32, #tpu.memory_space<vmem_shared>>
      %dma_start3A_42 = arith.constant 0 : i32
      %dma_start3A_43 = tpu.memref_slice %arg10[%mul3A_8, %dma_start3A_42] : memref<10112x128xf32, #tpu.memory_space<hbm>> -> memref<64x128xf32, #tpu.memory_space<hbm>>
      tpu.enqueue_dma source(%dma_start3A_43 : memref<64x128xf32, #tpu.memory_space<hbm>>) target(%dma_start3A_41 : memref<64x128xf32, #tpu.memory_space<vmem_shared>>) target_semaphore(%run_scoped3A : memref<!tpu.dma_semaphore, #tpu.memory_space<semaphore_mem>>)
      %dma_wait3A = arith.constant 0 : i32
      %dma_wait3A_44 = tpu.memref_slice %arg16[%mul3A_10, %dma_wait3A] : memref<1024x128xf32, #tpu.memory_space<vmem_shared>> -> memref<64x128xf32, #tpu.memory_space<vmem_shared>>
      %dma_wait3A_45 = arith.constant 0 : i32
      %dma_wait3A_46 = tpu.memref_slice %arg10[%mul3A_8, %dma_wait3A_45] : memref<10112x128xf32, #tpu.memory_space<hbm>> -> memref<64x128xf32, #tpu.memory_space<hbm>>
      tpu.wait_dma2 semaphore(%run_scoped3A : memref<!tpu.dma_semaphore, #tpu.memory_space<semaphore_mem>>) src(%dma_wait3A_46 : memref<64x128xf32, #tpu.memory_space<hbm>>) dst(%dma_wait3A_44 : memref<64x128xf32, #tpu.memory_space<vmem_shared>>)
      tpu.yield
    }) : () -> ()
    %barrier3A = arith.constant 0 : index
    tpu.barrier barrier_id(%barrier3A)
    %scan3A = arith.constant 0 : i32
    %scan3A_11 = arith.constant 0 : i32
    %scan3A_12 = arith.constant 79 : i32
    %scan3A_13 = arith.addi %scan3A_11, %scan3A_12 : i32
    %scan3A_14 = arith.constant 1 : i32
    scf.for %scan3A_41 = %scan3A_11 to %scan3A_13 step %scan3A_14  : i32 {
      %mul3A_42 = arith.constant 128 : i32
      %mul3A_43 = arith.muli %scan3A_41, %mul3A_42 : i32
      "tpu.region"() ({
        %run_scoped3A = tpu.sem_alloc : memref<!tpu.dma_semaphore, #tpu.memory_space<semaphore_mem>>
        %dma_start3A_141 = tpu.memref_slice %arg4[%arg1, %mul3A_43] : memref<16x10112xi32, #tpu.memory_space<hbm>> -> memref<1x128xi32, #tpu.memory_space<hbm>>
        %dma_start3A_142 = tpu.memref_squeeze %dma_start3A_141 : memref<1x128xi32, #tpu.memory_space<hbm>> -> memref<128xi32, #tpu.memory_space<hbm>>
        %dma_start3A_143 = tpu.memref_slice %arg4[%arg1, %mul3A_43] : memref<16x10112xi32, #tpu.memory_space<hbm>> -> memref<1x128xi32, #tpu.memory_space<hbm>>
        %dma_start3A_144 = tpu.memref_squeeze %dma_start3A_143 : memref<1x128xi32, #tpu.memory_space<hbm>> -> memref<128xi32, #tpu.memory_space<hbm>>
        tpu.enqueue_dma source(%dma_start3A_144 : memref<128xi32, #tpu.memory_space<hbm>>) target(%arg17 : memref<128xi32, #tpu.memory_space<vmem>>) target_semaphore(%run_scoped3A : memref<!tpu.dma_semaphore, #tpu.memory_space<semaphore_mem>>)
        %dma_wait3A_145 = tpu.memref_slice %arg4[%arg1, %mul3A_43] : memref<16x10112xi32, #tpu.memory_space<hbm>> -> memref<1x128xi32, #tpu.memory_space<hbm>>
        %dma_wait3A_146 = tpu.memref_squeeze %dma_wait3A_145 : memref<1x128xi32, #tpu.memory_space<hbm>> -> memref<128xi32, #tpu.memory_space<hbm>>
        %dma_wait3A_147 = tpu.memref_slice %arg4[%arg1, %mul3A_43] : memref<16x10112xi32, #tpu.memory_space<hbm>> -> memref<1x128xi32, #tpu.memory_space<hbm>>
        %dma_wait3A_148 = tpu.memref_squeeze %dma_wait3A_147 : memref<1x128xi32, #tpu.memory_space<hbm>> -> memref<128xi32, #tpu.memory_space<hbm>>
        tpu.wait_dma2 semaphore(%run_scoped3A : memref<!tpu.dma_semaphore, #tpu.memory_space<semaphore_mem>>) src(%dma_wait3A_148 : memref<128xi32, #tpu.memory_space<hbm>>) dst(%arg17 : memref<128xi32, #tpu.memory_space<vmem>>)
        tpu.yield
      }) : () -> ()
      "tpu.region"() ({
        %run_scoped3A = tpu.sem_alloc : memref<!tpu.dma_semaphore, #tpu.memory_space<semaphore_mem>>
        %dma_start3A_141 = arith.constant 0 : i32
        %dma_start3A_142 = tpu.memref_slice %arg5[%arg1, %scan3A_41, %dma_start3A_141] : memref<16x79x128xi32, #tpu.memory_space<hbm>> -> memref<1x1x128xi32, #tpu.memory_space<hbm>>
        %dma_start3A_143 = tpu.memref_squeeze %dma_start3A_142 : memref<1x1x128xi32, #tpu.memory_space<hbm>> -> memref<128xi32, #tpu.memory_space<hbm>>
        %dma_start3A_144 = arith.constant 0 : i32
        %dma_start3A_145 = tpu.memref_slice %arg5[%arg1, %scan3A_41, %dma_start3A_144] : memref<16x79x128xi32, #tpu.memory_space<hbm>> -> memref<1x1x128xi32, #tpu.memory_space<hbm>>
        %dma_start3A_146 = tpu.memref_squeeze %dma_start3A_145 : memref<1x1x128xi32, #tpu.memory_space<hbm>> -> memref<128xi32, #tpu.memory_space<hbm>>
        tpu.enqueue_dma source(%dma_start3A_146 : memref<128xi32, #tpu.memory_space<hbm>>) target(%arg18 : memref<128xi32, #tpu.memory_space<vmem>>) target_semaphore(%run_scoped3A : memref<!tpu.dma_semaphore, #tpu.memory_space<semaphore_mem>>)
        %dma_wait3A_147 = arith.constant 0 : i32
        %dma_wait3A_148 = tpu.memref_slice %arg5[%arg1, %scan3A_41, %dma_wait3A_147] : memref<16x79x128xi32, #tpu.memory_space<hbm>> -> memref<1x1x128xi32, #tpu.memory_space<hbm>>
        %dma_wait3A_149 = tpu.memref_squeeze %dma_wait3A_148 : memref<1x1x128xi32, #tpu.memory_space<hbm>> -> memref<128xi32, #tpu.memory_space<hbm>>
        %dma_wait3A_150 = arith.constant 0 : i32
        %dma_wait3A_151 = tpu.memref_slice %arg5[%arg1, %scan3A_41, %dma_wait3A_150] : memref<16x79x128xi32, #tpu.memory_space<hbm>> -> memref<1x1x128xi32, #tpu.memory_space<hbm>>
        %dma_wait3A_152 = tpu.memref_squeeze %dma_wait3A_151 : memref<1x1x128xi32, #tpu.memory_space<hbm>> -> memref<128xi32, #tpu.memory_space<hbm>>
        tpu.wait_dma2 semaphore(%run_scoped3A : memref<!tpu.dma_semaphore, #tpu.memory_space<semaphore_mem>>) src(%dma_wait3A_152 : memref<128xi32, #tpu.memory_space<hbm>>) dst(%arg18 : memref<128xi32, #tpu.memory_space<vmem>>)
        tpu.yield
      }) : () -> ()
      %get3A = arith.constant 0 : index
      %get3A_44 = tpu.vector_load %arg17[%get3A] {strides = array<i32>} : memref<128xi32, #tpu.memory_space<vmem>>, vector<16xi32>,
      %get3A_45 = vector.shape_cast %get3A_44 : vector<16xi32> to vector<16xi32>
      %mul3A_46 = arith.constant 2 : i32
      %mul3A_47 = vector.broadcast %mul3A_46 : i32 to vector<16xi32>
      %mul3A_48 = arith.muli %get3A_45, %mul3A_47 : vector<16xi32>
      %add3A = vector.broadcast %arg0 : i32 to vector<16xi32>
      %add3A_49 = arith.addi %mul3A_48, %add3A : vector<16xi32>
      %swap3A = arith.constant 0 : index
      %swap3A_50 = tpu.vector_load %arg19[%swap3A] {strides = array<i32>} : memref<128xi32, #tpu.memory_space<vmem>>, vector<16xi32>,
      %swap3A_51 = vector.shape_cast %swap3A_50 : vector<16xi32> to vector<16xi32>
      %swap3A_52 = vector.shape_cast %add3A_49 : vector<16xi32> to vector<16xi32>
      tpu.vector_store %arg19[%swap3A], %swap3A_52 {strides = array<i32>} : memref<128xi32, #tpu.memory_space<vmem>>, vector<16xi32>,
      %get3A_53 = arith.constant 16 : index
      %get3A_54 = tpu.vector_load %arg17[%get3A_53] {strides = array<i32>} : memref<128xi32, #tpu.memory_space<vmem>>, vector<16xi32>,
      %get3A_55 = vector.shape_cast %get3A_54 : vector<16xi32> to vector<16xi32>
      %mul3A_56 = arith.constant 2 : i32
      %mul3A_57 = vector.broadcast %mul3A_56 : i32 to vector<16xi32>
      %mul3A_58 = arith.muli %get3A_55, %mul3A_57 : vector<16xi32>
      %add3A_59 = vector.broadcast %arg0 : i32 to vector<16xi32>
      %add3A_60 = arith.addi %mul3A_58, %add3A_59 : vector<16xi32>
      %swap3A_61 = arith.constant 16 : index
      %swap3A_62 = tpu.vector_load %arg19[%swap3A_61] {strides = array<i32>} : memref<128xi32, #tpu.memory_space<vmem>>, vector<16xi32>,
      %swap3A_63 = vector.shape_cast %swap3A_62 : vector<16xi32> to vector<16xi32>
      %swap3A_64 = vector.shape_cast %add3A_60 : vector<16xi32> to vector<16xi32>
      tpu.vector_store %arg19[%swap3A_61], %swap3A_64 {strides = array<i32>} : memref<128xi32, #tpu.memory_space<vmem>>, vector<16xi32>,
      %get3A_65 = arith.constant 32 : index
      %get3A_66 = tpu.vector_load %arg17[%get3A_65] {strides = array<i32>} : memref<128xi32, #tpu.memory_space<vmem>>, vector<16xi32>,
      %get3A_67 = vector.shape_cast %get3A_66 : vector<16xi32> to vector<16xi32>
      %mul3A_68 = arith.constant 2 : i32
      %mul3A_69 = vector.broadcast %mul3A_68 : i32 to vector<16xi32>
      %mul3A_70 = arith.muli %get3A_67, %mul3A_69 : vector<16xi32>
      %add3A_71 = vector.broadcast %arg0 : i32 to vector<16xi32>
      %add3A_72 = arith.addi %mul3A_70, %add3A_71 : vector<16xi32>
      %swap3A_73 = arith.constant 32 : index
      %swap3A_74 = tpu.vector_load %arg19[%swap3A_73] {strides = array<i32>} : memref<128xi32, #tpu.memory_space<vmem>>, vector<16xi32>,
      %swap3A_75 = vector.shape_cast %swap3A_74 : vector<16xi32> to vector<16xi32>
      %swap3A_76 = vector.shape_cast %add3A_72 : vector<16xi32> to vector<16xi32>
      tpu.vector_store %arg19[%swap3A_73], %swap3A_76 {strides = array<i32>} : memref<128xi32, #tpu.memory_space<vmem>>, vector<16xi32>,
      %get3A_77 = arith.constant 48 : index
      %get3A_78 = tpu.vector_load %arg17[%get3A_77] {strides = array<i32>} : memref<128xi32, #tpu.memory_space<vmem>>, vector<16xi32>,
      %get3A_79 = vector.shape_cast %get3A_78 : vector<16xi32> to vector<16xi32>
      %mul3A_80 = arith.constant 2 : i32
      %mul3A_81 = vector.broadcast %mul3A_80 : i32 to vector<16xi32>
      %mul3A_82 = arith.muli %get3A_79, %mul3A_81 : vector<16xi32>
      %add3A_83 = vector.broadcast %arg0 : i32 to vector<16xi32>
      %add3A_84 = arith.addi %mul3A_82, %add3A_83 : vector<16xi32>
      %swap3A_85 = arith.constant 48 : index
      %swap3A_86 = tpu.vector_load %arg19[%swap3A_85] {strides = array<i32>} : memref<128xi32, #tpu.memory_space<vmem>>, vector<16xi32>,
      %swap3A_87 = vector.shape_cast %swap3A_86 : vector<16xi32> to vector<16xi32>
      %swap3A_88 = vector.shape_cast %add3A_84 : vector<16xi32> to vector<16xi32>
      tpu.vector_store %arg19[%swap3A_85], %swap3A_88 {strides = array<i32>} : memref<128xi32, #tpu.memory_space<vmem>>, vector<16xi32>,
      %get3A_89 = arith.constant 64 : index
      %get3A_90 = tpu.vector_load %arg17[%get3A_89] {strides = array<i32>} : memref<128xi32, #tpu.memory_space<vmem>>, vector<16xi32>,
      %get3A_91 = vector.shape_cast %get3A_90 : vector<16xi32> to vector<16xi32>
      %mul3A_92 = arith.constant 2 : i32
      %mul3A_93 = vector.broadcast %mul3A_92 : i32 to vector<16xi32>
      %mul3A_94 = arith.muli %get3A_91, %mul3A_93 : vector<16xi32>
      %add3A_95 = vector.broadcast %arg0 : i32 to vector<16xi32>
      %add3A_96 = arith.addi %mul3A_94, %add3A_95 : vector<16xi32>
      %swap3A_97 = arith.constant 64 : index
      %swap3A_98 = tpu.vector_load %arg19[%swap3A_97] {strides = array<i32>} : memref<128xi32, #tpu.memory_space<vmem>>, vector<16xi32>,
      %swap3A_99 = vector.shape_cast %swap3A_98 : vector<16xi32> to vector<16xi32>
      %swap3A_100 = vector.shape_cast %add3A_96 : vector<16xi32> to vector<16xi32>
      tpu.vector_store %arg19[%swap3A_97], %swap3A_100 {strides = array<i32>} : memref<128xi32, #tpu.memory_space<vmem>>, vector<16xi32>,
      %get3A_101 = arith.constant 80 : index
      %get3A_102 = tpu.vector_load %arg17[%get3A_101] {strides = array<i32>} : memref<128xi32, #tpu.memory_space<vmem>>, vector<16xi32>,
      %get3A_103 = vector.shape_cast %get3A_102 : vector<16xi32> to vector<16xi32>
      %mul3A_104 = arith.constant 2 : i32
      %mul3A_105 = vector.broadcast %mul3A_104 : i32 to vector<16xi32>
      %mul3A_106 = arith.muli %get3A_103, %mul3A_105 : vector<16xi32>
      %add3A_107 = vector.broadcast %arg0 : i32 to vector<16xi32>
      %add3A_108 = arith.addi %mul3A_106, %add3A_107 : vector<16xi32>
      %swap3A_109 = arith.constant 80 : index
      %swap3A_110 = tpu.vector_load %arg19[%swap3A_109] {strides = array<i32>} : memref<128xi32, #tpu.memory_space<vmem>>, vector<16xi32>,
      %swap3A_111 = vector.shape_cast %swap3A_110 : vector<16xi32> to vector<16xi32>
      %swap3A_112 = vector.shape_cast %add3A_108 : vector<16xi32> to vector<16xi32>
      tpu.vector_store %arg19[%swap3A_109], %swap3A_112 {strides = array<i32>} : memref<128xi32, #tpu.memory_space<vmem>>, vector<16xi32>,
      %get3A_113 = arith.constant 96 : index
      %get3A_114 = tpu.vector_load %arg17[%get3A_113] {strides = array<i32>} : memref<128xi32, #tpu.memory_space<vmem>>, vector<16xi32>,
      %get3A_115 = vector.shape_cast %get3A_114 : vector<16xi32> to vector<16xi32>
      %mul3A_116 = arith.constant 2 : i32
      %mul3A_117 = vector.broadcast %mul3A_116 : i32 to vector<16xi32>
      %mul3A_118 = arith.muli %get3A_115, %mul3A_117 : vector<16xi32>
      %add3A_119 = vector.broadcast %arg0 : i32 to vector<16xi32>
      %add3A_120 = arith.addi %mul3A_118, %add3A_119 : vector<16xi32>
      %swap3A_121 = arith.constant 96 : index
      %swap3A_122 = tpu.vector_load %arg19[%swap3A_121] {strides = array<i32>} : memref<128xi32, #tpu.memory_space<vmem>>, vector<16xi32>,
      %swap3A_123 = vector.shape_cast %swap3A_122 : vector<16xi32> to vector<16xi32>
      %swap3A_124 = vector.shape_cast %add3A_120 : vector<16xi32> to vector<16xi32>
      tpu.vector_store %arg19[%swap3A_121], %swap3A_124 {strides = array<i32>} : memref<128xi32, #tpu.memory_space<vmem>>, vector<16xi32>,
      %get3A_125 = arith.constant 112 : index
      %get3A_126 = tpu.vector_load %arg17[%get3A_125] {strides = array<i32>} : memref<128xi32, #tpu.memory_space<vmem>>, vector<16xi32>,
      %get3A_127 = vector.shape_cast %get3A_126 : vector<16xi32> to vector<16xi32>
      %mul3A_128 = arith.constant 2 : i32
      %mul3A_129 = vector.broadcast %mul3A_128 : i32 to vector<16xi32>
      %mul3A_130 = arith.muli %get3A_127, %mul3A_129 : vector<16xi32>
      %add3A_131 = vector.broadcast %arg0 : i32 to vector<16xi32>
      %add3A_132 = arith.addi %mul3A_130, %add3A_131 : vector<16xi32>
      %swap3A_133 = arith.constant 112 : index
      %swap3A_134 = tpu.vector_load %arg19[%swap3A_133] {strides = array<i32>} : memref<128xi32, #tpu.memory_space<vmem>>, vector<16xi32>,
      %swap3A_135 = vector.shape_cast %swap3A_134 : vector<16xi32> to vector<16xi32>
      %swap3A_136 = vector.shape_cast %add3A_132 : vector<16xi32> to vector<16xi32>
      tpu.vector_store %arg19[%swap3A_133], %swap3A_136 {strides = array<i32>} : memref<128xi32, #tpu.memory_space<vmem>>, vector<16xi32>,
      %dma_start3A = arith.constant 0 : i32
      %dma_start3A_137 = arith.constant 0 : i32
      %dma_start3A_138 = tpu.memref_slice %arg2[%dma_start3A, %dma_start3A_137] : memref<20000x128xf32, #tpu.memory_space<hbm>> -> memref<20000x128xf32, #tpu.memory_space<hbm>>
      tpu.enqueue_indirect_dma source(%dma_start3A_138 : memref<20000x128xf32, #tpu.memory_space<hbm>>) target(%arg20 : memref<128x128xf32, #tpu.memory_space<vmem>>) offsets(%arg19 : memref<128xi32, #tpu.memory_space<vmem>>) semaphore(%arg21 : memref<!tpu.dma_semaphore, #tpu.memory_space<semaphore_mem>>)
      %dma_wait3A = arith.constant 0 : i32
      %dma_wait3A_139 = arith.constant 0 : i32
      %dma_wait3A_140 = tpu.memref_slice %arg2[%dma_wait3A, %dma_wait3A_139] : memref<20000x128xf32, #tpu.memory_space<hbm>> -> memref<20000x128xf32, #tpu.memory_space<hbm>>
      tpu.wait_indirect_dma semaphore(%arg21 : memref<!tpu.dma_semaphore, #tpu.memory_space<semaphore_mem>>) src(%dma_wait3A_140 : memref<20000x128xf32, #tpu.memory_space<hbm>>) dst(%arg20 : memref<128x128xf32, #tpu.memory_space<vmem>>)
      "tpu.region"() ({
        %run_scoped3A = tpu.sem_alloc : memref<!tpu.dma_semaphore, #tpu.memory_space<semaphore_mem>>
        %dma_start3A_141 = arith.constant 0 : i32
        %dma_start3A_142 = arith.constant 0 : i32
        %dma_start3A_143 = tpu.memref_slice %arg14[%dma_start3A_141, %dma_start3A_142] : memref<10112x128xf32, #tpu.memory_space<vmem_shared>> -> memref<10112x128xf32, #tpu.memory_space<vmem_shared>>
        tpu.enqueue_indirect_dma source(%arg20 : memref<128x128xf32, #tpu.memory_space<vmem>>) target(%dma_start3A_143 : memref<10112x128xf32, #tpu.memory_space<vmem_shared>>) offsets(%arg18 : memref<128xi32, #tpu.memory_space<vmem>>) semaphore(%run_scoped3A : memref<!tpu.dma_semaphore, #tpu.memory_space<semaphore_mem>>) {add = true}
        %dma_wait3A_144 = arith.constant 0 : i32
        %dma_wait3A_145 = arith.constant 0 : i32
        %dma_wait3A_146 = tpu.memref_slice %arg14[%dma_wait3A_144, %dma_wait3A_145] : memref<10112x128xf32, #tpu.memory_space<vmem_shared>> -> memref<10112x128xf32, #tpu.memory_space<vmem_shared>>
        tpu.wait_indirect_dma semaphore(%run_scoped3A : memref<!tpu.dma_semaphore, #tpu.memory_space<semaphore_mem>>) src(%arg20 : memref<128x128xf32, #tpu.memory_space<vmem>>) dst(%dma_wait3A_146 : memref<10112x128xf32, #tpu.memory_space<vmem_shared>>)
        tpu.yield
      }) : () -> ()
    }
    %scan3A_15 = arith.constant 79 : i32
    %scan3A_16 = arith.constant 0 : i32
    %scan3A_17 = arith.constant 0 : i32
    %scan3A_18 = arith.constant 5 : i32
    %scan3A_19 = arith.addi %scan3A_17, %scan3A_18 : i32
    %scan3A_20 = arith.constant 1 : i32
    scf.for %scan3A_41 = %scan3A_17 to %scan3A_19 step %scan3A_20  : i32 {
      %mul3A_42 = arith.constant 128 : i32
      %mul3A_43 = arith.muli %scan3A_41, %mul3A_42 : i32
      "tpu.region"() ({
        %run_scoped3A = tpu.sem_alloc : memref<!tpu.dma_semaphore, #tpu.memory_space<semaphore_mem>>
        %dma_start3A_141 = tpu.memref_slice %arg6[%arg1, %mul3A_43] : memref<16x640xi32, #tpu.memory_space<hbm>> -> memref<1x128xi32, #tpu.memory_space<hbm>>
        %dma_start3A_142 = tpu.memref_squeeze %dma_start3A_141 : memref<1x128xi32, #tpu.memory_space<hbm>> -> memref<128xi32, #tpu.memory_space<hbm>>
        %dma_start3A_143 = tpu.memref_slice %arg6[%arg1, %mul3A_43] : memref<16x640xi32, #tpu.memory_space<hbm>> -> memref<1x128xi32, #tpu.memory_space<hbm>>
        %dma_start3A_144 = tpu.memref_squeeze %dma_start3A_143 : memref<1x128xi32, #tpu.memory_space<hbm>> -> memref<128xi32, #tpu.memory_space<hbm>>
        tpu.enqueue_dma source(%dma_start3A_144 : memref<128xi32, #tpu.memory_space<hbm>>) target(%arg17 : memref<128xi32, #tpu.memory_space<vmem>>) target_semaphore(%run_scoped3A : memref<!tpu.dma_semaphore, #tpu.memory_space<semaphore_mem>>)
        %dma_wait3A_145 = tpu.memref_slice %arg6[%arg1, %mul3A_43] : memref<16x640xi32, #tpu.memory_space<hbm>> -> memref<1x128xi32, #tpu.memory_space<hbm>>
        %dma_wait3A_146 = tpu.memref_squeeze %dma_wait3A_145 : memref<1x128xi32, #tpu.memory_space<hbm>> -> memref<128xi32, #tpu.memory_space<hbm>>
        %dma_wait3A_147 = tpu.memref_slice %arg6[%arg1, %mul3A_43] : memref<16x640xi32, #tpu.memory_space<hbm>> -> memref<1x128xi32, #tpu.memory_space<hbm>>
        %dma_wait3A_148 = tpu.memref_squeeze %dma_wait3A_147 : memref<1x128xi32, #tpu.memory_space<hbm>> -> memref<128xi32, #tpu.memory_space<hbm>>
        tpu.wait_dma2 semaphore(%run_scoped3A : memref<!tpu.dma_semaphore, #tpu.memory_space<semaphore_mem>>) src(%dma_wait3A_148 : memref<128xi32, #tpu.memory_space<hbm>>) dst(%arg17 : memref<128xi32, #tpu.memory_space<vmem>>)
        tpu.yield
      }) : () -> ()
      "tpu.region"() ({
        %run_scoped3A = tpu.sem_alloc : memref<!tpu.dma_semaphore, #tpu.memory_space<semaphore_mem>>
        %dma_start3A_141 = arith.constant 0 : i32
        %dma_start3A_142 = tpu.memref_slice %arg7[%arg1, %scan3A_41, %dma_start3A_141] : memref<16x5x128xi32, #tpu.memory_space<hbm>> -> memref<1x1x128xi32, #tpu.memory_space<hbm>>
        %dma_start3A_143 = tpu.memref_squeeze %dma_start3A_142 : memref<1x1x128xi32, #tpu.memory_space<hbm>> -> memref<128xi32, #tpu.memory_space<hbm>>
        %dma_start3A_144 = arith.constant 0 : i32
        %dma_start3A_145 = tpu.memref_slice %arg7[%arg1, %scan3A_41, %dma_start3A_144] : memref<16x5x128xi32, #tpu.memory_space<hbm>> -> memref<1x1x128xi32, #tpu.memory_space<hbm>>
        %dma_start3A_146 = tpu.memref_squeeze %dma_start3A_145 : memref<1x1x128xi32, #tpu.memory_space<hbm>> -> memref<128xi32, #tpu.memory_space<hbm>>
        tpu.enqueue_dma source(%dma_start3A_146 : memref<128xi32, #tpu.memory_space<hbm>>) target(%arg18 : memref<128xi32, #tpu.memory_space<vmem>>) target_semaphore(%run_scoped3A : memref<!tpu.dma_semaphore, #tpu.memory_space<semaphore_mem>>)
        %dma_wait3A_147 = arith.constant 0 : i32
        %dma_wait3A_148 = tpu.memref_slice %arg7[%arg1, %scan3A_41, %dma_wait3A_147] : memref<16x5x128xi32, #tpu.memory_space<hbm>> -> memref<1x1x128xi32, #tpu.memory_space<hbm>>
        %dma_wait3A_149 = tpu.memref_squeeze %dma_wait3A_148 : memref<1x1x128xi32, #tpu.memory_space<hbm>> -> memref<128xi32, #tpu.memory_space<hbm>>
        %dma_wait3A_150 = arith.constant 0 : i32
        %dma_wait3A_151 = tpu.memref_slice %arg7[%arg1, %scan3A_41, %dma_wait3A_150] : memref<16x5x128xi32, #tpu.memory_space<hbm>> -> memref<1x1x128xi32, #tpu.memory_space<hbm>>
        %dma_wait3A_152 = tpu.memref_squeeze %dma_wait3A_151 : memref<1x1x128xi32, #tpu.memory_space<hbm>> -> memref<128xi32, #tpu.memory_space<hbm>>
        tpu.wait_dma2 semaphore(%run_scoped3A : memref<!tpu.dma_semaphore, #tpu.memory_space<semaphore_mem>>) src(%dma_wait3A_152 : memref<128xi32, #tpu.memory_space<hbm>>) dst(%arg18 : memref<128xi32, #tpu.memory_space<vmem>>)
        tpu.yield
      }) : () -> ()
      %get3A = arith.constant 0 : index
      %get3A_44 = tpu.vector_load %arg17[%get3A] {strides = array<i32>} : memref<128xi32, #tpu.memory_space<vmem>>, vector<16xi32>,
      %get3A_45 = vector.shape_cast %get3A_44 : vector<16xi32> to vector<16xi32>
      %mul3A_46 = arith.constant 2 : i32
      %mul3A_47 = vector.broadcast %mul3A_46 : i32 to vector<16xi32>
      %mul3A_48 = arith.muli %get3A_45, %mul3A_47 : vector<16xi32>
      %add3A = vector.broadcast %arg0 : i32 to vector<16xi32>
      %add3A_49 = arith.addi %mul3A_48, %add3A : vector<16xi32>
      %swap3A = arith.constant 0 : index
      %swap3A_50 = tpu.vector_load %arg19[%swap3A] {strides = array<i32>} : memref<128xi32, #tpu.memory_space<vmem>>, vector<16xi32>,
      %swap3A_51 = vector.shape_cast %swap3A_50 : vector<16xi32> to vector<16xi32>
      %swap3A_52 = vector.shape_cast %add3A_49 : vector<16xi32> to vector<16xi32>
      tpu.vector_store %arg19[%swap3A], %swap3A_52 {strides = array<i32>} : memref<128xi32, #tpu.memory_space<vmem>>, vector<16xi32>,
      %get3A_53 = arith.constant 16 : index
      %get3A_54 = tpu.vector_load %arg17[%get3A_53] {strides = array<i32>} : memref<128xi32, #tpu.memory_space<vmem>>, vector<16xi32>,
      %get3A_55 = vector.shape_cast %get3A_54 : vector<16xi32> to vector<16xi32>
      %mul3A_56 = arith.constant 2 : i32
      %mul3A_57 = vector.broadcast %mul3A_56 : i32 to vector<16xi32>
      %mul3A_58 = arith.muli %get3A_55, %mul3A_57 : vector<16xi32>
      %add3A_59 = vector.broadcast %arg0 : i32 to vector<16xi32>
      %add3A_60 = arith.addi %mul3A_58, %add3A_59 : vector<16xi32>
      %swap3A_61 = arith.constant 16 : index
      %swap3A_62 = tpu.vector_load %arg19[%swap3A_61] {strides = array<i32>} : memref<128xi32, #tpu.memory_space<vmem>>, vector<16xi32>,
      %swap3A_63 = vector.shape_cast %swap3A_62 : vector<16xi32> to vector<16xi32>
      %swap3A_64 = vector.shape_cast %add3A_60 : vector<16xi32> to vector<16xi32>
      tpu.vector_store %arg19[%swap3A_61], %swap3A_64 {strides = array<i32>} : memref<128xi32, #tpu.memory_space<vmem>>, vector<16xi32>,
      %get3A_65 = arith.constant 32 : index
      %get3A_66 = tpu.vector_load %arg17[%get3A_65] {strides = array<i32>} : memref<128xi32, #tpu.memory_space<vmem>>, vector<16xi32>,
      %get3A_67 = vector.shape_cast %get3A_66 : vector<16xi32> to vector<16xi32>
      %mul3A_68 = arith.constant 2 : i32
      %mul3A_69 = vector.broadcast %mul3A_68 : i32 to vector<16xi32>
      %mul3A_70 = arith.muli %get3A_67, %mul3A_69 : vector<16xi32>
      %add3A_71 = vector.broadcast %arg0 : i32 to vector<16xi32>
      %add3A_72 = arith.addi %mul3A_70, %add3A_71 : vector<16xi32>
      %swap3A_73 = arith.constant 32 : index
      %swap3A_74 = tpu.vector_load %arg19[%swap3A_73] {strides = array<i32>} : memref<128xi32, #tpu.memory_space<vmem>>, vector<16xi32>,
      %swap3A_75 = vector.shape_cast %swap3A_74 : vector<16xi32> to vector<16xi32>
      %swap3A_76 = vector.shape_cast %add3A_72 : vector<16xi32> to vector<16xi32>
      tpu.vector_store %arg19[%swap3A_73], %swap3A_76 {strides = array<i32>} : memref<128xi32, #tpu.memory_space<vmem>>, vector<16xi32>,
      %get3A_77 = arith.constant 48 : index
      %get3A_78 = tpu.vector_load %arg17[%get3A_77] {strides = array<i32>} : memref<128xi32, #tpu.memory_space<vmem>>, vector<16xi32>,
      %get3A_79 = vector.shape_cast %get3A_78 : vector<16xi32> to vector<16xi32>
      %mul3A_80 = arith.constant 2 : i32
      %mul3A_81 = vector.broadcast %mul3A_80 : i32 to vector<16xi32>
      %mul3A_82 = arith.muli %get3A_79, %mul3A_81 : vector<16xi32>
      %add3A_83 = vector.broadcast %arg0 : i32 to vector<16xi32>
      %add3A_84 = arith.addi %mul3A_82, %add3A_83 : vector<16xi32>
      %swap3A_85 = arith.constant 48 : index
      %swap3A_86 = tpu.vector_load %arg19[%swap3A_85] {strides = array<i32>} : memref<128xi32, #tpu.memory_space<vmem>>, vector<16xi32>,
      %swap3A_87 = vector.shape_cast %swap3A_86 : vector<16xi32> to vector<16xi32>
      %swap3A_88 = vector.shape_cast %add3A_84 : vector<16xi32> to vector<16xi32>
      tpu.vector_store %arg19[%swap3A_85], %swap3A_88 {strides = array<i32>} : memref<128xi32, #tpu.memory_space<vmem>>, vector<16xi32>,
      %get3A_89 = arith.constant 64 : index
      %get3A_90 = tpu.vector_load %arg17[%get3A_89] {strides = array<i32>} : memref<128xi32, #tpu.memory_space<vmem>>, vector<16xi32>,
      %get3A_91 = vector.shape_cast %get3A_90 : vector<16xi32> to vector<16xi32>
      %mul3A_92 = arith.constant 2 : i32
      %mul3A_93 = vector.broadcast %mul3A_92 : i32 to vector<16xi32>
      %mul3A_94 = arith.muli %get3A_91, %mul3A_93 : vector<16xi32>
      %add3A_95 = vector.broadcast %arg0 : i32 to vector<16xi32>
      %add3A_96 = arith.addi %mul3A_94, %add3A_95 : vector<16xi32>
      %swap3A_97 = arith.constant 64 : index
      %swap3A_98 = tpu.vector_load %arg19[%swap3A_97] {strides = array<i32>} : memref<128xi32, #tpu.memory_space<vmem>>, vector<16xi32>,
      %swap3A_99 = vector.shape_cast %swap3A_98 : vector<16xi32> to vector<16xi32>
      %swap3A_100 = vector.shape_cast %add3A_96 : vector<16xi32> to vector<16xi32>
      tpu.vector_store %arg19[%swap3A_97], %swap3A_100 {strides = array<i32>} : memref<128xi32, #tpu.memory_space<vmem>>, vector<16xi32>,
      %get3A_101 = arith.constant 80 : index
      %get3A_102 = tpu.vector_load %arg17[%get3A_101] {strides = array<i32>} : memref<128xi32, #tpu.memory_space<vmem>>, vector<16xi32>,
      %get3A_103 = vector.shape_cast %get3A_102 : vector<16xi32> to vector<16xi32>
      %mul3A_104 = arith.constant 2 : i32
      %mul3A_105 = vector.broadcast %mul3A_104 : i32 to vector<16xi32>
      %mul3A_106 = arith.muli %get3A_103, %mul3A_105 : vector<16xi32>
      %add3A_107 = vector.broadcast %arg0 : i32 to vector<16xi32>
      %add3A_108 = arith.addi %mul3A_106, %add3A_107 : vector<16xi32>
      %swap3A_109 = arith.constant 80 : index
      %swap3A_110 = tpu.vector_load %arg19[%swap3A_109] {strides = array<i32>} : memref<128xi32, #tpu.memory_space<vmem>>, vector<16xi32>,
      %swap3A_111 = vector.shape_cast %swap3A_110 : vector<16xi32> to vector<16xi32>
      %swap3A_112 = vector.shape_cast %add3A_108 : vector<16xi32> to vector<16xi32>
      tpu.vector_store %arg19[%swap3A_109], %swap3A_112 {strides = array<i32>} : memref<128xi32, #tpu.memory_space<vmem>>, vector<16xi32>,
      %get3A_113 = arith.constant 96 : index
      %get3A_114 = tpu.vector_load %arg17[%get3A_113] {strides = array<i32>} : memref<128xi32, #tpu.memory_space<vmem>>, vector<16xi32>,
      %get3A_115 = vector.shape_cast %get3A_114 : vector<16xi32> to vector<16xi32>
      %mul3A_116 = arith.constant 2 : i32
      %mul3A_117 = vector.broadcast %mul3A_116 : i32 to vector<16xi32>
      %mul3A_118 = arith.muli %get3A_115, %mul3A_117 : vector<16xi32>
      %add3A_119 = vector.broadcast %arg0 : i32 to vector<16xi32>
      %add3A_120 = arith.addi %mul3A_118, %add3A_119 : vector<16xi32>
      %swap3A_121 = arith.constant 96 : index
      %swap3A_122 = tpu.vector_load %arg19[%swap3A_121] {strides = array<i32>} : memref<128xi32, #tpu.memory_space<vmem>>, vector<16xi32>,
      %swap3A_123 = vector.shape_cast %swap3A_122 : vector<16xi32> to vector<16xi32>
      %swap3A_124 = vector.shape_cast %add3A_120 : vector<16xi32> to vector<16xi32>
      tpu.vector_store %arg19[%swap3A_121], %swap3A_124 {strides = array<i32>} : memref<128xi32, #tpu.memory_space<vmem>>, vector<16xi32>,
      %get3A_125 = arith.constant 112 : index
      %get3A_126 = tpu.vector_load %arg17[%get3A_125] {strides = array<i32>} : memref<128xi32, #tpu.memory_space<vmem>>, vector<16xi32>,
      %get3A_127 = vector.shape_cast %get3A_126 : vector<16xi32> to vector<16xi32>
      %mul3A_128 = arith.constant 2 : i32
      %mul3A_129 = vector.broadcast %mul3A_128 : i32 to vector<16xi32>
      %mul3A_130 = arith.muli %get3A_127, %mul3A_129 : vector<16xi32>
      %add3A_131 = vector.broadcast %arg0 : i32 to vector<16xi32>
      %add3A_132 = arith.addi %mul3A_130, %add3A_131 : vector<16xi32>
      %swap3A_133 = arith.constant 112 : index
      %swap3A_134 = tpu.vector_load %arg19[%swap3A_133] {strides = array<i32>} : memref<128xi32, #tpu.memory_space<vmem>>, vector<16xi32>,
      %swap3A_135 = vector.shape_cast %swap3A_134 : vector<16xi32> to vector<16xi32>
      %swap3A_136 = vector.shape_cast %add3A_132 : vector<16xi32> to vector<16xi32>
      tpu.vector_store %arg19[%swap3A_133], %swap3A_136 {strides = array<i32>} : memref<128xi32, #tpu.memory_space<vmem>>, vector<16xi32>,
      %dma_start3A = arith.constant 0 : i32
      %dma_start3A_137 = arith.constant 0 : i32
      %dma_start3A_138 = tpu.memref_slice %arg2[%dma_start3A, %dma_start3A_137] : memref<20000x128xf32, #tpu.memory_space<hbm>> -> memref<20000x128xf32, #tpu.memory_space<hbm>>
      tpu.enqueue_indirect_dma source(%dma_start3A_138 : memref<20000x128xf32, #tpu.memory_space<hbm>>) target(%arg20 : memref<128x128xf32, #tpu.memory_space<vmem>>) offsets(%arg19 : memref<128xi32, #tpu.memory_space<vmem>>) semaphore(%arg21 : memref<!tpu.dma_semaphore, #tpu.memory_space<semaphore_mem>>)
      %dma_wait3A = arith.constant 0 : i32
      %dma_wait3A_139 = arith.constant 0 : i32
      %dma_wait3A_140 = tpu.memref_slice %arg2[%dma_wait3A, %dma_wait3A_139] : memref<20000x128xf32, #tpu.memory_space<hbm>> -> memref<20000x128xf32, #tpu.memory_space<hbm>>
      tpu.wait_indirect_dma semaphore(%arg21 : memref<!tpu.dma_semaphore, #tpu.memory_space<semaphore_mem>>) src(%dma_wait3A_140 : memref<20000x128xf32, #tpu.memory_space<hbm>>) dst(%arg20 : memref<128x128xf32, #tpu.memory_space<vmem>>)
      "tpu.region"() ({
        %run_scoped3A = tpu.sem_alloc : memref<!tpu.dma_semaphore, #tpu.memory_space<semaphore_mem>>
        %dma_start3A_141 = arith.constant 0 : i32
        %dma_start3A_142 = arith.constant 0 : i32
        %dma_start3A_143 = tpu.memref_slice %arg15[%dma_start3A_141, %dma_start3A_142] : memref<1024x128xf32, #tpu.memory_space<vmem_shared>> -> memref<1024x128xf32, #tpu.memory_space<vmem_shared>>
        tpu.enqueue_indirect_dma source(%arg20 : memref<128x128xf32, #tpu.memory_space<vmem>>) target(%dma_start3A_143 : memref<1024x128xf32, #tpu.memory_space<vmem_shared>>) offsets(%arg18 : memref<128xi32, #tpu.memory_space<vmem>>) semaphore(%run_scoped3A : memref<!tpu.dma_semaphore, #tpu.memory_space<semaphore_mem>>) {add = true}
        %dma_wait3A_144 = arith.constant 0 : i32
        %dma_wait3A_145 = arith.constant 0 : i32
        %dma_wait3A_146 = tpu.memref_slice %arg15[%dma_wait3A_144, %dma_wait3A_145] : memref<1024x128xf32, #tpu.memory_space<vmem_shared>> -> memref<1024x128xf32, #tpu.memory_space<vmem_shared>>
        tpu.wait_indirect_dma semaphore(%run_scoped3A : memref<!tpu.dma_semaphore, #tpu.memory_space<semaphore_mem>>) src(%arg20 : memref<128x128xf32, #tpu.memory_space<vmem>>) dst(%dma_wait3A_146 : memref<1024x128xf32, #tpu.memory_space<vmem_shared>>)
        tpu.yield
      }) : () -> ()
    }
    %scan3A_21 = arith.constant 5 : i32
    %scan3A_22 = arith.constant 0 : i32
    %scan3A_23 = arith.constant 0 : i32
    %scan3A_24 = arith.constant 8 : i32
    %scan3A_25 = arith.addi %scan3A_23, %scan3A_24 : i32
    %scan3A_26 = arith.constant 1 : i32
    scf.for %scan3A_41 = %scan3A_23 to %scan3A_25 step %scan3A_26  : i32 {
      %mul3A_42 = arith.constant 128 : i32
      %mul3A_43 = arith.muli %scan3A_41, %mul3A_42 : i32
      "tpu.region"() ({
        %run_scoped3A = tpu.sem_alloc : memref<!tpu.dma_semaphore, #tpu.memory_space<semaphore_mem>>
        %dma_start3A_141 = tpu.memref_slice %arg8[%arg1, %mul3A_43] : memref<16x1024xi32, #tpu.memory_space<hbm>> -> memref<1x128xi32, #tpu.memory_space<hbm>>
        %dma_start3A_142 = tpu.memref_squeeze %dma_start3A_141 : memref<1x128xi32, #tpu.memory_space<hbm>> -> memref<128xi32, #tpu.memory_space<hbm>>
        %dma_start3A_143 = tpu.memref_slice %arg8[%arg1, %mul3A_43] : memref<16x1024xi32, #tpu.memory_space<hbm>> -> memref<1x128xi32, #tpu.memory_space<hbm>>
        %dma_start3A_144 = tpu.memref_squeeze %dma_start3A_143 : memref<1x128xi32, #tpu.memory_space<hbm>> -> memref<128xi32, #tpu.memory_space<hbm>>
        tpu.enqueue_dma source(%dma_start3A_144 : memref<128xi32, #tpu.memory_space<hbm>>) target(%arg17 : memref<128xi32, #tpu.memory_space<vmem>>) target_semaphore(%run_scoped3A : memref<!tpu.dma_semaphore, #tpu.memory_space<semaphore_mem>>)
        %dma_wait3A_145 = tpu.memref_slice %arg8[%arg1, %mul3A_43] : memref<16x1024xi32, #tpu.memory_space<hbm>> -> memref<1x128xi32, #tpu.memory_space<hbm>>
        %dma_wait3A_146 = tpu.memref_squeeze %dma_wait3A_145 : memref<1x128xi32, #tpu.memory_space<hbm>> -> memref<128xi32, #tpu.memory_space<hbm>>
        %dma_wait3A_147 = tpu.memref_slice %arg8[%arg1, %mul3A_43] : memref<16x1024xi32, #tpu.memory_space<hbm>> -> memref<1x128xi32, #tpu.memory_space<hbm>>
        %dma_wait3A_148 = tpu.memref_squeeze %dma_wait3A_147 : memref<1x128xi32, #tpu.memory_space<hbm>> -> memref<128xi32, #tpu.memory_space<hbm>>
        tpu.wait_dma2 semaphore(%run_scoped3A : memref<!tpu.dma_semaphore, #tpu.memory_space<semaphore_mem>>) src(%dma_wait3A_148 : memref<128xi32, #tpu.memory_space<hbm>>) dst(%arg17 : memref<128xi32, #tpu.memory_space<vmem>>)
        tpu.yield
      }) : () -> ()
      "tpu.region"() ({
        %run_scoped3A = tpu.sem_alloc : memref<!tpu.dma_semaphore, #tpu.memory_space<semaphore_mem>>
        %dma_start3A_141 = arith.constant 0 : i32
        %dma_start3A_142 = tpu.memref_slice %arg9[%arg1, %scan3A_41, %dma_start3A_141] : memref<16x8x128xi32, #tpu.memory_space<hbm>> -> memref<1x1x128xi32, #tpu.memory_space<hbm>>
        %dma_start3A_143 = tpu.memref_squeeze %dma_start3A_142 : memref<1x1x128xi32, #tpu.memory_space<hbm>> -> memref<128xi32, #tpu.memory_space<hbm>>
        %dma_start3A_144 = arith.constant 0 : i32
        %dma_start3A_145 = tpu.memref_slice %arg9[%arg1, %scan3A_41, %dma_start3A_144] : memref<16x8x128xi32, #tpu.memory_space<hbm>> -> memref<1x1x128xi32, #tpu.memory_space<hbm>>
        %dma_start3A_146 = tpu.memref_squeeze %dma_start3A_145 : memref<1x1x128xi32, #tpu.memory_space<hbm>> -> memref<128xi32, #tpu.memory_space<hbm>>
        tpu.enqueue_dma source(%dma_start3A_146 : memref<128xi32, #tpu.memory_space<hbm>>) target(%arg18 : memref<128xi32, #tpu.memory_space<vmem>>) target_semaphore(%run_scoped3A : memref<!tpu.dma_semaphore, #tpu.memory_space<semaphore_mem>>)
        %dma_wait3A_147 = arith.constant 0 : i32
        %dma_wait3A_148 = tpu.memref_slice %arg9[%arg1, %scan3A_41, %dma_wait3A_147] : memref<16x8x128xi32, #tpu.memory_space<hbm>> -> memref<1x1x128xi32, #tpu.memory_space<hbm>>
        %dma_wait3A_149 = tpu.memref_squeeze %dma_wait3A_148 : memref<1x1x128xi32, #tpu.memory_space<hbm>> -> memref<128xi32, #tpu.memory_space<hbm>>
        %dma_wait3A_150 = arith.constant 0 : i32
        %dma_wait3A_151 = tpu.memref_slice %arg9[%arg1, %scan3A_41, %dma_wait3A_150] : memref<16x8x128xi32, #tpu.memory_space<hbm>> -> memref<1x1x128xi32, #tpu.memory_space<hbm>>
        %dma_wait3A_152 = tpu.memref_squeeze %dma_wait3A_151 : memref<1x1x128xi32, #tpu.memory_space<hbm>> -> memref<128xi32, #tpu.memory_space<hbm>>
        tpu.wait_dma2 semaphore(%run_scoped3A : memref<!tpu.dma_semaphore, #tpu.memory_space<semaphore_mem>>) src(%dma_wait3A_152 : memref<128xi32, #tpu.memory_space<hbm>>) dst(%arg18 : memref<128xi32, #tpu.memory_space<vmem>>)
        tpu.yield
      }) : () -> ()
      %get3A = arith.constant 0 : index
      %get3A_44 = tpu.vector_load %arg17[%get3A] {strides = array<i32>} : memref<128xi32, #tpu.memory_space<vmem>>, vector<16xi32>,
      %get3A_45 = vector.shape_cast %get3A_44 : vector<16xi32> to vector<16xi32>
      %mul3A_46 = arith.constant 2 : i32
      %mul3A_47 = vector.broadcast %mul3A_46 : i32 to vector<16xi32>
      %mul3A_48 = arith.muli %get3A_45, %mul3A_47 : vector<16xi32>
      %add3A = vector.broadcast %arg0 : i32 to vector<16xi32>
      %add3A_49 = arith.addi %mul3A_48, %add3A : vector<16xi32>
      %swap3A = arith.constant 0 : index
      %swap3A_50 = tpu.vector_load %arg19[%swap3A] {strides = array<i32>} : memref<128xi32, #tpu.memory_space<vmem>>, vector<16xi32>,
      %swap3A_51 = vector.shape_cast %swap3A_50 : vector<16xi32> to vector<16xi32>
      %swap3A_52 = vector.shape_cast %add3A_49 : vector<16xi32> to vector<16xi32>
      tpu.vector_store %arg19[%swap3A], %swap3A_52 {strides = array<i32>} : memref<128xi32, #tpu.memory_space<vmem>>, vector<16xi32>,
      %get3A_53 = arith.constant 16 : index
      %get3A_54 = tpu.vector_load %arg17[%get3A_53] {strides = array<i32>} : memref<128xi32, #tpu.memory_space<vmem>>, vector<16xi32>,
      %get3A_55 = vector.shape_cast %get3A_54 : vector<16xi32> to vector<16xi32>
      %mul3A_56 = arith.constant 2 : i32
      %mul3A_57 = vector.broadcast %mul3A_56 : i32 to vector<16xi32>
      %mul3A_58 = arith.muli %get3A_55, %mul3A_57 : vector<16xi32>
      %add3A_59 = vector.broadcast %arg0 : i32 to vector<16xi32>
      %add3A_60 = arith.addi %mul3A_58, %add3A_59 : vector<16xi32>
      %swap3A_61 = arith.constant 16 : index
      %swap3A_62 = tpu.vector_load %arg19[%swap3A_61] {strides = array<i32>} : memref<128xi32, #tpu.memory_space<vmem>>, vector<16xi32>,
      %swap3A_63 = vector.shape_cast %swap3A_62 : vector<16xi32> to vector<16xi32>
      %swap3A_64 = vector.shape_cast %add3A_60 : vector<16xi32> to vector<16xi32>
      tpu.vector_store %arg19[%swap3A_61], %swap3A_64 {strides = array<i32>} : memref<128xi32, #tpu.memory_space<vmem>>, vector<16xi32>,
      %get3A_65 = arith.constant 32 : index
      %get3A_66 = tpu.vector_load %arg17[%get3A_65] {strides = array<i32>} : memref<128xi32, #tpu.memory_space<vmem>>, vector<16xi32>,
      %get3A_67 = vector.shape_cast %get3A_66 : vector<16xi32> to vector<16xi32>
      %mul3A_68 = arith.constant 2 : i32
      %mul3A_69 = vector.broadcast %mul3A_68 : i32 to vector<16xi32>
      %mul3A_70 = arith.muli %get3A_67, %mul3A_69 : vector<16xi32>
      %add3A_71 = vector.broadcast %arg0 : i32 to vector<16xi32>
      %add3A_72 = arith.addi %mul3A_70, %add3A_71 : vector<16xi32>
      %swap3A_73 = arith.constant 32 : index
      %swap3A_74 = tpu.vector_load %arg19[%swap3A_73] {strides = array<i32>} : memref<128xi32, #tpu.memory_space<vmem>>, vector<16xi32>,
      %swap3A_75 = vector.shape_cast %swap3A_74 : vector<16xi32> to vector<16xi32>
      %swap3A_76 = vector.shape_cast %add3A_72 : vector<16xi32> to vector<16xi32>
      tpu.vector_store %arg19[%swap3A_73], %swap3A_76 {strides = array<i32>} : memref<128xi32, #tpu.memory_space<vmem>>, vector<16xi32>,
      %get3A_77 = arith.constant 48 : index
      %get3A_78 = tpu.vector_load %arg17[%get3A_77] {strides = array<i32>} : memref<128xi32, #tpu.memory_space<vmem>>, vector<16xi32>,
      %get3A_79 = vector.shape_cast %get3A_78 : vector<16xi32> to vector<16xi32>
      %mul3A_80 = arith.constant 2 : i32
      %mul3A_81 = vector.broadcast %mul3A_80 : i32 to vector<16xi32>
      %mul3A_82 = arith.muli %get3A_79, %mul3A_81 : vector<16xi32>
      %add3A_83 = vector.broadcast %arg0 : i32 to vector<16xi32>
      %add3A_84 = arith.addi %mul3A_82, %add3A_83 : vector<16xi32>
      %swap3A_85 = arith.constant 48 : index
      %swap3A_86 = tpu.vector_load %arg19[%swap3A_85] {strides = array<i32>} : memref<128xi32, #tpu.memory_space<vmem>>, vector<16xi32>,
      %swap3A_87 = vector.shape_cast %swap3A_86 : vector<16xi32> to vector<16xi32>
      %swap3A_88 = vector.shape_cast %add3A_84 : vector<16xi32> to vector<16xi32>
      tpu.vector_store %arg19[%swap3A_85], %swap3A_88 {strides = array<i32>} : memref<128xi32, #tpu.memory_space<vmem>>, vector<16xi32>,
      %get3A_89 = arith.constant 64 : index
      %get3A_90 = tpu.vector_load %arg17[%get3A_89] {strides = array<i32>} : memref<128xi32, #tpu.memory_space<vmem>>, vector<16xi32>,
      %get3A_91 = vector.shape_cast %get3A_90 : vector<16xi32> to vector<16xi32>
      %mul3A_92 = arith.constant 2 : i32
      %mul3A_93 = vector.broadcast %mul3A_92 : i32 to vector<16xi32>
      %mul3A_94 = arith.muli %get3A_91, %mul3A_93 : vector<16xi32>
      %add3A_95 = vector.broadcast %arg0 : i32 to vector<16xi32>
      %add3A_96 = arith.addi %mul3A_94, %add3A_95 : vector<16xi32>
      %swap3A_97 = arith.constant 64 : index
      %swap3A_98 = tpu.vector_load %arg19[%swap3A_97] {strides = array<i32>} : memref<128xi32, #tpu.memory_space<vmem>>, vector<16xi32>,
      %swap3A_99 = vector.shape_cast %swap3A_98 : vector<16xi32> to vector<16xi32>
      %swap3A_100 = vector.shape_cast %add3A_96 : vector<16xi32> to vector<16xi32>
      tpu.vector_store %arg19[%swap3A_97], %swap3A_100 {strides = array<i32>} : memref<128xi32, #tpu.memory_space<vmem>>, vector<16xi32>,
      %get3A_101 = arith.constant 80 : index
      %get3A_102 = tpu.vector_load %arg17[%get3A_101] {strides = array<i32>} : memref<128xi32, #tpu.memory_space<vmem>>, vector<16xi32>,
      %get3A_103 = vector.shape_cast %get3A_102 : vector<16xi32> to vector<16xi32>
      %mul3A_104 = arith.constant 2 : i32
      %mul3A_105 = vector.broadcast %mul3A_104 : i32 to vector<16xi32>
      %mul3A_106 = arith.muli %get3A_103, %mul3A_105 : vector<16xi32>
      %add3A_107 = vector.broadcast %arg0 : i32 to vector<16xi32>
      %add3A_108 = arith.addi %mul3A_106, %add3A_107 : vector<16xi32>
      %swap3A_109 = arith.constant 80 : index
      %swap3A_110 = tpu.vector_load %arg19[%swap3A_109] {strides = array<i32>} : memref<128xi32, #tpu.memory_space<vmem>>, vector<16xi32>,
      %swap3A_111 = vector.shape_cast %swap3A_110 : vector<16xi32> to vector<16xi32>
      %swap3A_112 = vector.shape_cast %add3A_108 : vector<16xi32> to vector<16xi32>
      tpu.vector_store %arg19[%swap3A_109], %swap3A_112 {strides = array<i32>} : memref<128xi32, #tpu.memory_space<vmem>>, vector<16xi32>,
      %get3A_113 = arith.constant 96 : index
      %get3A_114 = tpu.vector_load %arg17[%get3A_113] {strides = array<i32>} : memref<128xi32, #tpu.memory_space<vmem>>, vector<16xi32>,
      %get3A_115 = vector.shape_cast %get3A_114 : vector<16xi32> to vector<16xi32>
      %mul3A_116 = arith.constant 2 : i32
      %mul3A_117 = vector.broadcast %mul3A_116 : i32 to vector<16xi32>
      %mul3A_118 = arith.muli %get3A_115, %mul3A_117 : vector<16xi32>
      %add3A_119 = vector.broadcast %arg0 : i32 to vector<16xi32>
      %add3A_120 = arith.addi %mul3A_118, %add3A_119 : vector<16xi32>
      %swap3A_121 = arith.constant 96 : index
      %swap3A_122 = tpu.vector_load %arg19[%swap3A_121] {strides = array<i32>} : memref<128xi32, #tpu.memory_space<vmem>>, vector<16xi32>,
      %swap3A_123 = vector.shape_cast %swap3A_122 : vector<16xi32> to vector<16xi32>
      %swap3A_124 = vector.shape_cast %add3A_120 : vector<16xi32> to vector<16xi32>
      tpu.vector_store %arg19[%swap3A_121], %swap3A_124 {strides = array<i32>} : memref<128xi32, #tpu.memory_space<vmem>>, vector<16xi32>,
      %get3A_125 = arith.constant 112 : index
      %get3A_126 = tpu.vector_load %arg17[%get3A_125] {strides = array<i32>} : memref<128xi32, #tpu.memory_space<vmem>>, vector<16xi32>,
      %get3A_127 = vector.shape_cast %get3A_126 : vector<16xi32> to vector<16xi32>
      %mul3A_128 = arith.constant 2 : i32
      %mul3A_129 = vector.broadcast %mul3A_128 : i32 to vector<16xi32>
      %mul3A_130 = arith.muli %get3A_127, %mul3A_129 : vector<16xi32>
      %add3A_131 = vector.broadcast %arg0 : i32 to vector<16xi32>
      %add3A_132 = arith.addi %mul3A_130, %add3A_131 : vector<16xi32>
      %swap3A_133 = arith.constant 112 : index
      %swap3A_134 = tpu.vector_load %arg19[%swap3A_133] {strides = array<i32>} : memref<128xi32, #tpu.memory_space<vmem>>, vector<16xi32>,
      %swap3A_135 = vector.shape_cast %swap3A_134 : vector<16xi32> to vector<16xi32>
      %swap3A_136 = vector.shape_cast %add3A_132 : vector<16xi32> to vector<16xi32>
      tpu.vector_store %arg19[%swap3A_133], %swap3A_136 {strides = array<i32>} : memref<128xi32, #tpu.memory_space<vmem>>, vector<16xi32>,
      %dma_start3A = arith.constant 0 : i32
      %dma_start3A_137 = arith.constant 0 : i32
      %dma_start3A_138 = tpu.memref_slice %arg3[%dma_start3A, %dma_start3A_137] : memref<2016x128xf32, #tpu.memory_space<hbm>> -> memref<2016x128xf32, #tpu.memory_space<hbm>>
      tpu.enqueue_indirect_dma source(%dma_start3A_138 : memref<2016x128xf32, #tpu.memory_space<hbm>>) target(%arg20 : memref<128x128xf32, #tpu.memory_space<vmem>>) offsets(%arg19 : memref<128xi32, #tpu.memory_space<vmem>>) semaphore(%arg21 : memref<!tpu.dma_semaphore, #tpu.memory_space<semaphore_mem>>)
      %dma_wait3A = arith.constant 0 : i32
      %dma_wait3A_139 = arith.constant 0 : i32
      %dma_wait3A_140 = tpu.memref_slice %arg3[%dma_wait3A, %dma_wait3A_139] : memref<2016x128xf32, #tpu.memory_space<hbm>> -> memref<2016x128xf32, #tpu.memory_space<hbm>>
      tpu.wait_indirect_dma semaphore(%arg21 : memref<!tpu.dma_semaphore, #tpu.memory_space<semaphore_mem>>) src(%dma_wait3A_140 : memref<2016x128xf32, #tpu.memory_space<hbm>>) dst(%arg20 : memref<128x128xf32, #tpu.memory_space<vmem>>)
      "tpu.region"() ({
        %run_scoped3A = tpu.sem_alloc : memref<!tpu.dma_semaphore, #tpu.memory_space<semaphore_mem>>
        %dma_start3A_141 = arith.constant 0 : i32
        %dma_start3A_142 = arith.constant 0 : i32
        %dma_start3A_143 = tpu.memref_slice %arg16[%dma_start3A_141, %dma_start3A_142] : memref<1024x128xf32, #tpu.memory_space<vmem_shared>> -> memref<1024x128xf32, #tpu.memory_space<vmem_shared>>
        tpu.enqueue_indirect_dma source(%arg20 : memref<128x128xf32, #tpu.memory_space<vmem>>) target(%dma_start3A_143 : memref<1024x128xf32, #tpu.memory_space<vmem_shared>>) offsets(%arg18 : memref<128xi32, #tpu.memory_space<vmem>>) semaphore(%run_scoped3A : memref<!tpu.dma_semaphore, #tpu.memory_space<semaphore_mem>>) {add = true}
        %dma_wait3A_144 = arith.constant 0 : i32
        %dma_wait3A_145 = arith.constant 0 : i32
        %dma_wait3A_146 = tpu.memref_slice %arg16[%dma_wait3A_144, %dma_wait3A_145] : memref<1024x128xf32, #tpu.memory_space<vmem_shared>> -> memref<1024x128xf32, #tpu.memory_space<vmem_shared>>
        tpu.wait_indirect_dma semaphore(%run_scoped3A : memref<!tpu.dma_semaphore, #tpu.memory_space<semaphore_mem>>) src(%arg20 : memref<128x128xf32, #tpu.memory_space<vmem>>) dst(%dma_wait3A_146 : memref<1024x128xf32, #tpu.memory_space<vmem_shared>>)
        tpu.yield
      }) : () -> ()
    }
    %scan3A_27 = arith.constant 8 : i32
    %barrier3A_28 = arith.constant 0 : index
    tpu.barrier barrier_id(%barrier3A_28)
    %mul3A_29 = arith.constant 632 : i32
    %mul3A_30 = arith.muli %arg1, %mul3A_29 : i32
    %mul3A_31 = arith.constant 632 : i32
    %mul3A_32 = arith.muli %arg1, %mul3A_31 : i32
    "tpu.region"() ({
      %run_scoped3A = tpu.sem_alloc : memref<!tpu.dma_semaphore, #tpu.memory_space<semaphore_mem>>
      %dma_start3A = arith.constant 0 : i32
      %dma_start3A_41 = tpu.memref_slice %arg11[%arg0, %mul3A_32, %dma_start3A] : memref<2x10112x128xf32, #tpu.memory_space<hbm>> -> memref<1x632x128xf32, #tpu.memory_space<hbm>>
      %dma_start3A_42 = tpu.memref_squeeze %dma_start3A_41 : memref<1x632x128xf32, #tpu.memory_space<hbm>> -> memref<632x128xf32, #tpu.memory_space<hbm>>
      %dma_start3A_43 = arith.constant 0 : i32
      %dma_start3A_44 = tpu.memref_slice %arg14[%mul3A_30, %dma_start3A_43] : memref<10112x128xf32, #tpu.memory_space<vmem_shared>> -> memref<632x128xf32, #tpu.memory_space<vmem_shared>>
      tpu.enqueue_dma source(%dma_start3A_44 : memref<632x128xf32, #tpu.memory_space<vmem_shared>>) target(%dma_start3A_42 : memref<632x128xf32, #tpu.memory_space<hbm>>) target_semaphore(%run_scoped3A : memref<!tpu.dma_semaphore, #tpu.memory_space<semaphore_mem>>)
      %dma_wait3A = arith.constant 0 : i32
      %dma_wait3A_45 = tpu.memref_slice %arg11[%arg0, %mul3A_32, %dma_wait3A] : memref<2x10112x128xf32, #tpu.memory_space<hbm>> -> memref<1x632x128xf32, #tpu.memory_space<hbm>>
      %dma_wait3A_46 = tpu.memref_squeeze %dma_wait3A_45 : memref<1x632x128xf32, #tpu.memory_space<hbm>> -> memref<632x128xf32, #tpu.memory_space<hbm>>
      %dma_wait3A_47 = arith.constant 0 : i32
      %dma_wait3A_48 = tpu.memref_slice %arg14[%mul3A_30, %dma_wait3A_47] : memref<10112x128xf32, #tpu.memory_space<vmem_shared>> -> memref<632x128xf32, #tpu.memory_space<vmem_shared>>
      tpu.wait_dma2 semaphore(%run_scoped3A : memref<!tpu.dma_semaphore, #tpu.memory_space<semaphore_mem>>) src(%dma_wait3A_48 : memref<632x128xf32, #tpu.memory_space<vmem_shared>>) dst(%dma_wait3A_46 : memref<632x128xf32, #tpu.memory_space<hbm>>)
      tpu.yield
    }) : () -> ()
    %mul3A_33 = arith.constant 64 : i32
    %mul3A_34 = arith.muli %arg1, %mul3A_33 : i32
    %mul3A_35 = arith.constant 64 : i32
    %mul3A_36 = arith.muli %arg1, %mul3A_35 : i32
    "tpu.region"() ({
      %run_scoped3A = tpu.sem_alloc : memref<!tpu.dma_semaphore, #tpu.memory_space<semaphore_mem>>
      %dma_start3A = arith.constant 0 : i32
      %dma_start3A_41 = tpu.memref_slice %arg12[%arg0, %mul3A_36, %dma_start3A] : memref<2x1024x128xf32, #tpu.memory_space<hbm>> -> memref<1x64x128xf32, #tpu.memory_space<hbm>>
      %dma_start3A_42 = tpu.memref_squeeze %dma_start3A_41 : memref<1x64x128xf32, #tpu.memory_space<hbm>> -> memref<64x128xf32, #tpu.memory_space<hbm>>
      %dma_start3A_43 = arith.constant 0 : i32
      %dma_start3A_44 = tpu.memref_slice %arg15[%mul3A_34, %dma_start3A_43] : memref<1024x128xf32, #tpu.memory_space<vmem_shared>> -> memref<64x128xf32, #tpu.memory_space<vmem_shared>>
      tpu.enqueue_dma source(%dma_start3A_44 : memref<64x128xf32, #tpu.memory_space<vmem_shared>>) target(%dma_start3A_42 : memref<64x128xf32, #tpu.memory_space<hbm>>) target_semaphore(%run_scoped3A : memref<!tpu.dma_semaphore, #tpu.memory_space<semaphore_mem>>)
      %dma_wait3A = arith.constant 0 : i32
      %dma_wait3A_45 = tpu.memref_slice %arg12[%arg0, %mul3A_36, %dma_wait3A] : memref<2x1024x128xf32, #tpu.memory_space<hbm>> -> memref<1x64x128xf32, #tpu.memory_space<hbm>>
      %dma_wait3A_46 = tpu.memref_squeeze %dma_wait3A_45 : memref<1x64x128xf32, #tpu.memory_space<hbm>> -> memref<64x128xf32, #tpu.memory_space<hbm>>
      %dma_wait3A_47 = arith.constant 0 : i32
      %dma_wait3A_48 = tpu.memref_slice %arg15[%mul3A_34, %dma_wait3A_47] : memref<1024x128xf32, #tpu.memory_space<vmem_shared>> -> memref<64x128xf32, #tpu.memory_space<vmem_shared>>
      tpu.wait_dma2 semaphore(%run_scoped3A : memref<!tpu.dma_semaphore, #tpu.memory_space<semaphore_mem>>) src(%dma_wait3A_48 : memref<64x128xf32, #tpu.memory_space<vmem_shared>>) dst(%dma_wait3A_46 : memref<64x128xf32, #tpu.memory_space<hbm>>)
      tpu.yield
    }) : () -> ()
    %mul3A_37 = arith.constant 64 : i32
    %mul3A_38 = arith.muli %arg1, %mul3A_37 : i32
    %mul3A_39 = arith.constant 64 : i32
    %mul3A_40 = arith.muli %arg1, %mul3A_39 : i32
    "tpu.region"() ({
      %run_scoped3A = tpu.sem_alloc : memref<!tpu.dma_semaphore, #tpu.memory_space<semaphore_mem>>
      %dma_start3A = arith.constant 0 : i32
      %dma_start3A_41 = tpu.memref_slice %arg13[%arg0, %mul3A_40, %dma_start3A] : memref<2x1024x128xf32, #tpu.memory_space<hbm>> -> memref<1x64x128xf32, #tpu.memory_space<hbm>>
      %dma_start3A_42 = tpu.memref_squeeze %dma_start3A_41 : memref<1x64x128xf32, #tpu.memory_space<hbm>> -> memref<64x128xf32, #tpu.memory_space<hbm>>
      %dma_start3A_43 = arith.constant 0 : i32
      %dma_start3A_44 = tpu.memref_slice %arg16[%mul3A_38, %dma_start3A_43] : memref<1024x128xf32, #tpu.memory_space<vmem_shared>> -> memref<64x128xf32, #tpu.memory_space<vmem_shared>>
      tpu.enqueue_dma source(%dma_start3A_44 : memref<64x128xf32, #tpu.memory_space<vmem_shared>>) target(%dma_start3A_42 : memref<64x128xf32, #tpu.memory_space<hbm>>) target_semaphore(%run_scoped3A : memref<!tpu.dma_semaphore, #tpu.memory_space<semaphore_mem>>)
      %dma_wait3A = arith.constant 0 : i32
      %dma_wait3A_45 = tpu.memref_slice %arg13[%arg0, %mul3A_40, %dma_wait3A] : memref<2x1024x128xf32, #tpu.memory_space<hbm>> -> memref<1x64x128xf32, #tpu.memory_space<hbm>>
      %dma_wait3A_46 = tpu.memref_squeeze %dma_wait3A_45 : memref<1x64x128xf32, #tpu.memory_space<hbm>> -> memref<64x128xf32, #tpu.memory_space<hbm>>
      %dma_wait3A_47 = arith.constant 0 : i32
      %dma_wait3A_48 = tpu.memref_slice %arg16[%mul3A_38, %dma_wait3A_47] : memref<1024x128xf32, #tpu.memory_space<vmem_shared>> -> memref<64x128xf32, #tpu.memory_space<vmem_shared>>
      tpu.wait_dma2 semaphore(%run_scoped3A : memref<!tpu.dma_semaphore, #tpu.memory_space<semaphore_mem>>) src(%dma_wait3A_48 : memref<64x128xf32, #tpu.memory_space<vmem_shared>>) dst(%dma_wait3A_46 : memref<64x128xf32, #tpu.memory_space<hbm>>)
      tpu.yield
    }) : () -> ()
    return
  }
}

module attributes {stable_mosaic.version = 14 : i64} {
  func.func @_tcv_body(%arg0: memref<1008x256xf32, #tpu.memory_space<vmem>>, %arg1: memref<1008x128xf32, #tpu.memory_space<vmem>>, %arg2: memref<1008x128xf32, #tpu.memory_space<vmem>>, %arg3: memref<1008x128xf32, #tpu.memory_space<vmem>>, %arg4: memref<1008x128xf32, #tpu.memory_space<vmem>>, %arg5: memref<1008x128xf32, #tpu.memory_space<vmem>>, %arg6: memref<1008x128xf32, #tpu.memory_space<vmem>>, %arg7: memref<256x256xf32, #tpu.memory_space<vmem>>, %arg8: memref<256x256xf32, #tpu.memory_space<vmem>>, %arg9: memref<256x256xf32, #tpu.memory_space<vmem>>, %arg10: memref<256x256xf32, #tpu.memory_space<vmem>>, %arg11: memref<1x256xf32, #tpu.memory_space<vmem>>, %arg12: memref<1x256xf32, #tpu.memory_space<vmem>>, %arg13: memref<1008x256xf32, #tpu.memory_space<vmem>>) attributes {dimension_semantics = [], scalar_prefetch = 0 : i64, scratch_operands = 0 : i64, tpu.core_type = #tpu.core_type<tc>} {
    %get3A = arith.constant 0 : index
    %get3A_0 = arith.constant 0 : index
    %get3A_1 = vector.load %arg5[%get3A, %get3A_0] : memref<1008x128xf32, #tpu.memory_space<vmem>>, vector<1008x1xf32>
    %max3A = arith.constant 1.000000e+00 : f32
    %max3A_2 = vector.broadcast %max3A : f32 to vector<1008x1xf32>
    %max3A_3 = arith.maximumf %get3A_1, %max3A_2 : vector<1008x1xf32>
    %div3A = arith.constant 1.000000e+00 : f32
    %div3A_4 = vector.broadcast %div3A : f32 to vector<1008x1xf32>
    %div3A_5 = arith.divf %div3A_4, %max3A_3 : vector<1008x1xf32>
    %get3A_6 = arith.constant 0 : index
    %get3A_7 = arith.constant 0 : index
    %get3A_8 = vector.load %arg6[%get3A_6, %get3A_7] : memref<1008x128xf32, #tpu.memory_space<vmem>>, vector<1008x1xf32>
    %max3A_9 = arith.constant 1.000000e+00 : f32
    %max3A_10 = vector.broadcast %max3A_9 : f32 to vector<1008x1xf32>
    %max3A_11 = arith.maximumf %get3A_8, %max3A_10 : vector<1008x1xf32>
    %div3A_12 = arith.constant 1.000000e+00 : f32
    %div3A_13 = vector.broadcast %div3A_12 : f32 to vector<1008x1xf32>
    %div3A_14 = arith.divf %div3A_13, %max3A_11 : vector<1008x1xf32>
    %get3A_15 = arith.constant 0 : index
    %get3A_16 = arith.constant 0 : index
    %get3A_17 = vector.load %arg0[%get3A_15, %get3A_16] : memref<1008x256xf32, #tpu.memory_space<vmem>>, vector<1008x256xf32>
    %get3A_18 = arith.constant 0 : index
    %get3A_19 = arith.constant 0 : index
    %get3A_20 = vector.load %arg8[%get3A_18, %get3A_19] : memref<256x256xf32, #tpu.memory_space<vmem>>, vector<256x256xf32>
    %get3A_21 = arith.constant 0 : index
    %get3A_22 = arith.constant 0 : index
    %get3A_23 = vector.load %arg10[%get3A_21, %get3A_22] : memref<256x256xf32, #tpu.memory_space<vmem>>, vector<256x256xf32>
    %get3A_24 = arith.constant 0 : index
    %get3A_25 = arith.constant 0 : index
    %get3A_26 = vector.load %arg7[%get3A_24, %get3A_25] : memref<256x256xf32, #tpu.memory_space<vmem>>, vector<256x256xf32>
    %dot_general3A = arith.constant dense<0.000000e+00> : vector<1008x256xf32>
    %dot_general3A_27 = tpu.matmul %get3A_17, %get3A_26, %dot_general3A {dimension_numbers = #tpu.dot_dimension_numbers<[1], [0], [0], [1], [0, 0, 1, 1], [], []>, transpose_lhs_hint = false} : vector<1008x256xf32>, vector<256x256xf32>, vector<1008x256xf32> -> vector<1008x256xf32>
    %get3A_28 = arith.constant 0 : index
    %get3A_29 = arith.constant 0 : index
    %get3A_30 = vector.load %arg9[%get3A_28, %get3A_29] : memref<256x256xf32, #tpu.memory_space<vmem>>, vector<256x256xf32>
    %dot_general3A_31 = arith.constant dense<0.000000e+00> : vector<1008x256xf32>
    %dot_general3A_32 = tpu.matmul %get3A_17, %get3A_30, %dot_general3A_31 {dimension_numbers = #tpu.dot_dimension_numbers<[1], [0], [0], [1], [0, 0, 1, 1], [], []>, transpose_lhs_hint = false} : vector<1008x256xf32>, vector<256x256xf32>, vector<1008x256xf32> -> vector<1008x256xf32>
    %add3A = arith.addf %dot_general3A_27, %dot_general3A_32 : vector<1008x256xf32>
    %get3A_33 = arith.constant 0 : index
    %get3A_34 = arith.constant 0 : index
    %get3A_35 = vector.load %arg1[%get3A_33, %get3A_34] : memref<1008x128xf32, #tpu.memory_space<vmem>>, vector<1008x128xf32>
    %mul3A = vector.broadcast %div3A_5 : vector<1008x1xf32> to vector<1008x128xf32>
    %mul3A_36 = arith.mulf %get3A_35, %mul3A : vector<1008x128xf32>
    %slice3A = vector.extract_strided_slice %get3A_20 {offsets = [0, 0], sizes = [128, 256], strides = [1, 1]} : vector<256x256xf32> to vector<128x256xf32>
    %dot_general3A_37 = arith.constant dense<0.000000e+00> : vector<1008x256xf32>
    %dot_general3A_38 = tpu.matmul %mul3A_36, %slice3A, %dot_general3A_37 {dimension_numbers = #tpu.dot_dimension_numbers<[1], [0], [0], [1], [0, 0, 1, 1], [], []>, transpose_lhs_hint = false} : vector<1008x128xf32>, vector<128x256xf32>, vector<1008x256xf32> -> vector<1008x256xf32>
    %add3A_39 = arith.addf %add3A, %dot_general3A_38 : vector<1008x256xf32>
    %get3A_40 = arith.constant 0 : index
    %get3A_41 = arith.constant 0 : index
    %get3A_42 = vector.load %arg2[%get3A_40, %get3A_41] : memref<1008x128xf32, #tpu.memory_space<vmem>>, vector<1008x128xf32>
    %mul3A_43 = vector.broadcast %div3A_5 : vector<1008x1xf32> to vector<1008x128xf32>
    %mul3A_44 = arith.mulf %get3A_42, %mul3A_43 : vector<1008x128xf32>
    %slice3A_45 = vector.extract_strided_slice %get3A_20 {offsets = [128, 0], sizes = [128, 256], strides = [1, 1]} : vector<256x256xf32> to vector<128x256xf32>
    %dot_general3A_46 = arith.constant dense<0.000000e+00> : vector<1008x256xf32>
    %dot_general3A_47 = tpu.matmul %mul3A_44, %slice3A_45, %dot_general3A_46 {dimension_numbers = #tpu.dot_dimension_numbers<[1], [0], [0], [1], [0, 0, 1, 1], [], []>, transpose_lhs_hint = false} : vector<1008x128xf32>, vector<128x256xf32>, vector<1008x256xf32> -> vector<1008x256xf32>
    %add3A_48 = arith.addf %add3A_39, %dot_general3A_47 : vector<1008x256xf32>
    %get3A_49 = arith.constant 0 : index
    %get3A_50 = arith.constant 0 : index
    %get3A_51 = vector.load %arg3[%get3A_49, %get3A_50] : memref<1008x128xf32, #tpu.memory_space<vmem>>, vector<1008x128xf32>
    %mul3A_52 = vector.broadcast %div3A_14 : vector<1008x1xf32> to vector<1008x128xf32>
    %mul3A_53 = arith.mulf %get3A_51, %mul3A_52 : vector<1008x128xf32>
    %slice3A_54 = vector.extract_strided_slice %get3A_23 {offsets = [0, 0], sizes = [128, 256], strides = [1, 1]} : vector<256x256xf32> to vector<128x256xf32>
    %dot_general3A_55 = arith.constant dense<0.000000e+00> : vector<1008x256xf32>
    %dot_general3A_56 = tpu.matmul %mul3A_53, %slice3A_54, %dot_general3A_55 {dimension_numbers = #tpu.dot_dimension_numbers<[1], [0], [0], [1], [0, 0, 1, 1], [], []>, transpose_lhs_hint = false} : vector<1008x128xf32>, vector<128x256xf32>, vector<1008x256xf32> -> vector<1008x256xf32>
    %add3A_57 = arith.addf %add3A_48, %dot_general3A_56 : vector<1008x256xf32>
    %get3A_58 = arith.constant 0 : index
    %get3A_59 = arith.constant 0 : index
    %get3A_60 = vector.load %arg4[%get3A_58, %get3A_59] : memref<1008x128xf32, #tpu.memory_space<vmem>>, vector<1008x128xf32>
    %mul3A_61 = vector.broadcast %div3A_14 : vector<1008x1xf32> to vector<1008x128xf32>
    %mul3A_62 = arith.mulf %get3A_60, %mul3A_61 : vector<1008x128xf32>
    %slice3A_63 = vector.extract_strided_slice %get3A_23 {offsets = [128, 0], sizes = [128, 256], strides = [1, 1]} : vector<256x256xf32> to vector<128x256xf32>
    %dot_general3A_64 = arith.constant dense<0.000000e+00> : vector<1008x256xf32>
    %dot_general3A_65 = tpu.matmul %mul3A_62, %slice3A_63, %dot_general3A_64 {dimension_numbers = #tpu.dot_dimension_numbers<[1], [0], [0], [1], [0, 0, 1, 1], [], []>, transpose_lhs_hint = false} : vector<1008x128xf32>, vector<128x256xf32>, vector<1008x256xf32> -> vector<1008x256xf32>
    %add3A_66 = arith.addf %add3A_57, %dot_general3A_65 : vector<1008x256xf32>
    %get3A_67 = arith.constant 0 : index
    %get3A_68 = arith.constant 0 : index
    %get3A_69 = vector.load %arg11[%get3A_67, %get3A_68] : memref<1x256xf32, #tpu.memory_space<vmem>>, vector<1x256xf32>
    %add3A_70 = vector.broadcast %get3A_69 : vector<1x256xf32> to vector<1008x256xf32>
    %add3A_71 = arith.addf %add3A_66, %add3A_70 : vector<1008x256xf32>
    %get3A_72 = arith.constant 0 : index
    %get3A_73 = arith.constant 0 : index
    %get3A_74 = vector.load %arg12[%get3A_72, %get3A_73] : memref<1x256xf32, #tpu.memory_space<vmem>>, vector<1x256xf32>
    %add3A_75 = vector.broadcast %get3A_74 : vector<1x256xf32> to vector<1008x256xf32>
    %add3A_76 = arith.addf %add3A_71, %add3A_75 : vector<1008x256xf32>
    %max3A_77 = arith.constant 0.000000e+00 : f32
    %max3A_78 = vector.broadcast %max3A_77 : f32 to vector<1008x256xf32>
    %max3A_79 = arith.maximumf %add3A_76, %max3A_78 : vector<1008x256xf32>
    %swap3A = arith.constant 0 : index
    %swap3A_80 = arith.constant 0 : index
    %swap3A_81 = vector.load %arg13[%swap3A, %swap3A_80] : memref<1008x256xf32, #tpu.memory_space<vmem>>, vector<1008x256xf32>
    tpu.vector_store %arg13[%swap3A, %swap3A_80], %max3A_79 {strides = array<i32>} : memref<1008x256xf32, #tpu.memory_space<vmem>>, vector<1008x256xf32>,
    return
  }
}

module attributes {stable_mosaic.version = 14 : i64} {
  func.func @_tcl_body(%arg0: i32, %arg1: memref<1000x256xf32, #tpu.memory_space<vmem>>, %arg2: memref<1000x128xf32, #tpu.memory_space<vmem>>, %arg3: memref<1000x128xf32, #tpu.memory_space<vmem>>, %arg4: memref<1000x128xf32, #tpu.memory_space<vmem>>, %arg5: memref<256x256xf32, #tpu.memory_space<vmem>>, %arg6: memref<256x256xf32, #tpu.memory_space<vmem>>, %arg7: memref<1x256xf32, #tpu.memory_space<vmem>>, %arg8: memref<1000x256xf32, #tpu.memory_space<vmem>>) attributes {dimension_semantics = [#tpu.dimension_semantics<arbitrary>], iteration_bounds = array<i64: 10>, scalar_prefetch = 0 : i64, scratch_operands = 0 : i64, tpu.core_type = #tpu.core_type<tc>, window_params = [{transform_indices = @transform_0, window_bounds = array<i64: 1000, 256>}, {transform_indices = @transform_1, window_bounds = array<i64: 1000, 128>}, {transform_indices = @transform_2, window_bounds = array<i64: 1000, 128>}, {transform_indices = @transform_3, window_bounds = array<i64: 1000, 128>}, {pipeline_mode = #tpu.pipeline_mode<synchronous>, transform_indices = @transform_4, window_bounds = array<i64: 256, 256>}, {pipeline_mode = #tpu.pipeline_mode<synchronous>, transform_indices = @transform_5, window_bounds = array<i64: 256, 256>}, {pipeline_mode = #tpu.pipeline_mode<synchronous>, transform_indices = @transform_6, window_bounds = array<i64: 1, 256>}, {transform_indices = @transform_7, window_bounds = array<i64: 1000, 256>}]} {
    %get3A = arith.constant 0 : index
    %get3A_0 = arith.constant 0 : index
    %get3A_1 = vector.load %arg4[%get3A, %get3A_0] : memref<1000x128xf32, #tpu.memory_space<vmem>>, vector<1000x1xf32>
    %max3A = arith.constant 1.000000e+00 : f32
    %max3A_2 = vector.broadcast %max3A : f32 to vector<1000x1xf32>
    %max3A_3 = arith.maximumf %get3A_1, %max3A_2 : vector<1000x1xf32>
    %div3A = arith.constant 1.000000e+00 : f32
    %div3A_4 = vector.broadcast %div3A : f32 to vector<1000x1xf32>
    %div3A_5 = arith.divf %div3A_4, %max3A_3 : vector<1000x1xf32>
    %get3A_6 = arith.constant 0 : index
    %get3A_7 = arith.constant 0 : index
    %get3A_8 = vector.load %arg6[%get3A_6, %get3A_7] : memref<256x256xf32, #tpu.memory_space<vmem>>, vector<256x256xf32>
    %get3A_9 = arith.constant 0 : index
    %get3A_10 = arith.constant 0 : index
    %get3A_11 = vector.load %arg1[%get3A_9, %get3A_10] : memref<1000x256xf32, #tpu.memory_space<vmem>>, vector<1000x256xf32>
    %get3A_12 = arith.constant 0 : index
    %get3A_13 = arith.constant 0 : index
    %get3A_14 = vector.load %arg5[%get3A_12, %get3A_13] : memref<256x256xf32, #tpu.memory_space<vmem>>, vector<256x256xf32>
    %dot_general3A = arith.constant dense<0.000000e+00> : vector<1000x256xf32>
    %dot_general3A_15 = tpu.matmul %get3A_11, %get3A_14, %dot_general3A {dimension_numbers = #tpu.dot_dimension_numbers<[1], [0], [0], [1], [0, 0, 1, 1], [], []>, transpose_lhs_hint = false} : vector<1000x256xf32>, vector<256x256xf32>, vector<1000x256xf32> -> vector<1000x256xf32>
    %get3A_16 = arith.constant 0 : index
    %get3A_17 = arith.constant 0 : index
    %get3A_18 = vector.load %arg2[%get3A_16, %get3A_17] : memref<1000x128xf32, #tpu.memory_space<vmem>>, vector<1000x128xf32>
    %mul3A = vector.broadcast %div3A_5 : vector<1000x1xf32> to vector<1000x128xf32>
    %mul3A_19 = arith.mulf %get3A_18, %mul3A : vector<1000x128xf32>
    %slice3A = vector.extract_strided_slice %get3A_8 {offsets = [0, 0], sizes = [128, 256], strides = [1, 1]} : vector<256x256xf32> to vector<128x256xf32>
    %dot_general3A_20 = arith.constant dense<0.000000e+00> : vector<1000x256xf32>
    %dot_general3A_21 = tpu.matmul %mul3A_19, %slice3A, %dot_general3A_20 {dimension_numbers = #tpu.dot_dimension_numbers<[1], [0], [0], [1], [0, 0, 1, 1], [], []>, transpose_lhs_hint = false} : vector<1000x128xf32>, vector<128x256xf32>, vector<1000x256xf32> -> vector<1000x256xf32>
    %add3A = arith.addf %dot_general3A_15, %dot_general3A_21 : vector<1000x256xf32>
    %get3A_22 = arith.constant 0 : index
    %get3A_23 = arith.constant 0 : index
    %get3A_24 = vector.load %arg3[%get3A_22, %get3A_23] : memref<1000x128xf32, #tpu.memory_space<vmem>>, vector<1000x128xf32>
    %mul3A_25 = vector.broadcast %div3A_5 : vector<1000x1xf32> to vector<1000x128xf32>
    %mul3A_26 = arith.mulf %get3A_24, %mul3A_25 : vector<1000x128xf32>
    %slice3A_27 = vector.extract_strided_slice %get3A_8 {offsets = [128, 0], sizes = [128, 256], strides = [1, 1]} : vector<256x256xf32> to vector<128x256xf32>
    %dot_general3A_28 = arith.constant dense<0.000000e+00> : vector<1000x256xf32>
    %dot_general3A_29 = tpu.matmul %mul3A_26, %slice3A_27, %dot_general3A_28 {dimension_numbers = #tpu.dot_dimension_numbers<[1], [0], [0], [1], [0, 0, 1, 1], [], []>, transpose_lhs_hint = false} : vector<1000x128xf32>, vector<128x256xf32>, vector<1000x256xf32> -> vector<1000x256xf32>
    %add3A_30 = arith.addf %add3A, %dot_general3A_29 : vector<1000x256xf32>
    %get3A_31 = arith.constant 0 : index
    %get3A_32 = arith.constant 0 : index
    %get3A_33 = vector.load %arg7[%get3A_31, %get3A_32] : memref<1x256xf32, #tpu.memory_space<vmem>>, vector<1x256xf32>
    %add3A_34 = vector.broadcast %get3A_33 : vector<1x256xf32> to vector<1000x256xf32>
    %add3A_35 = arith.addf %add3A_30, %add3A_34 : vector<1000x256xf32>
    %max3A_36 = arith.constant 0.000000e+00 : f32
    %max3A_37 = vector.broadcast %max3A_36 : f32 to vector<1000x256xf32>
    %max3A_38 = arith.maximumf %add3A_35, %max3A_37 : vector<1000x256xf32>
    %swap3A = arith.constant 0 : index
    %swap3A_39 = arith.constant 0 : index
    %swap3A_40 = vector.load %arg8[%swap3A, %swap3A_39] : memref<1000x256xf32, #tpu.memory_space<vmem>>, vector<1000x256xf32>
    tpu.vector_store %arg8[%swap3A, %swap3A_39], %max3A_38 {strides = array<i32>} : memref<1000x256xf32, #tpu.memory_space<vmem>>, vector<1000x256xf32>,
    return
  }
  func.func @transform_0(%arg0: i32) -> (i32, i32) {
    %c0_i32 = arith.constant 0 : i32
    %c0_i32_0 = arith.constant 0 : i32
    return %arg0, %c0_i32 : i32, i32
  }
  func.func @transform_1(%arg0: i32) -> (i32, i32) {
    %c0_i32 = arith.constant 0 : i32
    %c0_i32_0 = arith.constant 0 : i32
    return %arg0, %c0_i32 : i32, i32
  }
  func.func @transform_2(%arg0: i32) -> (i32, i32) {
    %c0_i32 = arith.constant 0 : i32
    %c0_i32_0 = arith.constant 0 : i32
    return %arg0, %c0_i32 : i32, i32
  }
  func.func @transform_3(%arg0: i32) -> (i32, i32) {
    %c0_i32 = arith.constant 0 : i32
    %c0_i32_0 = arith.constant 0 : i32
    return %arg0, %c0_i32 : i32, i32
  }
  func.func @transform_4(%arg0: i32) -> (i32, i32) {
    %c0_i32 = arith.constant 0 : i32
    %c0_i32_0 = arith.constant 0 : i32
    %c0_i32_1 = arith.constant 0 : i32
    return %c0_i32, %c0_i32_0 : i32, i32
  }
  func.func @transform_5(%arg0: i32) -> (i32, i32) {
    %c0_i32 = arith.constant 0 : i32
    %c0_i32_0 = arith.constant 0 : i32
    %c0_i32_1 = arith.constant 0 : i32
    return %c0_i32, %c0_i32_0 : i32, i32
  }
  func.func @transform_6(%arg0: i32) -> (i32, i32) {
    %c0_i32 = arith.constant 0 : i32
    %c0_i32_0 = arith.constant 0 : i32
    %c0_i32_1 = arith.constant 0 : i32
    return %c0_i32, %c0_i32_0 : i32, i32
  }
  func.func @transform_7(%arg0: i32) -> (i32, i32) {
    %c0_i32 = arith.constant 0 : i32
    %c0_i32_0 = arith.constant 0 : i32
    return %arg0, %c0_i32 : i32, i32
  }
}

module attributes {stable_mosaic.version = 14 : i64} {
  func.func @_pool_body(%arg0: i32, %arg1: memref<1000x256xf32, #tpu.memory_space<vmem>>, %arg2: memref<1000x16xi32, #tpu.memory_space<vmem>>, %arg3: memref<256x256xf32, #tpu.memory_space<vmem>>, %arg4: memref<1x256xf32, #tpu.memory_space<vmem>>, %arg5: memref<256x128xf32, #tpu.memory_space<vmem>>, %arg6: memref<1x128xf32, #tpu.memory_space<vmem>>, %arg7: memref<16x128xf32, #tpu.memory_space<vmem>>, %arg8: memref<16x256xf32, #tpu.memory_space<vmem>>, %arg9: memref<16x128xf32, #tpu.memory_space<vmem>>) attributes {dimension_semantics = [#tpu.dimension_semantics<arbitrary>], iteration_bounds = array<i64: 10>, scalar_prefetch = 0 : i64, scratch_operands = 2 : i64, tpu.core_type = #tpu.core_type<tc>, window_params = [{transform_indices = @transform_0, window_bounds = array<i64: 1000, 256>}, {transform_indices = @transform_1, window_bounds = array<i64: 1000, 16>}, {pipeline_mode = #tpu.pipeline_mode<synchronous>, transform_indices = @transform_2, window_bounds = array<i64: 256, 256>}, {pipeline_mode = #tpu.pipeline_mode<synchronous>, transform_indices = @transform_3, window_bounds = array<i64: 1, 256>}, {pipeline_mode = #tpu.pipeline_mode<synchronous>, transform_indices = @transform_4, window_bounds = array<i64: 256, 128>}, {pipeline_mode = #tpu.pipeline_mode<synchronous>, transform_indices = @transform_5, window_bounds = array<i64: 1, 128>}, {pipeline_mode = #tpu.pipeline_mode<synchronous>, transform_indices = @transform_6, window_bounds = array<i64: 16, 128>}]} {
    %eq3A = arith.constant 0 : i32
    %eq3A_0 = arith.cmpi eq, %arg0, %eq3A : i32
    %convert_element_type3A = arith.extui %eq3A_0 : i1 to i32
    %cond3A = arith.constant 0 : i32
    %cond3A_1 = arith.cmpi ne, %convert_element_type3A, %cond3A : i32
    scf.if %cond3A_1 {
      %broadcast_in_dim3A_31 = arith.constant 0.000000e+00 : f32
      %broadcast_in_dim3A_32 = vector.broadcast %broadcast_in_dim3A_31 : f32 to vector<16x256xf32>
      %swap3A_33 = arith.constant 0 : index
      %swap3A_34 = arith.constant 0 : index
      %swap3A_35 = vector.load %arg8[%swap3A_33, %swap3A_34] : memref<16x256xf32, #tpu.memory_space<vmem>>, vector<16x256xf32>
      tpu.vector_store %arg8[%swap3A_33, %swap3A_34], %broadcast_in_dim3A_32 {strides = array<i32>} : memref<16x256xf32, #tpu.memory_space<vmem>>, vector<16x256xf32>,
      %broadcast_in_dim3A_36 = arith.constant 0.000000e+00 : f32
      %broadcast_in_dim3A_37 = vector.broadcast %broadcast_in_dim3A_36 : f32 to vector<16x128xf32>
      %swap3A_38 = arith.constant 0 : index
      %swap3A_39 = arith.constant 0 : index
      %swap3A_40 = vector.load %arg9[%swap3A_38, %swap3A_39] : memref<16x128xf32, #tpu.memory_space<vmem>>, vector<16x128xf32>
      tpu.vector_store %arg9[%swap3A_38, %swap3A_39], %broadcast_in_dim3A_37 {strides = array<i32>} : memref<16x128xf32, #tpu.memory_space<vmem>>, vector<16x128xf32>,
    } else {
    }
    %get3A = arith.constant 0 : index
    %get3A_2 = arith.constant 0 : index
    %get3A_3 = vector.load %arg2[%get3A, %get3A_2] : memref<1000x16xi32, #tpu.memory_space<vmem>>, vector<1000x16xi32>
    %iota3A = tpu.iota {dimensions = array<i32: 1>} : vector<1000x16xi32>
    %eq3A_4 = arith.cmpi eq, %get3A_3, %iota3A : vector<1000x16xi32>
    %convert_element_type3A_5 = arith.extui %eq3A_4 : vector<1000x16xi1> to vector<1000x16xi32>
    %convert_element_type3A_6 = arith.sitofp %convert_element_type3A_5 : vector<1000x16xi32> to vector<1000x16xf32>
    %get3A_7 = arith.constant 0 : index
    %get3A_8 = arith.constant 0 : index
    %get3A_9 = vector.load %arg8[%get3A_7, %get3A_8] : memref<16x256xf32, #tpu.memory_space<vmem>>, vector<16x256xf32>
    %get3A_10 = arith.constant 0 : index
    %get3A_11 = arith.constant 0 : index
    %get3A_12 = vector.load %arg1[%get3A_10, %get3A_11] : memref<1000x256xf32, #tpu.memory_space<vmem>>, vector<1000x256xf32>
    %dot_general3A = arith.constant dense<0.000000e+00> : vector<16x256xf32>
    %dot_general3A_13 = tpu.matmul %convert_element_type3A_6, %get3A_12, %dot_general3A {dimension_numbers = #tpu.dot_dimension_numbers<[0], [0], [1], [1], [0, 1, 1, 1], [], []>, transpose_lhs_hint = false} : vector<1000x16xf32>, vector<1000x256xf32>, vector<16x256xf32> -> vector<16x256xf32>
    %add3A = arith.addf %get3A_9, %dot_general3A_13 : vector<16x256xf32>
    %swap3A = arith.constant 0 : index
    %swap3A_14 = arith.constant 0 : index
    %swap3A_15 = vector.load %arg8[%swap3A, %swap3A_14] : memref<16x256xf32, #tpu.memory_space<vmem>>, vector<16x256xf32>
    tpu.vector_store %arg8[%swap3A, %swap3A_14], %add3A {strides = array<i32>} : memref<16x256xf32, #tpu.memory_space<vmem>>, vector<16x256xf32>,
    %get3A_16 = arith.constant 0 : index
    %get3A_17 = arith.constant 0 : index
    %get3A_18 = vector.load %arg9[%get3A_16, %get3A_17] : memref<16x128xf32, #tpu.memory_space<vmem>>, vector<16x128xf32>
    %broadcast_in_dim3A = arith.constant 1.000000e+00 : f32
    %broadcast_in_dim3A_19 = vector.broadcast %broadcast_in_dim3A : f32 to vector<1000x128xf32>
    %dot_general3A_20 = arith.constant dense<0.000000e+00> : vector<16x128xf32>
    %dot_general3A_21 = tpu.matmul %convert_element_type3A_6, %broadcast_in_dim3A_19, %dot_general3A_20 {dimension_numbers = #tpu.dot_dimension_numbers<[0], [0], [1], [1], [0, 1, 1, 1], [], []>, transpose_lhs_hint = false} : vector<1000x16xf32>, vector<1000x128xf32>, vector<16x128xf32> -> vector<16x128xf32>
    %add3A_22 = arith.addf %get3A_18, %dot_general3A_21 : vector<16x128xf32>
    %swap3A_23 = arith.constant 0 : index
    %swap3A_24 = arith.constant 0 : index
    %swap3A_25 = vector.load %arg9[%swap3A_23, %swap3A_24] : memref<16x128xf32, #tpu.memory_space<vmem>>, vector<16x128xf32>
    tpu.vector_store %arg9[%swap3A_23, %swap3A_24], %add3A_22 {strides = array<i32>} : memref<16x128xf32, #tpu.memory_space<vmem>>, vector<16x128xf32>,
    %eq3A_26 = arith.constant 9 : i32
    %eq3A_27 = arith.cmpi eq, %arg0, %eq3A_26 : i32
    %convert_element_type3A_28 = arith.extui %eq3A_27 : i1 to i32
    %cond3A_29 = arith.constant 0 : i32
    %cond3A_30 = arith.cmpi ne, %convert_element_type3A_28, %cond3A_29 : i32
    scf.if %cond3A_30 {
      %get3A_31 = arith.constant 0 : index
      %get3A_32 = arith.constant 0 : index
      %get3A_33 = vector.load %arg8[%get3A_31, %get3A_32] : memref<16x256xf32, #tpu.memory_space<vmem>>, vector<16x256xf32>
      %get3A_34 = arith.constant 0 : index
      %get3A_35 = arith.constant 0 : index
      %get3A_36 = vector.load %arg9[%get3A_34, %get3A_35] : memref<16x128xf32, #tpu.memory_space<vmem>>, vector<16x128xf32>
      %slice3A = vector.extract_strided_slice %get3A_36 {offsets = [0, 0], sizes = [16, 1], strides = [1, 1]} : vector<16x128xf32> to vector<16x1xf32>
      %max3A = arith.constant 1.000000e+00 : f32
      %max3A_37 = vector.broadcast %max3A : f32 to vector<16x1xf32>
      %max3A_38 = arith.maximumf %slice3A, %max3A_37 : vector<16x1xf32>
      %div3A = vector.broadcast %max3A_38 : vector<16x1xf32> to vector<16x256xf32>
      %div3A_39 = arith.divf %get3A_33, %div3A : vector<16x256xf32>
      %get3A_40 = arith.constant 0 : index
      %get3A_41 = arith.constant 0 : index
      %get3A_42 = vector.load %arg3[%get3A_40, %get3A_41] : memref<256x256xf32, #tpu.memory_space<vmem>>, vector<256x256xf32>
      %dot_general3A_43 = arith.constant dense<0.000000e+00> : vector<16x256xf32>
      %dot_general3A_44 = tpu.matmul %div3A_39, %get3A_42, %dot_general3A_43 {dimension_numbers = #tpu.dot_dimension_numbers<[1], [0], [0], [1], [0, 0, 1, 1], [], []>, transpose_lhs_hint = false} : vector<16x256xf32>, vector<256x256xf32>, vector<16x256xf32> -> vector<16x256xf32>
      %get3A_45 = arith.constant 0 : index
      %get3A_46 = arith.constant 0 : index
      %get3A_47 = vector.load %arg4[%get3A_45, %get3A_46] : memref<1x256xf32, #tpu.memory_space<vmem>>, vector<1x256xf32>
      %add3A_48 = vector.broadcast %get3A_47 : vector<1x256xf32> to vector<16x256xf32>
      %add3A_49 = arith.addf %dot_general3A_44, %add3A_48 : vector<16x256xf32>
      %max3A_50 = arith.constant 0.000000e+00 : f32
      %max3A_51 = vector.broadcast %max3A_50 : f32 to vector<16x256xf32>
      %max3A_52 = arith.maximumf %add3A_49, %max3A_51 : vector<16x256xf32>
      %get3A_53 = arith.constant 0 : index
      %get3A_54 = arith.constant 0 : index
      %get3A_55 = vector.load %arg5[%get3A_53, %get3A_54] : memref<256x128xf32, #tpu.memory_space<vmem>>, vector<256x128xf32>
      %dot_general3A_56 = arith.constant dense<0.000000e+00> : vector<16x128xf32>
      %dot_general3A_57 = tpu.matmul %max3A_52, %get3A_55, %dot_general3A_56 {dimension_numbers = #tpu.dot_dimension_numbers<[1], [0], [0], [1], [0, 0, 1, 1], [], []>, transpose_lhs_hint = false} : vector<16x256xf32>, vector<256x128xf32>, vector<16x128xf32> -> vector<16x128xf32>
      %get3A_58 = arith.constant 0 : index
      %get3A_59 = arith.constant 0 : index
      %get3A_60 = vector.load %arg6[%get3A_58, %get3A_59] : memref<1x128xf32, #tpu.memory_space<vmem>>, vector<1x128xf32>
      %add3A_61 = vector.broadcast %get3A_60 : vector<1x128xf32> to vector<16x128xf32>
      %add3A_62 = arith.addf %dot_general3A_57, %add3A_61 : vector<16x128xf32>
      %swap3A_63 = arith.constant 0 : index
      %swap3A_64 = arith.constant 0 : index
      %swap3A_65 = vector.load %arg7[%swap3A_63, %swap3A_64] : memref<16x128xf32, #tpu.memory_space<vmem>>, vector<16x128xf32>
      tpu.vector_store %arg7[%swap3A_63, %swap3A_64], %add3A_62 {strides = array<i32>} : memref<16x128xf32, #tpu.memory_space<vmem>>, vector<16x128xf32>,
    } else {
    }
    return
  }
  func.func @transform_0(%arg0: i32) -> (i32, i32) {
    %c0_i32 = arith.constant 0 : i32
    %c0_i32_0 = arith.constant 0 : i32
    return %arg0, %c0_i32 : i32, i32
  }
  func.func @transform_1(%arg0: i32) -> (i32, i32) {
    %c0_i32 = arith.constant 0 : i32
    %c0_i32_0 = arith.constant 0 : i32
    return %arg0, %c0_i32 : i32, i32
  }
  func.func @transform_2(%arg0: i32) -> (i32, i32) {
    %c0_i32 = arith.constant 0 : i32
    %c0_i32_0 = arith.constant 0 : i32
    %c0_i32_1 = arith.constant 0 : i32
    return %c0_i32, %c0_i32_0 : i32, i32
  }
  func.func @transform_3(%arg0: i32) -> (i32, i32) {
    %c0_i32 = arith.constant 0 : i32
    %c0_i32_0 = arith.constant 0 : i32
    %c0_i32_1 = arith.constant 0 : i32
    return %c0_i32, %c0_i32_0 : i32, i32
  }
  func.func @transform_4(%arg0: i32) -> (i32, i32) {
    %c0_i32 = arith.constant 0 : i32
    %c0_i32_0 = arith.constant 0 : i32
    %c0_i32_1 = arith.constant 0 : i32
    return %c0_i32, %c0_i32_0 : i32, i32
  }
  func.func @transform_5(%arg0: i32) -> (i32, i32) {
    %c0_i32 = arith.constant 0 : i32
    %c0_i32_0 = arith.constant 0 : i32
    %c0_i32_1 = arith.constant 0 : i32
    return %c0_i32, %c0_i32_0 : i32, i32
  }
  func.func @transform_6(%arg0: i32) -> (i32, i32) {
    %c0_i32 = arith.constant 0 : i32
    %c0_i32_0 = arith.constant 0 : i32
    %c0_i32_1 = arith.constant 0 : i32
    return %c0_i32, %c0_i32_0 : i32, i32
  }
}

</mosaic_0001>

<sc_bundles>
// kernel: kernel.12.cloned.1.call-start
scs
__scs_entry_jumppad:
0x0: {  	(pc) =	sbr.rel $0x88, $3  }
0x1: {  	(tag) =	ssettag $0x0;
	lr =	simm.s32 $0x1  }
0x2: {  	[smem:$0x3F8E] =	sst lr;
	_ =	strace $0xD0000000  }
0x3: {  	_ = 	snop  }
0x4: {  	_ = 	snop  }
0x5: {  	_ = 	snop  }
0x6: {  	_ = 	snop  }
0x7: {  	_ = 	snop  }
__scs_overlays_trampoline_lowered:
0x8: {  	[smem:$0x3F9D] =	sst s0  }
0x9: {  	[smem:$0x3F9E] =	sst s1  }
0xa: {  	[smem:$0x3F9F] =	sst s2  }
0xb: {  	[smem:$0x3FA0] =	sst s3  }
0xc: {  	[smem:$0x3FA1] =	sst s4  }
0xd: {  	[smem:$0x3FA2] =	sst s5  }
0xe: {  	[smem:$0x3FA3] =	sst s6  }
0xf: {  	[smem:$0x3FA4] =	sst s7  }
0x10: {  	[smem:$0x3FA5] =	sst s8  }
0x11: {  	[smem:$0x3FA6] =	sst s9;
	s0 =	simm.s32 @!p0 $0x0  }
0x12: {  	s1 =	sld [smem:$0x3F8C];
	s0 =	simm.s32 @p0 $0x1  }
0x13: {  	[smem:$0x3FA7] =	sst s0;
	s0 =	simm.s32 @!p1 $0x0  }
0x14: {  	s2 =	sld [smem:$0x3F8B];
	s0 =	simm.s32 @p1 $0x1  }
0x15: {  	[smem:$0x3FA8] =	sst s0;
	s0 =	simm.s32 @!p2 $0x0  }
0x16: {  	s3 =	sld [smem:$0x3FDB];
	s0 =	simm.s32 @p2 $0x1  }
0x17: {  	s4 =	simm.s32 $0x1BF5;
	[smem:$0x3FAA] =	sst s0  }
0x18: {  	s0 =	sld [smem:$0x3F8D];
	_ =	swait.ge [sflag:s4], $0x0  }
0x19: {  	s7 =	sld [smem:$0x3F8E]  }
0x1a: {  	s8 =	sadd.s32 $0xFFFFE003, lr  }
0x1b: {  	s9 =	sadd.s32 $0xFFFFFEF7, lr;
	s5 =	simm.s32 $0xFFFFFFFF;
	p2 =	slt.u32 s8, $0xFFFFF086  }
0x1c: {  	p1 =	slt.u32 s9, $0xF7A;
	s5 =	simm.s32 @!p2 $0x0  }
0x1d: {  	s5 =	simm.s32 @p1 $0x1;
	p0 =	seq.s32 s7, s2  }
0x1e: {  	s7 =	smul.u32 @!p0 $0xF7A, s2;
	p2 =	seq.s32 @!p0 s5, $0x0  }
0x1f: {  	s9 =	smul.u32 $0xF7A, s1;
	s8 =	simm.s32 @!p0 $0x1BF5;
	p2 =	por !p2, p0  }
0x20: {  	[sflag:s8] =	ssyncset.s32 @!p0 $0xFFFFF086;
	s6 =	sadd.s32 @!p0 s3, s7;
	s7 =	simm.s32 @!p0 $0x108  }
0x21: {  	s3 =	sadd.s32 s3, s9;
	s6 =	sadd.s32 @!p0 $0x88, s6;
	s7 =	simm.s32 @p2 $0x1082  }
0x22: {  	[simem:s7], [sflag:s8] =	dma.local @!p0 [hbm:s6], $0xF7A  }
0x23: {  	s9 =	sor.u32 $0xD0000000, s2;
	s6 =	simm.s32 $0x108;
	_ =	swait.ge @!p0 [sflag:s8], $0x0  }
0x24: {  	s3 =	sadd.s32 $0x88, s3;
	s6 =	simm.s32 @!p1 $0x1082;
	[sflag:s4] =	ssyncset.s32 $0xFFFFF086  }
0x25: {  	[simem:s6], [sflag:s4] =	dma.local [hbm:s3], $0xF7A  }
0x26: {  	[smem:$0x3F8E] =	sst s1;
	(tag) =	ssettag s2;
	_ =	strace s9  }
0x27: {  	s1 =	sld [smem:$0x3F9E]  }
0x28: {  	s2 =	sld [smem:$0x3F9F]  }
0x29: {  	s4 =	sld [smem:$0x3FA1]  }
0x2a: {  	p0 =	seq.s32 s5, $0x0;
	s5 =	sld [smem:$0x3FA2]  }
0x2b: {  	s6 =	sld [smem:$0x3FA3]  }
0x2c: {  	s7 =	sld [smem:$0x3FA4]  }
0x2d: {  	s3 =	simm.s32 $0x108;
	s8 =	sld [smem:$0x3FA5]  }
0x2e: {  	s3 =	simm.s32 @!p0 $0x1082;
	s9 =	sld [smem:$0x3FA6]  }
0x2f: {  	lr =	sadd.s32 s0, s3;
	s0 =	sld [smem:$0x3F9D]  }
0x30: {  	s3 =	sld [smem:$0x3FA0]  }
0x31: {  	[smem:$0x3FA9] =	sst s10  }
0x32: {  	s10 =	sld [smem:$0x3FA7];
	_ =	sdelay $0x3  }
0x33: {  	p0 =	seq.s32 s10, $0x1;
	s10 =	sld [smem:$0x3FA9];
	_ =	sdelay $0x3  }
0x34: {  	[smem:$0x3FA9] =	sst s10  }
0x35: {  	s10 =	sld [smem:$0x3FA8];
	_ =	sdelay $0x3  }
0x36: {  	p1 =	seq.s32 s10, $0x1;
	s10 =	sld [smem:$0x3FA9];
	_ =	sdelay $0x3  }
0x37: {  	[smem:$0x3FA9] =	sst s10  }
0x38: {  	s10 =	sld [smem:$0x3FAA]  }
0x39: {  	_ = 	snop;
	(pc) =	sbr.ind lr, $3  }
0x3a: {  	_ = 	snop  }
0x3b: {  	_ = 	snop  }
0x3c: {  	p2 =	seq.s32 s10, $0x1;
	s10 =	sld [smem:$0x3FA9]  }
0x3d: {  	_ =	shalt  }
0x3e: {  	_ =	shalt  }
0x3f: {  	_ =	shalt  }
0x40: {  	_ =	shalt  }
0x41: {  	_ =	shalt  }
0x42: {  	_ =	shalt  }
0x43: {  	_ =	shalt  }
0x44: {  	_ =	shalt  }
0x45: {  	_ =	shalt  }
0x46: {  	_ =	shalt  }
0x47: {  	_ =	shalt  }
0x48: {  	_ =	shalt  }
0x49: {  	_ =	shalt  }
0x4a: {  	_ =	shalt  }
0x4b: {  	_ =	shalt  }
0x4c: {  	_ =	shalt  }
0x4d: {  	_ =	shalt  }
0x4e: {  	_ =	shalt  }
0x4f: {  	_ =	shalt  }
0x50: {  	_ =	shalt  }
0x51: {  	_ =	shalt  }
0x52: {  	_ =	shalt  }
0x53: {  	_ =	shalt  }
0x54: {  	_ =	shalt  }
0x55: {  	_ =	shalt  }
0x56: {  	_ =	shalt  }
0x57: {  	_ =	shalt  }
0x58: {  	_ =	shalt  }
0x59: {  	_ =	shalt  }
0x5a: {  	_ =	shalt  }
0x5b: {  	_ =	shalt  }
0x5c: {  	_ =	shalt  }
0x5d: {  	_ =	shalt  }
0x5e: {  	_ =	shalt  }
0x5f: {  	_ =	shalt  }
0x60: {  	_ =	shalt  }
0x61: {  	_ =	shalt  }
0x62: {  	_ =	shalt  }
0x63: {  	_ =	shalt  }
0x64: {  	_ =	shalt  }
0x65: {  	_ =	shalt  }
0x66: {  	_ =	shalt  }
0x67: {  	_ =	shalt  }
0x68: {  	_ =	shalt  }
0x69: {  	_ =	shalt  }
0x6a: {  	_ =	shalt  }
0x6b: {  	_ =	shalt  }
0x6c: {  	_ =	shalt  }
0x6d: {  	_ =	shalt  }
0x6e: {  	_ =	shalt  }
0x6f: {  	_ =	shalt  }
0x70: {  	_ =	shalt  }
0x71: {  	_ =	shalt  }
0x72: {  	_ =	shalt  }
0x73: {  	_ =	shalt  }
0x74: {  	_ =	shalt  }
0x75: {  	_ =	shalt  }
0x76: {  	_ =	shalt  }
0x77: {  	_ =	shalt  }
0x78: {  	_ =	shalt  }
0x79: {  	_ =	shalt  }
0x7a: {  	_ =	shalt  }
0x7b: {  	_ =	shalt  }
0x7c: {  	_ =	shalt  }
0x7d: {  	_ =	shalt  }
0x7e: {  	_ =	shalt  }
0x7f: {  	_ =	shalt  }
0x80: {  	_ =	shalt  }
0x81: {  	_ =	shalt  }
0x82: {  	_ =	shalt  }
0x83: {  	_ =	shalt  }
0x84: {  	_ =	shalt  }
0x85: {  	_ =	shalt  }
0x86: {  	_ =	shalt  }
0x87: {  	_ =	shalt  }
.Lfunc_end0:
.L_simem_size_0:
called_computation_lowered:
.L_overlay_start_0:
0x88: {  	s2 =	sld [smem:$0x3FD9]  }
0x89: {  	s3 =	sld [smem:$0x3FFE];
	_ =	sdelay $0x1  }
0x8a: {  	s1 =	srdreg.scid  }
0x8b: {  	s0 =	sand.u32 $0x1, s1  }
0x8c: {  	s16 =	sshll.u32 s0, $0xA;
	s2 =	sadd.s32 s3, s2  }
0x8d: {  	s2 =	sadd.s32 s2, s16  }
0x8e: {  	[smem:$0x3FB5] =	sst s2  }
0x8f: {  	_ = 	snop  }
0x90: {  	(tm) =	ssettm $0x1  }
0x91: {  	s17 =	sld [smem:$0x3FFB];
	_ =	sdelay $0x3  }
0x92: {  	_ =	strace s17  }
0x93: {  	s2 =	sld [smem:$0x3FFC];
	_ =	sdelay $0x3  }
0x94: {  	_ =	strace s2  }
0x95: {  	s2 =	sld [smem:$0x3FFD];
	_ =	sdelay $0x3  }
0x96: {  	_ =	strace s2  }
0x97: {  	_ =	strace $0x8FFFFFFF  }
0x98: {  	s18 =	sld [smem:$0x3FDB];
	_ =	sdelay $0x1  }
0x99: {  	s19 =	simm.s32 $_scs_section_size  }
0x9a: {  	s4 =	simm.s32 $_size__tile_overlayer_lowered;
	s5 =	simm.s32 $_tile_overlayer_lowered  }
0x9b: {  	s22 =	simm.s32 $0x1BFF;
	s21 =	sshll.u32 s5, $0x1;
	s2 =	sadd.s32 s19, s18  }
0x9c: {  	s6 =	simm.s32 $0x0;
	s20 =	sshll.u32 s4, $0x1;
	s4 =	sadd.s32 s21, s2  }
0x9d: {  	[timem:s6], [sflag:s22] =	dma.local [hbm:s4], s20  }
0x9e: {  	_ =	swait.ge [sflag:s22], s20  }
0x9f: {  	s3 =	ssub.s32 $0x0, s20;
	[sflag:s22] =	ssyncset.done $0x0  }
0xa0: {  	[sflag:s22] =	ssyncadd.s32 s3;
	_ =	sdelay $0x1  }
0xa1: {  	s23 =	simm.s32 $0x1B8B  }
0xa2: {  	_ =	swait.ge [sflag:s23], $0x1  }
0xa3: {  	[sflag:s23] =	ssyncset.done $0x0  }
0xa4: {  	s25 =	simm.s32 $0x1B8E;
	s24 =	sld [smem:$0x3FFE];
	[sflag:s23] =	ssyncadd.s32 $0xFFFFFFFF  }
0xa5: {  	s26 =	simm.s32 $execute0_lowered;
	[smem:$0x3FD2] =	sst s25  }
0xa6: {  	s4 =	sshll.u32 s26, $0x1;
	_ =	strace $0x80000046;
	[dreg:$0x1] =	wrdreg $0xFFFFFFFF  }
0xa7: {  	s28 =	simm.s32 $_size_execute0_lowered;
	s2 =	sadd.s32 s2, s4;
	[dreg:$0x0] =	wrdreg $0x0  }
0xa8: {  	s4 =	sshll.u32 s28, $0x1;
	[dreg:$0x2] =	wrdreg s2  }
0xa9: {  	[dreg:$0x3] =	wrdreg s4  }
0xaa: {  	[dreg:$0x4] =	wrdreg $0xC0  }
0xab: {  	_ =	task [dreg:s6], $0x5FFFF  }
0xac: {  	[dreg:$0x1] =	wrdreg $0xFFFFFFFF  }
0xad: {  	[dreg:$0x0] =	wrdreg $0x60  }
0xae: {  	[dreg:$0x2] =	wrdreg s24  }
0xaf: {  	[dreg:$0x3] =	wrdreg $0x0  }
0xb0: {  	[dreg:$0x4] =	wrdreg $0x13C000  }
0xb1: {  	[dreg:$0x5] =	wrdreg $0x15C000  }
0xb2: {  	[dreg:$0x6] =	wrdreg $0x9  }
0xb3: {  	_ =	task.clear_ibuf [dreg:s6], $0x7FFFF;
	_ =	strace $0x90000046  }
0xb4: {  	s29 =	simm.s32 $0x9;
	_ =	strace $0x80000048  }
0xb5: {  	_ =	swait.ge [sflag:s29], $0x1  }
0xb6: {  	[sflag:s29] =	ssyncadd.s32 $0xFFFFFFFF  }
0xb7: {  	_ =	strace $0x90000048  }
0xb8: {  	_ =	sfence  }
0xb9: {  	s30 =	sld [smem:$0x0];
	_ =	sdelay $0x2  }
0xba: {  	s31 =	sshll.u32 s1, $0xD;
	s1 =	sshrl.u32 s1, $0x2  }
0xbb: {  	s3 =	sand.u32 $0x4000, s31;
	s1 =	sadd.s32 s1, s30  }
0xbc: {  	s0 =	sor.u32 s3, s0;
	s1 =	sshll.u32 s1, $0x11  }
0xbd: {  	s0 =	sor.u32 s1, s0  }
0xbe: {  	s0 =	sadd.s32 $0x8F2B, s0  }
0xbf: {  	[sflag:s0] =	ssyncadd.remote.s32 $0x1  }
0xc0: {  	_ =	sfence.sel $0xFFFF  }
0xc1: {  	[dreg:$0x0] =	wrdreg $0xFFFFFFFF;
	(pc) =	sbr.abs _section_cstart, $3  }
0xc2: {  	[dreg:$0x1] =	wrdreg $0xFFFFFFFF  }
0xc3: {  	_ =	task.clear_ibuf [dreg:s6], $0x2FFFF;
	_ =	strace $0x9FFFFFFF  }
0xc4: {  	(tm) =	ssettm $0x7FFFFFFF  }
0xc5: {  	_ =	shalt  }
tec
execute0_lowered:
.L_overlay_start_1:
0x0: {  	(tag) =	ssettag $0x1  }
0x1: {  	s0 =	rddreg [dreg:$0x0]  }
0x2: {  	s1 =	rddreg [dreg:$0x1]  }
0x3: {  	s2 =	rddreg [dreg:$0x2]  }
0x4: {  	s3 =	rddreg [dreg:$0x3];
	s4 =	simm.s32 $0x0;
	s5 =	stileid.u32  }
0x5: {  	s10 =	srdreg.scid;
	[smem:$0x7FF] =	sst s4;
	s6 =	sadd.s32 $0x4800, s0  }
0x6: {  	s8 =	sadd.s32 $0xA000, s0;
	s9 =	sadd.s32 $0x9800, s0;
	s7 =	sadd.s32 $0x32000, s0  }
0x7: {  	s11 =	sadd.s32 $0xA800, s0;
	s12 =	smul.u32 $0x2780, s5;
	s10 =	sand.u32 $0x1, s10  }
0x8: {  	s13 =	sshll.u32 s5, $0xA;
	s15 =	smul.u32 $0x4F000, s5;
	s24 =	sshll.u32 s5, $0x7  }
0x9: {  	s28 =	smul.u32 $0x2800, s5;
	_ =	strace $0x80000047;
	s14 =	ssub.s32 $0x2, s10  }
0xa: {  	p0 =	seq.s32 s10, $0x1;
	s26 =	sor.u32 $0x10, s24;
	s18 =	sor.u32 $0x20, s24  }
0xb: {  	s19 =	sor.u32 $0x30, s24;
	s21 =	sor.u32 $0x40, s24;
	s16 =	sadd.s32 s12, s0  }
0xc: {  	s0 =	sadd.s32 s13, s0;
	s17 =	sshrl.u32 s14, $0x1;
	s23 =	sadd.s32 s11, s12  }
0xd: {  	s22 =	sshrl.u32 s15, $0x2;
	s20 =	sadd.s32 s8, s18;
	[dreg:$0x6] =	wrdreg s23  }
0xe: {  	s12 =	sshll.u32 s5, $0xD;
	s10 =	sadd.s32 s22, s1;
	[dreg:$0xa] =	wrdreg s20  }
0xf: {  	s11 =	sadd.s32 s11, s13;
	s25 =	sadd.s32 $0x3A800, s16;
	[dreg:$0x5] =	wrdreg s10  }
0x10: {  	s14 =	ssub.s32 s14, s17;
	s16 =	sadd.s32 s8, s24;
	[dreg:$0x7] =	wrdreg s25  }
0x11: {  	s17 =	sadd.s32 s8, s26;
	s22 =	sadd.s32 s8, s19;
	[dreg:$0x8] =	wrdreg s16  }
0x12: {  	s8 =	sadd.s32 s8, s21;
	s23 =	sadd.s32 s9, s26;
	[dreg:$0x9] =	wrdreg s17  }
0x13: {  	s20 =	sadd.s32 s9, s19;
	s21 =	sadd.s32 s9, s21;
	[dreg:$0xb] =	wrdreg s22  }
0x14: {  	s26 =	sadd.s32 s12, s3;
	[dreg:$0xc] =	wrdreg s8;
	s17 =	sadd.s32 s9, s24  }
0x15: {  	[dreg:$0xd] =	wrdreg s23;
	s24 =	sadd.s32 s9, s18;
	s25 =	sadd.s32 s12, s2  }
.Ltmp0:
0x16: {  	s22 =	sadd.s32 $0x32800, s0;
	s23 =	sadd.s32 $0x36800, s0;
	(pc) =	sbr.rel .LBB2_1-.Ltmp0, $4  }
0x17: {  	s26 =	sshrl.u32 s26, $0x3;
	s0 =	simm.s32 $0x17C80;
	s8 =	simm.s32 $0x1  }
0x18: {  	s9 =	simm.s32 $0x17C00;
	s10 =	simm.s32 $0x80;
	s12 =	simm.s32 $0x0  }
0x19: {  	[dreg:$0xe] =	wrdreg s24;
	s24 =	smax.u32 s14, $0x1;
	s25 =	sshrl.u32 s25, $0x3  }
0x1a: {  	s29 =	sadd.s32 $0x50, s17;
	s30 =	sadd.s32 $0x60, s17;
	s31 =	sadd.s32 $0x70, s17  }
.LBB2_5:
0x1b: {  	[spmem:s25], [sflag:s13] =	dma.local [hbm:s11], $0x400  }
0x1c: {  	_ =	swait.ge [sflag:s8], $0x400  }
0x1d: {  	[sflag:s8] =	ssyncset.done $0x0  }
0x1e: {  	[sflag:s8] =	ssyncadd.s32 $0xFFFFFC00  }
0x1f: {  	[spmem:s26], [sflag:s13] =	dma.local [hbm:s11], $0x400  }
0x20: {  	_ =	swait.ge [sflag:s8], $0x400  }
0x21: {  	[sflag:s8] =	ssyncset.done $0x0  }
0x22: {  	[sflag:s8] =	ssyncadd.s32 $0xFFFFFC00  }
0x23: {  	[bflag:$0x0] =	sbarrier.arrive $0xFFFF  }
0x24: {  	s14 =	rddreg [dreg:$0x8]  }
0x25: {  	[tilespmem:s9], [sflag:$0x1] =	stream.linear.gather [hbm4b:s14+s4], $0x80, $0x38;
	[tilespmem:$0x1BC80] =	vst v63  }
0x26: {  	_ =	swait.ge [sflag:s8], $0x80  }
0x27: {  	[sflag:s8] =	ssyncset.done $0x0  }
0x28: {  	[sflag:s8] =	ssyncadd.s32 $0xFFFFFF80  }
0x29: {  	[spmem:s2] =	stream.indirect.scatter.add.f32 [tilespmem:s0], [sflag:$0x1], $0x80, s9, s10, $0xb8;
	[tilespmem:$0x1BC80] =	vst v63  }
0x2a: {  	_ =	swait.ge [sflag:s8], $0x4000  }
0x2b: {  	[sflag:s8] =	ssyncset.done $0x0  }
0x2c: {  	s18 =	rddreg [dreg:$0x9];
	[sflag:s8] =	ssyncadd.s32 $0xFFFFC000  }
0x2d: {  	[tilespmem:s9], [sflag:$0x1] =	stream.linear.gather [hbm4b:s18+s4], $0x80, $0x38;
	[tilespmem:$0x1BC80] =	vst v63  }
0x2e: {  	_ =	swait.ge [sflag:s8], $0x80  }
0x2f: {  	[sflag:s8] =	ssyncset.done $0x0  }
0x30: {  	[sflag:s8] =	ssyncadd.s32 $0xFFFFFF80  }
0x31: {  	[spmem:s2] =	stream.indirect.scatter.add.f32 [tilespmem:s0], [sflag:$0x1], $0x80, s9, s10, $0xb8;
	[tilespmem:$0x1BC80] =	vst v63  }
0x32: {  	_ =	swait.ge [sflag:s8], $0x4000  }
0x33: {  	[sflag:s8] =	ssyncset.done $0x0  }
0x34: {  	s19 =	rddreg [dreg:$0xa];
	[sflag:s8] =	ssyncadd.s32 $0xFFFFC000  }
0x35: {  	[tilespmem:s9], [sflag:$0x1] =	stream.linear.gather [hbm4b:s19+s4], $0x80, $0x38;
	[tilespmem:$0x1BC80] =	vst v63  }
0x36: {  	_ =	swait.ge [sflag:s8], $0x80  }
0x37: {  	[sflag:s8] =	ssyncset.done $0x0  }
0x38: {  	[sflag:s8] =	ssyncadd.s32 $0xFFFFFF80  }
0x39: {  	[spmem:s2] =	stream.indirect.scatter.add.f32 [tilespmem:s0], [sflag:$0x1], $0x80, s9, s10, $0xb8;
	[tilespmem:$0x1BC80] =	vst v63  }
0x3a: {  	_ =	swait.ge [sflag:s8], $0x4000  }
0x3b: {  	[sflag:s8] =	ssyncset.done $0x0  }
0x3c: {  	s15 =	rddreg [dreg:$0xb];
	[sflag:s8] =	ssyncadd.s32 $0xFFFFC000  }
0x3d: {  	[tilespmem:s9], [sflag:$0x1] =	stream.linear.gather [hbm4b:s15+s4], $0x80, $0x38;
	[tilespmem:$0x1BC80] =	vst v63  }
0x3e: {  	_ =	swait.ge [sflag:s8], $0x80  }
0x3f: {  	[sflag:s8] =	ssyncset.done $0x0  }
0x40: {  	[sflag:s8] =	ssyncadd.s32 $0xFFFFFF80  }
0x41: {  	[spmem:s2] =	stream.indirect.scatter.add.f32 [tilespmem:s0], [sflag:$0x1], $0x80, s9, s10, $0xb8;
	[tilespmem:$0x1BC80] =	vst v63  }
0x42: {  	_ =	swait.ge [sflag:s8], $0x4000  }
0x43: {  	[sflag:s8] =	ssyncset.done $0x0  }
0x44: {  	s16 =	rddreg [dreg:$0xc];
	[sflag:s8] =	ssyncadd.s32 $0xFFFFC000  }
0x45: {  	[tilespmem:s9], [sflag:$0x1] =	stream.linear.gather [hbm4b:s16+s4], $0x80, $0x38;
	[tilespmem:$0x1BC80] =	vst v63  }
0x46: {  	_ =	swait.ge [sflag:s8], $0x80  }
0x47: {  	[sflag:s8] =	ssyncset.done $0x0  }
0x48: {  	[sflag:s8] =	ssyncadd.s32 $0xFFFFFF80  }
0x49: {  	[spmem:s2] =	stream.indirect.scatter.add.f32 [tilespmem:s0], [sflag:$0x1], $0x80, s9, s10, $0xb8;
	[tilespmem:$0x1BC80] =	vst v63  }
0x4a: {  	_ =	swait.ge [sflag:s8], $0x4000  }
0x4b: {  	[sflag:s8] =	ssyncset.done $0x0  }
0x4c: {  	[sflag:s8] =	ssyncadd.s32 $0xFFFFC000  }
0x4d: {  	[tilespmem:s9], [sflag:$0x1] =	stream.linear.gather [hbm4b:s17+s4], $0x80, $0x38;
	[tilespmem:$0x1BC80] =	vst v63  }
0x4e: {  	_ =	swait.ge [sflag:s8], $0x80  }
0x4f: {  	[sflag:s8] =	ssyncset.done $0x0  }
0x50: {  	[sflag:s8] =	ssyncadd.s32 $0xFFFFFF80  }
0x51: {  	[spmem:s3] =	stream.indirect.scatter.add.f32 [tilespmem:s0], [sflag:$0x1], $0x80, s9, s10, $0xb8;
	[tilespmem:$0x1BC80] =	vst v63  }
0x52: {  	_ =	swait.ge [sflag:s8], $0x4000  }
0x53: {  	[sflag:s8] =	ssyncset.done $0x0  }
0x54: {  	s18 =	rddreg [dreg:$0xd];
	[sflag:s8] =	ssyncadd.s32 $0xFFFFC000  }
0x55: {  	[tilespmem:s9], [sflag:$0x1] =	stream.linear.gather [hbm4b:s18+s4], $0x80, $0x38;
	[tilespmem:$0x1BC80] =	vst v63  }
0x56: {  	_ =	swait.ge [sflag:s8], $0x80  }
0x57: {  	[sflag:s8] =	ssyncset.done $0x0  }
0x58: {  	[sflag:s8] =	ssyncadd.s32 $0xFFFFFF80  }
0x59: {  	[spmem:s3] =	stream.indirect.scatter.add.f32 [tilespmem:s0], [sflag:$0x1], $0x80, s9, s10, $0xb8;
	[tilespmem:$0x1BC80] =	vst v63  }
0x5a: {  	_ =	swait.ge [sflag:s8], $0x4000  }
0x5b: {  	[sflag:s8] =	ssyncset.done $0x0  }
0x5c: {  	s19 =	rddreg [dreg:$0xe];
	[sflag:s8] =	ssyncadd.s32 $0xFFFFC000  }
0x5d: {  	[tilespmem:s9], [sflag:$0x1] =	stream.linear.gather [hbm4b:s19+s4], $0x80, $0x38;
	[tilespmem:$0x1BC80] =	vst v63  }
0x5e: {  	_ =	swait.ge [sflag:s8], $0x80  }
0x5f: {  	[sflag:s8] =	ssyncset.done $0x0  }
0x60: {  	[sflag:s8] =	ssyncadd.s32 $0xFFFFFF80  }
0x61: {  	[spmem:s3] =	stream.indirect.scatter.add.f32 [tilespmem:s0], [sflag:$0x1], $0x80, s9, s10, $0xb8;
	[tilespmem:$0x1BC80] =	vst v63  }
0x62: {  	_ =	swait.ge [sflag:s8], $0x4000  }
0x63: {  	[sflag:s8] =	ssyncset.done $0x0  }
0x64: {  	[sflag:s8] =	ssyncadd.s32 $0xFFFFC000  }
0x65: {  	[tilespmem:s9], [sflag:$0x1] =	stream.linear.gather [hbm4b:s20+s4], $0x80, $0x38;
	[tilespmem:$0x1BC80] =	vst v63  }
0x66: {  	_ =	swait.ge [sflag:s8], $0x80  }
0x67: {  	[sflag:s8] =	ssyncset.done $0x0  }
0x68: {  	[sflag:s8] =	ssyncadd.s32 $0xFFFFFF80  }
0x69: {  	[spmem:s3] =	stream.indirect.scatter.add.f32 [tilespmem:s0], [sflag:$0x1], $0x80, s9, s10, $0xb8;
	[tilespmem:$0x1BC80] =	vst v63  }
0x6a: {  	_ =	swait.ge [sflag:s8], $0x4000  }
0x6b: {  	[sflag:s8] =	ssyncset.done $0x0  }
0x6c: {  	[sflag:s8] =	ssyncadd.s32 $0xFFFFC000  }
0x6d: {  	[tilespmem:s9], [sflag:$0x1] =	stream.linear.gather [hbm4b:s21+s4], $0x80, $0x38;
	[tilespmem:$0x1BC80] =	vst v63  }
0x6e: {  	_ =	swait.ge [sflag:s8], $0x80  }
0x6f: {  	[sflag:s8] =	ssyncset.done $0x0  }
0x70: {  	[sflag:s8] =	ssyncadd.s32 $0xFFFFFF80  }
0x71: {  	[spmem:s3] =	stream.indirect.scatter.add.f32 [tilespmem:s0], [sflag:$0x1], $0x80, s9, s10, $0xb8;
	[tilespmem:$0x1BC80] =	vst v63  }
0x72: {  	_ =	swait.ge [sflag:s8], $0x4000  }
0x73: {  	[sflag:s8] =	ssyncset.done $0x0  }
0x74: {  	[sflag:s8] =	ssyncadd.s32 $0xFFFFC000  }
0x75: {  	[tilespmem:s9], [sflag:$0x1] =	stream.linear.gather [hbm4b:s29+s4], $0x80, $0x38;
	[tilespmem:$0x1BC80] =	vst v63  }
0x76: {  	_ =	swait.ge [sflag:s8], $0x80  }
0x77: {  	[sflag:s8] =	ssyncset.done $0x0  }
0x78: {  	[sflag:s8] =	ssyncadd.s32 $0xFFFFFF80  }
0x79: {  	[spmem:s3] =	stream.indirect.scatter.add.f32 [tilespmem:s0], [sflag:$0x1], $0x80, s9, s10, $0xb8;
	[tilespmem:$0x1BC80] =	vst v63  }
0x7a: {  	_ =	swait.ge [sflag:s8], $0x4000  }
0x7b: {  	[sflag:s8] =	ssyncset.done $0x0  }
0x7c: {  	[sflag:s8] =	ssyncadd.s32 $0xFFFFC000  }
0x7d: {  	[tilespmem:s9], [sflag:$0x1] =	stream.linear.gather [hbm4b:s30+s4], $0x80, $0x38;
	[tilespmem:$0x1BC80] =	vst v63  }
0x7e: {  	_ =	swait.ge [sflag:s8], $0x80  }
0x7f: {  	[sflag:s8] =	ssyncset.done $0x0  }
0x80: {  	[sflag:s8] =	ssyncadd.s32 $0xFFFFFF80  }
0x81: {  	[spmem:s3] =	stream.indirect.scatter.add.f32 [tilespmem:s0], [sflag:$0x1], $0x80, s9, s10, $0xb8;
	[tilespmem:$0x1BC80] =	vst v63  }
0x82: {  	_ =	swait.ge [sflag:s8], $0x4000  }
0x83: {  	[sflag:s8] =	ssyncset.done $0x0  }
0x84: {  	[sflag:s8] =	ssyncadd.s32 $0xFFFFC000  }
0x85: {  	[tilespmem:s9], [sflag:$0x1] =	stream.linear.gather [hbm4b:s31+s4], $0x80, $0x38;
	[tilespmem:$0x1BC80] =	vst v63  }
0x86: {  	_ =	swait.ge [sflag:s8], $0x80  }
0x87: {  	[sflag:s8] =	ssyncset.done $0x0  }
0x88: {  	[sflag:s8] =	ssyncadd.s32 $0xFFFFFF80  }
0x89: {  	[spmem:s3] =	stream.indirect.scatter.add.f32 [tilespmem:s0], [sflag:$0x1], $0x80, s9, s10, $0xb8;
	[tilespmem:$0x1BC80] =	vst v63  }
0x8a: {  	_ =	swait.ge [sflag:s8], $0x4000  }
0x8b: {  	[sflag:s8] =	ssyncset.done $0x0  }
0x8c: {  	[sflag:s8] =	ssyncadd.s32 $0xFFFFC000  }
0x8d: {  	[bflag:$0x0] =	sbarrier.arrive $0xFFFF  }
0x8e: {  	[hbm:s22], [sflag:s13] =	dma.local [spmem:s25], $0x400  }
0x8f: {  	_ =	swait.ge [sflag:s8], $0x400  }
0x90: {  	[sflag:s8] =	ssyncset.done $0x0  }
0x91: {  	[sflag:s8] =	ssyncadd.s32 $0xFFFFFC00  }
0x92: {  	[hbm:s23], [sflag:s13] =	dma.local [spmem:s26], $0x400  }
0x93: {  	_ =	swait.ge [sflag:s8], $0x400  }
0x94: {  	[sflag:s8] =	ssyncset.done $0x0  }
0x95: {  	[sflag:s8] =	ssyncadd.s32 $0xFFFFFC00  }
.LBB2_6:
0x96: {  	s12 =	sadd.s32 $0x1, s12  }
0x97: {  	p1 =	sne.s32 s12, s24  }
.Ltmp1:
0x98: {  	_ = 	snop;
	(pc) =	sbr.rel @!p1 .LBB2_7-.Ltmp1, $1  }
0x99: {  	_ =	sdelay $0x3  }
.LBB2_1:
.Ltmp2:
0x9a: {  	(pc) =	sbr.rel @p0 .LBB2_5-.Ltmp2, $4  }
0x9b: {  	[tilespmem:s0], [sflag:$0x1] =	stream.linear.gather [hbm4b:s7+s4], $0x4000, $0x38;
	[tilespmem:$0x1BC80] =	vst v63  }
0x9c: {  	_ =	swait.ge [sflag:s8], $0x4000  }
0x9d: {  	s13 =	sshll.u32 s5, $0x6;
	[sflag:s8] =	ssyncset.done $0x0  }
0x9e: {  	s13 =	sor.u32 $0x1C01, s13;
	[sflag:s8] =	ssyncadd.s32 $0xFFFFC000  }
0x9f: {  	s14 =	rddreg [dreg:$0x5];
	s19 =	simm.s32 $0x0  }
0xa0: {  	s15 =	rddreg [dreg:$0x6];
	s14 =	sshrl.u32 s14, $0x3;
	s16 =	sand.u32 $0x3C00, s19  }
0xa1: {  	[spmem:s14], [sflag:s13] =	dma.local [hbm:s15], $0x2780  }
0xa2: {  	s16 =	sadd.s32 s28, s16;
	s15 =	sand.u32 $0x380, s19;
	_ =	swait.ge [sflag:s8], $0x2780  }
0xa3: {  	s15 =	sor.u32 s15, s16;
	[sflag:s8] =	ssyncset.done $0x0  }
0xa4: {  	s15 =	sshrl.u32 s15, $0x3;
	[sflag:s8] =	ssyncadd.s32 $0xFFFFD880  }
0xa5: {  	s15 =	sadd.s32 s6, s15;
	[bflag:$0x0] =	sbarrier.arrive $0xFFFF  }
0xa6: {  	[tilespmem:s9], [sflag:$0x1] =	stream.linear.gather [hbm4b:s15+s4], $0x80, $0x38;
	[tilespmem:$0x1BC80] =	vst v63  }
0xa7: {  	_ =	swait.ge [sflag:s8], $0x80  }
0xa8: {  	s18 =	simm.s32 $0x80;
	[sflag:s8] =	ssyncset.done $0x0  }
0xa9: {  	s19 =	sand.u32 $0x3C00, s18;
	[sflag:s8] =	ssyncadd.s32 $0xFFFFFF80  }
0xaa: {  	[spmem:s1] =	stream.indirect.scatter.add.f32 [tilespmem:s0], [sflag:$0x1], $0x80, s9, s10, $0xb8;
	[tilespmem:$0x1BC80] =	vst v63  }
0xab: {  	s18 =	sand.u32 $0x380, s18;
	s16 =	sadd.s32 s28, s19;
	_ =	swait.ge [sflag:s8], $0x4000  }
0xac: {  	s16 =	sor.u32 s18, s16;
	s15 =	simm.s32 $0x100;
	[sflag:s8] =	ssyncset.done $0x0  }
.LBB2_3:
0xad: {  	s16 =	sshrl.u32 s16, $0x3  }
0xae: {  	[sflag:s8] =	ssyncadd.s32 $0xFFFFC000;
	s18 =	smov.u32 s15;
	s19 =	sadd.s32 $0x80, s15  }
0xaf: {  	p1 =	sne.s32 s15, $0x2700;
	s15 =	sadd.s32 s6, s16  }
0xb0: {  	[tilespmem:s9], [sflag:$0x1] =	stream.linear.gather [hbm4b:s15+s4], $0x80, $0x38;
	[tilespmem:$0x1BC80] =	vst v63  }
0xb1: {  	_ =	swait.ge [sflag:s8], $0x80  }
.Ltmp3:
0xb2: {  	[sflag:s8] =	ssyncset.done $0x0;
	(pc) =	sbr.rel @p1 .LBB2_3-.Ltmp3, $4  }
0xb3: {  	s15 =	sand.u32 $0x3C00, s18;
	[sflag:s8] =	ssyncadd.s32 $0xFFFFFF80  }
0xb4: {  	[spmem:s1] =	stream.indirect.scatter.add.f32 [tilespmem:s0], [sflag:$0x1], $0x80, s9, s10, $0xb8;
	[tilespmem:$0x1BC80] =	vst v63  }
0xb5: {  	s16 =	sand.u32 $0x380, s18;
	s15 =	sadd.s32 s28, s15;
	_ =	swait.ge [sflag:s8], $0x4000  }
0xb6: {  	s16 =	sor.u32 s16, s15;
	s15 =	smov.u32 s19;
	[sflag:s8] =	ssyncset.done $0x0  }
0xb7: {  	s15 =	sshrl.u32 s16, $0x3  }
0xb8: {  	[sflag:s8] =	ssyncadd.s32 $0xFFFFC000;
	s15 =	sadd.s32 s6, s15  }
0xb9: {  	[tilespmem:s9], [sflag:$0x1] =	stream.linear.gather [hbm4b:s15+s4], $0x80, $0x38;
	[tilespmem:$0x1BC80] =	vst v63  }
0xba: {  	_ =	swait.ge [sflag:s8], $0x80  }
0xbb: {  	[sflag:s8] =	ssyncset.done $0x0  }
0xbc: {  	[sflag:s8] =	ssyncadd.s32 $0xFFFFFF80  }
0xbd: {  	[spmem:s1] =	stream.indirect.scatter.add.f32 [tilespmem:s0], [sflag:$0x1], $0x80, s9, s10, $0xb8;
	[tilespmem:$0x1BC80] =	vst v63  }
0xbe: {  	_ =	swait.ge [sflag:s8], $0x4000  }
0xbf: {  	[sflag:s8] =	ssyncset.done $0x0  }
0xc0: {  	[sflag:s8] =	ssyncadd.s32 $0xFFFFC000  }
0xc1: {  	[bflag:$0x0] =	sbarrier.arrive $0xFFFF  }
.Ltmp4:
0xc2: {  	s19 =	rddreg [dreg:$0x7];
	(pc) =	sbr.rel .LBB2_6-.Ltmp4, $4  }
0xc3: {  	[hbm:s19], [sflag:s13] =	dma.local [spmem:s14], $0x2780  }
0xc4: {  	_ =	swait.ge [sflag:s8], $0x2780  }
0xc5: {  	[sflag:s8] =	ssyncset.done $0x0  }
0xc6: {  	[sflag:s8] =	ssyncadd.s32 $0xFFFFD880  }
.LBB2_7:
0xc7: {  	_ =	sfence.sel $0x180000  }
0xc8: {  	[bflag:$0x0] =	sbarrier.arrive $0xFFFF  }
0xc9: {  	_ =	strace $0x90000047  }
0xca: {  	[bflag:$0x2] =	sbarrier.arrive $0xFFFF  }
0xcb: {  	p0 =	sne.s32 s5, $0x0;
	s0 =	rddreg [dreg:$0x4]  }
0xcc: {  	s0 =	sadd.s32 @!p0 $0x100000, s0  }
0xcd: {  	[sflag:s0] =	ssyncadd.tile.s32 @!p0 $0x1;
	_ =	shalt  }
.Lfunc_end2:
_tile_overlayer_lowered:
.L_overlay_start_2:
0xce: {  	(tag) =	ssettag $0x2  }
0xcf: {  	s0 =	rddreg [dreg:$0x0];
	s2 =	stileid.u32  }
0xd0: {  	s1 =	rddreg [dreg:$0x1];
	p0 =	sne.s32 s2, $0x0  }
0xd1: {  	s3 =	rddreg [dreg:$0x2];
	[bflag:$0x3] =	sbarrier.arrive $0xFFFF;
	s2 =	simm.s32 @!p0 $0x1C01  }
0xd2: {  	[timem:s3], [sflag:s2] =	dma.local @!p0 [hbm:s0], s1  }
0xd3: {  	s0 =	simm.s32 @!p0 $0x1  }
0xd4: {  	_ =	swait.ge @!p0 [sflag:s0], s1  }
0xd5: {  	s1 =	ssub.s32 @!p0 $0x0, s1;
	[sflag:s0] =	ssyncset.done @!p0 $0x0  }
0xd6: {  	[sflag:s0] =	ssyncadd.s32 @!p0 s1  }
0xd7: {  	[bflag:$0x3] =	sbarrier.arrive $0xFFFF  }
0xd8: {  	_ =	shalt  }

// kernel: kernel.15.cloned.1.call-start
scs
__scs_entry_jumppad:
0x0: {  	(pc) =	sbr.rel $0x88, $3  }
0x1: {  	(tag) =	ssettag $0x0;
	lr =	simm.s32 $0x1  }
0x2: {  	[smem:$0x3F8E] =	sst lr;
	_ =	strace $0xD0000000  }
0x3: {  	_ = 	snop  }
0x4: {  	_ = 	snop  }
0x5: {  	_ = 	snop  }
0x6: {  	_ = 	snop  }
0x7: {  	_ = 	snop  }
__scs_overlays_trampoline_lowered:
0x8: {  	[smem:$0x3F9D] =	sst s0  }
0x9: {  	[smem:$0x3F9E] =	sst s1  }
0xa: {  	[smem:$0x3F9F] =	sst s2  }
0xb: {  	[smem:$0x3FA0] =	sst s3  }
0xc: {  	[smem:$0x3FA1] =	sst s4  }
0xd: {  	[smem:$0x3FA2] =	sst s5  }
0xe: {  	[smem:$0x3FA3] =	sst s6  }
0xf: {  	[smem:$0x3FA4] =	sst s7  }
0x10: {  	[smem:$0x3FA5] =	sst s8  }
0x11: {  	[smem:$0x3FA6] =	sst s9;
	s0 =	simm.s32 @!p0 $0x0  }
0x12: {  	s1 =	sld [smem:$0x3F8C];
	s0 =	simm.s32 @p0 $0x1  }
0x13: {  	[smem:$0x3FA7] =	sst s0;
	s0 =	simm.s32 @!p1 $0x0  }
0x14: {  	s2 =	sld [smem:$0x3F8B];
	s0 =	simm.s32 @p1 $0x1  }
0x15: {  	[smem:$0x3FA8] =	sst s0;
	s0 =	simm.s32 @!p2 $0x0  }
0x16: {  	s3 =	sld [smem:$0x3FDB];
	s0 =	simm.s32 @p2 $0x1  }
0x17: {  	s4 =	simm.s32 $0x1BF5;
	[smem:$0x3FAA] =	sst s0  }
0x18: {  	s0 =	sld [smem:$0x3F8D];
	_ =	swait.ge [sflag:s4], $0x0  }
0x19: {  	s7 =	sld [smem:$0x3F8E]  }
0x1a: {  	s8 =	sadd.s32 $0xFFFFE003, lr  }
0x1b: {  	s9 =	sadd.s32 $0xFFFFFEF7, lr;
	s5 =	simm.s32 $0xFFFFFFFF;
	p2 =	slt.u32 s8, $0xFFFFF086  }
0x1c: {  	p1 =	slt.u32 s9, $0xF7A;
	s5 =	simm.s32 @!p2 $0x0  }
0x1d: {  	s5 =	simm.s32 @p1 $0x1;
	p0 =	seq.s32 s7, s2  }
0x1e: {  	s7 =	smul.u32 @!p0 $0xF7A, s2;
	p2 =	seq.s32 @!p0 s5, $0x0  }
0x1f: {  	s9 =	smul.u32 $0xF7A, s1;
	s8 =	simm.s32 @!p0 $0x1BF5;
	p2 =	por !p2, p0  }
0x20: {  	[sflag:s8] =	ssyncset.s32 @!p0 $0xFFFFF086;
	s6 =	sadd.s32 @!p0 s3, s7;
	s7 =	simm.s32 @!p0 $0x108  }
0x21: {  	s3 =	sadd.s32 s3, s9;
	s6 =	sadd.s32 @!p0 $0x88, s6;
	s7 =	simm.s32 @p2 $0x1082  }
0x22: {  	[simem:s7], [sflag:s8] =	dma.local @!p0 [hbm:s6], $0xF7A  }
0x23: {  	s9 =	sor.u32 $0xD0000000, s2;
	s6 =	simm.s32 $0x108;
	_ =	swait.ge @!p0 [sflag:s8], $0x0  }
0x24: {  	s3 =	sadd.s32 $0x88, s3;
	s6 =	simm.s32 @!p1 $0x1082;
	[sflag:s4] =	ssyncset.s32 $0xFFFFF086  }
0x25: {  	[simem:s6], [sflag:s4] =	dma.local [hbm:s3], $0xF7A  }
0x26: {  	[smem:$0x3F8E] =	sst s1;
	(tag) =	ssettag s2;
	_ =	strace s9  }
0x27: {  	s1 =	sld [smem:$0x3F9E]  }
0x28: {  	s2 =	sld [smem:$0x3F9F]  }
0x29: {  	s4 =	sld [smem:$0x3FA1]  }
0x2a: {  	p0 =	seq.s32 s5, $0x0;
	s5 =	sld [smem:$0x3FA2]  }
0x2b: {  	s6 =	sld [smem:$0x3FA3]  }
0x2c: {  	s7 =	sld [smem:$0x3FA4]  }
0x2d: {  	s3 =	simm.s32 $0x108;
	s8 =	sld [smem:$0x3FA5]  }
0x2e: {  	s3 =	simm.s32 @!p0 $0x1082;
	s9 =	sld [smem:$0x3FA6]  }
0x2f: {  	lr =	sadd.s32 s0, s3;
	s0 =	sld [smem:$0x3F9D]  }
0x30: {  	s3 =	sld [smem:$0x3FA0]  }
0x31: {  	[smem:$0x3FA9] =	sst s10  }
0x32: {  	s10 =	sld [smem:$0x3FA7];
	_ =	sdelay $0x3  }
0x33: {  	p0 =	seq.s32 s10, $0x1;
	s10 =	sld [smem:$0x3FA9];
	_ =	sdelay $0x3  }
0x34: {  	[smem:$0x3FA9] =	sst s10  }
0x35: {  	s10 =	sld [smem:$0x3FA8];
	_ =	sdelay $0x3  }
0x36: {  	p1 =	seq.s32 s10, $0x1;
	s10 =	sld [smem:$0x3FA9];
	_ =	sdelay $0x3  }
0x37: {  	[smem:$0x3FA9] =	sst s10  }
0x38: {  	s10 =	sld [smem:$0x3FAA]  }
0x39: {  	_ = 	snop;
	(pc) =	sbr.ind lr, $3  }
0x3a: {  	_ = 	snop  }
0x3b: {  	_ = 	snop  }
0x3c: {  	p2 =	seq.s32 s10, $0x1;
	s10 =	sld [smem:$0x3FA9]  }
0x3d: {  	_ =	shalt  }
0x3e: {  	_ =	shalt  }
0x3f: {  	_ =	shalt  }
0x40: {  	_ =	shalt  }
0x41: {  	_ =	shalt  }
0x42: {  	_ =	shalt  }
0x43: {  	_ =	shalt  }
0x44: {  	_ =	shalt  }
0x45: {  	_ =	shalt  }
0x46: {  	_ =	shalt  }
0x47: {  	_ =	shalt  }
0x48: {  	_ =	shalt  }
0x49: {  	_ =	shalt  }
0x4a: {  	_ =	shalt  }
0x4b: {  	_ =	shalt  }
0x4c: {  	_ =	shalt  }
0x4d: {  	_ =	shalt  }
0x4e: {  	_ =	shalt  }
0x4f: {  	_ =	shalt  }
0x50: {  	_ =	shalt  }
0x51: {  	_ =	shalt  }
0x52: {  	_ =	shalt  }
0x53: {  	_ =	shalt  }
0x54: {  	_ =	shalt  }
0x55: {  	_ =	shalt  }
0x56: {  	_ =	shalt  }
0x57: {  	_ =	shalt  }
0x58: {  	_ =	shalt  }
0x59: {  	_ =	shalt  }
0x5a: {  	_ =	shalt  }
0x5b: {  	_ =	shalt  }
0x5c: {  	_ =	shalt  }
0x5d: {  	_ =	shalt  }
0x5e: {  	_ =	shalt  }
0x5f: {  	_ =	shalt  }
0x60: {  	_ =	shalt  }
0x61: {  	_ =	shalt  }
0x62: {  	_ =	shalt  }
0x63: {  	_ =	shalt  }
0x64: {  	_ =	shalt  }
0x65: {  	_ =	shalt  }
0x66: {  	_ =	shalt  }
0x67: {  	_ =	shalt  }
0x68: {  	_ =	shalt  }
0x69: {  	_ =	shalt  }
0x6a: {  	_ =	shalt  }
0x6b: {  	_ =	shalt  }
0x6c: {  	_ =	shalt  }
0x6d: {  	_ =	shalt  }
0x6e: {  	_ =	shalt  }
0x6f: {  	_ =	shalt  }
0x70: {  	_ =	shalt  }
0x71: {  	_ =	shalt  }
0x72: {  	_ =	shalt  }
0x73: {  	_ =	shalt  }
0x74: {  	_ =	shalt  }
0x75: {  	_ =	shalt  }
0x76: {  	_ =	shalt  }
0x77: {  	_ =	shalt  }
0x78: {  	_ =	shalt  }
0x79: {  	_ =	shalt  }
0x7a: {  	_ =	shalt  }
0x7b: {  	_ =	shalt  }
0x7c: {  	_ =	shalt  }
0x7d: {  	_ =	shalt  }
0x7e: {  	_ =	shalt  }
0x7f: {  	_ =	shalt  }
0x80: {  	_ =	shalt  }
0x81: {  	_ =	shalt  }
0x82: {  	_ =	shalt  }
0x83: {  	_ =	shalt  }
0x84: {  	_ =	shalt  }
0x85: {  	_ =	shalt  }
0x86: {  	_ =	shalt  }
0x87: {  	_ =	shalt  }
.Lfunc_end0:
.L_simem_size_0:
called_computation.1_lowered:
.L_overlay_start_0:
0x88: {  	s2 =	sld [smem:$0x3FD9]  }
0x89: {  	s3 =	sld [smem:$0x3FFE];
	_ =	sdelay $0x1  }
0x8a: {  	s1 =	srdreg.scid  }
0x8b: {  	s0 =	sand.u32 $0x1, s1  }
0x8c: {  	s17 =	sshll.u32 s0, $0xA;
	s2 =	sadd.s32 s3, s2  }
0x8d: {  	s2 =	sadd.s32 s2, s17  }
0x8e: {  	[smem:$0x3FB5] =	sst s2  }
0x8f: {  	_ = 	snop  }
0x90: {  	(tm) =	ssettm $0x1  }
0x91: {  	s18 =	sld [smem:$0x3FFB];
	_ =	sdelay $0x3  }
0x92: {  	_ =	strace s18  }
0x93: {  	s2 =	sld [smem:$0x3FFC];
	_ =	sdelay $0x3  }
0x94: {  	_ =	strace s2  }
0x95: {  	s2 =	sld [smem:$0x3FFD];
	_ =	sdelay $0x3  }
0x96: {  	_ =	strace s2  }
0x97: {  	_ =	strace $0x8FFFFFFF  }
0x98: {  	s19 =	sld [smem:$0x3FDB];
	_ =	sdelay $0x1  }
0x99: {  	s20 =	simm.s32 $_scs_section_size  }
0x9a: {  	s4 =	simm.s32 $_size__tile_overlayer_lowered;
	s5 =	simm.s32 $_tile_overlayer_lowered  }
0x9b: {  	s6 =	simm.s32 $0x1BFF;
	s21 =	sshll.u32 s5, $0x1;
	s3 =	sadd.s32 s20, s19  }
0x9c: {  	s22 =	simm.s32 $0x0;
	s4 =	sshll.u32 s4, $0x1;
	s5 =	sadd.s32 s21, s3  }
0x9d: {  	[timem:s22], [sflag:s6] =	dma.local [hbm:s5], s4  }
0x9e: {  	_ =	swait.ge [sflag:s6], s4  }
0x9f: {  	s4 =	ssub.s32 $0x0, s4;
	[sflag:s6] =	ssyncset.done $0x0  }
0xa0: {  	[sflag:s6] =	ssyncadd.s32 s4;
	_ =	sdelay $0x1  }
0xa1: {  	s23 =	simm.s32 $0x1B8B  }
0xa2: {  	_ =	swait.ge [sflag:s23], $0x1  }
0xa3: {  	[sflag:s23] =	ssyncset.done $0x0  }
0xa4: {  	[sflag:s23] =	ssyncadd.s32 $0xFFFFFFFF  }
0xa5: {  	s4 =	sld [smem:$0x0]  }
0xa6: {  	s5 =	sand.u32 $0xFFFFFFFE, s1  }
0xa7: {  	p0 =	sne.s32 s1, s5  }
0xa8: {  	s5 =	sshll.u32 @p0 s5, $0xE  }
0xa9: {  	s5 =	sadd.s32 @p0 $0x11B8D, s5;
	s6 =	sshll.u32 @p0 s4, $0x11  }
0xaa: {  	s5 =	sor.u32 @p0 s6, s5  }
0xab: {  	[sflag:s5] =	ssyncadd.remote.s32 @p0 $0x1;
	_ =	sdelay $0x1  }
0xac: {  	s5 =	simm.s32 @p0 $0x1B8D  }
0xad: {  	_ =	swait.eq @p0 [sflag:s5], $0x1  }
0xae: {  	[sflag:s5] =	ssyncadd.s32 @p0 $0xFFFFFFFF  }
0xaf: {  	s6 =	sshll.u32 @!p0 s1, $0xE  }
0xb0: {  	s6 =	sor.u32 @!p0 $0x4000, s6;
	s5 =	simm.s32 @!p0 $0x1B8D  }
0xb1: {  	s4 =	sshll.u32 @!p0 s4, $0x11;
	s6 =	sadd.s32 @!p0 $0x11B8D, s6;
	_ =	swait.eq @!p0 [sflag:s5], $0x1  }
0xb2: {  	s4 =	sor.u32 @!p0 s4, s6;
	[sflag:s5] =	ssyncadd.s32 @!p0 $0xFFFFFFFF  }
0xb3: {  	s25 =	simm.s32 $0x1B8E;
	s24 =	sld [smem:$0x3FFE];
	[sflag:s4] =	ssyncadd.remote.s32 @!p0 $0x1  }
0xb4: {  	s26 =	simm.s32 $execute0_lowered;
	[smem:$0x3FD2] =	sst s25  }
0xb5: {  	s5 =	sshll.u32 s26, $0x1;
	_ =	strace $0x80000049;
	[dreg:$0x1] =	wrdreg $0xFFFFFFFF  }
0xb6: {  	s28 =	simm.s32 $_size_execute0_lowered;
	s3 =	sadd.s32 s3, s5;
	[dreg:$0x0] =	wrdreg $0x0  }
0xb7: {  	s5 =	sshll.u32 s28, $0x1;
	[dreg:$0x2] =	wrdreg s3  }
0xb8: {  	[dreg:$0x3] =	wrdreg s5  }
0xb9: {  	[dreg:$0x4] =	wrdreg $0xC0  }
0xba: {  	_ =	task [dreg:s22], $0x5FFFF  }
0xbb: {  	[dreg:$0x1] =	wrdreg $0xFFFFFFFF  }
0xbc: {  	[dreg:$0x0] =	wrdreg $0x60  }
0xbd: {  	[dreg:$0x2] =	wrdreg s24  }
0xbe: {  	[dreg:$0x3] =	wrdreg $0x0  }
0xbf: {  	[dreg:$0x4] =	wrdreg $0x13C000  }
0xc0: {  	[dreg:$0x5] =	wrdreg $0x15C000  }
0xc1: {  	[dreg:$0x6] =	wrdreg $0xA  }
0xc2: {  	_ =	task.clear_ibuf [dreg:s22], $0x7FFFF;
	_ =	strace $0x90000049  }
0xc3: {  	s29 =	simm.s32 $0xA;
	_ =	strace $0x8000004B  }
0xc4: {  	_ =	swait.ge [sflag:s29], $0x1  }
0xc5: {  	[sflag:s29] =	ssyncadd.s32 $0xFFFFFFFF  }
0xc6: {  	_ =	strace $0x9000004B  }
0xc7: {  	_ =	sfence  }
0xc8: {  	s30 =	sld [smem:$0x0];
	_ =	sdelay $0x2  }
0xc9: {  	s31 =	sshll.u32 s1, $0xD;
	s1 =	sshrl.u32 s1, $0x2  }
0xca: {  	s4 =	sand.u32 $0x4000, s31;
	s1 =	sadd.s32 s1, s30  }
0xcb: {  	s0 =	sor.u32 s4, s0;
	s1 =	sshll.u32 s1, $0x11  }
0xcc: {  	s0 =	sor.u32 s1, s0  }
0xcd: {  	s0 =	sadd.s32 $0x8F2B, s0  }
0xce: {  	[sflag:s0] =	ssyncadd.remote.s32 $0x1  }
0xcf: {  	_ =	sfence.sel $0xFFFF  }
0xd0: {  	[dreg:$0x0] =	wrdreg $0xFFFFFFFF;
	(pc) =	sbr.abs _section_cstart, $3  }
0xd1: {  	[dreg:$0x1] =	wrdreg $0xFFFFFFFF  }
0xd2: {  	_ =	task.clear_ibuf [dreg:s22], $0x2FFFF;
	_ =	strace $0x9FFFFFFF  }
0xd3: {  	(tm) =	ssettm $0x7FFFFFFF  }
tec
execute0_lowered:
.L_overlay_start_1:
0x0: {  	(tag) =	ssettag $0x1  }
0x1: {  	s0 =	rddreg [dreg:$0x0]  }
0x2: {  	s2 =	rddreg [dreg:$0x1]  }
0x3: {  	s3 =	rddreg [dreg:$0x2]  }
0x4: {  	s4 =	rddreg [dreg:$0x3];
	s21 =	stileid.u32;
	s5 =	simm.s32 $0x0  }
0x5: {  	s12 =	srdreg.scid;
	s28 =	simm.s32 $0x17C80;
	s29 =	simm.s32 $0x80  }
0x6: {  	s30 =	simm.s32 $0x17D00;
	s31 =	simm.s32 $0x17D80;
	s1 =	sshrl.u32 s21, $0x3  }
0x7: {  	s9 =	sshll.u32 s21, $0x7;
	[smem:$0x7FF] =	sst s5;
	s22 =	smul.u32 $0x13C00, s21  }
0x8: {  	s12 =	sand.u32 $0x1, s12;
	s23 =	sadd.s32 $0xA800, s0;
	s19 =	smul.u32 $0x4F000, s21  }
0x9: {  	s15 =	sshll.u32 s21, $0xD;
	s25 =	sshll.u32 s21, $0x6;
	s6 =	smul.u32 $0x13C00, s1  }
0xa: {  	s26 =	sshll.u32 s21, $0xA;
	s8 =	sand.u32 $0x380, s9;
	s11 =	smul.u32 $0x1400, s1  }
0xb: {  	_ =	strace $0x8000004A;
	s1 =	sshll.u32 s1, $0xA;
	s14 =	smul.u32 $0x13C000, s12  }
0xc: {  	s9 =	sadd.s32 s9, s0;
	s17 =	sshll.u32 s12, $0x11;
	s18 =	ssub.s32 $0x2, s12  }
0xd: {  	s1 =	sadd.s32 s1, s0;
	s17 =	sor.u32 s15, s17;
	s20 =	sshrl.u32 s18, $0x1  }
0xe: {  	s24 =	sshrl.u32 s19, $0x2;
	s7 =	sor.u32 s8, s6;
	s6 =	sadd.s32 $0x6FC00, s0  }
0xf: {  	s8 =	sor.u32 s8, s11;
	s14 =	sadd.s32 s22, s14;
	s17 =	sshrl.u32 s17, $0x3  }
0x10: {  	s11 =	sshrl.u32 s22, $0x3;
	s22 =	sshll.u32 s21, $0x4;
	s10 =	sshrl.u32 s7, $0x3  }
0x11: {  	s7 =	sadd.s32 $0x67E00, s0;
	s13 =	sshrl.u32 s8, $0x3;
	s8 =	sadd.s32 $0x4800, s0  }
0x12: {  	s14 =	sshrl.u32 s14, $0x3;
	s11 =	sadd.s32 s23, s11;
	s10 =	sadd.s32 s10, s0  }
0x13: {  	s16 =	sadd.s32 s13, s0;
	s14 =	sadd.s32 s14, s0;
	s0 =	sadd.s32 s17, s0  }
0x14: {  	s17 =	ssub.s32 s18, s20;
	s18 =	sadd.s32 s24, s2;
	[dreg:$0x6] =	wrdreg s11  }
0x15: {  	s11 =	sor.u32 $0x1C02, s25;
	s20 =	sadd.s32 s15, s3;
	[dreg:$0x5] =	wrdreg s18  }
0x16: {  	s13 =	sadd.s32 s23, s26;
	s15 =	sadd.s32 s15, s4;
	[dreg:$0x7] =	wrdreg s20  }
0x17: {  	s23 =	sand.u32 $0x70, s22;
	s22 =	sadd.s32 $0xA000, s9;
	[dreg:$0x8] =	wrdreg s15  }
0x18: {  	s15 =	smul.u32 $0x2800, s21;
	s14 =	sadd.s32 $0xCDE00, s14;
	s24 =	sadd.s32 $0xBDE00, s0  }
0x19: {  	s0 =	sadd.s32 $0xC5E00, s0;
	s25 =	smax.u32 s17, $0x1;
	[dreg:$0x9] =	wrdreg s14  }
0x1a: {  	s20 =	sadd.s32 $0x62000, s10;
	s17 =	sadd.s32 $0x67800, s16;
	[dreg:$0xa] =	wrdreg s24  }
0x1b: {  	s26 =	sadd.s32 s23, s1;
	s23 =	sadd.s32 $0x9800, s9;
	[dreg:$0xb] =	wrdreg s0  }
0x1c: {  	s1 =	simm.s32 $0x0;
	[dreg:$0xc] =	wrdreg s25;
	s24 =	sadd.s32 $0x67000, s26  }
0x1d: {  	v0 =	vmov s12;
	s25 =	simm.s32 $0x2;
	s26 =	simm.s32 $0x17C00;
	s0 =	simm.s32 $0x1  }
.LBB2_1:
0x1e: {  	s9 =	rddreg [dreg:$0x5]  }
0x1f: {  	s10 =	rddreg [dreg:$0x6];
	s9 =	sshrl.u32 s9, $0x3  }
0x20: {  	[spmem:s9], [sflag:s11] =	dma.local [hbm:s10], $0x2780  }
0x21: {  	_ =	swait.ge [sflag:s25], $0x2780  }
0x22: {  	[sflag:s25] =	ssyncset.done $0x0;
	s21 =	rddreg [dreg:$0x7]  }
0x23: {  	[sflag:s25] =	ssyncadd.s32 $0xFFFFD880;
	s10 =	sshrl.u32 s21, $0x3  }
0x24: {  	[spmem:s10], [sflag:s11] =	dma.local [hbm:s13], $0x400  }
0x25: {  	_ =	swait.ge [sflag:s25], $0x400  }
0x26: {  	[sflag:s25] =	ssyncset.done $0x0;
	s12 =	rddreg [dreg:$0x8]  }
0x27: {  	[sflag:s25] =	ssyncadd.s32 $0xFFFFFC00;
	s12 =	sshrl.u32 s12, $0x3  }
0x28: {  	[spmem:s12], [sflag:s11] =	dma.local [hbm:s13], $0x400  }
0x29: {  	_ =	swait.ge [sflag:s25], $0x400  }
0x2a: {  	[sflag:s25] =	ssyncset.done $0x0  }
0x2b: {  	s14 =	sand.u32 $0x3C00, s5;
	s16 =	sadd.s32 $0x0, s20;
	[sflag:s25] =	ssyncadd.s32 $0xFFFFFC00  }
0x2c: {  	s14 =	sadd.s32 s15, s14;
	s21 =	sand.u32 $0x380, s5;
	[bflag:$0x0] =	sbarrier.arrive $0xFFFF  }
0x2d: {  	[tilespmem:s26], [sflag:$0x2] =	stream.linear.gather [hbm4b:s16+s5], $0x80, $0x38;
	[tilespmem:$0x1BD80] =	vst v63  }
0x2e: {  	s14 =	sor.u32 s21, s14;
	_ =	swait.ge [sflag:s25], $0x80  }
0x2f: {  	s14 =	sshrl.u32 s14, $0x3;
	[sflag:s25] =	ssyncset.done $0x0  }
0x30: {  	s14 =	sadd.s32 s8, s14;
	[sflag:s25] =	ssyncadd.s32 $0xFFFFFF80  }
0x31: {  	[tilespmem:s28], [sflag:$0x2] =	stream.linear.gather [hbm4b:s14+s5], $0x80, $0x38;
	[tilespmem:$0x1BD80] =	vst v63  }
0x32: {  	_ =	swait.ge [sflag:s25], $0x80  }
0x33: {  	[sflag:s25] =	ssyncset.done $0x0  }
0x34: {  	[sflag:s25] =	ssyncadd.s32 $0xFFFFFF80  }
0x35: {  	v1 =	vld [tilespmem:$0x17C70]  }
0x36: {  	v2 =	vld [tilespmem:$0x17C60]  }
0x37: {  	v3 =	vld [tilespmem:$0x17C30]  }
0x38: {  	v4 =	vld [tilespmem:$0x17C20]  }
0x39: {  	v5 =	vld [tilespmem:$0x17C10]  }
0x3a: {  	v6 =	vld [tilespmem:$0x17C40];
	v1 =	vshll.u32 v1, $0x1  }
0x3b: {  	v7 =	vld [tilespmem:$0x17C00];
	v2 =	vshll.u32 v2, $0x1;
	v1 =	vor.u32 v0, v1  }
0x3c: {  	v8 =	vld [tilespmem:$0x17C50];
	v3 =	vshll.u32 v3, $0x1;
	v2 =	vor.u32 v0, v2;
	[tilespmem:$0x17D70] =	vst v1  }
0x3d: {  	v3 =	vor.u32 v0, v3;
	v1 =	vshll.u32 v4, $0x1;
	[tilespmem:$0x17D60] =	vst v2  }
0x3e: {  	v2 =	vshll.u32 v5, $0x1;
	[tilespmem:$0x17D30] =	vst v3;
	v1 =	vor.u32 v0, v1  }
0x3f: {  	v2 =	vor.u32 v0, v2;
	[tilespmem:$0x17D20] =	vst v1;
	v1 =	vshll.u32 v6, $0x1  }
0x40: {  	v3 =	vshll.u32 v7, $0x1;
	[tilespmem:$0x17D10] =	vst v2;
	v1 =	vor.u32 v0, v1  }
0x41: {  	v2 =	vor.u32 v0, v3;
	[tilespmem:$0x17D40] =	vst v1;
	v1 =	vshll.u32 v8, $0x1  }
0x42: {  	s16 =	simm.s32 $0x80;
	[tilespmem:$0x17D00] =	vst v2;
	v1 =	vor.u32 v0, v1  }
.LBB2_2:
0x43: {  	p0 =	sne.s32 s16, $0x2700;
	[tilespmem:$0x17D50] =	vst v1;
	s21 =	smov.u32 s16;
	s16 =	sadd.s32 $0x80, s16  }
0x44: {  	[tilespmem:s31], [sflag:$0x1] =	stream.indirect.gather [hbm4b:s6+s29], $0x80, s30, s29, $0xb8;
	[tilespmem:$0x1BD80] =	vst v63  }
0x45: {  	_ =	swait.ge [sflag:s0], $0x4000  }
0x46: {  	[sflag:s0] =	ssyncset.done $0x0  }
0x47: {  	[sflag:s0] =	ssyncadd.s32 $0xFFFFC000  }
0x48: {  	[spmem:s2] =	stream.indirect.scatter.add.f32 [tilespmem:s31], [sflag:$0x2], $0x80, s28, s29, $0xb8;
	[tilespmem:$0x1BD80] =	vst v63  }
0x49: {  	s18 =	sadd.s32 s21, s20;
	_ =	swait.ge [sflag:s25], $0x4000  }
0x4a: {  	s14 =	simm.s32 $0x0;
	s19 =	sand.u32 $0x3C00, s21;
	[sflag:s25] =	ssyncset.done $0x0  }
0x4b: {  	s21 =	sand.u32 $0x380, s21;
	s19 =	sadd.s32 s15, s19;
	[sflag:s25] =	ssyncadd.s32 $0xFFFFC000  }
0x4c: {  	[tilespmem:s26], [sflag:$0x2] =	stream.linear.gather [hbm4b:s18+s14], $0x80, $0x38;
	[tilespmem:$0x1BD80] =	vst v63  }
0x4d: {  	s18 =	sor.u32 s21, s19;
	_ =	swait.ge [sflag:s25], $0x80  }
0x4e: {  	s18 =	sshrl.u32 s18, $0x3;
	[sflag:s25] =	ssyncset.done $0x0  }
0x4f: {  	s18 =	sadd.s32 s8, s18;
	[sflag:s25] =	ssyncadd.s32 $0xFFFFFF80  }
0x50: {  	[tilespmem:s28], [sflag:$0x2] =	stream.linear.gather [hbm4b:s18+s14], $0x80, $0x38;
	[tilespmem:$0x1BD80] =	vst v63  }
0x51: {  	_ =	swait.ge [sflag:s25], $0x80  }
0x52: {  	[sflag:s25] =	ssyncset.done $0x0  }
0x53: {  	[sflag:s25] =	ssyncadd.s32 $0xFFFFFF80  }
0x54: {  	v1 =	vld [tilespmem:$0x17C70]  }
0x55: {  	v2 =	vld [tilespmem:$0x17C60]  }
0x56: {  	v3 =	vld [tilespmem:$0x17C30]  }
0x57: {  	v4 =	vld [tilespmem:$0x17C20]  }
0x58: {  	v5 =	vld [tilespmem:$0x17C10]  }
0x59: {  	v6 =	vld [tilespmem:$0x17C40];
	v1 =	vshll.u32 v1, $0x1  }
0x5a: {  	v7 =	vld [tilespmem:$0x17C00];
	v2 =	vshll.u32 v2, $0x1;
	v1 =	vor.u32 v0, v1  }
0x5b: {  	v3 =	vshll.u32 v3, $0x1;
	v8 =	vld [tilespmem:$0x17C50];
	v2 =	vor.u32 v0, v2;
	[tilespmem:$0x17D70] =	vst v1  }
0x5c: {  	v1 =	vshll.u32 v4, $0x1;
	v3 =	vor.u32 v0, v3;
	[tilespmem:$0x17D60] =	vst v2  }
.Ltmp0:
0x5d: {  	v2 =	vshll.u32 v5, $0x1;
	v1 =	vor.u32 v0, v1;
	[tilespmem:$0x17D30] =	vst v3;
	(pc) =	sbr.rel @p0 .LBB2_2-.Ltmp0, $4  }
0x5e: {  	v2 =	vor.u32 v0, v2;
	[tilespmem:$0x17D20] =	vst v1;
	v1 =	vshll.u32 v6, $0x1  }
0x5f: {  	v3 =	vshll.u32 v7, $0x1;
	[tilespmem:$0x17D10] =	vst v2;
	v1 =	vor.u32 v0, v1  }
0x60: {  	v2 =	vor.u32 v0, v3;
	[tilespmem:$0x17D40] =	vst v1;
	v1 =	vshll.u32 v8, $0x1  }
0x61: {  	[tilespmem:$0x17D00] =	vst v2;
	v1 =	vor.u32 v0, v1  }
0x62: {  	[tilespmem:$0x17D50] =	vst v1  }
0x63: {  	[tilespmem:s31], [sflag:$0x1] =	stream.indirect.gather [hbm4b:s6+s29], $0x80, s30, s29, $0xb8;
	[tilespmem:$0x1BD80] =	vst v63  }
0x64: {  	_ =	swait.ge [sflag:s0], $0x4000  }
0x65: {  	[sflag:s0] =	ssyncset.done $0x0  }
0x66: {  	[sflag:s0] =	ssyncadd.s32 $0xFFFFC000  }
0x67: {  	[spmem:s2] =	stream.indirect.scatter.add.f32 [tilespmem:s31], [sflag:$0x2], $0x80, s28, s29, $0xb8;
	[tilespmem:$0x1BD80] =	vst v63  }
0x68: {  	_ =	swait.ge [sflag:s25], $0x4000  }
0x69: {  	[sflag:s25] =	ssyncset.done $0x0  }
0x6a: {  	[sflag:s25] =	ssyncadd.s32 $0xFFFFC000  }
0x6b: {  	[tilespmem:s26], [sflag:$0x2] =	stream.linear.gather [hbm4b:s17+s14], $0x80, $0x38;
	[tilespmem:$0x1BD80] =	vst v63  }
0x6c: {  	_ =	swait.ge [sflag:s25], $0x80  }
0x6d: {  	[sflag:s25] =	ssyncset.done $0x0  }
0x6e: {  	s16 =	sadd.s32 $0x0, s22;
	[sflag:s25] =	ssyncadd.s32 $0xFFFFFF80  }
0x6f: {  	[tilespmem:s28], [sflag:$0x2] =	stream.linear.gather [hbm4b:s16+s14], $0x80, $0x38;
	[tilespmem:$0x1BD80] =	vst v63  }
0x70: {  	_ =	swait.ge [sflag:s25], $0x80  }
0x71: {  	[sflag:s25] =	ssyncset.done $0x0  }
0x72: {  	[sflag:s25] =	ssyncadd.s32 $0xFFFFFF80  }
0x73: {  	v1 =	vld [tilespmem:$0x17C50]  }
0x74: {  	v2 =	vld [tilespmem:$0x17C30]  }
0x75: {  	v3 =	vld [tilespmem:$0x17C20]  }
0x76: {  	v4 =	vld [tilespmem:$0x17C10]  }
0x77: {  	v5 =	vld [tilespmem:$0x17C40]  }
0x78: {  	v6 =	vld [tilespmem:$0x17C00];
	v1 =	vshll.u32 v1, $0x1  }
0x79: {  	v7 =	vld [tilespmem:$0x17C60];
	v2 =	vshll.u32 v2, $0x1;
	v1 =	vor.u32 v0, v1  }
0x7a: {  	v8 =	vld [tilespmem:$0x17C70];
	v3 =	vshll.u32 v3, $0x1;
	v2 =	vor.u32 v0, v2;
	[tilespmem:$0x17D50] =	vst v1  }
0x7b: {  	v3 =	vor.u32 v0, v3;
	v1 =	vshll.u32 v4, $0x1;
	[tilespmem:$0x17D30] =	vst v2  }
0x7c: {  	[tilespmem:$0x17D20] =	vst v3;
	v2 =	vshll.u32 v5, $0x1;
	v1 =	vor.u32 v0, v1  }
0x7d: {  	v3 =	vshll.u32 v6, $0x1;
	[tilespmem:$0x17D10] =	vst v1;
	v1 =	vor.u32 v0, v2  }
0x7e: {  	v2 =	vor.u32 v0, v3;
	[tilespmem:$0x17D40] =	vst v1;
	v1 =	vshll.u32 v7, $0x1  }
0x7f: {  	s21 =	smov.u32 s17;
	s16 =	simm.s32 $0x10;
	[tilespmem:$0x17D00] =	vst v2;
	v2 =	vshll.u32 v8, $0x1;
	v1 =	vor.u32 v0, v1  }
.LBB2_4:
0x80: {  	p0 =	sne.s32 s16, $0x40  }
0x81: {  	[tilespmem:$0x17D60] =	vst v1;
	v1 =	vor.u32 v0, v2;
	s21 =	sadd.s32 $0x80, s21;
	s18 =	smov.u32 s16;
	s16 =	sadd.s32 $0x10, s16  }
0x82: {  	[tilespmem:$0x17D70] =	vst v1  }
0x83: {  	[tilespmem:s31], [sflag:$0x1] =	stream.indirect.gather [hbm4b:s6+s29], $0x80, s30, s29, $0xb8;
	[tilespmem:$0x1BD80] =	vst v63  }
0x84: {  	_ =	swait.ge [sflag:s0], $0x4000  }
0x85: {  	[sflag:s0] =	ssyncset.done $0x0  }
0x86: {  	[sflag:s0] =	ssyncadd.s32 $0xFFFFC000  }
0x87: {  	[spmem:s3] =	stream.indirect.scatter.add.f32 [tilespmem:s31], [sflag:$0x2], $0x80, s28, s29, $0xb8;
	[tilespmem:$0x1BD80] =	vst v63  }
0x88: {  	_ =	swait.ge [sflag:s25], $0x4000  }
0x89: {  	[sflag:s25] =	ssyncset.done $0x0  }
0x8a: {  	[sflag:s25] =	ssyncadd.s32 $0xFFFFC000  }
0x8b: {  	[tilespmem:s26], [sflag:$0x2] =	stream.linear.gather [hbm4b:s21+s14], $0x80, $0x38;
	[tilespmem:$0x1BD80] =	vst v63  }
0x8c: {  	_ =	swait.ge [sflag:s25], $0x80  }
0x8d: {  	[sflag:s25] =	ssyncset.done $0x0  }
0x8e: {  	s18 =	sadd.s32 s18, s22;
	[sflag:s25] =	ssyncadd.s32 $0xFFFFFF80  }
0x8f: {  	[tilespmem:s28], [sflag:$0x2] =	stream.linear.gather [hbm4b:s18+s14], $0x80, $0x38;
	[tilespmem:$0x1BD80] =	vst v63  }
0x90: {  	_ =	swait.ge [sflag:s25], $0x80  }
0x91: {  	[sflag:s25] =	ssyncset.done $0x0  }
0x92: {  	[sflag:s25] =	ssyncadd.s32 $0xFFFFFF80  }
0x93: {  	v1 =	vld [tilespmem:$0x17C50]  }
0x94: {  	v2 =	vld [tilespmem:$0x17C30]  }
0x95: {  	v3 =	vld [tilespmem:$0x17C20]  }
0x96: {  	v4 =	vld [tilespmem:$0x17C10]  }
0x97: {  	v5 =	vld [tilespmem:$0x17C40]  }
0x98: {  	v6 =	vld [tilespmem:$0x17C00];
	v1 =	vshll.u32 v1, $0x1  }
0x99: {  	v2 =	vshll.u32 v2, $0x1;
	v1 =	vor.u32 v0, v1;
	v7 =	vld [tilespmem:$0x17C60]  }
0x9a: {  	v3 =	vshll.u32 v3, $0x1;
	v2 =	vor.u32 v0, v2;
	[tilespmem:$0x17D50] =	vst v1;
	v8 =	vld [tilespmem:$0x17C70]  }
.Ltmp1:
0x9b: {  	v1 =	vshll.u32 v4, $0x1;
	v3 =	vor.u32 v0, v3;
	[tilespmem:$0x17D30] =	vst v2;
	(pc) =	sbr.rel @p0 .LBB2_4-.Ltmp1, $4  }
0x9c: {  	v1 =	vor.u32 v0, v1;
	[tilespmem:$0x17D20] =	vst v3;
	v2 =	vshll.u32 v5, $0x1  }
0x9d: {  	v3 =	vshll.u32 v6, $0x1;
	[tilespmem:$0x17D10] =	vst v1;
	v1 =	vor.u32 v0, v2  }
0x9e: {  	v2 =	vor.u32 v0, v3;
	[tilespmem:$0x17D40] =	vst v1;
	v1 =	vshll.u32 v7, $0x1  }
0x9f: {  	[tilespmem:$0x17D00] =	vst v2;
	v1 =	vor.u32 v0, v1;
	v2 =	vshll.u32 v8, $0x1  }
0xa0: {  	[tilespmem:$0x17D60] =	vst v1;
	v1 =	vor.u32 v0, v2  }
0xa1: {  	[tilespmem:$0x17D70] =	vst v1  }
0xa2: {  	[tilespmem:s31], [sflag:$0x1] =	stream.indirect.gather [hbm4b:s6+s29], $0x80, s30, s29, $0xb8;
	[tilespmem:$0x1BD80] =	vst v63  }
0xa3: {  	_ =	swait.ge [sflag:s0], $0x4000  }
0xa4: {  	[sflag:s0] =	ssyncset.done $0x0  }
0xa5: {  	[sflag:s0] =	ssyncadd.s32 $0xFFFFC000  }
0xa6: {  	[spmem:s3] =	stream.indirect.scatter.add.f32 [tilespmem:s31], [sflag:$0x2], $0x80, s28, s29, $0xb8;
	[tilespmem:$0x1BD80] =	vst v63  }
0xa7: {  	_ =	swait.ge [sflag:s25], $0x4000  }
0xa8: {  	[sflag:s25] =	ssyncset.done $0x0  }
0xa9: {  	[sflag:s25] =	ssyncadd.s32 $0xFFFFC000  }
0xaa: {  	[tilespmem:s26], [sflag:$0x2] =	stream.linear.gather [hbm4b:s24+s5], $0x80, $0x38;
	[tilespmem:$0x1BD80] =	vst v63  }
0xab: {  	_ =	swait.ge [sflag:s25], $0x80  }
0xac: {  	[sflag:s25] =	ssyncset.done $0x0  }
0xad: {  	s14 =	sadd.s32 $0x0, s23;
	[sflag:s25] =	ssyncadd.s32 $0xFFFFFF80  }
0xae: {  	[tilespmem:s28], [sflag:$0x2] =	stream.linear.gather [hbm4b:s14+s5], $0x80, $0x38;
	[tilespmem:$0x1BD80] =	vst v63  }
0xaf: {  	_ =	swait.ge [sflag:s25], $0x80  }
0xb0: {  	[sflag:s25] =	ssyncset.done $0x0  }
0xb1: {  	[sflag:s25] =	ssyncadd.s32 $0xFFFFFF80  }
0xb2: {  	v1 =	vld [tilespmem:$0x17C50]  }
0xb3: {  	v2 =	vld [tilespmem:$0x17C30]  }
0xb4: {  	v3 =	vld [tilespmem:$0x17C20]  }
0xb5: {  	v4 =	vld [tilespmem:$0x17C10]  }
0xb6: {  	v5 =	vld [tilespmem:$0x17C40]  }
0xb7: {  	v6 =	vld [tilespmem:$0x17C00];
	v1 =	vshll.u32 v1, $0x1  }
0xb8: {  	v7 =	vld [tilespmem:$0x17C60];
	v2 =	vshll.u32 v2, $0x1;
	v1 =	vor.u32 v0, v1  }
0xb9: {  	v8 =	vld [tilespmem:$0x17C70];
	v3 =	vshll.u32 v3, $0x1;
	v2 =	vor.u32 v0, v2;
	[tilespmem:$0x17D50] =	vst v1  }
0xba: {  	v3 =	vor.u32 v0, v3;
	v1 =	vshll.u32 v4, $0x1;
	[tilespmem:$0x17D30] =	vst v2  }
0xbb: {  	[tilespmem:$0x17D20] =	vst v3;
	v2 =	vshll.u32 v5, $0x1;
	v1 =	vor.u32 v0, v1  }
0xbc: {  	v3 =	vshll.u32 v6, $0x1;
	[tilespmem:$0x17D10] =	vst v1;
	v1 =	vor.u32 v0, v2  }
0xbd: {  	v2 =	vor.u32 v0, v3;
	[tilespmem:$0x17D40] =	vst v1;
	v1 =	vshll.u32 v7, $0x1  }
0xbe: {  	s16 =	smov.u32 s24;
	s14 =	simm.s32 $0x10;
	[tilespmem:$0x17D00] =	vst v2;
	v2 =	vshll.u32 v8, $0x1;
	v1 =	vor.u32 v0, v1  }
.LBB2_6:
0xbf: {  	p0 =	sne.s32 s14, $0x70  }
0xc0: {  	[tilespmem:$0x17D60] =	vst v1;
	v1 =	vor.u32 v0, v2;
	s16 =	sadd.s32 $0x80, s16;
	s18 =	smov.u32 s14;
	s14 =	sadd.s32 $0x10, s14  }
0xc1: {  	[tilespmem:$0x17D70] =	vst v1  }
0xc2: {  	[tilespmem:s31], [sflag:$0x1] =	stream.indirect.gather [hbm4b:s7+s29], $0x80, s30, s29, $0xb8;
	[tilespmem:$0x1BD80] =	vst v63  }
0xc3: {  	_ =	swait.ge [sflag:s0], $0x4000  }
0xc4: {  	[sflag:s0] =	ssyncset.done $0x0  }
0xc5: {  	[sflag:s0] =	ssyncadd.s32 $0xFFFFC000  }
0xc6: {  	[spmem:s4] =	stream.indirect.scatter.add.f32 [tilespmem:s31], [sflag:$0x2], $0x80, s28, s29, $0xb8;
	[tilespmem:$0x1BD80] =	vst v63  }
0xc7: {  	_ =	swait.ge [sflag:s25], $0x4000  }
0xc8: {  	[sflag:s25] =	ssyncset.done $0x0  }
0xc9: {  	[sflag:s25] =	ssyncadd.s32 $0xFFFFC000  }
0xca: {  	[tilespmem:s26], [sflag:$0x2] =	stream.linear.gather [hbm4b:s16+s5], $0x80, $0x38;
	[tilespmem:$0x1BD80] =	vst v63  }
0xcb: {  	_ =	swait.ge [sflag:s25], $0x80  }
0xcc: {  	[sflag:s25] =	ssyncset.done $0x0  }
0xcd: {  	s18 =	sadd.s32 s18, s23;
	[sflag:s25] =	ssyncadd.s32 $0xFFFFFF80  }
0xce: {  	[tilespmem:s28], [sflag:$0x2] =	stream.linear.gather [hbm4b:s18+s5], $0x80, $0x38;
	[tilespmem:$0x1BD80] =	vst v63  }
0xcf: {  	_ =	swait.ge [sflag:s25], $0x80  }
0xd0: {  	[sflag:s25] =	ssyncset.done $0x0  }
0xd1: {  	[sflag:s25] =	ssyncadd.s32 $0xFFFFFF80  }
0xd2: {  	v1 =	vld [tilespmem:$0x17C50]  }
0xd3: {  	v2 =	vld [tilespmem:$0x17C30]  }
0xd4: {  	v3 =	vld [tilespmem:$0x17C20]  }
0xd5: {  	v4 =	vld [tilespmem:$0x17C10]  }
0xd6: {  	v5 =	vld [tilespmem:$0x17C40]  }
0xd7: {  	v6 =	vld [tilespmem:$0x17C00];
	v1 =	vshll.u32 v1, $0x1  }
0xd8: {  	v2 =	vshll.u32 v2, $0x1;
	v1 =	vor.u32 v0, v1;
	v7 =	vld [tilespmem:$0x17C60]  }
0xd9: {  	v3 =	vshll.u32 v3, $0x1;
	v2 =	vor.u32 v0, v2;
	[tilespmem:$0x17D50] =	vst v1;
	v8 =	vld [tilespmem:$0x17C70]  }
.Ltmp2:
0xda: {  	v1 =	vshll.u32 v4, $0x1;
	v3 =	vor.u32 v0, v3;
	[tilespmem:$0x17D30] =	vst v2;
	(pc) =	sbr.rel @p0 .LBB2_6-.Ltmp2, $4  }
0xdb: {  	v1 =	vor.u32 v0, v1;
	[tilespmem:$0x17D20] =	vst v3;
	v2 =	vshll.u32 v5, $0x1  }
0xdc: {  	v3 =	vshll.u32 v6, $0x1;
	[tilespmem:$0x17D10] =	vst v1;
	v1 =	vor.u32 v0, v2  }
0xdd: {  	v2 =	vor.u32 v0, v3;
	[tilespmem:$0x17D40] =	vst v1;
	v1 =	vshll.u32 v7, $0x1  }
0xde: {  	[tilespmem:$0x17D00] =	vst v2;
	v1 =	vor.u32 v0, v1;
	v2 =	vshll.u32 v8, $0x1  }
0xdf: {  	[tilespmem:$0x17D60] =	vst v1;
	v1 =	vor.u32 v0, v2  }
0xe0: {  	[tilespmem:$0x17D70] =	vst v1  }
0xe1: {  	[tilespmem:s31], [sflag:$0x1] =	stream.indirect.gather [hbm4b:s7+s29], $0x80, s30, s29, $0xb8;
	[tilespmem:$0x1BD80] =	vst v63  }
0xe2: {  	_ =	swait.ge [sflag:s0], $0x4000  }
0xe3: {  	[sflag:s0] =	ssyncset.done $0x0  }
0xe4: {  	[sflag:s0] =	ssyncadd.s32 $0xFFFFC000  }
0xe5: {  	[spmem:s4] =	stream.indirect.scatter.add.f32 [tilespmem:s31], [sflag:$0x2], $0x80, s28, s29, $0xb8;
	[tilespmem:$0x1BD80] =	vst v63  }
0xe6: {  	_ =	swait.ge [sflag:s25], $0x4000  }
0xe7: {  	[sflag:s25] =	ssyncset.done $0x0  }
0xe8: {  	[sflag:s25] =	ssyncadd.s32 $0xFFFFC000  }
0xe9: {  	[bflag:$0x0] =	sbarrier.arrive $0xFFFF  }
0xea: {  	s14 =	rddreg [dreg:$0x9]  }
0xeb: {  	[hbm:s14], [sflag:s11] =	dma.local [spmem:s9], $0x2780  }
0xec: {  	_ =	swait.ge [sflag:s25], $0x2780  }
0xed: {  	[sflag:s25] =	ssyncset.done $0x0  }
0xee: {  	s18 =	rddreg [dreg:$0xa];
	[sflag:s25] =	ssyncadd.s32 $0xFFFFD880  }
0xef: {  	[hbm:s18], [sflag:s11] =	dma.local [spmem:s10], $0x400  }
0xf0: {  	_ =	swait.ge [sflag:s25], $0x400  }
0xf1: {  	[sflag:s25] =	ssyncset.done $0x0  }
0xf2: {  	s19 =	rddreg [dreg:$0xb];
	[sflag:s25] =	ssyncadd.s32 $0xFFFFFC00  }
0xf3: {  	[hbm:s19], [sflag:s11] =	dma.local [spmem:s12], $0x400  }
0xf4: {  	_ =	swait.ge [sflag:s25], $0x400  }
0xf5: {  	s1 =	sadd.s32 $0x1, s1;
	s21 =	rddreg [dreg:$0xc]  }
0xf6: {  	p0 =	sne.s32 s1, s21  }
.Ltmp3:
0xf7: {  	_ = 	snop;
	(pc) =	sbr.rel @p0 .LBB2_1-.Ltmp3, $3  }
0xf8: {  	_ =	sdelay $0x1  }
0xf9: {  	[sflag:s25] =	ssyncset.done $0x0  }
0xfa: {  	[sflag:s25] =	ssyncadd.s32 $0xFFFFFC00  }
0xfb: {  	_ =	sfence.sel $0x180000  }
0xfc: {  	[bflag:$0x0] =	sbarrier.arrive $0xFFFF  }
0xfd: {  	_ =	strace $0x9000004A  }
0xfe: {  	s0 =	stileid.u32;
	[bflag:$0x2] =	sbarrier.arrive $0xFFFF  }
0xff: {  	p0 =	sne.s32 s0, $0x0;
	s0 =	rddreg [dreg:$0x4]  }
0x100: {  	s0 =	sadd.s32 @!p0 $0x100000, s0  }
0x101: {  	[sflag:s0] =	ssyncadd.tile.s32 @!p0 $0x1;
	_ =	shalt  }
.Lfunc_end2:
_tile_overlayer_lowered:
.L_overlay_start_2:
0x102: {  	(tag) =	ssettag $0x2  }
0x103: {  	s0 =	rddreg [dreg:$0x0];
	s2 =	stileid.u32  }
0x104: {  	s1 =	rddreg [dreg:$0x1];
	p0 =	sne.s32 s2, $0x0  }
0x105: {  	s3 =	rddreg [dreg:$0x2];
	[bflag:$0x3] =	sbarrier.arrive $0xFFFF;
	s2 =	simm.s32 @!p0 $0x1C02  }
0x106: {  	[timem:s3], [sflag:s2] =	dma.local @!p0 [hbm:s0], s1  }
0x107: {  	s0 =	simm.s32 @!p0 $0x2  }
0x108: {  	_ =	swait.ge @!p0 [sflag:s0], s1  }
0x109: {  	s1 =	ssub.s32 @!p0 $0x0, s1;
	[sflag:s0] =	ssyncset.done @!p0 $0x0  }
0x10a: {  	[sflag:s0] =	ssyncadd.s32 @!p0 s1  }
0x10b: {  	[bflag:$0x3] =	sbarrier.arrive $0xFFFF  }
0x10c: {  	_ =	shalt  }

// kernel: kernel.18.cloned.1.call-start
scs
__scs_entry_jumppad:
0x0: {  	(pc) =	sbr.rel $0x88, $3  }
0x1: {  	(tag) =	ssettag $0x0;
	lr =	simm.s32 $0x1  }
0x2: {  	[smem:$0x3F8E] =	sst lr;
	_ =	strace $0xD0000000  }
0x3: {  	_ = 	snop  }
0x4: {  	_ = 	snop  }
0x5: {  	_ = 	snop  }
0x6: {  	_ = 	snop  }
0x7: {  	_ = 	snop  }
__scs_overlays_trampoline_lowered:
0x8: {  	[smem:$0x3F9D] =	sst s0  }
0x9: {  	[smem:$0x3F9E] =	sst s1  }
0xa: {  	[smem:$0x3F9F] =	sst s2  }
0xb: {  	[smem:$0x3FA0] =	sst s3  }
0xc: {  	[smem:$0x3FA1] =	sst s4  }
0xd: {  	[smem:$0x3FA2] =	sst s5  }
0xe: {  	[smem:$0x3FA3] =	sst s6  }
0xf: {  	[smem:$0x3FA4] =	sst s7  }
0x10: {  	[smem:$0x3FA5] =	sst s8  }
0x11: {  	[smem:$0x3FA6] =	sst s9;
	s0 =	simm.s32 @!p0 $0x0  }
0x12: {  	s1 =	sld [smem:$0x3F8C];
	s0 =	simm.s32 @p0 $0x1  }
0x13: {  	[smem:$0x3FA7] =	sst s0;
	s0 =	simm.s32 @!p1 $0x0  }
0x14: {  	s2 =	sld [smem:$0x3F8B];
	s0 =	simm.s32 @p1 $0x1  }
0x15: {  	[smem:$0x3FA8] =	sst s0;
	s0 =	simm.s32 @!p2 $0x0  }
0x16: {  	s3 =	sld [smem:$0x3FDB];
	s0 =	simm.s32 @p2 $0x1  }
0x17: {  	s4 =	simm.s32 $0x1BF5;
	[smem:$0x3FAA] =	sst s0  }
0x18: {  	s0 =	sld [smem:$0x3F8D];
	_ =	swait.ge [sflag:s4], $0x0  }
0x19: {  	s7 =	sld [smem:$0x3F8E]  }
0x1a: {  	s8 =	sadd.s32 $0xFFFFE003, lr  }
0x1b: {  	s9 =	sadd.s32 $0xFFFFFEF7, lr;
	s5 =	simm.s32 $0xFFFFFFFF;
	p2 =	slt.u32 s8, $0xFFFFF086  }
0x1c: {  	p1 =	slt.u32 s9, $0xF7A;
	s5 =	simm.s32 @!p2 $0x0  }
0x1d: {  	s5 =	simm.s32 @p1 $0x1;
	p0 =	seq.s32 s7, s2  }
0x1e: {  	s7 =	smul.u32 @!p0 $0xF7A, s2;
	p2 =	seq.s32 @!p0 s5, $0x0  }
0x1f: {  	s9 =	smul.u32 $0xF7A, s1;
	s8 =	simm.s32 @!p0 $0x1BF5;
	p2 =	por !p2, p0  }
0x20: {  	[sflag:s8] =	ssyncset.s32 @!p0 $0xFFFFF086;
	s6 =	sadd.s32 @!p0 s3, s7;
	s7 =	simm.s32 @!p0 $0x108  }
0x21: {  	s3 =	sadd.s32 s3, s9;
	s6 =	sadd.s32 @!p0 $0x88, s6;
	s7 =	simm.s32 @p2 $0x1082  }
0x22: {  	[simem:s7], [sflag:s8] =	dma.local @!p0 [hbm:s6], $0xF7A  }
0x23: {  	s9 =	sor.u32 $0xD0000000, s2;
	s6 =	simm.s32 $0x108;
	_ =	swait.ge @!p0 [sflag:s8], $0x0  }
0x24: {  	s3 =	sadd.s32 $0x88, s3;
	s6 =	simm.s32 @!p1 $0x1082;
	[sflag:s4] =	ssyncset.s32 $0xFFFFF086  }
0x25: {  	[simem:s6], [sflag:s4] =	dma.local [hbm:s3], $0xF7A  }
0x26: {  	[smem:$0x3F8E] =	sst s1;
	(tag) =	ssettag s2;
	_ =	strace s9  }
0x27: {  	s1 =	sld [smem:$0x3F9E]  }
0x28: {  	s2 =	sld [smem:$0x3F9F]  }
0x29: {  	s4 =	sld [smem:$0x3FA1]  }
0x2a: {  	p0 =	seq.s32 s5, $0x0;
	s5 =	sld [smem:$0x3FA2]  }
0x2b: {  	s6 =	sld [smem:$0x3FA3]  }
0x2c: {  	s7 =	sld [smem:$0x3FA4]  }
0x2d: {  	s3 =	simm.s32 $0x108;
	s8 =	sld [smem:$0x3FA5]  }
0x2e: {  	s3 =	simm.s32 @!p0 $0x1082;
	s9 =	sld [smem:$0x3FA6]  }
0x2f: {  	lr =	sadd.s32 s0, s3;
	s0 =	sld [smem:$0x3F9D]  }
0x30: {  	s3 =	sld [smem:$0x3FA0]  }
0x31: {  	[smem:$0x3FA9] =	sst s10  }
0x32: {  	s10 =	sld [smem:$0x3FA7];
	_ =	sdelay $0x3  }
0x33: {  	p0 =	seq.s32 s10, $0x1;
	s10 =	sld [smem:$0x3FA9];
	_ =	sdelay $0x3  }
0x34: {  	[smem:$0x3FA9] =	sst s10  }
0x35: {  	s10 =	sld [smem:$0x3FA8];
	_ =	sdelay $0x3  }
0x36: {  	p1 =	seq.s32 s10, $0x1;
	s10 =	sld [smem:$0x3FA9];
	_ =	sdelay $0x3  }
0x37: {  	[smem:$0x3FA9] =	sst s10  }
0x38: {  	s10 =	sld [smem:$0x3FAA]  }
0x39: {  	_ = 	snop;
	(pc) =	sbr.ind lr, $3  }
0x3a: {  	_ = 	snop  }
0x3b: {  	_ = 	snop  }
0x3c: {  	p2 =	seq.s32 s10, $0x1;
	s10 =	sld [smem:$0x3FA9]  }
0x3d: {  	_ =	shalt  }
0x3e: {  	_ =	shalt  }
0x3f: {  	_ =	shalt  }
0x40: {  	_ =	shalt  }
0x41: {  	_ =	shalt  }
0x42: {  	_ =	shalt  }
0x43: {  	_ =	shalt  }
0x44: {  	_ =	shalt  }
0x45: {  	_ =	shalt  }
0x46: {  	_ =	shalt  }
0x47: {  	_ =	shalt  }
0x48: {  	_ =	shalt  }
0x49: {  	_ =	shalt  }
0x4a: {  	_ =	shalt  }
0x4b: {  	_ =	shalt  }
0x4c: {  	_ =	shalt  }
0x4d: {  	_ =	shalt  }
0x4e: {  	_ =	shalt  }
0x4f: {  	_ =	shalt  }
0x50: {  	_ =	shalt  }
0x51: {  	_ =	shalt  }
0x52: {  	_ =	shalt  }
0x53: {  	_ =	shalt  }
0x54: {  	_ =	shalt  }
0x55: {  	_ =	shalt  }
0x56: {  	_ =	shalt  }
0x57: {  	_ =	shalt  }
0x58: {  	_ =	shalt  }
0x59: {  	_ =	shalt  }
0x5a: {  	_ =	shalt  }
0x5b: {  	_ =	shalt  }
0x5c: {  	_ =	shalt  }
0x5d: {  	_ =	shalt  }
0x5e: {  	_ =	shalt  }
0x5f: {  	_ =	shalt  }
0x60: {  	_ =	shalt  }
0x61: {  	_ =	shalt  }
0x62: {  	_ =	shalt  }
0x63: {  	_ =	shalt  }
0x64: {  	_ =	shalt  }
0x65: {  	_ =	shalt  }
0x66: {  	_ =	shalt  }
0x67: {  	_ =	shalt  }
0x68: {  	_ =	shalt  }
0x69: {  	_ =	shalt  }
0x6a: {  	_ =	shalt  }
0x6b: {  	_ =	shalt  }
0x6c: {  	_ =	shalt  }
0x6d: {  	_ =	shalt  }
0x6e: {  	_ =	shalt  }
0x6f: {  	_ =	shalt  }
0x70: {  	_ =	shalt  }
0x71: {  	_ =	shalt  }
0x72: {  	_ =	shalt  }
0x73: {  	_ =	shalt  }
0x74: {  	_ =	shalt  }
0x75: {  	_ =	shalt  }
0x76: {  	_ =	shalt  }
0x77: {  	_ =	shalt  }
0x78: {  	_ =	shalt  }
0x79: {  	_ =	shalt  }
0x7a: {  	_ =	shalt  }
0x7b: {  	_ =	shalt  }
0x7c: {  	_ =	shalt  }
0x7d: {  	_ =	shalt  }
0x7e: {  	_ =	shalt  }
0x7f: {  	_ =	shalt  }
0x80: {  	_ =	shalt  }
0x81: {  	_ =	shalt  }
0x82: {  	_ =	shalt  }
0x83: {  	_ =	shalt  }
0x84: {  	_ =	shalt  }
0x85: {  	_ =	shalt  }
0x86: {  	_ =	shalt  }
0x87: {  	_ =	shalt  }
.Lfunc_end0:
.L_simem_size_0:
called_computation.2_lowered:
.L_overlay_start_0:
0x88: {  	s2 =	sld [smem:$0x3FD9]  }
0x89: {  	s3 =	sld [smem:$0x3FFE];
	_ =	sdelay $0x1  }
0x8a: {  	s1 =	srdreg.scid  }
0x8b: {  	s0 =	sand.u32 $0x1, s1  }
0x8c: {  	s16 =	sshll.u32 s0, $0xA;
	s2 =	sadd.s32 s3, s2  }
0x8d: {  	s2 =	sadd.s32 s2, s16  }
0x8e: {  	[smem:$0x3FB5] =	sst s2  }
0x8f: {  	_ = 	snop  }
0x90: {  	(tm) =	ssettm $0x1  }
0x91: {  	s17 =	sld [smem:$0x3FFB];
	_ =	sdelay $0x3  }
0x92: {  	_ =	strace s17  }
0x93: {  	s2 =	sld [smem:$0x3FFC];
	_ =	sdelay $0x3  }
0x94: {  	_ =	strace s2  }
0x95: {  	s2 =	sld [smem:$0x3FFD];
	_ =	sdelay $0x3  }
0x96: {  	_ =	strace s2  }
0x97: {  	_ =	strace $0x8FFFFFFF  }
0x98: {  	s18 =	sld [smem:$0x3FDB];
	_ =	sdelay $0x1  }
0x99: {  	s19 =	simm.s32 $_scs_section_size  }
0x9a: {  	s4 =	simm.s32 $_size__tile_overlayer_lowered;
	s5 =	simm.s32 $_tile_overlayer_lowered  }
0x9b: {  	s22 =	simm.s32 $0x1BFF;
	s21 =	sshll.u32 s5, $0x1;
	s2 =	sadd.s32 s19, s18  }
0x9c: {  	s6 =	simm.s32 $0x0;
	s20 =	sshll.u32 s4, $0x1;
	s4 =	sadd.s32 s21, s2  }
0x9d: {  	[timem:s6], [sflag:s22] =	dma.local [hbm:s4], s20  }
0x9e: {  	_ =	swait.ge [sflag:s22], s20  }
0x9f: {  	s3 =	ssub.s32 $0x0, s20;
	[sflag:s22] =	ssyncset.done $0x0  }
0xa0: {  	[sflag:s22] =	ssyncadd.s32 s3;
	_ =	sdelay $0x1  }
0xa1: {  	s23 =	simm.s32 $0x1B8B  }
0xa2: {  	_ =	swait.ge [sflag:s23], $0x1  }
0xa3: {  	[sflag:s23] =	ssyncset.done $0x0  }
0xa4: {  	s25 =	simm.s32 $0x1B8E;
	s24 =	sld [smem:$0x3FFE];
	[sflag:s23] =	ssyncadd.s32 $0xFFFFFFFF  }
0xa5: {  	s26 =	simm.s32 $execute0_lowered;
	[smem:$0x3FD2] =	sst s25  }
0xa6: {  	s4 =	sshll.u32 s26, $0x1;
	_ =	strace $0x8000004C;
	[dreg:$0x1] =	wrdreg $0xFFFFFFFF  }
0xa7: {  	s28 =	simm.s32 $_size_execute0_lowered;
	s2 =	sadd.s32 s2, s4;
	[dreg:$0x0] =	wrdreg $0x0  }
0xa8: {  	s4 =	sshll.u32 s28, $0x1;
	[dreg:$0x2] =	wrdreg s2  }
0xa9: {  	[dreg:$0x3] =	wrdreg s4  }
0xaa: {  	[dreg:$0x4] =	wrdreg $0xC0  }
0xab: {  	_ =	task [dreg:s6], $0x5FFFF  }
0xac: {  	[dreg:$0x1] =	wrdreg $0xFFFFFFFF  }
0xad: {  	[dreg:$0x0] =	wrdreg $0x60  }
0xae: {  	[dreg:$0x2] =	wrdreg s24  }
0xaf: {  	[dreg:$0x3] =	wrdreg $0x0  }
0xb0: {  	[dreg:$0x4] =	wrdreg $0x13C000  }
0xb1: {  	[dreg:$0x5] =	wrdreg $0x15C000  }
0xb2: {  	[dreg:$0x6] =	wrdreg $0x9  }
0xb3: {  	_ =	task.clear_ibuf [dreg:s6], $0x7FFFF;
	_ =	strace $0x9000004C  }
0xb4: {  	s29 =	simm.s32 $0x9;
	_ =	strace $0x8000004E  }
0xb5: {  	_ =	swait.ge [sflag:s29], $0x1  }
0xb6: {  	[sflag:s29] =	ssyncadd.s32 $0xFFFFFFFF  }
0xb7: {  	_ =	strace $0x9000004E  }
0xb8: {  	_ =	sfence  }
0xb9: {  	s30 =	sld [smem:$0x0];
	_ =	sdelay $0x2  }
0xba: {  	s31 =	sshll.u32 s1, $0xD;
	s1 =	sshrl.u32 s1, $0x2  }
0xbb: {  	s3 =	sand.u32 $0x4000, s31;
	s1 =	sadd.s32 s1, s30  }
0xbc: {  	s0 =	sor.u32 s3, s0;
	s1 =	sshll.u32 s1, $0x11  }
0xbd: {  	s0 =	sor.u32 s1, s0  }
0xbe: {  	s0 =	sadd.s32 $0x8F2B, s0  }
0xbf: {  	[sflag:s0] =	ssyncadd.remote.s32 $0x1  }
0xc0: {  	_ =	sfence.sel $0xFFFF  }
0xc1: {  	[dreg:$0x0] =	wrdreg $0xFFFFFFFF;
	(pc) =	sbr.abs _section_cstart, $3  }
0xc2: {  	[dreg:$0x1] =	wrdreg $0xFFFFFFFF  }
0xc3: {  	_ =	task.clear_ibuf [dreg:s6], $0x2FFFF;
	_ =	strace $0x9FFFFFFF  }
0xc4: {  	(tm) =	ssettm $0x7FFFFFFF  }
0xc5: {  	_ =	shalt  }
tec
execute0_lowered:
.L_overlay_start_1:
0x0: {  	(tag) =	ssettag $0x1  }
0x1: {  	s0 =	rddreg [dreg:$0x0]  }
0x2: {  	s2 =	rddreg [dreg:$0x1]  }
0x3: {  	s3 =	rddreg [dreg:$0x2]  }
0x4: {  	s4 =	rddreg [dreg:$0x3];
	s21 =	stileid.u32;
	s5 =	simm.s32 $0x0  }
0x5: {  	s12 =	srdreg.scid;
	s28 =	simm.s32 $0x17C80;
	s29 =	simm.s32 $0x80  }
0x6: {  	s30 =	simm.s32 $0x17D00;
	s31 =	simm.s32 $0x17D80;
	s1 =	sshrl.u32 s21, $0x3  }
0x7: {  	s9 =	sshll.u32 s21, $0x7;
	[smem:$0x7FF] =	sst s5;
	s22 =	smul.u32 $0x13C00, s21  }
0x8: {  	s12 =	sand.u32 $0x1, s12;
	s23 =	sadd.s32 $0xA800, s0;
	s19 =	smul.u32 $0x4F000, s21  }
0x9: {  	s15 =	sshll.u32 s21, $0xD;
	s25 =	sshll.u32 s21, $0x6;
	s6 =	smul.u32 $0x13C00, s1  }
0xa: {  	s26 =	sshll.u32 s21, $0xA;
	s8 =	sand.u32 $0x380, s9;
	s11 =	smul.u32 $0x1400, s1  }
0xb: {  	_ =	strace $0x8000004D;
	s1 =	sshll.u32 s1, $0xA;
	s14 =	smul.u32 $0x13C000, s12  }
0xc: {  	s9 =	sadd.s32 s9, s0;
	s17 =	sshll.u32 s12, $0x11;
	s18 =	ssub.s32 $0x2, s12  }
0xd: {  	s1 =	sadd.s32 s1, s0;
	s17 =	sor.u32 s15, s17;
	s20 =	sshrl.u32 s18, $0x1  }
0xe: {  	s24 =	sshrl.u32 s19, $0x2;
	s7 =	sor.u32 s8, s6;
	s6 =	sadd.s32 $0xB6000, s0  }
0xf: {  	s8 =	sor.u32 s8, s11;
	s14 =	sadd.s32 s22, s14;
	s17 =	sshrl.u32 s17, $0x3  }
0x10: {  	s11 =	sshrl.u32 s22, $0x3;
	s22 =	sshll.u32 s21, $0x4;
	s10 =	sshrl.u32 s7, $0x3  }
0x11: {  	s7 =	sadd.s32 $0x32000, s0;
	s13 =	sshrl.u32 s8, $0x3;
	s8 =	sadd.s32 $0x4800, s0  }
0x12: {  	s14 =	sshrl.u32 s14, $0x3;
	s11 =	sadd.s32 s23, s11;
	s10 =	sadd.s32 s10, s0  }
0x13: {  	s16 =	sadd.s32 s13, s0;
	s14 =	sadd.s32 s14, s0;
	s0 =	sadd.s32 s17, s0  }
0x14: {  	s17 =	ssub.s32 s18, s20;
	s18 =	sadd.s32 s24, s2;
	[dreg:$0x6] =	wrdreg s11  }
0x15: {  	s11 =	sor.u32 $0x1C02, s25;
	s20 =	sadd.s32 s15, s3;
	[dreg:$0x5] =	wrdreg s18  }
0x16: {  	s13 =	sadd.s32 s23, s26;
	s15 =	sadd.s32 s15, s4;
	[dreg:$0x7] =	wrdreg s20  }
0x17: {  	s23 =	sand.u32 $0x70, s22;
	s22 =	sadd.s32 $0xA000, s9;
	[dreg:$0x8] =	wrdreg s15  }
0x18: {  	s15 =	smul.u32 $0x2800, s21;
	s14 =	sadd.s32 $0x104200, s14;
	s24 =	sadd.s32 $0x41E00, s0  }
0x19: {  	s0 =	sadd.s32 $0x39E00, s0;
	s25 =	smax.u32 s17, $0x1;
	[dreg:$0x9] =	wrdreg s14  }
0x1a: {  	s20 =	sadd.s32 $0x62000, s10;
	s17 =	sadd.s32 $0x67800, s16;
	[dreg:$0xa] =	wrdreg s24  }
0x1b: {  	s26 =	sadd.s32 s23, s1;
	s23 =	sadd.s32 $0x9800, s9;
	[dreg:$0xb] =	wrdreg s0  }
0x1c: {  	s1 =	simm.s32 $0x0;
	[dreg:$0xc] =	wrdreg s25;
	s24 =	sadd.s32 $0x67000, s26  }
0x1d: {  	v0 =	vmov s12;
	s25 =	simm.s32 $0x2;
	s26 =	simm.s32 $0x17C00;
	s0 =	simm.s32 $0x1  }
.LBB2_1:
0x1e: {  	s9 =	rddreg [dreg:$0x5]  }
0x1f: {  	s10 =	rddreg [dreg:$0x6];
	s9 =	sshrl.u32 s9, $0x3  }
0x20: {  	[spmem:s9], [sflag:s11] =	dma.local [hbm:s10], $0x2780  }
0x21: {  	_ =	swait.ge [sflag:s25], $0x2780  }
0x22: {  	[sflag:s25] =	ssyncset.done $0x0;
	s21 =	rddreg [dreg:$0x7]  }
0x23: {  	[sflag:s25] =	ssyncadd.s32 $0xFFFFD880;
	s10 =	sshrl.u32 s21, $0x3  }
0x24: {  	[spmem:s10], [sflag:s11] =	dma.local [hbm:s13], $0x400  }
0x25: {  	_ =	swait.ge [sflag:s25], $0x400  }
0x26: {  	[sflag:s25] =	ssyncset.done $0x0;
	s12 =	rddreg [dreg:$0x8]  }
0x27: {  	[sflag:s25] =	ssyncadd.s32 $0xFFFFFC00;
	s12 =	sshrl.u32 s12, $0x3  }
0x28: {  	[spmem:s12], [sflag:s11] =	dma.local [hbm:s13], $0x400  }
0x29: {  	_ =	swait.ge [sflag:s25], $0x400  }
0x2a: {  	[sflag:s25] =	ssyncset.done $0x0  }
0x2b: {  	s14 =	sand.u32 $0x3C00, s5;
	s16 =	sadd.s32 $0x0, s20;
	[sflag:s25] =	ssyncadd.s32 $0xFFFFFC00  }
0x2c: {  	s14 =	sadd.s32 s15, s14;
	s21 =	sand.u32 $0x380, s5;
	[bflag:$0x0] =	sbarrier.arrive $0xFFFF  }
0x2d: {  	[tilespmem:s26], [sflag:$0x2] =	stream.linear.gather [hbm4b:s16+s5], $0x80, $0x38;
	[tilespmem:$0x1BD80] =	vst v63  }
0x2e: {  	s14 =	sor.u32 s21, s14;
	_ =	swait.ge [sflag:s25], $0x80  }
0x2f: {  	s14 =	sshrl.u32 s14, $0x3;
	[sflag:s25] =	ssyncset.done $0x0  }
0x30: {  	s14 =	sadd.s32 s8, s14;
	[sflag:s25] =	ssyncadd.s32 $0xFFFFFF80  }
0x31: {  	[tilespmem:s28], [sflag:$0x2] =	stream.linear.gather [hbm4b:s14+s5], $0x80, $0x38;
	[tilespmem:$0x1BD80] =	vst v63  }
0x32: {  	_ =	swait.ge [sflag:s25], $0x80  }
0x33: {  	[sflag:s25] =	ssyncset.done $0x0  }
0x34: {  	[sflag:s25] =	ssyncadd.s32 $0xFFFFFF80  }
0x35: {  	v1 =	vld [tilespmem:$0x17C70]  }
0x36: {  	v2 =	vld [tilespmem:$0x17C60]  }
0x37: {  	v3 =	vld [tilespmem:$0x17C30]  }
0x38: {  	v4 =	vld [tilespmem:$0x17C20]  }
0x39: {  	v5 =	vld [tilespmem:$0x17C10]  }
0x3a: {  	v6 =	vld [tilespmem:$0x17C40];
	v1 =	vshll.u32 v1, $0x1  }
0x3b: {  	v7 =	vld [tilespmem:$0x17C00];
	v2 =	vshll.u32 v2, $0x1;
	v1 =	vor.u32 v0, v1  }
0x3c: {  	v8 =	vld [tilespmem:$0x17C50];
	v3 =	vshll.u32 v3, $0x1;
	v2 =	vor.u32 v0, v2;
	[tilespmem:$0x17D70] =	vst v1  }
0x3d: {  	v3 =	vor.u32 v0, v3;
	v1 =	vshll.u32 v4, $0x1;
	[tilespmem:$0x17D60] =	vst v2  }
0x3e: {  	v2 =	vshll.u32 v5, $0x1;
	[tilespmem:$0x17D30] =	vst v3;
	v1 =	vor.u32 v0, v1  }
0x3f: {  	v2 =	vor.u32 v0, v2;
	[tilespmem:$0x17D20] =	vst v1;
	v1 =	vshll.u32 v6, $0x1  }
0x40: {  	v3 =	vshll.u32 v7, $0x1;
	[tilespmem:$0x17D10] =	vst v2;
	v1 =	vor.u32 v0, v1  }
0x41: {  	v2 =	vor.u32 v0, v3;
	[tilespmem:$0x17D40] =	vst v1;
	v1 =	vshll.u32 v8, $0x1  }
0x42: {  	s16 =	simm.s32 $0x80;
	[tilespmem:$0x17D00] =	vst v2;
	v1 =	vor.u32 v0, v1  }
.LBB2_2:
0x43: {  	p0 =	sne.s32 s16, $0x2700;
	[tilespmem:$0x17D50] =	vst v1;
	s21 =	smov.u32 s16;
	s16 =	sadd.s32 $0x80, s16  }
0x44: {  	[tilespmem:s31], [sflag:$0x1] =	stream.indirect.gather [hbm4b:s6+s29], $0x80, s30, s29, $0xb8;
	[tilespmem:$0x1BD80] =	vst v63  }
0x45: {  	_ =	swait.ge [sflag:s0], $0x4000  }
0x46: {  	[sflag:s0] =	ssyncset.done $0x0  }
0x47: {  	[sflag:s0] =	ssyncadd.s32 $0xFFFFC000  }
0x48: {  	[spmem:s2] =	stream.indirect.scatter.add.f32 [tilespmem:s31], [sflag:$0x2], $0x80, s28, s29, $0xb8;
	[tilespmem:$0x1BD80] =	vst v63  }
0x49: {  	s18 =	sadd.s32 s21, s20;
	_ =	swait.ge [sflag:s25], $0x4000  }
0x4a: {  	s14 =	simm.s32 $0x0;
	s19 =	sand.u32 $0x3C00, s21;
	[sflag:s25] =	ssyncset.done $0x0  }
0x4b: {  	s21 =	sand.u32 $0x380, s21;
	s19 =	sadd.s32 s15, s19;
	[sflag:s25] =	ssyncadd.s32 $0xFFFFC000  }
0x4c: {  	[tilespmem:s26], [sflag:$0x2] =	stream.linear.gather [hbm4b:s18+s14], $0x80, $0x38;
	[tilespmem:$0x1BD80] =	vst v63  }
0x4d: {  	s18 =	sor.u32 s21, s19;
	_ =	swait.ge [sflag:s25], $0x80  }
0x4e: {  	s18 =	sshrl.u32 s18, $0x3;
	[sflag:s25] =	ssyncset.done $0x0  }
0x4f: {  	s18 =	sadd.s32 s8, s18;
	[sflag:s25] =	ssyncadd.s32 $0xFFFFFF80  }
0x50: {  	[tilespmem:s28], [sflag:$0x2] =	stream.linear.gather [hbm4b:s18+s14], $0x80, $0x38;
	[tilespmem:$0x1BD80] =	vst v63  }
0x51: {  	_ =	swait.ge [sflag:s25], $0x80  }
0x52: {  	[sflag:s25] =	ssyncset.done $0x0  }
0x53: {  	[sflag:s25] =	ssyncadd.s32 $0xFFFFFF80  }
0x54: {  	v1 =	vld [tilespmem:$0x17C70]  }
0x55: {  	v2 =	vld [tilespmem:$0x17C60]  }
0x56: {  	v3 =	vld [tilespmem:$0x17C30]  }
0x57: {  	v4 =	vld [tilespmem:$0x17C20]  }
0x58: {  	v5 =	vld [tilespmem:$0x17C10]  }
0x59: {  	v6 =	vld [tilespmem:$0x17C40];
	v1 =	vshll.u32 v1, $0x1  }
0x5a: {  	v7 =	vld [tilespmem:$0x17C00];
	v2 =	vshll.u32 v2, $0x1;
	v1 =	vor.u32 v0, v1  }
0x5b: {  	v3 =	vshll.u32 v3, $0x1;
	v8 =	vld [tilespmem:$0x17C50];
	v2 =	vor.u32 v0, v2;
	[tilespmem:$0x17D70] =	vst v1  }
0x5c: {  	v1 =	vshll.u32 v4, $0x1;
	v3 =	vor.u32 v0, v3;
	[tilespmem:$0x17D60] =	vst v2  }
.Ltmp0:
0x5d: {  	v2 =	vshll.u32 v5, $0x1;
	v1 =	vor.u32 v0, v1;
	[tilespmem:$0x17D30] =	vst v3;
	(pc) =	sbr.rel @p0 .LBB2_2-.Ltmp0, $4  }
0x5e: {  	v2 =	vor.u32 v0, v2;
	[tilespmem:$0x17D20] =	vst v1;
	v1 =	vshll.u32 v6, $0x1  }
0x5f: {  	v3 =	vshll.u32 v7, $0x1;
	[tilespmem:$0x17D10] =	vst v2;
	v1 =	vor.u32 v0, v1  }
0x60: {  	v2 =	vor.u32 v0, v3;
	[tilespmem:$0x17D40] =	vst v1;
	v1 =	vshll.u32 v8, $0x1  }
0x61: {  	[tilespmem:$0x17D00] =	vst v2;
	v1 =	vor.u32 v0, v1  }
0x62: {  	[tilespmem:$0x17D50] =	vst v1  }
0x63: {  	[tilespmem:s31], [sflag:$0x1] =	stream.indirect.gather [hbm4b:s6+s29], $0x80, s30, s29, $0xb8;
	[tilespmem:$0x1BD80] =	vst v63  }
0x64: {  	_ =	swait.ge [sflag:s0], $0x4000  }
0x65: {  	[sflag:s0] =	ssyncset.done $0x0  }
0x66: {  	[sflag:s0] =	ssyncadd.s32 $0xFFFFC000  }
0x67: {  	[spmem:s2] =	stream.indirect.scatter.add.f32 [tilespmem:s31], [sflag:$0x2], $0x80, s28, s29, $0xb8;
	[tilespmem:$0x1BD80] =	vst v63  }
0x68: {  	_ =	swait.ge [sflag:s25], $0x4000  }
0x69: {  	[sflag:s25] =	ssyncset.done $0x0  }
0x6a: {  	[sflag:s25] =	ssyncadd.s32 $0xFFFFC000  }
0x6b: {  	[tilespmem:s26], [sflag:$0x2] =	stream.linear.gather [hbm4b:s17+s14], $0x80, $0x38;
	[tilespmem:$0x1BD80] =	vst v63  }
0x6c: {  	_ =	swait.ge [sflag:s25], $0x80  }
0x6d: {  	[sflag:s25] =	ssyncset.done $0x0  }
0x6e: {  	s16 =	sadd.s32 $0x0, s22;
	[sflag:s25] =	ssyncadd.s32 $0xFFFFFF80  }
0x6f: {  	[tilespmem:s28], [sflag:$0x2] =	stream.linear.gather [hbm4b:s16+s14], $0x80, $0x38;
	[tilespmem:$0x1BD80] =	vst v63  }
0x70: {  	_ =	swait.ge [sflag:s25], $0x80  }
0x71: {  	[sflag:s25] =	ssyncset.done $0x0  }
0x72: {  	[sflag:s25] =	ssyncadd.s32 $0xFFFFFF80  }
0x73: {  	v1 =	vld [tilespmem:$0x17C50]  }
0x74: {  	v2 =	vld [tilespmem:$0x17C30]  }
0x75: {  	v3 =	vld [tilespmem:$0x17C20]  }
0x76: {  	v4 =	vld [tilespmem:$0x17C10]  }
0x77: {  	v5 =	vld [tilespmem:$0x17C40]  }
0x78: {  	v6 =	vld [tilespmem:$0x17C00];
	v1 =	vshll.u32 v1, $0x1  }
0x79: {  	v7 =	vld [tilespmem:$0x17C60];
	v2 =	vshll.u32 v2, $0x1;
	v1 =	vor.u32 v0, v1  }
0x7a: {  	v8 =	vld [tilespmem:$0x17C70];
	v3 =	vshll.u32 v3, $0x1;
	v2 =	vor.u32 v0, v2;
	[tilespmem:$0x17D50] =	vst v1  }
0x7b: {  	v3 =	vor.u32 v0, v3;
	v1 =	vshll.u32 v4, $0x1;
	[tilespmem:$0x17D30] =	vst v2  }
0x7c: {  	[tilespmem:$0x17D20] =	vst v3;
	v2 =	vshll.u32 v5, $0x1;
	v1 =	vor.u32 v0, v1  }
0x7d: {  	v3 =	vshll.u32 v6, $0x1;
	[tilespmem:$0x17D10] =	vst v1;
	v1 =	vor.u32 v0, v2  }
0x7e: {  	v2 =	vor.u32 v0, v3;
	[tilespmem:$0x17D40] =	vst v1;
	v1 =	vshll.u32 v7, $0x1  }
0x7f: {  	s21 =	smov.u32 s17;
	s16 =	simm.s32 $0x10;
	[tilespmem:$0x17D00] =	vst v2;
	v2 =	vshll.u32 v8, $0x1;
	v1 =	vor.u32 v0, v1  }
.LBB2_4:
0x80: {  	p0 =	sne.s32 s16, $0x40  }
0x81: {  	[tilespmem:$0x17D60] =	vst v1;
	v1 =	vor.u32 v0, v2;
	s21 =	sadd.s32 $0x80, s21;
	s18 =	smov.u32 s16;
	s16 =	sadd.s32 $0x10, s16  }
0x82: {  	[tilespmem:$0x17D70] =	vst v1  }
0x83: {  	[tilespmem:s31], [sflag:$0x1] =	stream.indirect.gather [hbm4b:s6+s29], $0x80, s30, s29, $0xb8;
	[tilespmem:$0x1BD80] =	vst v63  }
0x84: {  	_ =	swait.ge [sflag:s0], $0x4000  }
0x85: {  	[sflag:s0] =	ssyncset.done $0x0  }
0x86: {  	[sflag:s0] =	ssyncadd.s32 $0xFFFFC000  }
0x87: {  	[spmem:s3] =	stream.indirect.scatter.add.f32 [tilespmem:s31], [sflag:$0x2], $0x80, s28, s29, $0xb8;
	[tilespmem:$0x1BD80] =	vst v63  }
0x88: {  	_ =	swait.ge [sflag:s25], $0x4000  }
0x89: {  	[sflag:s25] =	ssyncset.done $0x0  }
0x8a: {  	[sflag:s25] =	ssyncadd.s32 $0xFFFFC000  }
0x8b: {  	[tilespmem:s26], [sflag:$0x2] =	stream.linear.gather [hbm4b:s21+s14], $0x80, $0x38;
	[tilespmem:$0x1BD80] =	vst v63  }
0x8c: {  	_ =	swait.ge [sflag:s25], $0x80  }
0x8d: {  	[sflag:s25] =	ssyncset.done $0x0  }
0x8e: {  	s18 =	sadd.s32 s18, s22;
	[sflag:s25] =	ssyncadd.s32 $0xFFFFFF80  }
0x8f: {  	[tilespmem:s28], [sflag:$0x2] =	stream.linear.gather [hbm4b:s18+s14], $0x80, $0x38;
	[tilespmem:$0x1BD80] =	vst v63  }
0x90: {  	_ =	swait.ge [sflag:s25], $0x80  }
0x91: {  	[sflag:s25] =	ssyncset.done $0x0  }
0x92: {  	[sflag:s25] =	ssyncadd.s32 $0xFFFFFF80  }
0x93: {  	v1 =	vld [tilespmem:$0x17C50]  }
0x94: {  	v2 =	vld [tilespmem:$0x17C30]  }
0x95: {  	v3 =	vld [tilespmem:$0x17C20]  }
0x96: {  	v4 =	vld [tilespmem:$0x17C10]  }
0x97: {  	v5 =	vld [tilespmem:$0x17C40]  }
0x98: {  	v6 =	vld [tilespmem:$0x17C00];
	v1 =	vshll.u32 v1, $0x1  }
0x99: {  	v2 =	vshll.u32 v2, $0x1;
	v1 =	vor.u32 v0, v1;
	v7 =	vld [tilespmem:$0x17C60]  }
0x9a: {  	v3 =	vshll.u32 v3, $0x1;
	v2 =	vor.u32 v0, v2;
	[tilespmem:$0x17D50] =	vst v1;
	v8 =	vld [tilespmem:$0x17C70]  }
.Ltmp1:
0x9b: {  	v1 =	vshll.u32 v4, $0x1;
	v3 =	vor.u32 v0, v3;
	[tilespmem:$0x17D30] =	vst v2;
	(pc) =	sbr.rel @p0 .LBB2_4-.Ltmp1, $4  }
0x9c: {  	v1 =	vor.u32 v0, v1;
	[tilespmem:$0x17D20] =	vst v3;
	v2 =	vshll.u32 v5, $0x1  }
0x9d: {  	v3 =	vshll.u32 v6, $0x1;
	[tilespmem:$0x17D10] =	vst v1;
	v1 =	vor.u32 v0, v2  }
0x9e: {  	v2 =	vor.u32 v0, v3;
	[tilespmem:$0x17D40] =	vst v1;
	v1 =	vshll.u32 v7, $0x1  }
0x9f: {  	[tilespmem:$0x17D00] =	vst v2;
	v1 =	vor.u32 v0, v1;
	v2 =	vshll.u32 v8, $0x1  }
0xa0: {  	[tilespmem:$0x17D60] =	vst v1;
	v1 =	vor.u32 v0, v2  }
0xa1: {  	[tilespmem:$0x17D70] =	vst v1  }
0xa2: {  	[tilespmem:s31], [sflag:$0x1] =	stream.indirect.gather [hbm4b:s6+s29], $0x80, s30, s29, $0xb8;
	[tilespmem:$0x1BD80] =	vst v63  }
0xa3: {  	_ =	swait.ge [sflag:s0], $0x4000  }
0xa4: {  	[sflag:s0] =	ssyncset.done $0x0  }
0xa5: {  	[sflag:s0] =	ssyncadd.s32 $0xFFFFC000  }
0xa6: {  	[spmem:s3] =	stream.indirect.scatter.add.f32 [tilespmem:s31], [sflag:$0x2], $0x80, s28, s29, $0xb8;
	[tilespmem:$0x1BD80] =	vst v63  }
0xa7: {  	_ =	swait.ge [sflag:s25], $0x4000  }
0xa8: {  	[sflag:s25] =	ssyncset.done $0x0  }
0xa9: {  	[sflag:s25] =	ssyncadd.s32 $0xFFFFC000  }
0xaa: {  	[tilespmem:s26], [sflag:$0x2] =	stream.linear.gather [hbm4b:s24+s5], $0x80, $0x38;
	[tilespmem:$0x1BD80] =	vst v63  }
0xab: {  	_ =	swait.ge [sflag:s25], $0x80  }
0xac: {  	[sflag:s25] =	ssyncset.done $0x0  }
0xad: {  	s14 =	sadd.s32 $0x0, s23;
	[sflag:s25] =	ssyncadd.s32 $0xFFFFFF80  }
0xae: {  	[tilespmem:s28], [sflag:$0x2] =	stream.linear.gather [hbm4b:s14+s5], $0x80, $0x38;
	[tilespmem:$0x1BD80] =	vst v63  }
0xaf: {  	_ =	swait.ge [sflag:s25], $0x80  }
0xb0: {  	[sflag:s25] =	ssyncset.done $0x0  }
0xb1: {  	[sflag:s25] =	ssyncadd.s32 $0xFFFFFF80  }
0xb2: {  	v1 =	vld [tilespmem:$0x17C50]  }
0xb3: {  	v2 =	vld [tilespmem:$0x17C30]  }
0xb4: {  	v3 =	vld [tilespmem:$0x17C20]  }
0xb5: {  	v4 =	vld [tilespmem:$0x17C10]  }
0xb6: {  	v5 =	vld [tilespmem:$0x17C40]  }
0xb7: {  	v6 =	vld [tilespmem:$0x17C00];
	v1 =	vshll.u32 v1, $0x1  }
0xb8: {  	v7 =	vld [tilespmem:$0x17C60];
	v2 =	vshll.u32 v2, $0x1;
	v1 =	vor.u32 v0, v1  }
0xb9: {  	v8 =	vld [tilespmem:$0x17C70];
	v3 =	vshll.u32 v3, $0x1;
	v2 =	vor.u32 v0, v2;
	[tilespmem:$0x17D50] =	vst v1  }
0xba: {  	v3 =	vor.u32 v0, v3;
	v1 =	vshll.u32 v4, $0x1;
	[tilespmem:$0x17D30] =	vst v2  }
0xbb: {  	[tilespmem:$0x17D20] =	vst v3;
	v2 =	vshll.u32 v5, $0x1;
	v1 =	vor.u32 v0, v1  }
0xbc: {  	v3 =	vshll.u32 v6, $0x1;
	[tilespmem:$0x17D10] =	vst v1;
	v1 =	vor.u32 v0, v2  }
0xbd: {  	v2 =	vor.u32 v0, v3;
	[tilespmem:$0x17D40] =	vst v1;
	v1 =	vshll.u32 v7, $0x1  }
0xbe: {  	s16 =	smov.u32 s24;
	s14 =	simm.s32 $0x10;
	[tilespmem:$0x17D00] =	vst v2;
	v2 =	vshll.u32 v8, $0x1;
	v1 =	vor.u32 v0, v1  }
.LBB2_6:
0xbf: {  	p0 =	sne.s32 s14, $0x70  }
0xc0: {  	[tilespmem:$0x17D60] =	vst v1;
	v1 =	vor.u32 v0, v2;
	s16 =	sadd.s32 $0x80, s16;
	s18 =	smov.u32 s14;
	s14 =	sadd.s32 $0x10, s14  }
0xc1: {  	[tilespmem:$0x17D70] =	vst v1  }
0xc2: {  	[tilespmem:s31], [sflag:$0x1] =	stream.indirect.gather [hbm4b:s7+s29], $0x80, s30, s29, $0xb8;
	[tilespmem:$0x1BD80] =	vst v63  }
0xc3: {  	_ =	swait.ge [sflag:s0], $0x4000  }
0xc4: {  	[sflag:s0] =	ssyncset.done $0x0  }
0xc5: {  	[sflag:s0] =	ssyncadd.s32 $0xFFFFC000  }
0xc6: {  	[spmem:s4] =	stream.indirect.scatter.add.f32 [tilespmem:s31], [sflag:$0x2], $0x80, s28, s29, $0xb8;
	[tilespmem:$0x1BD80] =	vst v63  }
0xc7: {  	_ =	swait.ge [sflag:s25], $0x4000  }
0xc8: {  	[sflag:s25] =	ssyncset.done $0x0  }
0xc9: {  	[sflag:s25] =	ssyncadd.s32 $0xFFFFC000  }
0xca: {  	[tilespmem:s26], [sflag:$0x2] =	stream.linear.gather [hbm4b:s16+s5], $0x80, $0x38;
	[tilespmem:$0x1BD80] =	vst v63  }
0xcb: {  	_ =	swait.ge [sflag:s25], $0x80  }
0xcc: {  	[sflag:s25] =	ssyncset.done $0x0  }
0xcd: {  	s18 =	sadd.s32 s18, s23;
	[sflag:s25] =	ssyncadd.s32 $0xFFFFFF80  }
0xce: {  	[tilespmem:s28], [sflag:$0x2] =	stream.linear.gather [hbm4b:s18+s5], $0x80, $0x38;
	[tilespmem:$0x1BD80] =	vst v63  }
0xcf: {  	_ =	swait.ge [sflag:s25], $0x80  }
0xd0: {  	[sflag:s25] =	ssyncset.done $0x0  }
0xd1: {  	[sflag:s25] =	ssyncadd.s32 $0xFFFFFF80  }
0xd2: {  	v1 =	vld [tilespmem:$0x17C50]  }
0xd3: {  	v2 =	vld [tilespmem:$0x17C30]  }
0xd4: {  	v3 =	vld [tilespmem:$0x17C20]  }
0xd5: {  	v4 =	vld [tilespmem:$0x17C10]  }
0xd6: {  	v5 =	vld [tilespmem:$0x17C40]  }
0xd7: {  	v6 =	vld [tilespmem:$0x17C00];
	v1 =	vshll.u32 v1, $0x1  }
0xd8: {  	v2 =	vshll.u32 v2, $0x1;
	v1 =	vor.u32 v0, v1;
	v7 =	vld [tilespmem:$0x17C60]  }
0xd9: {  	v3 =	vshll.u32 v3, $0x1;
	v2 =	vor.u32 v0, v2;
	[tilespmem:$0x17D50] =	vst v1;
	v8 =	vld [tilespmem:$0x17C70]  }
.Ltmp2:
0xda: {  	v1 =	vshll.u32 v4, $0x1;
	v3 =	vor.u32 v0, v3;
	[tilespmem:$0x17D30] =	vst v2;
	(pc) =	sbr.rel @p0 .LBB2_6-.Ltmp2, $4  }
0xdb: {  	v1 =	vor.u32 v0, v1;
	[tilespmem:$0x17D20] =	vst v3;
	v2 =	vshll.u32 v5, $0x1  }
0xdc: {  	v3 =	vshll.u32 v6, $0x1;
	[tilespmem:$0x17D10] =	vst v1;
	v1 =	vor.u32 v0, v2  }
0xdd: {  	v2 =	vor.u32 v0, v3;
	[tilespmem:$0x17D40] =	vst v1;
	v1 =	vshll.u32 v7, $0x1  }
0xde: {  	[tilespmem:$0x17D00] =	vst v2;
	v1 =	vor.u32 v0, v1;
	v2 =	vshll.u32 v8, $0x1  }
0xdf: {  	[tilespmem:$0x17D60] =	vst v1;
	v1 =	vor.u32 v0, v2  }
0xe0: {  	[tilespmem:$0x17D70] =	vst v1  }
0xe1: {  	[tilespmem:s31], [sflag:$0x1] =	stream.indirect.gather [hbm4b:s7+s29], $0x80, s30, s29, $0xb8;
	[tilespmem:$0x1BD80] =	vst v63  }
0xe2: {  	_ =	swait.ge [sflag:s0], $0x4000  }
0xe3: {  	[sflag:s0] =	ssyncset.done $0x0  }
0xe4: {  	[sflag:s0] =	ssyncadd.s32 $0xFFFFC000  }
0xe5: {  	[spmem:s4] =	stream.indirect.scatter.add.f32 [tilespmem:s31], [sflag:$0x2], $0x80, s28, s29, $0xb8;
	[tilespmem:$0x1BD80] =	vst v63  }
0xe6: {  	_ =	swait.ge [sflag:s25], $0x4000  }
0xe7: {  	[sflag:s25] =	ssyncset.done $0x0  }
0xe8: {  	[sflag:s25] =	ssyncadd.s32 $0xFFFFC000  }
0xe9: {  	[bflag:$0x0] =	sbarrier.arrive $0xFFFF  }
0xea: {  	s14 =	rddreg [dreg:$0x9]  }
0xeb: {  	[hbm:s14], [sflag:s11] =	dma.local [spmem:s9], $0x2780  }
0xec: {  	_ =	swait.ge [sflag:s25], $0x2780  }
0xed: {  	[sflag:s25] =	ssyncset.done $0x0  }
0xee: {  	s18 =	rddreg [dreg:$0xa];
	[sflag:s25] =	ssyncadd.s32 $0xFFFFD880  }
0xef: {  	[hbm:s18], [sflag:s11] =	dma.local [spmem:s10], $0x400  }
0xf0: {  	_ =	swait.ge [sflag:s25], $0x400  }
0xf1: {  	[sflag:s25] =	ssyncset.done $0x0  }
0xf2: {  	s19 =	rddreg [dreg:$0xb];
	[sflag:s25] =	ssyncadd.s32 $0xFFFFFC00  }
0xf3: {  	[hbm:s19], [sflag:s11] =	dma.local [spmem:s12], $0x400  }
0xf4: {  	_ =	swait.ge [sflag:s25], $0x400  }
0xf5: {  	s1 =	sadd.s32 $0x1, s1;
	s21 =	rddreg [dreg:$0xc]  }
0xf6: {  	p0 =	sne.s32 s1, s21  }
.Ltmp3:
0xf7: {  	_ = 	snop;
	(pc) =	sbr.rel @p0 .LBB2_1-.Ltmp3, $3  }
0xf8: {  	_ =	sdelay $0x1  }
0xf9: {  	[sflag:s25] =	ssyncset.done $0x0  }
0xfa: {  	[sflag:s25] =	ssyncadd.s32 $0xFFFFFC00  }
0xfb: {  	_ =	sfence.sel $0x180000  }
0xfc: {  	[bflag:$0x0] =	sbarrier.arrive $0xFFFF  }
0xfd: {  	_ =	strace $0x9000004D  }
0xfe: {  	s0 =	stileid.u32;
	[bflag:$0x2] =	sbarrier.arrive $0xFFFF  }
0xff: {  	p0 =	sne.s32 s0, $0x0;
	s0 =	rddreg [dreg:$0x4]  }
0x100: {  	s0 =	sadd.s32 @!p0 $0x100000, s0  }
0x101: {  	[sflag:s0] =	ssyncadd.tile.s32 @!p0 $0x1;
	_ =	shalt  }
.Lfunc_end2:
_tile_overlayer_lowered:
.L_overlay_start_2:
0x102: {  	(tag) =	ssettag $0x2  }
0x103: {  	s0 =	rddreg [dreg:$0x0];
	s2 =	stileid.u32  }
0x104: {  	s1 =	rddreg [dreg:$0x1];
	p0 =	sne.s32 s2, $0x0  }
0x105: {  	s3 =	rddreg [dreg:$0x2];
	[bflag:$0x3] =	sbarrier.arrive $0xFFFF;
	s2 =	simm.s32 @!p0 $0x1C02  }
0x106: {  	[timem:s3], [sflag:s2] =	dma.local @!p0 [hbm:s0], s1  }
0x107: {  	s0 =	simm.s32 @!p0 $0x2  }
0x108: {  	_ =	swait.ge @!p0 [sflag:s0], s1  }
0x109: {  	s1 =	ssub.s32 @!p0 $0x0, s1;
	[sflag:s0] =	ssyncset.done @!p0 $0x0  }
0x10a: {  	[sflag:s0] =	ssyncadd.s32 @!p0 s1  }
0x10b: {  	[bflag:$0x3] =	sbarrier.arrive $0xFFFF  }
0x10c: {  	_ =	shalt  }

// kernel: kernel.21.cloned.1.call-start
scs
__scs_entry_jumppad:
0x0: {  	(pc) =	sbr.rel $0x88, $3  }
0x1: {  	(tag) =	ssettag $0x0;
	lr =	simm.s32 $0x1  }
0x2: {  	[smem:$0x3F8E] =	sst lr;
	_ =	strace $0xD0000000  }
0x3: {  	_ = 	snop  }
0x4: {  	_ = 	snop  }
0x5: {  	_ = 	snop  }
0x6: {  	_ = 	snop  }
0x7: {  	_ = 	snop  }
__scs_overlays_trampoline_lowered:
0x8: {  	[smem:$0x3F9D] =	sst s0  }
0x9: {  	[smem:$0x3F9E] =	sst s1  }
0xa: {  	[smem:$0x3F9F] =	sst s2  }
0xb: {  	[smem:$0x3FA0] =	sst s3  }
0xc: {  	[smem:$0x3FA1] =	sst s4  }
0xd: {  	[smem:$0x3FA2] =	sst s5  }
0xe: {  	[smem:$0x3FA3] =	sst s6  }
0xf: {  	[smem:$0x3FA4] =	sst s7  }
0x10: {  	[smem:$0x3FA5] =	sst s8  }
0x11: {  	[smem:$0x3FA6] =	sst s9;
	s0 =	simm.s32 @!p0 $0x0  }
0x12: {  	s1 =	sld [smem:$0x3F8C];
	s0 =	simm.s32 @p0 $0x1  }
0x13: {  	[smem:$0x3FA7] =	sst s0;
	s0 =	simm.s32 @!p1 $0x0  }
0x14: {  	s2 =	sld [smem:$0x3F8B];
	s0 =	simm.s32 @p1 $0x1  }
0x15: {  	[smem:$0x3FA8] =	sst s0;
	s0 =	simm.s32 @!p2 $0x0  }
0x16: {  	s3 =	sld [smem:$0x3FDB];
	s0 =	simm.s32 @p2 $0x1  }
0x17: {  	s4 =	simm.s32 $0x1BF5;
	[smem:$0x3FAA] =	sst s0  }
0x18: {  	s0 =	sld [smem:$0x3F8D];
	_ =	swait.ge [sflag:s4], $0x0  }
0x19: {  	s7 =	sld [smem:$0x3F8E]  }
0x1a: {  	s8 =	sadd.s32 $0xFFFFE003, lr  }
0x1b: {  	s9 =	sadd.s32 $0xFFFFFEF7, lr;
	s5 =	simm.s32 $0xFFFFFFFF;
	p2 =	slt.u32 s8, $0xFFFFF086  }
0x1c: {  	p1 =	slt.u32 s9, $0xF7A;
	s5 =	simm.s32 @!p2 $0x0  }
0x1d: {  	s5 =	simm.s32 @p1 $0x1;
	p0 =	seq.s32 s7, s2  }
0x1e: {  	s7 =	smul.u32 @!p0 $0xF7A, s2;
	p2 =	seq.s32 @!p0 s5, $0x0  }
0x1f: {  	s9 =	smul.u32 $0xF7A, s1;
	s8 =	simm.s32 @!p0 $0x1BF5;
	p2 =	por !p2, p0  }
0x20: {  	[sflag:s8] =	ssyncset.s32 @!p0 $0xFFFFF086;
	s6 =	sadd.s32 @!p0 s3, s7;
	s7 =	simm.s32 @!p0 $0x108  }
0x21: {  	s3 =	sadd.s32 s3, s9;
	s6 =	sadd.s32 @!p0 $0x88, s6;
	s7 =	simm.s32 @p2 $0x1082  }
0x22: {  	[simem:s7], [sflag:s8] =	dma.local @!p0 [hbm:s6], $0xF7A  }
0x23: {  	s9 =	sor.u32 $0xD0000000, s2;
	s6 =	simm.s32 $0x108;
	_ =	swait.ge @!p0 [sflag:s8], $0x0  }
0x24: {  	s3 =	sadd.s32 $0x88, s3;
	s6 =	simm.s32 @!p1 $0x1082;
	[sflag:s4] =	ssyncset.s32 $0xFFFFF086  }
0x25: {  	[simem:s6], [sflag:s4] =	dma.local [hbm:s3], $0xF7A  }
0x26: {  	[smem:$0x3F8E] =	sst s1;
	(tag) =	ssettag s2;
	_ =	strace s9  }
0x27: {  	s1 =	sld [smem:$0x3F9E]  }
0x28: {  	s2 =	sld [smem:$0x3F9F]  }
0x29: {  	s4 =	sld [smem:$0x3FA1]  }
0x2a: {  	p0 =	seq.s32 s5, $0x0;
	s5 =	sld [smem:$0x3FA2]  }
0x2b: {  	s6 =	sld [smem:$0x3FA3]  }
0x2c: {  	s7 =	sld [smem:$0x3FA4]  }
0x2d: {  	s3 =	simm.s32 $0x108;
	s8 =	sld [smem:$0x3FA5]  }
0x2e: {  	s3 =	simm.s32 @!p0 $0x1082;
	s9 =	sld [smem:$0x3FA6]  }
0x2f: {  	lr =	sadd.s32 s0, s3;
	s0 =	sld [smem:$0x3F9D]  }
0x30: {  	s3 =	sld [smem:$0x3FA0]  }
0x31: {  	[smem:$0x3FA9] =	sst s10  }
0x32: {  	s10 =	sld [smem:$0x3FA7];
	_ =	sdelay $0x3  }
0x33: {  	p0 =	seq.s32 s10, $0x1;
	s10 =	sld [smem:$0x3FA9];
	_ =	sdelay $0x3  }
0x34: {  	[smem:$0x3FA9] =	sst s10  }
0x35: {  	s10 =	sld [smem:$0x3FA8];
	_ =	sdelay $0x3  }
0x36: {  	p1 =	seq.s32 s10, $0x1;
	s10 =	sld [smem:$0x3FA9];
	_ =	sdelay $0x3  }
0x37: {  	[smem:$0x3FA9] =	sst s10  }
0x38: {  	s10 =	sld [smem:$0x3FAA]  }
0x39: {  	_ = 	snop;
	(pc) =	sbr.ind lr, $3  }
0x3a: {  	_ = 	snop  }
0x3b: {  	_ = 	snop  }
0x3c: {  	p2 =	seq.s32 s10, $0x1;
	s10 =	sld [smem:$0x3FA9]  }
0x3d: {  	_ =	shalt  }
0x3e: {  	_ =	shalt  }
0x3f: {  	_ =	shalt  }
0x40: {  	_ =	shalt  }
0x41: {  	_ =	shalt  }
0x42: {  	_ =	shalt  }
0x43: {  	_ =	shalt  }
0x44: {  	_ =	shalt  }
0x45: {  	_ =	shalt  }
0x46: {  	_ =	shalt  }
0x47: {  	_ =	shalt  }
0x48: {  	_ =	shalt  }
0x49: {  	_ =	shalt  }
0x4a: {  	_ =	shalt  }
0x4b: {  	_ =	shalt  }
0x4c: {  	_ =	shalt  }
0x4d: {  	_ =	shalt  }
0x4e: {  	_ =	shalt  }
0x4f: {  	_ =	shalt  }
0x50: {  	_ =	shalt  }
0x51: {  	_ =	shalt  }
0x52: {  	_ =	shalt  }
0x53: {  	_ =	shalt  }
0x54: {  	_ =	shalt  }
0x55: {  	_ =	shalt  }
0x56: {  	_ =	shalt  }
0x57: {  	_ =	shalt  }
0x58: {  	_ =	shalt  }
0x59: {  	_ =	shalt  }
0x5a: {  	_ =	shalt  }
0x5b: {  	_ =	shalt  }
0x5c: {  	_ =	shalt  }
0x5d: {  	_ =	shalt  }
0x5e: {  	_ =	shalt  }
0x5f: {  	_ =	shalt  }
0x60: {  	_ =	shalt  }
0x61: {  	_ =	shalt  }
0x62: {  	_ =	shalt  }
0x63: {  	_ =	shalt  }
0x64: {  	_ =	shalt  }
0x65: {  	_ =	shalt  }
0x66: {  	_ =	shalt  }
0x67: {  	_ =	shalt  }
0x68: {  	_ =	shalt  }
0x69: {  	_ =	shalt  }
0x6a: {  	_ =	shalt  }
0x6b: {  	_ =	shalt  }
0x6c: {  	_ =	shalt  }
0x6d: {  	_ =	shalt  }
0x6e: {  	_ =	shalt  }
0x6f: {  	_ =	shalt  }
0x70: {  	_ =	shalt  }
0x71: {  	_ =	shalt  }
0x72: {  	_ =	shalt  }
0x73: {  	_ =	shalt  }
0x74: {  	_ =	shalt  }
0x75: {  	_ =	shalt  }
0x76: {  	_ =	shalt  }
0x77: {  	_ =	shalt  }
0x78: {  	_ =	shalt  }
0x79: {  	_ =	shalt  }
0x7a: {  	_ =	shalt  }
0x7b: {  	_ =	shalt  }
0x7c: {  	_ =	shalt  }
0x7d: {  	_ =	shalt  }
0x7e: {  	_ =	shalt  }
0x7f: {  	_ =	shalt  }
0x80: {  	_ =	shalt  }
0x81: {  	_ =	shalt  }
0x82: {  	_ =	shalt  }
0x83: {  	_ =	shalt  }
0x84: {  	_ =	shalt  }
0x85: {  	_ =	shalt  }
0x86: {  	_ =	shalt  }
0x87: {  	_ =	shalt  }
.Lfunc_end0:
.L_simem_size_0:
called_computation.3_lowered:
.L_overlay_start_0:
0x88: {  	s2 =	sld [smem:$0x3FD9]  }
0x89: {  	s3 =	sld [smem:$0x3FFE];
	_ =	sdelay $0x1  }
0x8a: {  	s1 =	srdreg.scid  }
0x8b: {  	s0 =	sand.u32 $0x1, s1  }
0x8c: {  	s16 =	sshll.u32 s0, $0xA;
	s2 =	sadd.s32 s3, s2  }
0x8d: {  	s2 =	sadd.s32 s2, s16  }
0x8e: {  	[smem:$0x3FB5] =	sst s2  }
0x8f: {  	_ = 	snop  }
0x90: {  	(tm) =	ssettm $0x1  }
0x91: {  	s17 =	sld [smem:$0x3FFB];
	_ =	sdelay $0x3  }
0x92: {  	_ =	strace s17  }
0x93: {  	s2 =	sld [smem:$0x3FFC];
	_ =	sdelay $0x3  }
0x94: {  	_ =	strace s2  }
0x95: {  	s2 =	sld [smem:$0x3FFD];
	_ =	sdelay $0x3  }
0x96: {  	_ =	strace s2  }
0x97: {  	_ =	strace $0x8FFFFFFF  }
0x98: {  	s18 =	sld [smem:$0x3FDB];
	_ =	sdelay $0x1  }
0x99: {  	s19 =	simm.s32 $_scs_section_size  }
0x9a: {  	s4 =	simm.s32 $_size__tile_overlayer_lowered;
	s5 =	simm.s32 $_tile_overlayer_lowered  }
0x9b: {  	s22 =	simm.s32 $0x1BFF;
	s21 =	sshll.u32 s5, $0x1;
	s2 =	sadd.s32 s19, s18  }
0x9c: {  	s6 =	simm.s32 $0x0;
	s20 =	sshll.u32 s4, $0x1;
	s4 =	sadd.s32 s21, s2  }
0x9d: {  	[timem:s6], [sflag:s22] =	dma.local [hbm:s4], s20  }
0x9e: {  	_ =	swait.ge [sflag:s22], s20  }
0x9f: {  	s3 =	ssub.s32 $0x0, s20;
	[sflag:s22] =	ssyncset.done $0x0  }
0xa0: {  	[sflag:s22] =	ssyncadd.s32 s3;
	_ =	sdelay $0x1  }
0xa1: {  	s23 =	simm.s32 $0x1B8B  }
0xa2: {  	_ =	swait.ge [sflag:s23], $0x1  }
0xa3: {  	[sflag:s23] =	ssyncset.done $0x0  }
0xa4: {  	s25 =	simm.s32 $0x1B8E;
	s24 =	sld [smem:$0x3FFE];
	[sflag:s23] =	ssyncadd.s32 $0xFFFFFFFF  }
0xa5: {  	s26 =	simm.s32 $execute0_lowered;
	[smem:$0x3FD2] =	sst s25  }
0xa6: {  	s4 =	sshll.u32 s26, $0x1;
	_ =	strace $0x8000004F;
	[dreg:$0x1] =	wrdreg $0xFFFFFFFF  }
0xa7: {  	s28 =	simm.s32 $_size_execute0_lowered;
	s2 =	sadd.s32 s2, s4;
	[dreg:$0x0] =	wrdreg $0x0  }
0xa8: {  	s4 =	sshll.u32 s28, $0x1;
	[dreg:$0x2] =	wrdreg s2  }
0xa9: {  	[dreg:$0x3] =	wrdreg s4  }
0xaa: {  	[dreg:$0x4] =	wrdreg $0xC0  }
0xab: {  	_ =	task [dreg:s6], $0x5FFFF  }
0xac: {  	[dreg:$0x1] =	wrdreg $0xFFFFFFFF  }
0xad: {  	[dreg:$0x0] =	wrdreg $0x60  }
0xae: {  	[dreg:$0x2] =	wrdreg s24  }
0xaf: {  	[dreg:$0x3] =	wrdreg $0x0  }
0xb0: {  	[dreg:$0x4] =	wrdreg $0x13C000  }
0xb1: {  	[dreg:$0x5] =	wrdreg $0x15C000  }
0xb2: {  	[dreg:$0x6] =	wrdreg $0x9  }
0xb3: {  	_ =	task.clear_ibuf [dreg:s6], $0x7FFFF;
	_ =	strace $0x9000004F  }
0xb4: {  	s29 =	simm.s32 $0x9;
	_ =	strace $0x80000051  }
0xb5: {  	_ =	swait.ge [sflag:s29], $0x1  }
0xb6: {  	[sflag:s29] =	ssyncadd.s32 $0xFFFFFFFF  }
0xb7: {  	_ =	strace $0x90000051  }
0xb8: {  	_ =	sfence  }
0xb9: {  	s30 =	sld [smem:$0x0];
	_ =	sdelay $0x2  }
0xba: {  	s31 =	sshll.u32 s1, $0xD;
	s1 =	sshrl.u32 s1, $0x2  }
0xbb: {  	s3 =	sand.u32 $0x4000, s31;
	s1 =	sadd.s32 s1, s30  }
0xbc: {  	s0 =	sor.u32 s3, s0;
	s1 =	sshll.u32 s1, $0x11  }
0xbd: {  	s0 =	sor.u32 s1, s0  }
0xbe: {  	s0 =	sadd.s32 $0x8F2B, s0  }
0xbf: {  	[sflag:s0] =	ssyncadd.remote.s32 $0x1  }
0xc0: {  	_ =	sfence.sel $0xFFFF  }
0xc1: {  	[dreg:$0x0] =	wrdreg $0xFFFFFFFF;
	(pc) =	sbr.abs _section_cstart, $3  }
0xc2: {  	[dreg:$0x1] =	wrdreg $0xFFFFFFFF  }
0xc3: {  	_ =	task.clear_ibuf [dreg:s6], $0x2FFFF;
	_ =	strace $0x9FFFFFFF  }
0xc4: {  	(tm) =	ssettm $0x7FFFFFFF  }
0xc5: {  	_ =	shalt  }
tec
execute0_lowered:
.L_overlay_start_1:
0x0: {  	(tag) =	ssettag $0x1  }
0x1: {  	s0 =	rddreg [dreg:$0x0]  }
0x2: {  	s2 =	rddreg [dreg:$0x1]  }
0x3: {  	s3 =	rddreg [dreg:$0x2]  }
0x4: {  	s4 =	rddreg [dreg:$0x3];
	s21 =	stileid.u32;
	s5 =	simm.s32 $0x0  }
0x5: {  	s12 =	srdreg.scid;
	s28 =	simm.s32 $0x17C80;
	s29 =	simm.s32 $0x80  }
0x6: {  	s30 =	simm.s32 $0x17D00;
	s31 =	simm.s32 $0x17D80;
	s1 =	sshrl.u32 s21, $0x3  }
0x7: {  	s9 =	sshll.u32 s21, $0x7;
	[smem:$0x7FF] =	sst s5;
	s22 =	smul.u32 $0x13C00, s21  }
0x8: {  	s12 =	sand.u32 $0x1, s12;
	s23 =	sadd.s32 $0xA800, s0;
	s19 =	smul.u32 $0x4F000, s21  }
0x9: {  	s15 =	sshll.u32 s21, $0xD;
	s25 =	sshll.u32 s21, $0x6;
	s6 =	smul.u32 $0x13C00, s1  }
0xa: {  	s26 =	sshll.u32 s21, $0xA;
	s8 =	sand.u32 $0x380, s9;
	s11 =	smul.u32 $0x1400, s1  }
0xb: {  	_ =	strace $0x80000050;
	s1 =	sshll.u32 s1, $0xA;
	s14 =	smul.u32 $0x13C000, s12  }
0xc: {  	s9 =	sadd.s32 s9, s0;
	s17 =	sshll.u32 s12, $0x11;
	s18 =	ssub.s32 $0x2, s12  }
0xd: {  	s1 =	sadd.s32 s1, s0;
	s17 =	sor.u32 s15, s17;
	s20 =	sshrl.u32 s18, $0x1  }
0xe: {  	s24 =	sshrl.u32 s19, $0x2;
	s7 =	sor.u32 s8, s6;
	s6 =	sadd.s32 $0x67E00, s0  }
0xf: {  	s8 =	sor.u32 s8, s11;
	s14 =	sadd.s32 s22, s14;
	s17 =	sshrl.u32 s17, $0x3  }
0x10: {  	s11 =	sshrl.u32 s22, $0x3;
	s22 =	sshll.u32 s21, $0x4;
	s10 =	sshrl.u32 s7, $0x3  }
0x11: {  	s7 =	sadd.s32 $0x32000, s0;
	s13 =	sshrl.u32 s8, $0x3;
	s8 =	sadd.s32 $0x4800, s0  }
0x12: {  	s14 =	sshrl.u32 s14, $0x3;
	s11 =	sadd.s32 s23, s11;
	s10 =	sadd.s32 s10, s0  }
0x13: {  	s16 =	sadd.s32 s13, s0;
	s14 =	sadd.s32 s14, s0;
	s0 =	sadd.s32 s17, s0  }
0x14: {  	s17 =	ssub.s32 s18, s20;
	s18 =	sadd.s32 s24, s2;
	[dreg:$0x6] =	wrdreg s11  }
0x15: {  	s11 =	sor.u32 $0x1C02, s25;
	s20 =	sadd.s32 s15, s3;
	[dreg:$0x5] =	wrdreg s18  }
0x16: {  	s13 =	sadd.s32 s23, s26;
	s15 =	sadd.s32 s15, s4;
	[dreg:$0x7] =	wrdreg s20  }
0x17: {  	s23 =	sand.u32 $0x70, s22;
	s22 =	sadd.s32 $0xA000, s9;
	[dreg:$0x8] =	wrdreg s15  }
0x18: {  	s15 =	smul.u32 $0x2800, s21;
	s14 =	sadd.s32 $0x104200, s14;
	s24 =	sadd.s32 $0x39E00, s0  }
0x19: {  	s0 =	sadd.s32 $0x41E00, s0;
	s25 =	smax.u32 s17, $0x1;
	[dreg:$0x9] =	wrdreg s14  }
0x1a: {  	s20 =	sadd.s32 $0x62000, s10;
	s17 =	sadd.s32 $0x67800, s16;
	[dreg:$0xa] =	wrdreg s24  }
0x1b: {  	s26 =	sadd.s32 s23, s1;
	s23 =	sadd.s32 $0x9800, s9;
	[dreg:$0xb] =	wrdreg s0  }
0x1c: {  	s1 =	simm.s32 $0x0;
	[dreg:$0xc] =	wrdreg s25;
	s24 =	sadd.s32 $0x67000, s26  }
0x1d: {  	v0 =	vmov s12;
	s25 =	simm.s32 $0x2;
	s26 =	simm.s32 $0x17C00;
	s0 =	simm.s32 $0x1  }
.LBB2_1:
0x1e: {  	s9 =	rddreg [dreg:$0x5]  }
0x1f: {  	s10 =	rddreg [dreg:$0x6];
	s9 =	sshrl.u32 s9, $0x3  }
0x20: {  	[spmem:s9], [sflag:s11] =	dma.local [hbm:s10], $0x2780  }
0x21: {  	_ =	swait.ge [sflag:s25], $0x2780  }
0x22: {  	[sflag:s25] =	ssyncset.done $0x0;
	s21 =	rddreg [dreg:$0x7]  }
0x23: {  	[sflag:s25] =	ssyncadd.s32 $0xFFFFD880;
	s10 =	sshrl.u32 s21, $0x3  }
0x24: {  	[spmem:s10], [sflag:s11] =	dma.local [hbm:s13], $0x400  }
0x25: {  	_ =	swait.ge [sflag:s25], $0x400  }
0x26: {  	[sflag:s25] =	ssyncset.done $0x0;
	s12 =	rddreg [dreg:$0x8]  }
0x27: {  	[sflag:s25] =	ssyncadd.s32 $0xFFFFFC00;
	s12 =	sshrl.u32 s12, $0x3  }
0x28: {  	[spmem:s12], [sflag:s11] =	dma.local [hbm:s13], $0x400  }
0x29: {  	_ =	swait.ge [sflag:s25], $0x400  }
0x2a: {  	[sflag:s25] =	ssyncset.done $0x0  }
0x2b: {  	s14 =	sand.u32 $0x3C00, s5;
	s16 =	sadd.s32 $0x0, s20;
	[sflag:s25] =	ssyncadd.s32 $0xFFFFFC00  }
0x2c: {  	s14 =	sadd.s32 s15, s14;
	s21 =	sand.u32 $0x380, s5;
	[bflag:$0x0] =	sbarrier.arrive $0xFFFF  }
0x2d: {  	[tilespmem:s26], [sflag:$0x2] =	stream.linear.gather [hbm4b:s16+s5], $0x80, $0x38;
	[tilespmem:$0x1BD80] =	vst v63  }
0x2e: {  	s14 =	sor.u32 s21, s14;
	_ =	swait.ge [sflag:s25], $0x80  }
0x2f: {  	s14 =	sshrl.u32 s14, $0x3;
	[sflag:s25] =	ssyncset.done $0x0  }
0x30: {  	s14 =	sadd.s32 s8, s14;
	[sflag:s25] =	ssyncadd.s32 $0xFFFFFF80  }
0x31: {  	[tilespmem:s28], [sflag:$0x2] =	stream.linear.gather [hbm4b:s14+s5], $0x80, $0x38;
	[tilespmem:$0x1BD80] =	vst v63  }
0x32: {  	_ =	swait.ge [sflag:s25], $0x80  }
0x33: {  	[sflag:s25] =	ssyncset.done $0x0  }
0x34: {  	[sflag:s25] =	ssyncadd.s32 $0xFFFFFF80  }
0x35: {  	v1 =	vld [tilespmem:$0x17C70]  }
0x36: {  	v2 =	vld [tilespmem:$0x17C60]  }
0x37: {  	v3 =	vld [tilespmem:$0x17C30]  }
0x38: {  	v4 =	vld [tilespmem:$0x17C20]  }
0x39: {  	v5 =	vld [tilespmem:$0x17C10]  }
0x3a: {  	v6 =	vld [tilespmem:$0x17C40];
	v1 =	vshll.u32 v1, $0x1  }
0x3b: {  	v7 =	vld [tilespmem:$0x17C00];
	v2 =	vshll.u32 v2, $0x1;
	v1 =	vor.u32 v0, v1  }
0x3c: {  	v8 =	vld [tilespmem:$0x17C50];
	v3 =	vshll.u32 v3, $0x1;
	v2 =	vor.u32 v0, v2;
	[tilespmem:$0x17D70] =	vst v1  }
0x3d: {  	v3 =	vor.u32 v0, v3;
	v1 =	vshll.u32 v4, $0x1;
	[tilespmem:$0x17D60] =	vst v2  }
0x3e: {  	v2 =	vshll.u32 v5, $0x1;
	[tilespmem:$0x17D30] =	vst v3;
	v1 =	vor.u32 v0, v1  }
0x3f: {  	v2 =	vor.u32 v0, v2;
	[tilespmem:$0x17D20] =	vst v1;
	v1 =	vshll.u32 v6, $0x1  }
0x40: {  	v3 =	vshll.u32 v7, $0x1;
	[tilespmem:$0x17D10] =	vst v2;
	v1 =	vor.u32 v0, v1  }
0x41: {  	v2 =	vor.u32 v0, v3;
	[tilespmem:$0x17D40] =	vst v1;
	v1 =	vshll.u32 v8, $0x1  }
0x42: {  	s16 =	simm.s32 $0x80;
	[tilespmem:$0x17D00] =	vst v2;
	v1 =	vor.u32 v0, v1  }
.LBB2_2:
0x43: {  	p0 =	sne.s32 s16, $0x2700;
	[tilespmem:$0x17D50] =	vst v1;
	s21 =	smov.u32 s16;
	s16 =	sadd.s32 $0x80, s16  }
0x44: {  	[tilespmem:s31], [sflag:$0x1] =	stream.indirect.gather [hbm4b:s6+s29], $0x80, s30, s29, $0xb8;
	[tilespmem:$0x1BD80] =	vst v63  }
0x45: {  	_ =	swait.ge [sflag:s0], $0x4000  }
0x46: {  	[sflag:s0] =	ssyncset.done $0x0  }
0x47: {  	[sflag:s0] =	ssyncadd.s32 $0xFFFFC000  }
0x48: {  	[spmem:s2] =	stream.indirect.scatter.add.f32 [tilespmem:s31], [sflag:$0x2], $0x80, s28, s29, $0xb8;
	[tilespmem:$0x1BD80] =	vst v63  }
0x49: {  	s18 =	sadd.s32 s21, s20;
	_ =	swait.ge [sflag:s25], $0x4000  }
0x4a: {  	s14 =	simm.s32 $0x0;
	s19 =	sand.u32 $0x3C00, s21;
	[sflag:s25] =	ssyncset.done $0x0  }
0x4b: {  	s21 =	sand.u32 $0x380, s21;
	s19 =	sadd.s32 s15, s19;
	[sflag:s25] =	ssyncadd.s32 $0xFFFFC000  }
0x4c: {  	[tilespmem:s26], [sflag:$0x2] =	stream.linear.gather [hbm4b:s18+s14], $0x80, $0x38;
	[tilespmem:$0x1BD80] =	vst v63  }
0x4d: {  	s18 =	sor.u32 s21, s19;
	_ =	swait.ge [sflag:s25], $0x80  }
0x4e: {  	s18 =	sshrl.u32 s18, $0x3;
	[sflag:s25] =	ssyncset.done $0x0  }
0x4f: {  	s18 =	sadd.s32 s8, s18;
	[sflag:s25] =	ssyncadd.s32 $0xFFFFFF80  }
0x50: {  	[tilespmem:s28], [sflag:$0x2] =	stream.linear.gather [hbm4b:s18+s14], $0x80, $0x38;
	[tilespmem:$0x1BD80] =	vst v63  }
0x51: {  	_ =	swait.ge [sflag:s25], $0x80  }
0x52: {  	[sflag:s25] =	ssyncset.done $0x0  }
0x53: {  	[sflag:s25] =	ssyncadd.s32 $0xFFFFFF80  }
0x54: {  	v1 =	vld [tilespmem:$0x17C70]  }
0x55: {  	v2 =	vld [tilespmem:$0x17C60]  }
0x56: {  	v3 =	vld [tilespmem:$0x17C30]  }
0x57: {  	v4 =	vld [tilespmem:$0x17C20]  }
0x58: {  	v5 =	vld [tilespmem:$0x17C10]  }
0x59: {  	v6 =	vld [tilespmem:$0x17C40];
	v1 =	vshll.u32 v1, $0x1  }
0x5a: {  	v7 =	vld [tilespmem:$0x17C00];
	v2 =	vshll.u32 v2, $0x1;
	v1 =	vor.u32 v0, v1  }
0x5b: {  	v3 =	vshll.u32 v3, $0x1;
	v8 =	vld [tilespmem:$0x17C50];
	v2 =	vor.u32 v0, v2;
	[tilespmem:$0x17D70] =	vst v1  }
0x5c: {  	v1 =	vshll.u32 v4, $0x1;
	v3 =	vor.u32 v0, v3;
	[tilespmem:$0x17D60] =	vst v2  }
.Ltmp0:
0x5d: {  	v2 =	vshll.u32 v5, $0x1;
	v1 =	vor.u32 v0, v1;
	[tilespmem:$0x17D30] =	vst v3;
	(pc) =	sbr.rel @p0 .LBB2_2-.Ltmp0, $4  }
0x5e: {  	v2 =	vor.u32 v0, v2;
	[tilespmem:$0x17D20] =	vst v1;
	v1 =	vshll.u32 v6, $0x1  }
0x5f: {  	v3 =	vshll.u32 v7, $0x1;
	[tilespmem:$0x17D10] =	vst v2;
	v1 =	vor.u32 v0, v1  }
0x60: {  	v2 =	vor.u32 v0, v3;
	[tilespmem:$0x17D40] =	vst v1;
	v1 =	vshll.u32 v8, $0x1  }
0x61: {  	[tilespmem:$0x17D00] =	vst v2;
	v1 =	vor.u32 v0, v1  }
0x62: {  	[tilespmem:$0x17D50] =	vst v1  }
0x63: {  	[tilespmem:s31], [sflag:$0x1] =	stream.indirect.gather [hbm4b:s6+s29], $0x80, s30, s29, $0xb8;
	[tilespmem:$0x1BD80] =	vst v63  }
0x64: {  	_ =	swait.ge [sflag:s0], $0x4000  }
0x65: {  	[sflag:s0] =	ssyncset.done $0x0  }
0x66: {  	[sflag:s0] =	ssyncadd.s32 $0xFFFFC000  }
0x67: {  	[spmem:s2] =	stream.indirect.scatter.add.f32 [tilespmem:s31], [sflag:$0x2], $0x80, s28, s29, $0xb8;
	[tilespmem:$0x1BD80] =	vst v63  }
0x68: {  	_ =	swait.ge [sflag:s25], $0x4000  }
0x69: {  	[sflag:s25] =	ssyncset.done $0x0  }
0x6a: {  	[sflag:s25] =	ssyncadd.s32 $0xFFFFC000  }
0x6b: {  	[tilespmem:s26], [sflag:$0x2] =	stream.linear.gather [hbm4b:s17+s14], $0x80, $0x38;
	[tilespmem:$0x1BD80] =	vst v63  }
0x6c: {  	_ =	swait.ge [sflag:s25], $0x80  }
0x6d: {  	[sflag:s25] =	ssyncset.done $0x0  }
0x6e: {  	s16 =	sadd.s32 $0x0, s22;
	[sflag:s25] =	ssyncadd.s32 $0xFFFFFF80  }
0x6f: {  	[tilespmem:s28], [sflag:$0x2] =	stream.linear.gather [hbm4b:s16+s14], $0x80, $0x38;
	[tilespmem:$0x1BD80] =	vst v63  }
0x70: {  	_ =	swait.ge [sflag:s25], $0x80  }
0x71: {  	[sflag:s25] =	ssyncset.done $0x0  }
0x72: {  	[sflag:s25] =	ssyncadd.s32 $0xFFFFFF80  }
0x73: {  	v1 =	vld [tilespmem:$0x17C50]  }
0x74: {  	v2 =	vld [tilespmem:$0x17C30]  }
0x75: {  	v3 =	vld [tilespmem:$0x17C20]  }
0x76: {  	v4 =	vld [tilespmem:$0x17C10]  }
0x77: {  	v5 =	vld [tilespmem:$0x17C40]  }
0x78: {  	v6 =	vld [tilespmem:$0x17C00];
	v1 =	vshll.u32 v1, $0x1  }
0x79: {  	v7 =	vld [tilespmem:$0x17C60];
	v2 =	vshll.u32 v2, $0x1;
	v1 =	vor.u32 v0, v1  }
0x7a: {  	v8 =	vld [tilespmem:$0x17C70];
	v3 =	vshll.u32 v3, $0x1;
	v2 =	vor.u32 v0, v2;
	[tilespmem:$0x17D50] =	vst v1  }
0x7b: {  	v3 =	vor.u32 v0, v3;
	v1 =	vshll.u32 v4, $0x1;
	[tilespmem:$0x17D30] =	vst v2  }
0x7c: {  	[tilespmem:$0x17D20] =	vst v3;
	v2 =	vshll.u32 v5, $0x1;
	v1 =	vor.u32 v0, v1  }
0x7d: {  	v3 =	vshll.u32 v6, $0x1;
	[tilespmem:$0x17D10] =	vst v1;
	v1 =	vor.u32 v0, v2  }
0x7e: {  	v2 =	vor.u32 v0, v3;
	[tilespmem:$0x17D40] =	vst v1;
	v1 =	vshll.u32 v7, $0x1  }
0x7f: {  	s21 =	smov.u32 s17;
	s16 =	simm.s32 $0x10;
	[tilespmem:$0x17D00] =	vst v2;
	v2 =	vshll.u32 v8, $0x1;
	v1 =	vor.u32 v0, v1  }
.LBB2_4:
0x80: {  	p0 =	sne.s32 s16, $0x40  }
0x81: {  	[tilespmem:$0x17D60] =	vst v1;
	v1 =	vor.u32 v0, v2;
	s21 =	sadd.s32 $0x80, s21;
	s18 =	smov.u32 s16;
	s16 =	sadd.s32 $0x10, s16  }
0x82: {  	[tilespmem:$0x17D70] =	vst v1  }
0x83: {  	[tilespmem:s31], [sflag:$0x1] =	stream.indirect.gather [hbm4b:s6+s29], $0x80, s30, s29, $0xb8;
	[tilespmem:$0x1BD80] =	vst v63  }
0x84: {  	_ =	swait.ge [sflag:s0], $0x4000  }
0x85: {  	[sflag:s0] =	ssyncset.done $0x0  }
0x86: {  	[sflag:s0] =	ssyncadd.s32 $0xFFFFC000  }
0x87: {  	[spmem:s3] =	stream.indirect.scatter.add.f32 [tilespmem:s31], [sflag:$0x2], $0x80, s28, s29, $0xb8;
	[tilespmem:$0x1BD80] =	vst v63  }
0x88: {  	_ =	swait.ge [sflag:s25], $0x4000  }
0x89: {  	[sflag:s25] =	ssyncset.done $0x0  }
0x8a: {  	[sflag:s25] =	ssyncadd.s32 $0xFFFFC000  }
0x8b: {  	[tilespmem:s26], [sflag:$0x2] =	stream.linear.gather [hbm4b:s21+s14], $0x80, $0x38;
	[tilespmem:$0x1BD80] =	vst v63  }
0x8c: {  	_ =	swait.ge [sflag:s25], $0x80  }
0x8d: {  	[sflag:s25] =	ssyncset.done $0x0  }
0x8e: {  	s18 =	sadd.s32 s18, s22;
	[sflag:s25] =	ssyncadd.s32 $0xFFFFFF80  }
0x8f: {  	[tilespmem:s28], [sflag:$0x2] =	stream.linear.gather [hbm4b:s18+s14], $0x80, $0x38;
	[tilespmem:$0x1BD80] =	vst v63  }
0x90: {  	_ =	swait.ge [sflag:s25], $0x80  }
0x91: {  	[sflag:s25] =	ssyncset.done $0x0  }
0x92: {  	[sflag:s25] =	ssyncadd.s32 $0xFFFFFF80  }
0x93: {  	v1 =	vld [tilespmem:$0x17C50]  }
0x94: {  	v2 =	vld [tilespmem:$0x17C30]  }
0x95: {  	v3 =	vld [tilespmem:$0x17C20]  }
0x96: {  	v4 =	vld [tilespmem:$0x17C10]  }
0x97: {  	v5 =	vld [tilespmem:$0x17C40]  }
0x98: {  	v6 =	vld [tilespmem:$0x17C00];
	v1 =	vshll.u32 v1, $0x1  }
0x99: {  	v2 =	vshll.u32 v2, $0x1;
	v1 =	vor.u32 v0, v1;
	v7 =	vld [tilespmem:$0x17C60]  }
0x9a: {  	v3 =	vshll.u32 v3, $0x1;
	v2 =	vor.u32 v0, v2;
	[tilespmem:$0x17D50] =	vst v1;
	v8 =	vld [tilespmem:$0x17C70]  }
.Ltmp1:
0x9b: {  	v1 =	vshll.u32 v4, $0x1;
	v3 =	vor.u32 v0, v3;
	[tilespmem:$0x17D30] =	vst v2;
	(pc) =	sbr.rel @p0 .LBB2_4-.Ltmp1, $4  }
0x9c: {  	v1 =	vor.u32 v0, v1;
	[tilespmem:$0x17D20] =	vst v3;
	v2 =	vshll.u32 v5, $0x1  }
0x9d: {  	v3 =	vshll.u32 v6, $0x1;
	[tilespmem:$0x17D10] =	vst v1;
	v1 =	vor.u32 v0, v2  }
0x9e: {  	v2 =	vor.u32 v0, v3;
	[tilespmem:$0x17D40] =	vst v1;
	v1 =	vshll.u32 v7, $0x1  }
0x9f: {  	[tilespmem:$0x17D00] =	vst v2;
	v1 =	vor.u32 v0, v1;
	v2 =	vshll.u32 v8, $0x1  }
0xa0: {  	[tilespmem:$0x17D60] =	vst v1;
	v1 =	vor.u32 v0, v2  }
0xa1: {  	[tilespmem:$0x17D70] =	vst v1  }
0xa2: {  	[tilespmem:s31], [sflag:$0x1] =	stream.indirect.gather [hbm4b:s6+s29], $0x80, s30, s29, $0xb8;
	[tilespmem:$0x1BD80] =	vst v63  }
0xa3: {  	_ =	swait.ge [sflag:s0], $0x4000  }
0xa4: {  	[sflag:s0] =	ssyncset.done $0x0  }
0xa5: {  	[sflag:s0] =	ssyncadd.s32 $0xFFFFC000  }
0xa6: {  	[spmem:s3] =	stream.indirect.scatter.add.f32 [tilespmem:s31], [sflag:$0x2], $0x80, s28, s29, $0xb8;
	[tilespmem:$0x1BD80] =	vst v63  }
0xa7: {  	_ =	swait.ge [sflag:s25], $0x4000  }
0xa8: {  	[sflag:s25] =	ssyncset.done $0x0  }
0xa9: {  	[sflag:s25] =	ssyncadd.s32 $0xFFFFC000  }
0xaa: {  	[tilespmem:s26], [sflag:$0x2] =	stream.linear.gather [hbm4b:s24+s5], $0x80, $0x38;
	[tilespmem:$0x1BD80] =	vst v63  }
0xab: {  	_ =	swait.ge [sflag:s25], $0x80  }
0xac: {  	[sflag:s25] =	ssyncset.done $0x0  }
0xad: {  	s14 =	sadd.s32 $0x0, s23;
	[sflag:s25] =	ssyncadd.s32 $0xFFFFFF80  }
0xae: {  	[tilespmem:s28], [sflag:$0x2] =	stream.linear.gather [hbm4b:s14+s5], $0x80, $0x38;
	[tilespmem:$0x1BD80] =	vst v63  }
0xaf: {  	_ =	swait.ge [sflag:s25], $0x80  }
0xb0: {  	[sflag:s25] =	ssyncset.done $0x0  }
0xb1: {  	[sflag:s25] =	ssyncadd.s32 $0xFFFFFF80  }
0xb2: {  	v1 =	vld [tilespmem:$0x17C50]  }
0xb3: {  	v2 =	vld [tilespmem:$0x17C30]  }
0xb4: {  	v3 =	vld [tilespmem:$0x17C20]  }
0xb5: {  	v4 =	vld [tilespmem:$0x17C10]  }
0xb6: {  	v5 =	vld [tilespmem:$0x17C40]  }
0xb7: {  	v6 =	vld [tilespmem:$0x17C00];
	v1 =	vshll.u32 v1, $0x1  }
0xb8: {  	v7 =	vld [tilespmem:$0x17C60];
	v2 =	vshll.u32 v2, $0x1;
	v1 =	vor.u32 v0, v1  }
0xb9: {  	v8 =	vld [tilespmem:$0x17C70];
	v3 =	vshll.u32 v3, $0x1;
	v2 =	vor.u32 v0, v2;
	[tilespmem:$0x17D50] =	vst v1  }
0xba: {  	v3 =	vor.u32 v0, v3;
	v1 =	vshll.u32 v4, $0x1;
	[tilespmem:$0x17D30] =	vst v2  }
0xbb: {  	[tilespmem:$0x17D20] =	vst v3;
	v2 =	vshll.u32 v5, $0x1;
	v1 =	vor.u32 v0, v1  }
0xbc: {  	v3 =	vshll.u32 v6, $0x1;
	[tilespmem:$0x17D10] =	vst v1;
	v1 =	vor.u32 v0, v2  }
0xbd: {  	v2 =	vor.u32 v0, v3;
	[tilespmem:$0x17D40] =	vst v1;
	v1 =	vshll.u32 v7, $0x1  }
0xbe: {  	s16 =	smov.u32 s24;
	s14 =	simm.s32 $0x10;
	[tilespmem:$0x17D00] =	vst v2;
	v2 =	vshll.u32 v8, $0x1;
	v1 =	vor.u32 v0, v1  }
.LBB2_6:
0xbf: {  	p0 =	sne.s32 s14, $0x70  }
0xc0: {  	[tilespmem:$0x17D60] =	vst v1;
	v1 =	vor.u32 v0, v2;
	s16 =	sadd.s32 $0x80, s16;
	s18 =	smov.u32 s14;
	s14 =	sadd.s32 $0x10, s14  }
0xc1: {  	[tilespmem:$0x17D70] =	vst v1  }
0xc2: {  	[tilespmem:s31], [sflag:$0x1] =	stream.indirect.gather [hbm4b:s7+s29], $0x80, s30, s29, $0xb8;
	[tilespmem:$0x1BD80] =	vst v63  }
0xc3: {  	_ =	swait.ge [sflag:s0], $0x4000  }
0xc4: {  	[sflag:s0] =	ssyncset.done $0x0  }
0xc5: {  	[sflag:s0] =	ssyncadd.s32 $0xFFFFC000  }
0xc6: {  	[spmem:s4] =	stream.indirect.scatter.add.f32 [tilespmem:s31], [sflag:$0x2], $0x80, s28, s29, $0xb8;
	[tilespmem:$0x1BD80] =	vst v63  }
0xc7: {  	_ =	swait.ge [sflag:s25], $0x4000  }
0xc8: {  	[sflag:s25] =	ssyncset.done $0x0  }
0xc9: {  	[sflag:s25] =	ssyncadd.s32 $0xFFFFC000  }
0xca: {  	[tilespmem:s26], [sflag:$0x2] =	stream.linear.gather [hbm4b:s16+s5], $0x80, $0x38;
	[tilespmem:$0x1BD80] =	vst v63  }
0xcb: {  	_ =	swait.ge [sflag:s25], $0x80  }
0xcc: {  	[sflag:s25] =	ssyncset.done $0x0  }
0xcd: {  	s18 =	sadd.s32 s18, s23;
	[sflag:s25] =	ssyncadd.s32 $0xFFFFFF80  }
0xce: {  	[tilespmem:s28], [sflag:$0x2] =	stream.linear.gather [hbm4b:s18+s5], $0x80, $0x38;
	[tilespmem:$0x1BD80] =	vst v63  }
0xcf: {  	_ =	swait.ge [sflag:s25], $0x80  }
0xd0: {  	[sflag:s25] =	ssyncset.done $0x0  }
0xd1: {  	[sflag:s25] =	ssyncadd.s32 $0xFFFFFF80  }
0xd2: {  	v1 =	vld [tilespmem:$0x17C50]  }
0xd3: {  	v2 =	vld [tilespmem:$0x17C30]  }
0xd4: {  	v3 =	vld [tilespmem:$0x17C20]  }
0xd5: {  	v4 =	vld [tilespmem:$0x17C10]  }
0xd6: {  	v5 =	vld [tilespmem:$0x17C40]  }
0xd7: {  	v6 =	vld [tilespmem:$0x17C00];
	v1 =	vshll.u32 v1, $0x1  }
0xd8: {  	v2 =	vshll.u32 v2, $0x1;
	v1 =	vor.u32 v0, v1;
	v7 =	vld [tilespmem:$0x17C60]  }
0xd9: {  	v3 =	vshll.u32 v3, $0x1;
	v2 =	vor.u32 v0, v2;
	[tilespmem:$0x17D50] =	vst v1;
	v8 =	vld [tilespmem:$0x17C70]  }
.Ltmp2:
0xda: {  	v1 =	vshll.u32 v4, $0x1;
	v3 =	vor.u32 v0, v3;
	[tilespmem:$0x17D30] =	vst v2;
	(pc) =	sbr.rel @p0 .LBB2_6-.Ltmp2, $4  }
0xdb: {  	v1 =	vor.u32 v0, v1;
	[tilespmem:$0x17D20] =	vst v3;
	v2 =	vshll.u32 v5, $0x1  }
0xdc: {  	v3 =	vshll.u32 v6, $0x1;
	[tilespmem:$0x17D10] =	vst v1;
	v1 =	vor.u32 v0, v2  }
0xdd: {  	v2 =	vor.u32 v0, v3;
	[tilespmem:$0x17D40] =	vst v1;
	v1 =	vshll.u32 v7, $0x1  }
0xde: {  	[tilespmem:$0x17D00] =	vst v2;
	v1 =	vor.u32 v0, v1;
	v2 =	vshll.u32 v8, $0x1  }
0xdf: {  	[tilespmem:$0x17D60] =	vst v1;
	v1 =	vor.u32 v0, v2  }
0xe0: {  	[tilespmem:$0x17D70] =	vst v1  }
0xe1: {  	[tilespmem:s31], [sflag:$0x1] =	stream.indirect.gather [hbm4b:s7+s29], $0x80, s30, s29, $0xb8;
	[tilespmem:$0x1BD80] =	vst v63  }
0xe2: {  	_ =	swait.ge [sflag:s0], $0x4000  }
0xe3: {  	[sflag:s0] =	ssyncset.done $0x0  }
0xe4: {  	[sflag:s0] =	ssyncadd.s32 $0xFFFFC000  }
0xe5: {  	[spmem:s4] =	stream.indirect.scatter.add.f32 [tilespmem:s31], [sflag:$0x2], $0x80, s28, s29, $0xb8;
	[tilespmem:$0x1BD80] =	vst v63  }
0xe6: {  	_ =	swait.ge [sflag:s25], $0x4000  }
0xe7: {  	[sflag:s25] =	ssyncset.done $0x0  }
0xe8: {  	[sflag:s25] =	ssyncadd.s32 $0xFFFFC000  }
0xe9: {  	[bflag:$0x0] =	sbarrier.arrive $0xFFFF  }
0xea: {  	s14 =	rddreg [dreg:$0x9]  }
0xeb: {  	[hbm:s14], [sflag:s11] =	dma.local [spmem:s9], $0x2780  }
0xec: {  	_ =	swait.ge [sflag:s25], $0x2780  }
0xed: {  	[sflag:s25] =	ssyncset.done $0x0  }
0xee: {  	s18 =	rddreg [dreg:$0xa];
	[sflag:s25] =	ssyncadd.s32 $0xFFFFD880  }
0xef: {  	[hbm:s18], [sflag:s11] =	dma.local [spmem:s10], $0x400  }
0xf0: {  	_ =	swait.ge [sflag:s25], $0x400  }
0xf1: {  	[sflag:s25] =	ssyncset.done $0x0  }
0xf2: {  	s19 =	rddreg [dreg:$0xb];
	[sflag:s25] =	ssyncadd.s32 $0xFFFFFC00  }
0xf3: {  	[hbm:s19], [sflag:s11] =	dma.local [spmem:s12], $0x400  }
0xf4: {  	_ =	swait.ge [sflag:s25], $0x400  }
0xf5: {  	s1 =	sadd.s32 $0x1, s1;
	s21 =	rddreg [dreg:$0xc]  }
0xf6: {  	p0 =	sne.s32 s1, s21  }
.Ltmp3:
0xf7: {  	_ = 	snop;
	(pc) =	sbr.rel @p0 .LBB2_1-.Ltmp3, $3  }
0xf8: {  	_ =	sdelay $0x1  }
0xf9: {  	[sflag:s25] =	ssyncset.done $0x0  }
0xfa: {  	[sflag:s25] =	ssyncadd.s32 $0xFFFFFC00  }
0xfb: {  	_ =	sfence.sel $0x180000  }
0xfc: {  	[bflag:$0x0] =	sbarrier.arrive $0xFFFF  }
0xfd: {  	_ =	strace $0x90000050  }
0xfe: {  	s0 =	stileid.u32;
	[bflag:$0x2] =	sbarrier.arrive $0xFFFF  }
0xff: {  	p0 =	sne.s32 s0, $0x0;
	s0 =	rddreg [dreg:$0x4]  }
0x100: {  	s0 =	sadd.s32 @!p0 $0x100000, s0  }
0x101: {  	[sflag:s0] =	ssyncadd.tile.s32 @!p0 $0x1;
	_ =	shalt  }
.Lfunc_end2:
_tile_overlayer_lowered:
.L_overlay_start_2:
0x102: {  	(tag) =	ssettag $0x2  }
0x103: {  	s0 =	rddreg [dreg:$0x0];
	s2 =	stileid.u32  }
0x104: {  	s1 =	rddreg [dreg:$0x1];
	p0 =	sne.s32 s2, $0x0  }
0x105: {  	s3 =	rddreg [dreg:$0x2];
	[bflag:$0x3] =	sbarrier.arrive $0xFFFF;
	s2 =	simm.s32 @!p0 $0x1C02  }
0x106: {  	[timem:s3], [sflag:s2] =	dma.local @!p0 [hbm:s0], s1  }
0x107: {  	s0 =	simm.s32 @!p0 $0x2  }
0x108: {  	_ =	swait.ge @!p0 [sflag:s0], s1  }
0x109: {  	s1 =	ssub.s32 @!p0 $0x0, s1;
	[sflag:s0] =	ssyncset.done @!p0 $0x0  }
0x10a: {  	[sflag:s0] =	ssyncadd.s32 @!p0 s1  }
0x10b: {  	[bflag:$0x3] =	sbarrier.arrive $0xFFFF  }
0x10c: {  	_ =	shalt  }

</sc_bundles>
